<compile_context>
chip_gen: v7x
topology: tpu7x:2x2x1
jax: 0.10.2.dev20260603
libtpu: 0.0.44.dev20260713+nightly
codegen_flags: <defaults>
</compile_context>

<pallas_src>
import functools

import jax
import jax.numpy as jnp
from jax import lax
from jax.experimental import pallas as pl
from jax.experimental.pallas import tpu as pltpu
from jax.experimental.pallas import tpu_sc as plsc

N_NODES = 10000
N_EDGES = 160000
FEATURES = 256
HALF = 128

NC = 2
NS = 16
A_CHUNK = 128
CHUNK = 64
E_PAD = 163840
NP = 10240
ROWS_PER_TILE = NP // NS
OUT_NODES = (4, 6, 7)

_sc_mesh = plsc.VectorSubcoreMesh(core_axis_name="c", subcore_axis_name="s")


A_CHUNKS = E_PAD // (NC * NS * A_CHUNK)


@functools.partial(
    pl.kernel,
    mesh=_sc_mesh,
    out_type=jax.ShapeDtypeStruct((NC, NP), jnp.float32),
    scratch_types=[
        pltpu.VMEM((A_CHUNK,), jnp.float32),
        pltpu.VMEM((A_CHUNKS, A_CHUNK), jnp.int32),
        pltpu.VMEM_SHARED((NP,), jnp.float32),
    ],
)
def _deg_kernel(dst_hbm, zeros1_hbm, degp_hbm, ones_v, didx_t, deg_sh):
    c = lax.axis_index("c")
    s = lax.axis_index("s")
    wid = c * NS + s
    pltpu.sync_copy(zeros1_hbm.at[pl.ds(s * ROWS_PER_TILE, ROWS_PER_TILE)],
                    deg_sh.at[pl.ds(s * ROWS_PER_TILE, ROWS_PER_TILE)])
    pltpu.sync_copy(dst_hbm.at[wid], didx_t)
    for i in range(A_CHUNK // 16):
        ones_v[pl.ds(i * 16, 16)] = jnp.ones((16,), jnp.float32)
    plsc.subcore_barrier()

    def body(j, carry):
        pltpu.sync_copy(ones_v, deg_sh.at[didx_t.at[j]], add=True)
        return carry

    lax.fori_loop(0, A_CHUNKS, body, 0)
    plsc.subcore_barrier()
    pltpu.sync_copy(deg_sh.at[pl.ds(s * ROWS_PER_TILE, ROWS_PER_TILE)],
                    degp_hbm.at[c, pl.ds(s * ROWS_PER_TILE, ROWS_PER_TILE)])


def _scale_body(dp_ref, x_ref, y0_ref, y1_ref):
    p = dp_ref[...]
    deg = p[:, 0:1] + p[:, 1:2] + 1.0
    dis = lax.rsqrt(deg)
    y = x_ref[...] * dis
    y0_ref[...] = y[:, :HALF]
    y1_ref[...] = y[:, HALF:]


NBUF = 4
C_CHUNKS = E_PAD // (NS * CHUNK)
H_CHUNKS = C_CHUNKS // 4


@functools.partial(
    pl.kernel,
    mesh=_sc_mesh,
    out_type=jax.ShapeDtypeStruct((NC, NP, HALF), jnp.float32),
    scratch_types=[
        pltpu.VMEM((H_CHUNKS, CHUNK), jnp.int32),
        pltpu.VMEM((H_CHUNKS, CHUNK), jnp.int32),
        pltpu.VMEM((NBUF, CHUNK, HALF), jnp.float32),
        pltpu.VMEM_SHARED((NP, HALF), jnp.float32),
        pltpu.SemaphoreType.DMA((NBUF,)),
    ],
)
def _scatter_kernel(src_hbm, dst_hbm, y0_hbm, y1_hbm, zeros2_hbm, sacc_hbm,
                    src_t, dst_t, rows_v, s_sh, sem):
    c = lax.axis_index("c")
    s = lax.axis_index("s")

    def run(y_hbm):
        def gather_start(j, b):
            pltpu.make_async_copy(
                y_hbm.at[src_t.at[j]], rows_v.at[b], sem.at[b]).start()

        for h in range(4):
            pltpu.sync_copy(src_hbm.at[s, pl.ds(h * H_CHUNKS, H_CHUNKS)],
                            src_t)
            pltpu.sync_copy(dst_hbm.at[s, pl.ds(h * H_CHUNKS, H_CHUNKS)],
                            dst_t)

            for b in range(NBUF):
                gather_start(b, b)

            if h == 0:
                pltpu.sync_copy(
                    zeros2_hbm.at[pl.ds(s * ROWS_PER_TILE, ROWS_PER_TILE)],
                    s_sh.at[pl.ds(s * ROWS_PER_TILE, ROWS_PER_TILE)])
                plsc.subcore_barrier()

            def body(g, carry):
                for b in range(NBUF):
                    j = g * NBUF + b
                    pltpu.make_async_copy(
                        y_hbm.at[src_t.at[j]], rows_v.at[b],
                        sem.at[b]).wait()
                    pltpu.sync_copy(rows_v.at[b], s_sh.at[dst_t.at[j]],
                                    add=True)
                    nxt = j + NBUF

                    @pl.when(nxt < H_CHUNKS)
                    def _():
                        gather_start(nxt, b)
                return carry

            lax.fori_loop(0, H_CHUNKS // NBUF, body, 0)

    @pl.when(c == 0)
    def _():
        run(y0_hbm)

    @pl.when(c == 1)
    def _():
        run(y1_hbm)

    plsc.subcore_barrier()
    pltpu.sync_copy(s_sh.at[pl.ds(s * ROWS_PER_TILE, ROWS_PER_TILE)],
                    sacc_hbm.at[c, pl.ds(s * ROWS_PER_TILE, ROWS_PER_TILE)])


def _out_body(dp_ref, x_ref, s0_ref, s1_ref, w_ref, b_ref, o_ref):
    p = dp_ref[...]
    deg = p[:, 0:1] + p[:, 1:2] + 1.0
    dis = lax.rsqrt(deg)
    inv = 1.0 / deg
    sfull = jnp.concatenate([s0_ref[...], s1_ref[...]], axis=1)
    ax = (sfull * dis + x_ref[...] * inv).astype(jnp.bfloat16)
    acc = jnp.maximum(
        jnp.dot(ax, w_ref[0].astype(jnp.bfloat16),
                preferred_element_type=jnp.float32)
        + b_ref[0][None, :], 0.0)
    for k in range(1, len(OUT_NODES)):
        acc = acc + jnp.maximum(
            jnp.dot(ax, w_ref[k].astype(jnp.bfloat16),
                    preferred_element_type=jnp.float32)
            + b_ref[k][None, :], 0.0)
    o_ref[...] = acc * (1.0 / len(OUT_NODES))


def kernel(x, edge_index, W, b):
    src = edge_index[0]
    dst = edge_index[1]
    pad = E_PAD - N_EDGES
    ar = jnp.arange(pad, dtype=jnp.int32)
    src_p = jnp.concatenate([src, (ar * 97) % N_NODES])
    dst_p = jnp.concatenate([dst, N_NODES + (ar % (NP - N_NODES))])
    zeros1 = jnp.zeros((NP,), jnp.float32)
    zeros2 = jnp.zeros((NP, HALF), jnp.float32)
    w3 = W[jnp.array(OUT_NODES)]
    b3 = b[jnp.array(OUT_NODES)]

    dst_a = dst_p.reshape(NC * NS, A_CHUNKS, A_CHUNK)
    src_c = src_p.reshape(NS, C_CHUNKS, CHUNK)
    dst_c = dst_p.reshape(NS, C_CHUNKS, CHUNK)

    degp = _deg_kernel(dst_a, zeros1)
    dp_t = degp.T

    R = 2000
    grid = (N_NODES // R,)
    y0, y1 = pl.pallas_call(
        _scale_body,
        grid=grid,
        in_specs=[
            pl.BlockSpec((R, 2), lambda i: (i, 0)),
            pl.BlockSpec((R, FEATURES), lambda i: (i, 0)),
        ],
        out_specs=[
            pl.BlockSpec((R, HALF), lambda i: (i, 0)),
            pl.BlockSpec((R, HALF), lambda i: (i, 0)),
        ],
        out_shape=[
            jax.ShapeDtypeStruct((N_NODES, HALF), jnp.float32),
            jax.ShapeDtypeStruct((N_NODES, HALF), jnp.float32),
        ],
    )(dp_t, x)

    sacc = _scatter_kernel(src_c, dst_c, y0, y1, zeros2)

    out = pl.pallas_call(
        _out_body,
        grid=grid,
        in_specs=[
            pl.BlockSpec((R, 2), lambda i: (i, 0)),
            pl.BlockSpec((R, FEATURES), lambda i: (i, 0)),
            pl.BlockSpec((R, HALF), lambda i: (i, 0)),
            pl.BlockSpec((R, HALF), lambda i: (i, 0)),
            pl.BlockSpec((len(OUT_NODES), FEATURES, FEATURES),
                         lambda i: (0, 0, 0)),
            pl.BlockSpec((len(OUT_NODES), FEATURES), lambda i: (0, 0)),
        ],
        out_specs=pl.BlockSpec((R, FEATURES), lambda i: (i, 0)),
        out_shape=jax.ShapeDtypeStruct((N_NODES, FEATURES), jnp.float32),
    )(dp_t, x, sacc[0], sacc[1], w3, b3)
    return out

# --- scband reference (transcript-rebuilt; emitter-appended) ---
"""Pipeline reference for scband-random-wire-gcn-39367670235163 (READ-ONLY COPY).

The authoritative reference and input builder live on the scoring server;
editing this copy changes nothing except your own understanding.
"""

import jax, jax.numpy as jnp
import numpy as np

N_NODES = 10000
N_EDGES = 160000
N_LAYERS = 8
FEATURES = 256
P = 0.4

def _build_dag():
    # Deterministic stand-in for nx.gnp_random_graph(n, p, directed=True)
    # followed by keeping only edges with u < v (yields a DAG).
    rng = np.random.default_rng(0)
    edges = []
    for u in range(N_LAYERS):
        for v in range(u + 1, N_LAYERS):
            if rng.random() < P:
                edges.append((u, v))
    nodes = sorted({n for e in edges for n in e})
    in_deg = {n: 0 for n in nodes}
    out_deg = {n: 0 for n in nodes}
    preds = {n: [] for n in nodes}
    succs = {n: [] for n in nodes}
    for u, v in edges:
        in_deg[v] += 1
        out_deg[u] += 1
        preds[v].append(u)
        succs[u].append(v)
    # Kahn topological sort
    indeg = dict(in_deg)
    queue = [n for n in nodes if indeg[n] == 0]
    topo = []
    while queue:
        n = queue.pop(0)
        topo.append(n)
        for m in succs[n]:
            indeg[m] -= 1
            if indeg[m] == 0:
                queue.append(m)
    in_nodes = [n for n in nodes if in_deg[n] == 0]
    out_nodes = [n for n in nodes if out_deg[n] == 0]
    return preds, topo, in_nodes, out_nodes

PREDS, TOPO, IN_NODES, OUT_NODES = _build_dag()

def gcn_conv(x, edge_index, W, b):
    # PyG GCNConv: add self-loops, symmetric deg^{-1/2} normalization,
    # message = (xW)[src] * norm, scatter-add at dst, then + bias.
    num_nodes = x.shape[0]
    src = edge_index[0]
    dst = edge_index[1]
    loop = jnp.arange(num_nodes, dtype=edge_index.dtype)
    src = jnp.concatenate([src, loop])
    dst = jnp.concatenate([dst, loop])
    deg = jax.ops.segment_sum(jnp.ones(dst.shape[0], dtype=x.dtype), dst, num_segments=num_nodes)
    dis = 1.0 / jnp.sqrt(deg)  # deg >= 1 due to self loops
    norm = dis[src] * dis[dst]
    h = x @ W
    msg = h[src] * norm[:, None]
    out = jax.ops.segment_sum(msg, dst, num_segments=num_nodes)
    return out + b

def _forward(x, edge_index, W, b):
    n = N_LAYERS
    layer_result = [jnp.zeros((x.shape[0], FEATURES), dtype=x.dtype) for _ in range(n)]
    for node in IN_NODES:
        layer_result[node] = layer_result[node] + jax.nn.relu(gcn_conv(x, edge_index, W[node], b[node])) / len(IN_NODES)
    for i in TOPO:
        incoming = PREDS[i]
        if len(incoming) == 0:
            # torch original divides by zero here (dead code w.r.t. output); skip to stay nan-free
            continue
        tmp = jnp.zeros((x.shape[0], FEATURES), dtype=x.dtype)
        for u in incoming:
            tmp = tmp + layer_result[u]
        layer_result[i] = layer_result[i] + jax.nn.relu(gcn_conv(tmp / len(incoming), edge_index, W[i], b[i]))
    # NOTE: faithful to the torch source, output uses x (not layer_result) at out_nodes
    output = jnp.zeros((x.shape[0], FEATURES), dtype=x.dtype)
    for node in OUT_NODES:
        output = output + jax.nn.relu(gcn_conv(x, edge_index, W[node], b[node])) / len(OUT_NODES)
    return output

def setup_inputs(seed: int = 0):
    key = jax.random.key(seed)
    k1, k2, k3, k4 = jax.random.split(key, 4)
    x = jax.random.normal(k1, (N_NODES, FEATURES), dtype=jnp.float32)
    edge_index = jax.random.randint(k2, (2, N_EDGES), 0, N_NODES, dtype=jnp.int32)
    W = jax.random.normal(k3, (N_LAYERS, FEATURES, FEATURES), dtype=jnp.float32) * 0.05
    b = jax.random.normal(k4, (N_LAYERS, FEATURES), dtype=jnp.float32) * 0.05
    return {"x": x, "edge_index": edge_index, "W": W, "b": b}

def reference(x, edge_index, W, b):
    return _forward(x, edge_index, W, b)

if __name__ == "__main__":
    import jax
    _d = setup_inputs()
    print(jax.jit(kernel)(*tuple(_d.values())))

</pallas_src>

<mosaic_0001>
#map = affine_map<(d0, d1) -> (0, 0, 0)>
#map1 = affine_map<(d0, d1) -> (0)>
#map2 = affine_map<(d0, d1) -> (0, 0)>
module attributes {stable_mosaic.version = 14 : i64} {
  func.func @_deg_kernel(%arg0: i32, %arg1: i32, %arg2: memref<32x40x128xi32, #tpu.memory_space<hbm>>, %arg3: memref<10240xf32, #tpu.memory_space<hbm>>, %arg4: memref<2x10240xf32, #tpu.memory_space<hbm>>, %arg5: memref<128xf32, #tpu.memory_space<vmem>>, %arg6: memref<40x128xi32, #tpu.memory_space<vmem>>, %arg7: memref<10240xf32, #tpu.memory_space<vmem_shared>>) attributes {dimension_semantics = [#tpu.dimension_semantics<core_parallel>, #tpu.dimension_semantics<subcore_parallel>], iteration_bounds = array<i64: 2, 16>, scalar_prefetch = 0 : i64, scratch_operands = 3 : i64, tpu.core_type = #tpu.core_type<sc_vector_subcore>, window_params = [{transform_indices = #map}, {transform_indices = #map1}, {transform_indices = #map2}]} {
    %mul3A = arith.constant 16 : i32
    %mul3A_0 = arith.muli %arg0, %mul3A : i32
    %add3A = arith.addi %mul3A_0, %arg1 : i32
    %mul3A_1 = arith.constant 640 : i32
    %mul3A_2 = arith.muli %arg1, %mul3A_1 : i32
    %mul3A_3 = arith.constant 640 : i32
    %mul3A_4 = arith.muli %arg1, %mul3A_3 : i32
    "tpu.region"() ({
      %run_scoped3A = tpu.sem_alloc : memref<!tpu.dma_semaphore, #tpu.memory_space<semaphore_mem>>
      %dma_start3A = tpu.memref_slice %arg7[%mul3A_4] : memref<10240xf32, #tpu.memory_space<vmem_shared>> -> memref<640xf32, #tpu.memory_space<vmem_shared>>
      %dma_start3A_61 = tpu.memref_slice %arg3[%mul3A_2] : memref<10240xf32, #tpu.memory_space<hbm>> -> memref<640xf32, #tpu.memory_space<hbm>>
      tpu.enqueue_dma source(%dma_start3A_61 : memref<640xf32, #tpu.memory_space<hbm>>) target(%dma_start3A : memref<640xf32, #tpu.memory_space<vmem_shared>>) target_semaphore(%run_scoped3A : memref<!tpu.dma_semaphore, #tpu.memory_space<semaphore_mem>>)
      %dma_wait3A = tpu.memref_slice %arg7[%mul3A_4] : memref<10240xf32, #tpu.memory_space<vmem_shared>> -> memref<640xf32, #tpu.memory_space<vmem_shared>>
      %dma_wait3A_62 = tpu.memref_slice %arg3[%mul3A_2] : memref<10240xf32, #tpu.memory_space<hbm>> -> memref<640xf32, #tpu.memory_space<hbm>>
      tpu.wait_dma2 semaphore(%run_scoped3A : memref<!tpu.dma_semaphore, #tpu.memory_space<semaphore_mem>>) src(%dma_wait3A_62 : memref<640xf32, #tpu.memory_space<hbm>>) dst(%dma_wait3A : memref<640xf32, #tpu.memory_space<vmem_shared>>)
      tpu.yield
    }) : () -> ()
    "tpu.region"() ({
      %run_scoped3A = tpu.sem_alloc : memref<!tpu.dma_semaphore, #tpu.memory_space<semaphore_mem>>
      %dma_start3A = arith.constant 0 : i32
      %dma_start3A_61 = arith.constant 0 : i32
      %dma_start3A_62 = tpu.memref_slice %arg2[%add3A, %dma_start3A, %dma_start3A_61] : memref<32x40x128xi32, #tpu.memory_space<hbm>> -> memref<1x40x128xi32, #tpu.memory_space<hbm>>
      %dma_start3A_63 = tpu.memref_squeeze %dma_start3A_62 : memref<1x40x128xi32, #tpu.memory_space<hbm>> -> memref<40x128xi32, #tpu.memory_space<hbm>>
      %dma_start3A_64 = arith.constant 0 : i32
      %dma_start3A_65 = arith.constant 0 : i32
      %dma_start3A_66 = tpu.memref_slice %arg2[%add3A, %dma_start3A_64, %dma_start3A_65] : memref<32x40x128xi32, #tpu.memory_space<hbm>> -> memref<1x40x128xi32, #tpu.memory_space<hbm>>
      %dma_start3A_67 = tpu.memref_squeeze %dma_start3A_66 : memref<1x40x128xi32, #tpu.memory_space<hbm>> -> memref<40x128xi32, #tpu.memory_space<hbm>>
      tpu.enqueue_dma source(%dma_start3A_67 : memref<40x128xi32, #tpu.memory_space<hbm>>) target(%arg6 : memref<40x128xi32, #tpu.memory_space<vmem>>) target_semaphore(%run_scoped3A : memref<!tpu.dma_semaphore, #tpu.memory_space<semaphore_mem>>)
      %dma_wait3A = arith.constant 0 : i32
      %dma_wait3A_68 = arith.constant 0 : i32
      %dma_wait3A_69 = tpu.memref_slice %arg2[%add3A, %dma_wait3A, %dma_wait3A_68] : memref<32x40x128xi32, #tpu.memory_space<hbm>> -> memref<1x40x128xi32, #tpu.memory_space<hbm>>
      %dma_wait3A_70 = tpu.memref_squeeze %dma_wait3A_69 : memref<1x40x128xi32, #tpu.memory_space<hbm>> -> memref<40x128xi32, #tpu.memory_space<hbm>>
      %dma_wait3A_71 = arith.constant 0 : i32
      %dma_wait3A_72 = arith.constant 0 : i32
      %dma_wait3A_73 = tpu.memref_slice %arg2[%add3A, %dma_wait3A_71, %dma_wait3A_72] : memref<32x40x128xi32, #tpu.memory_space<hbm>> -> memref<1x40x128xi32, #tpu.memory_space<hbm>>
      %dma_wait3A_74 = tpu.memref_squeeze %dma_wait3A_73 : memref<1x40x128xi32, #tpu.memory_space<hbm>> -> memref<40x128xi32, #tpu.memory_space<hbm>>
      tpu.wait_dma2 semaphore(%run_scoped3A : memref<!tpu.dma_semaphore, #tpu.memory_space<semaphore_mem>>) src(%dma_wait3A_74 : memref<40x128xi32, #tpu.memory_space<hbm>>) dst(%arg6 : memref<40x128xi32, #tpu.memory_space<vmem>>)
      tpu.yield
    }) : () -> ()
    %broadcast_in_dim3A = arith.constant 1.000000e+00 : f32
    %broadcast_in_dim3A_5 = vector.broadcast %broadcast_in_dim3A : f32 to vector<16xf32>
    %swap3A = arith.constant 0 : index
    %swap3A_6 = tpu.vector_load %arg5[%swap3A] {strides = array<i32>} : memref<128xf32, #tpu.memory_space<vmem>>, vector<16xf32>,
    %swap3A_7 = vector.shape_cast %swap3A_6 : vector<16xf32> to vector<16xf32>
    %swap3A_8 = vector.shape_cast %broadcast_in_dim3A_5 : vector<16xf32> to vector<16xf32>
    tpu.vector_store %arg5[%swap3A], %swap3A_8 {strides = array<i32>} : memref<128xf32, #tpu.memory_space<vmem>>, vector<16xf32>,
    %broadcast_in_dim3A_9 = arith.constant 1.000000e+00 : f32
    %broadcast_in_dim3A_10 = vector.broadcast %broadcast_in_dim3A_9 : f32 to vector<16xf32>
    %swap3A_11 = arith.constant 16 : index
    %swap3A_12 = tpu.vector_load %arg5[%swap3A_11] {strides = array<i32>} : memref<128xf32, #tpu.memory_space<vmem>>, vector<16xf32>,
    %swap3A_13 = vector.shape_cast %swap3A_12 : vector<16xf32> to vector<16xf32>
    %swap3A_14 = vector.shape_cast %broadcast_in_dim3A_10 : vector<16xf32> to vector<16xf32>
    tpu.vector_store %arg5[%swap3A_11], %swap3A_14 {strides = array<i32>} : memref<128xf32, #tpu.memory_space<vmem>>, vector<16xf32>,
    %broadcast_in_dim3A_15 = arith.constant 1.000000e+00 : f32
    %broadcast_in_dim3A_16 = vector.broadcast %broadcast_in_dim3A_15 : f32 to vector<16xf32>
    %swap3A_17 = arith.constant 32 : index
    %swap3A_18 = tpu.vector_load %arg5[%swap3A_17] {strides = array<i32>} : memref<128xf32, #tpu.memory_space<vmem>>, vector<16xf32>,
    %swap3A_19 = vector.shape_cast %swap3A_18 : vector<16xf32> to vector<16xf32>
    %swap3A_20 = vector.shape_cast %broadcast_in_dim3A_16 : vector<16xf32> to vector<16xf32>
    tpu.vector_store %arg5[%swap3A_17], %swap3A_20 {strides = array<i32>} : memref<128xf32, #tpu.memory_space<vmem>>, vector<16xf32>,
    %broadcast_in_dim3A_21 = arith.constant 1.000000e+00 : f32
    %broadcast_in_dim3A_22 = vector.broadcast %broadcast_in_dim3A_21 : f32 to vector<16xf32>
    %swap3A_23 = arith.constant 48 : index
    %swap3A_24 = tpu.vector_load %arg5[%swap3A_23] {strides = array<i32>} : memref<128xf32, #tpu.memory_space<vmem>>, vector<16xf32>,
    %swap3A_25 = vector.shape_cast %swap3A_24 : vector<16xf32> to vector<16xf32>
    %swap3A_26 = vector.shape_cast %broadcast_in_dim3A_22 : vector<16xf32> to vector<16xf32>
    tpu.vector_store %arg5[%swap3A_23], %swap3A_26 {strides = array<i32>} : memref<128xf32, #tpu.memory_space<vmem>>, vector<16xf32>,
    %broadcast_in_dim3A_27 = arith.constant 1.000000e+00 : f32
    %broadcast_in_dim3A_28 = vector.broadcast %broadcast_in_dim3A_27 : f32 to vector<16xf32>
    %swap3A_29 = arith.constant 64 : index
    %swap3A_30 = tpu.vector_load %arg5[%swap3A_29] {strides = array<i32>} : memref<128xf32, #tpu.memory_space<vmem>>, vector<16xf32>,
    %swap3A_31 = vector.shape_cast %swap3A_30 : vector<16xf32> to vector<16xf32>
    %swap3A_32 = vector.shape_cast %broadcast_in_dim3A_28 : vector<16xf32> to vector<16xf32>
    tpu.vector_store %arg5[%swap3A_29], %swap3A_32 {strides = array<i32>} : memref<128xf32, #tpu.memory_space<vmem>>, vector<16xf32>,
    %broadcast_in_dim3A_33 = arith.constant 1.000000e+00 : f32
    %broadcast_in_dim3A_34 = vector.broadcast %broadcast_in_dim3A_33 : f32 to vector<16xf32>
    %swap3A_35 = arith.constant 80 : index
    %swap3A_36 = tpu.vector_load %arg5[%swap3A_35] {strides = array<i32>} : memref<128xf32, #tpu.memory_space<vmem>>, vector<16xf32>,
    %swap3A_37 = vector.shape_cast %swap3A_36 : vector<16xf32> to vector<16xf32>
    %swap3A_38 = vector.shape_cast %broadcast_in_dim3A_34 : vector<16xf32> to vector<16xf32>
    tpu.vector_store %arg5[%swap3A_35], %swap3A_38 {strides = array<i32>} : memref<128xf32, #tpu.memory_space<vmem>>, vector<16xf32>,
    %broadcast_in_dim3A_39 = arith.constant 1.000000e+00 : f32
    %broadcast_in_dim3A_40 = vector.broadcast %broadcast_in_dim3A_39 : f32 to vector<16xf32>
    %swap3A_41 = arith.constant 96 : index
    %swap3A_42 = tpu.vector_load %arg5[%swap3A_41] {strides = array<i32>} : memref<128xf32, #tpu.memory_space<vmem>>, vector<16xf32>,
    %swap3A_43 = vector.shape_cast %swap3A_42 : vector<16xf32> to vector<16xf32>
    %swap3A_44 = vector.shape_cast %broadcast_in_dim3A_40 : vector<16xf32> to vector<16xf32>
    tpu.vector_store %arg5[%swap3A_41], %swap3A_44 {strides = array<i32>} : memref<128xf32, #tpu.memory_space<vmem>>, vector<16xf32>,
    %broadcast_in_dim3A_45 = arith.constant 1.000000e+00 : f32
    %broadcast_in_dim3A_46 = vector.broadcast %broadcast_in_dim3A_45 : f32 to vector<16xf32>
    %swap3A_47 = arith.constant 112 : index
    %swap3A_48 = tpu.vector_load %arg5[%swap3A_47] {strides = array<i32>} : memref<128xf32, #tpu.memory_space<vmem>>, vector<16xf32>,
    %swap3A_49 = vector.shape_cast %swap3A_48 : vector<16xf32> to vector<16xf32>
    %swap3A_50 = vector.shape_cast %broadcast_in_dim3A_46 : vector<16xf32> to vector<16xf32>
    tpu.vector_store %arg5[%swap3A_47], %swap3A_50 {strides = array<i32>} : memref<128xf32, #tpu.memory_space<vmem>>, vector<16xf32>,
    %barrier3A = arith.constant 0 : index
    tpu.barrier barrier_id(%barrier3A)
    %scan3A = arith.constant 0 : i32
    %scan3A_51 = arith.constant 0 : i32
    %scan3A_52 = arith.constant 40 : i32
    %scan3A_53 = arith.addi %scan3A_51, %scan3A_52 : i32
    %scan3A_54 = arith.constant 1 : i32
    scf.for %scan3A_61 = %scan3A_51 to %scan3A_53 step %scan3A_54  : i32 {
      "tpu.region"() ({
        %run_scoped3A = tpu.sem_alloc : memref<!tpu.dma_semaphore, #tpu.memory_space<semaphore_mem>>
        %dma_start3A = arith.constant 0 : i32
        %dma_start3A_62 = tpu.memref_slice %arg6[%scan3A_61, %dma_start3A] : memref<40x128xi32, #tpu.memory_space<vmem>> -> memref<1x128xi32, #tpu.memory_space<vmem>>
        %dma_start3A_63 = tpu.memref_squeeze %dma_start3A_62 : memref<1x128xi32, #tpu.memory_space<vmem>> -> memref<128xi32, #tpu.memory_space<vmem>>
        %dma_start3A_64 = arith.constant 0 : i32
        %dma_start3A_65 = tpu.memref_slice %arg7[%dma_start3A_64] : memref<10240xf32, #tpu.memory_space<vmem_shared>> -> memref<10240xf32, #tpu.memory_space<vmem_shared>>
        tpu.enqueue_indirect_dma source(%arg5 : memref<128xf32, #tpu.memory_space<vmem>>) target(%dma_start3A_65 : memref<10240xf32, #tpu.memory_space<vmem_shared>>) offsets(%dma_start3A_63 : memref<128xi32, #tpu.memory_space<vmem>>) semaphore(%run_scoped3A : memref<!tpu.dma_semaphore, #tpu.memory_space<semaphore_mem>>) {add = true}
        %dma_wait3A = arith.constant 0 : i32
        %dma_wait3A_66 = tpu.memref_slice %arg6[%scan3A_61, %dma_wait3A] : memref<40x128xi32, #tpu.memory_space<vmem>> -> memref<1x128xi32, #tpu.memory_space<vmem>>
        %dma_wait3A_67 = tpu.memref_squeeze %dma_wait3A_66 : memref<1x128xi32, #tpu.memory_space<vmem>> -> memref<128xi32, #tpu.memory_space<vmem>>
        %dma_wait3A_68 = arith.constant 0 : i32
        %dma_wait3A_69 = tpu.memref_slice %arg7[%dma_wait3A_68] : memref<10240xf32, #tpu.memory_space<vmem_shared>> -> memref<10240xf32, #tpu.memory_space<vmem_shared>>
        tpu.wait_indirect_dma semaphore(%run_scoped3A : memref<!tpu.dma_semaphore, #tpu.memory_space<semaphore_mem>>) src(%arg5 : memref<128xf32, #tpu.memory_space<vmem>>) dst(%dma_wait3A_69 : memref<10240xf32, #tpu.memory_space<vmem_shared>>)
        tpu.yield
      }) : () -> ()
    }
    %scan3A_55 = arith.constant 40 : i32
    %barrier3A_56 = arith.constant 0 : index
    tpu.barrier barrier_id(%barrier3A_56)
    %mul3A_57 = arith.constant 640 : i32
    %mul3A_58 = arith.muli %arg1, %mul3A_57 : i32
    %mul3A_59 = arith.constant 640 : i32
    %mul3A_60 = arith.muli %arg1, %mul3A_59 : i32
    "tpu.region"() ({
      %run_scoped3A = tpu.sem_alloc : memref<!tpu.dma_semaphore, #tpu.memory_space<semaphore_mem>>
      %dma_start3A = tpu.memref_slice %arg4[%arg0, %mul3A_60] : memref<2x10240xf32, #tpu.memory_space<hbm>> -> memref<1x640xf32, #tpu.memory_space<hbm>>
      %dma_start3A_61 = tpu.memref_squeeze %dma_start3A : memref<1x640xf32, #tpu.memory_space<hbm>> -> memref<640xf32, #tpu.memory_space<hbm>>
      %dma_start3A_62 = tpu.memref_slice %arg7[%mul3A_58] : memref<10240xf32, #tpu.memory_space<vmem_shared>> -> memref<640xf32, #tpu.memory_space<vmem_shared>>
      tpu.enqueue_dma source(%dma_start3A_62 : memref<640xf32, #tpu.memory_space<vmem_shared>>) target(%dma_start3A_61 : memref<640xf32, #tpu.memory_space<hbm>>) target_semaphore(%run_scoped3A : memref<!tpu.dma_semaphore, #tpu.memory_space<semaphore_mem>>)
      %dma_wait3A = tpu.memref_slice %arg4[%arg0, %mul3A_60] : memref<2x10240xf32, #tpu.memory_space<hbm>> -> memref<1x640xf32, #tpu.memory_space<hbm>>
      %dma_wait3A_63 = tpu.memref_squeeze %dma_wait3A : memref<1x640xf32, #tpu.memory_space<hbm>> -> memref<640xf32, #tpu.memory_space<hbm>>
      %dma_wait3A_64 = tpu.memref_slice %arg7[%mul3A_58] : memref<10240xf32, #tpu.memory_space<vmem_shared>> -> memref<640xf32, #tpu.memory_space<vmem_shared>>
      tpu.wait_dma2 semaphore(%run_scoped3A : memref<!tpu.dma_semaphore, #tpu.memory_space<semaphore_mem>>) src(%dma_wait3A_64 : memref<640xf32, #tpu.memory_space<vmem_shared>>) dst(%dma_wait3A_63 : memref<640xf32, #tpu.memory_space<hbm>>)
      tpu.yield
    }) : () -> ()
    return
  }
}

#map = affine_map<(d0, d1) -> (0, 0, 0)>
#map1 = affine_map<(d0, d1) -> (0, 0)>
module attributes {stable_mosaic.version = 14 : i64} {
  func.func @_scatter_kernel(%arg0: i32, %arg1: i32, %arg2: memref<16x160x64xi32, #tpu.memory_space<hbm>>, %arg3: memref<16x160x64xi32, #tpu.memory_space<hbm>>, %arg4: memref<10000x128xf32, #tpu.memory_space<hbm>>, %arg5: memref<10000x128xf32, #tpu.memory_space<hbm>>, %arg6: memref<10240x128xf32, #tpu.memory_space<hbm>>, %arg7: memref<2x10240x128xf32, #tpu.memory_space<hbm>>, %arg8: memref<40x64xi32, #tpu.memory_space<vmem>>, %arg9: memref<40x64xi32, #tpu.memory_space<vmem>>, %arg10: memref<4x64x128xf32, #tpu.memory_space<vmem>>, %arg11: memref<10240x128xf32, #tpu.memory_space<vmem_shared>>, %arg12: memref<4x!tpu.dma_semaphore, #tpu.memory_space<semaphore_mem>>) attributes {dimension_semantics = [#tpu.dimension_semantics<core_parallel>, #tpu.dimension_semantics<subcore_parallel>], iteration_bounds = array<i64: 2, 16>, scalar_prefetch = 0 : i64, scratch_operands = 5 : i64, tpu.core_type = #tpu.core_type<sc_vector_subcore>, window_params = [{transform_indices = #map}, {transform_indices = #map}, {transform_indices = #map1}, {transform_indices = #map1}, {transform_indices = #map1}, {transform_indices = #map}]} {
    %eq3A = arith.constant 0 : i32
    %eq3A_0 = arith.cmpi eq, %arg0, %eq3A : i32
    %convert_element_type3A = arith.extui %eq3A_0 : i1 to i32
    %cond3A = arith.constant 0 : i32
    %cond3A_1 = arith.cmpi ne, %convert_element_type3A, %cond3A : i32
    scf.if %cond3A_1 {
      "tpu.region"() ({
        %run_scoped3A = tpu.sem_alloc : memref<!tpu.dma_semaphore, #tpu.memory_space<semaphore_mem>>
        %dma_start3A_277 = arith.constant 0 : i32
        %dma_start3A_278 = arith.constant 0 : i32
        %dma_start3A_279 = tpu.memref_slice %arg2[%arg1, %dma_start3A_277, %dma_start3A_278] : memref<16x160x64xi32, #tpu.memory_space<hbm>> -> memref<1x40x64xi32, #tpu.memory_space<hbm>>
        %dma_start3A_280 = tpu.memref_squeeze %dma_start3A_279 : memref<1x40x64xi32, #tpu.memory_space<hbm>> -> memref<40x64xi32, #tpu.memory_space<hbm>>
        %dma_start3A_281 = arith.constant 0 : i32
        %dma_start3A_282 = arith.constant 0 : i32
        %dma_start3A_283 = tpu.memref_slice %arg2[%arg1, %dma_start3A_281, %dma_start3A_282] : memref<16x160x64xi32, #tpu.memory_space<hbm>> -> memref<1x40x64xi32, #tpu.memory_space<hbm>>
        %dma_start3A_284 = tpu.memref_squeeze %dma_start3A_283 : memref<1x40x64xi32, #tpu.memory_space<hbm>> -> memref<40x64xi32, #tpu.memory_space<hbm>>
        tpu.enqueue_dma source(%dma_start3A_284 : memref<40x64xi32, #tpu.memory_space<hbm>>) target(%arg8 : memref<40x64xi32, #tpu.memory_space<vmem>>) target_semaphore(%run_scoped3A : memref<!tpu.dma_semaphore, #tpu.memory_space<semaphore_mem>>)
        %dma_wait3A = arith.constant 0 : i32
        %dma_wait3A_285 = arith.constant 0 : i32
        %dma_wait3A_286 = tpu.memref_slice %arg2[%arg1, %dma_wait3A, %dma_wait3A_285] : memref<16x160x64xi32, #tpu.memory_space<hbm>> -> memref<1x40x64xi32, #tpu.memory_space<hbm>>
        %dma_wait3A_287 = tpu.memref_squeeze %dma_wait3A_286 : memref<1x40x64xi32, #tpu.memory_space<hbm>> -> memref<40x64xi32, #tpu.memory_space<hbm>>
        %dma_wait3A_288 = arith.constant 0 : i32
        %dma_wait3A_289 = arith.constant 0 : i32
        %dma_wait3A_290 = tpu.memref_slice %arg2[%arg1, %dma_wait3A_288, %dma_wait3A_289] : memref<16x160x64xi32, #tpu.memory_space<hbm>> -> memref<1x40x64xi32, #tpu.memory_space<hbm>>
        %dma_wait3A_291 = tpu.memref_squeeze %dma_wait3A_290 : memref<1x40x64xi32, #tpu.memory_space<hbm>> -> memref<40x64xi32, #tpu.memory_space<hbm>>
        tpu.wait_dma2 semaphore(%run_scoped3A : memref<!tpu.dma_semaphore, #tpu.memory_space<semaphore_mem>>) src(%dma_wait3A_291 : memref<40x64xi32, #tpu.memory_space<hbm>>) dst(%arg8 : memref<40x64xi32, #tpu.memory_space<vmem>>)
        tpu.yield
      }) : () -> ()
      "tpu.region"() ({
        %run_scoped3A = tpu.sem_alloc : memref<!tpu.dma_semaphore, #tpu.memory_space<semaphore_mem>>
        %dma_start3A_277 = arith.constant 0 : i32
        %dma_start3A_278 = arith.constant 0 : i32
        %dma_start3A_279 = tpu.memref_slice %arg3[%arg1, %dma_start3A_277, %dma_start3A_278] : memref<16x160x64xi32, #tpu.memory_space<hbm>> -> memref<1x40x64xi32, #tpu.memory_space<hbm>>
        %dma_start3A_280 = tpu.memref_squeeze %dma_start3A_279 : memref<1x40x64xi32, #tpu.memory_space<hbm>> -> memref<40x64xi32, #tpu.memory_space<hbm>>
        %dma_start3A_281 = arith.constant 0 : i32
        %dma_start3A_282 = arith.constant 0 : i32
        %dma_start3A_283 = tpu.memref_slice %arg3[%arg1, %dma_start3A_281, %dma_start3A_282] : memref<16x160x64xi32, #tpu.memory_space<hbm>> -> memref<1x40x64xi32, #tpu.memory_space<hbm>>
        %dma_start3A_284 = tpu.memref_squeeze %dma_start3A_283 : memref<1x40x64xi32, #tpu.memory_space<hbm>> -> memref<40x64xi32, #tpu.memory_space<hbm>>
        tpu.enqueue_dma source(%dma_start3A_284 : memref<40x64xi32, #tpu.memory_space<hbm>>) target(%arg9 : memref<40x64xi32, #tpu.memory_space<vmem>>) target_semaphore(%run_scoped3A : memref<!tpu.dma_semaphore, #tpu.memory_space<semaphore_mem>>)
        %dma_wait3A = arith.constant 0 : i32
        %dma_wait3A_285 = arith.constant 0 : i32
        %dma_wait3A_286 = tpu.memref_slice %arg3[%arg1, %dma_wait3A, %dma_wait3A_285] : memref<16x160x64xi32, #tpu.memory_space<hbm>> -> memref<1x40x64xi32, #tpu.memory_space<hbm>>
        %dma_wait3A_287 = tpu.memref_squeeze %dma_wait3A_286 : memref<1x40x64xi32, #tpu.memory_space<hbm>> -> memref<40x64xi32, #tpu.memory_space<hbm>>
        %dma_wait3A_288 = arith.constant 0 : i32
        %dma_wait3A_289 = arith.constant 0 : i32
        %dma_wait3A_290 = tpu.memref_slice %arg3[%arg1, %dma_wait3A_288, %dma_wait3A_289] : memref<16x160x64xi32, #tpu.memory_space<hbm>> -> memref<1x40x64xi32, #tpu.memory_space<hbm>>
        %dma_wait3A_291 = tpu.memref_squeeze %dma_wait3A_290 : memref<1x40x64xi32, #tpu.memory_space<hbm>> -> memref<40x64xi32, #tpu.memory_space<hbm>>
        tpu.wait_dma2 semaphore(%run_scoped3A : memref<!tpu.dma_semaphore, #tpu.memory_space<semaphore_mem>>) src(%dma_wait3A_291 : memref<40x64xi32, #tpu.memory_space<hbm>>) dst(%arg9 : memref<40x64xi32, #tpu.memory_space<vmem>>)
        tpu.yield
      }) : () -> ()
      %dma_start3A = arith.constant 0 : i32
      %dma_start3A_10 = arith.constant 0 : i32
      %dma_start3A_11 = arith.constant 0 : i32
      %dma_start3A_12 = arith.constant 0 : i32
      %dma_start3A_13 = arith.constant 0 : i32
      %dma_start3A_14 = tpu.memref_slice %arg10[%dma_start3A_10, %dma_start3A_12, %dma_start3A_13] : memref<4x64x128xf32, #tpu.memory_space<vmem>> -> memref<1x64x128xf32, #tpu.memory_space<vmem>>
      %dma_start3A_15 = tpu.memref_squeeze %dma_start3A_14 : memref<1x64x128xf32, #tpu.memory_space<vmem>> -> memref<64x128xf32, #tpu.memory_space<vmem>>
      %dma_start3A_16 = arith.constant 0 : i32
      %dma_start3A_17 = tpu.memref_slice %arg8[%dma_start3A, %dma_start3A_16] : memref<40x64xi32, #tpu.memory_space<vmem>> -> memref<1x64xi32, #tpu.memory_space<vmem>>
      %dma_start3A_18 = tpu.memref_squeeze %dma_start3A_17 : memref<1x64xi32, #tpu.memory_space<vmem>> -> memref<64xi32, #tpu.memory_space<vmem>>
      %dma_start3A_19 = arith.constant 0 : i32
      %dma_start3A_20 = arith.constant 0 : i32
      %dma_start3A_21 = tpu.memref_slice %arg4[%dma_start3A_19, %dma_start3A_20] : memref<10000x128xf32, #tpu.memory_space<hbm>> -> memref<10000x128xf32, #tpu.memory_space<hbm>>
      %dma_start3A_22 = tpu.memref_slice %arg12[%dma_start3A_11] : memref<4x!tpu.dma_semaphore, #tpu.memory_space<semaphore_mem>> -> memref<1x!tpu.dma_semaphore, #tpu.memory_space<semaphore_mem>>
      %dma_start3A_23 = tpu.memref_squeeze %dma_start3A_22 : memref<1x!tpu.dma_semaphore, #tpu.memory_space<semaphore_mem>> -> memref<!tpu.dma_semaphore, #tpu.memory_space<semaphore_mem>>
      tpu.enqueue_indirect_dma source(%dma_start3A_21 : memref<10000x128xf32, #tpu.memory_space<hbm>>) target(%dma_start3A_15 : memref<64x128xf32, #tpu.memory_space<vmem>>) offsets(%dma_start3A_18 : memref<64xi32, #tpu.memory_space<vmem>>) semaphore(%dma_start3A_23 : memref<!tpu.dma_semaphore, #tpu.memory_space<semaphore_mem>>)
      %dma_start3A_24 = arith.constant 1 : i32
      %dma_start3A_25 = arith.constant 1 : i32
      %dma_start3A_26 = arith.constant 1 : i32
      %dma_start3A_27 = arith.constant 0 : i32
      %dma_start3A_28 = arith.constant 0 : i32
      %dma_start3A_29 = tpu.memref_slice %arg10[%dma_start3A_25, %dma_start3A_27, %dma_start3A_28] : memref<4x64x128xf32, #tpu.memory_space<vmem>> -> memref<1x64x128xf32, #tpu.memory_space<vmem>>
      %dma_start3A_30 = tpu.memref_squeeze %dma_start3A_29 : memref<1x64x128xf32, #tpu.memory_space<vmem>> -> memref<64x128xf32, #tpu.memory_space<vmem>>
      %dma_start3A_31 = arith.constant 0 : i32
      %dma_start3A_32 = tpu.memref_slice %arg8[%dma_start3A_24, %dma_start3A_31] : memref<40x64xi32, #tpu.memory_space<vmem>> -> memref<1x64xi32, #tpu.memory_space<vmem>>
      %dma_start3A_33 = tpu.memref_squeeze %dma_start3A_32 : memref<1x64xi32, #tpu.memory_space<vmem>> -> memref<64xi32, #tpu.memory_space<vmem>>
      %dma_start3A_34 = arith.constant 0 : i32
      %dma_start3A_35 = arith.constant 0 : i32
      %dma_start3A_36 = tpu.memref_slice %arg4[%dma_start3A_34, %dma_start3A_35] : memref<10000x128xf32, #tpu.memory_space<hbm>> -> memref<10000x128xf32, #tpu.memory_space<hbm>>
      %dma_start3A_37 = tpu.memref_slice %arg12[%dma_start3A_26] : memref<4x!tpu.dma_semaphore, #tpu.memory_space<semaphore_mem>> -> memref<1x!tpu.dma_semaphore, #tpu.memory_space<semaphore_mem>>
      %dma_start3A_38 = tpu.memref_squeeze %dma_start3A_37 : memref<1x!tpu.dma_semaphore, #tpu.memory_space<semaphore_mem>> -> memref<!tpu.dma_semaphore, #tpu.memory_space<semaphore_mem>>
      tpu.enqueue_indirect_dma source(%dma_start3A_36 : memref<10000x128xf32, #tpu.memory_space<hbm>>) target(%dma_start3A_30 : memref<64x128xf32, #tpu.memory_space<vmem>>) offsets(%dma_start3A_33 : memref<64xi32, #tpu.memory_space<vmem>>) semaphore(%dma_start3A_38 : memref<!tpu.dma_semaphore, #tpu.memory_space<semaphore_mem>>)
      %dma_start3A_39 = arith.constant 2 : i32
      %dma_start3A_40 = arith.constant 2 : i32
      %dma_start3A_41 = arith.constant 2 : i32
      %dma_start3A_42 = arith.constant 0 : i32
      %dma_start3A_43 = arith.constant 0 : i32
      %dma_start3A_44 = tpu.memref_slice %arg10[%dma_start3A_40, %dma_start3A_42, %dma_start3A_43] : memref<4x64x128xf32, #tpu.memory_space<vmem>> -> memref<1x64x128xf32, #tpu.memory_space<vmem>>
      %dma_start3A_45 = tpu.memref_squeeze %dma_start3A_44 : memref<1x64x128xf32, #tpu.memory_space<vmem>> -> memref<64x128xf32, #tpu.memory_space<vmem>>
      %dma_start3A_46 = arith.constant 0 : i32
      %dma_start3A_47 = tpu.memref_slice %arg8[%dma_start3A_39, %dma_start3A_46] : memref<40x64xi32, #tpu.memory_space<vmem>> -> memref<1x64xi32, #tpu.memory_space<vmem>>
      %dma_start3A_48 = tpu.memref_squeeze %dma_start3A_47 : memref<1x64xi32, #tpu.memory_space<vmem>> -> memref<64xi32, #tpu.memory_space<vmem>>
      %dma_start3A_49 = arith.constant 0 : i32
      %dma_start3A_50 = arith.constant 0 : i32
      %dma_start3A_51 = tpu.memref_slice %arg4[%dma_start3A_49, %dma_start3A_50] : memref<10000x128xf32, #tpu.memory_space<hbm>> -> memref<10000x128xf32, #tpu.memory_space<hbm>>
      %dma_start3A_52 = tpu.memref_slice %arg12[%dma_start3A_41] : memref<4x!tpu.dma_semaphore, #tpu.memory_space<semaphore_mem>> -> memref<1x!tpu.dma_semaphore, #tpu.memory_space<semaphore_mem>>
      %dma_start3A_53 = tpu.memref_squeeze %dma_start3A_52 : memref<1x!tpu.dma_semaphore, #tpu.memory_space<semaphore_mem>> -> memref<!tpu.dma_semaphore, #tpu.memory_space<semaphore_mem>>
      tpu.enqueue_indirect_dma source(%dma_start3A_51 : memref<10000x128xf32, #tpu.memory_space<hbm>>) target(%dma_start3A_45 : memref<64x128xf32, #tpu.memory_space<vmem>>) offsets(%dma_start3A_48 : memref<64xi32, #tpu.memory_space<vmem>>) semaphore(%dma_start3A_53 : memref<!tpu.dma_semaphore, #tpu.memory_space<semaphore_mem>>)
      %dma_start3A_54 = arith.constant 3 : i32
      %dma_start3A_55 = arith.constant 3 : i32
      %dma_start3A_56 = arith.constant 3 : i32
      %dma_start3A_57 = arith.constant 0 : i32
      %dma_start3A_58 = arith.constant 0 : i32
      %dma_start3A_59 = tpu.memref_slice %arg10[%dma_start3A_55, %dma_start3A_57, %dma_start3A_58] : memref<4x64x128xf32, #tpu.memory_space<vmem>> -> memref<1x64x128xf32, #tpu.memory_space<vmem>>
      %dma_start3A_60 = tpu.memref_squeeze %dma_start3A_59 : memref<1x64x128xf32, #tpu.memory_space<vmem>> -> memref<64x128xf32, #tpu.memory_space<vmem>>
      %dma_start3A_61 = arith.constant 0 : i32
      %dma_start3A_62 = tpu.memref_slice %arg8[%dma_start3A_54, %dma_start3A_61] : memref<40x64xi32, #tpu.memory_space<vmem>> -> memref<1x64xi32, #tpu.memory_space<vmem>>
      %dma_start3A_63 = tpu.memref_squeeze %dma_start3A_62 : memref<1x64xi32, #tpu.memory_space<vmem>> -> memref<64xi32, #tpu.memory_space<vmem>>
      %dma_start3A_64 = arith.constant 0 : i32
      %dma_start3A_65 = arith.constant 0 : i32
      %dma_start3A_66 = tpu.memref_slice %arg4[%dma_start3A_64, %dma_start3A_65] : memref<10000x128xf32, #tpu.memory_space<hbm>> -> memref<10000x128xf32, #tpu.memory_space<hbm>>
      %dma_start3A_67 = tpu.memref_slice %arg12[%dma_start3A_56] : memref<4x!tpu.dma_semaphore, #tpu.memory_space<semaphore_mem>> -> memref<1x!tpu.dma_semaphore, #tpu.memory_space<semaphore_mem>>
      %dma_start3A_68 = tpu.memref_squeeze %dma_start3A_67 : memref<1x!tpu.dma_semaphore, #tpu.memory_space<semaphore_mem>> -> memref<!tpu.dma_semaphore, #tpu.memory_space<semaphore_mem>>
      tpu.enqueue_indirect_dma source(%dma_start3A_66 : memref<10000x128xf32, #tpu.memory_space<hbm>>) target(%dma_start3A_60 : memref<64x128xf32, #tpu.memory_space<vmem>>) offsets(%dma_start3A_63 : memref<64xi32, #tpu.memory_space<vmem>>) semaphore(%dma_start3A_68 : memref<!tpu.dma_semaphore, #tpu.memory_space<semaphore_mem>>)
      %mul3A_69 = arith.constant 640 : i32
      %mul3A_70 = arith.muli %arg1, %mul3A_69 : i32
      %mul3A_71 = arith.constant 640 : i32
      %mul3A_72 = arith.muli %arg1, %mul3A_71 : i32
      "tpu.region"() ({
        %run_scoped3A = tpu.sem_alloc : memref<!tpu.dma_semaphore, #tpu.memory_space<semaphore_mem>>
        %dma_start3A_277 = arith.constant 0 : i32
        %dma_start3A_278 = tpu.memref_slice %arg11[%mul3A_72, %dma_start3A_277] : memref<10240x128xf32, #tpu.memory_space<vmem_shared>> -> memref<640x128xf32, #tpu.memory_space<vmem_shared>>
        %dma_start3A_279 = arith.constant 0 : i32
        %dma_start3A_280 = tpu.memref_slice %arg6[%mul3A_70, %dma_start3A_279] : memref<10240x128xf32, #tpu.memory_space<hbm>> -> memref<640x128xf32, #tpu.memory_space<hbm>>
        tpu.enqueue_dma source(%dma_start3A_280 : memref<640x128xf32, #tpu.memory_space<hbm>>) target(%dma_start3A_278 : memref<640x128xf32, #tpu.memory_space<vmem_shared>>) target_semaphore(%run_scoped3A : memref<!tpu.dma_semaphore, #tpu.memory_space<semaphore_mem>>)
        %dma_wait3A = arith.constant 0 : i32
        %dma_wait3A_281 = tpu.memref_slice %arg11[%mul3A_72, %dma_wait3A] : memref<10240x128xf32, #tpu.memory_space<vmem_shared>> -> memref<640x128xf32, #tpu.memory_space<vmem_shared>>
        %dma_wait3A_282 = arith.constant 0 : i32
        %dma_wait3A_283 = tpu.memref_slice %arg6[%mul3A_70, %dma_wait3A_282] : memref<10240x128xf32, #tpu.memory_space<hbm>> -> memref<640x128xf32, #tpu.memory_space<hbm>>
        tpu.wait_dma2 semaphore(%run_scoped3A : memref<!tpu.dma_semaphore, #tpu.memory_space<semaphore_mem>>) src(%dma_wait3A_283 : memref<640x128xf32, #tpu.memory_space<hbm>>) dst(%dma_wait3A_281 : memref<640x128xf32, #tpu.memory_space<vmem_shared>>)
        tpu.yield
      }) : () -> ()
      %barrier3A_73 = arith.constant 0 : index
      tpu.barrier barrier_id(%barrier3A_73)
      %scan3A = arith.constant 0 : i32
      %scan3A_74 = arith.constant 0 : i32
      %scan3A_75 = arith.constant 10 : i32
      %scan3A_76 = arith.addi %scan3A_74, %scan3A_75 : i32
      %scan3A_77 = arith.constant 1 : i32
      scf.for %scan3A_277 = %scan3A_74 to %scan3A_76 step %scan3A_77  : i32 {
        %mul3A_278 = arith.constant 4 : i32
        %mul3A_279 = arith.muli %scan3A_277, %mul3A_278 : i32
        %add3A = arith.constant 0 : i32
        %add3A_280 = arith.addi %mul3A_279, %add3A : i32
        %dma_wait3A = arith.constant 0 : i32
        %dma_wait3A_281 = arith.constant 0 : i32
        %dma_wait3A_282 = arith.constant 0 : i32
        %dma_wait3A_283 = arith.constant 0 : i32
        %dma_wait3A_284 = tpu.memref_slice %arg10[%dma_wait3A, %dma_wait3A_282, %dma_wait3A_283] : memref<4x64x128xf32, #tpu.memory_space<vmem>> -> memref<1x64x128xf32, #tpu.memory_space<vmem>>
        %dma_wait3A_285 = tpu.memref_squeeze %dma_wait3A_284 : memref<1x64x128xf32, #tpu.memory_space<vmem>> -> memref<64x128xf32, #tpu.memory_space<vmem>>
        %dma_wait3A_286 = arith.constant 0 : i32
        %dma_wait3A_287 = tpu.memref_slice %arg8[%add3A_280, %dma_wait3A_286] : memref<40x64xi32, #tpu.memory_space<vmem>> -> memref<1x64xi32, #tpu.memory_space<vmem>>
        %dma_wait3A_288 = tpu.memref_squeeze %dma_wait3A_287 : memref<1x64xi32, #tpu.memory_space<vmem>> -> memref<64xi32, #tpu.memory_space<vmem>>
        %dma_wait3A_289 = arith.constant 0 : i32
        %dma_wait3A_290 = arith.constant 0 : i32
        %dma_wait3A_291 = tpu.memref_slice %arg4[%dma_wait3A_289, %dma_wait3A_290] : memref<10000x128xf32, #tpu.memory_space<hbm>> -> memref<10000x128xf32, #tpu.memory_space<hbm>>
        %dma_wait3A_292 = tpu.memref_slice %arg12[%dma_wait3A_281] : memref<4x!tpu.dma_semaphore, #tpu.memory_space<semaphore_mem>> -> memref<1x!tpu.dma_semaphore, #tpu.memory_space<semaphore_mem>>
        %dma_wait3A_293 = tpu.memref_squeeze %dma_wait3A_292 : memref<1x!tpu.dma_semaphore, #tpu.memory_space<semaphore_mem>> -> memref<!tpu.dma_semaphore, #tpu.memory_space<semaphore_mem>>
        tpu.wait_indirect_dma semaphore(%dma_wait3A_293 : memref<!tpu.dma_semaphore, #tpu.memory_space<semaphore_mem>>) src(%dma_wait3A_291 : memref<10000x128xf32, #tpu.memory_space<hbm>>) dst(%dma_wait3A_285 : memref<64x128xf32, #tpu.memory_space<vmem>>)
        %run_scoped3A = arith.constant 0 : i32
        "tpu.region"() ({
          %run_scoped3A_378 = tpu.sem_alloc : memref<!tpu.dma_semaphore, #tpu.memory_space<semaphore_mem>>
          %dma_start3A_379 = arith.constant 0 : i32
          %dma_start3A_380 = arith.constant 0 : i32
          %dma_start3A_381 = tpu.memref_slice %arg10[%run_scoped3A, %dma_start3A_379, %dma_start3A_380] : memref<4x64x128xf32, #tpu.memory_space<vmem>> -> memref<1x64x128xf32, #tpu.memory_space<vmem>>
          %dma_start3A_382 = tpu.memref_squeeze %dma_start3A_381 : memref<1x64x128xf32, #tpu.memory_space<vmem>> -> memref<64x128xf32, #tpu.memory_space<vmem>>
          %dma_start3A_383 = arith.constant 0 : i32
          %dma_start3A_384 = tpu.memref_slice %arg9[%add3A_280, %dma_start3A_383] : memref<40x64xi32, #tpu.memory_space<vmem>> -> memref<1x64xi32, #tpu.memory_space<vmem>>
          %dma_start3A_385 = tpu.memref_squeeze %dma_start3A_384 : memref<1x64xi32, #tpu.memory_space<vmem>> -> memref<64xi32, #tpu.memory_space<vmem>>
          %dma_start3A_386 = arith.constant 0 : i32
          %dma_start3A_387 = arith.constant 0 : i32
          %dma_start3A_388 = tpu.memref_slice %arg11[%dma_start3A_386, %dma_start3A_387] : memref<10240x128xf32, #tpu.memory_space<vmem_shared>> -> memref<10240x128xf32, #tpu.memory_space<vmem_shared>>
          tpu.enqueue_indirect_dma source(%dma_start3A_382 : memref<64x128xf32, #tpu.memory_space<vmem>>) target(%dma_start3A_388 : memref<10240x128xf32, #tpu.memory_space<vmem_shared>>) offsets(%dma_start3A_385 : memref<64xi32, #tpu.memory_space<vmem>>) semaphore(%run_scoped3A_378 : memref<!tpu.dma_semaphore, #tpu.memory_space<semaphore_mem>>) {add = true}
          %dma_wait3A_389 = arith.constant 0 : i32
          %dma_wait3A_390 = arith.constant 0 : i32
          %dma_wait3A_391 = tpu.memref_slice %arg10[%run_scoped3A, %dma_wait3A_389, %dma_wait3A_390] : memref<4x64x128xf32, #tpu.memory_space<vmem>> -> memref<1x64x128xf32, #tpu.memory_space<vmem>>
          %dma_wait3A_392 = tpu.memref_squeeze %dma_wait3A_391 : memref<1x64x128xf32, #tpu.memory_space<vmem>> -> memref<64x128xf32, #tpu.memory_space<vmem>>
          %dma_wait3A_393 = arith.constant 0 : i32
          %dma_wait3A_394 = tpu.memref_slice %arg9[%add3A_280, %dma_wait3A_393] : memref<40x64xi32, #tpu.memory_space<vmem>> -> memref<1x64xi32, #tpu.memory_space<vmem>>
          %dma_wait3A_395 = tpu.memref_squeeze %dma_wait3A_394 : memref<1x64xi32, #tpu.memory_space<vmem>> -> memref<64xi32, #tpu.memory_space<vmem>>
          %dma_wait3A_396 = arith.constant 0 : i32
          %dma_wait3A_397 = arith.constant 0 : i32
          %dma_wait3A_398 = tpu.memref_slice %arg11[%dma_wait3A_396, %dma_wait3A_397] : memref<10240x128xf32, #tpu.memory_space<vmem_shared>> -> memref<10240x128xf32, #tpu.memory_space<vmem_shared>>
          tpu.wait_indirect_dma semaphore(%run_scoped3A_378 : memref<!tpu.dma_semaphore, #tpu.memory_space<semaphore_mem>>) src(%dma_wait3A_392 : memref<64x128xf32, #tpu.memory_space<vmem>>) dst(%dma_wait3A_398 : memref<10240x128xf32, #tpu.memory_space<vmem_shared>>)
          tpu.yield
        }) : () -> ()
        %add3A_294 = arith.constant 4 : i32
        %add3A_295 = arith.addi %add3A_280, %add3A_294 : i32
        %lt3A = arith.constant 40 : i32
        %lt3A_296 = arith.cmpi slt, %add3A_295, %lt3A : i32
        %convert_element_type3A_297 = arith.extui %lt3A_296 : i1 to i32
        %cond3A_298 = arith.constant 0 : i32
        %cond3A_299 = arith.cmpi ne, %convert_element_type3A_297, %cond3A_298 : i32
        scf.if %cond3A_299 {
          %dma_start3A_378 = arith.constant 0 : i32
          %dma_start3A_379 = arith.constant 0 : i32
          %dma_start3A_380 = arith.constant 0 : i32
          %dma_start3A_381 = arith.constant 0 : i32
          %dma_start3A_382 = tpu.memref_slice %arg10[%dma_start3A_378, %dma_start3A_380, %dma_start3A_381] : memref<4x64x128xf32, #tpu.memory_space<vmem>> -> memref<1x64x128xf32, #tpu.memory_space<vmem>>
          %dma_start3A_383 = tpu.memref_squeeze %dma_start3A_382 : memref<1x64x128xf32, #tpu.memory_space<vmem>> -> memref<64x128xf32, #tpu.memory_space<vmem>>
          %dma_start3A_384 = arith.constant 0 : i32
          %dma_start3A_385 = tpu.memref_slice %arg8[%add3A_295, %dma_start3A_384] : memref<40x64xi32, #tpu.memory_space<vmem>> -> memref<1x64xi32, #tpu.memory_space<vmem>>
          %dma_start3A_386 = tpu.memref_squeeze %dma_start3A_385 : memref<1x64xi32, #tpu.memory_space<vmem>> -> memref<64xi32, #tpu.memory_space<vmem>>
          %dma_start3A_387 = arith.constant 0 : i32
          %dma_start3A_388 = arith.constant 0 : i32
          %dma_start3A_389 = tpu.memref_slice %arg4[%dma_start3A_387, %dma_start3A_388] : memref<10000x128xf32, #tpu.memory_space<hbm>> -> memref<10000x128xf32, #tpu.memory_space<hbm>>
          %dma_start3A_390 = tpu.memref_slice %arg12[%dma_start3A_379] : memref<4x!tpu.dma_semaphore, #tpu.memory_space<semaphore_mem>> -> memref<1x!tpu.dma_semaphore, #tpu.memory_space<semaphore_mem>>
          %dma_start3A_391 = tpu.memref_squeeze %dma_start3A_390 : memref<1x!tpu.dma_semaphore, #tpu.memory_space<semaphore_mem>> -> memref<!tpu.dma_semaphore, #tpu.memory_space<semaphore_mem>>
          tpu.enqueue_indirect_dma source(%dma_start3A_389 : memref<10000x128xf32, #tpu.memory_space<hbm>>) target(%dma_start3A_383 : memref<64x128xf32, #tpu.memory_space<vmem>>) offsets(%dma_start3A_386 : memref<64xi32, #tpu.memory_space<vmem>>) semaphore(%dma_start3A_391 : memref<!tpu.dma_semaphore, #tpu.memory_space<semaphore_mem>>)
        } else {
        }
        %mul3A_300 = arith.constant 4 : i32
        %mul3A_301 = arith.muli %scan3A_277, %mul3A_300 : i32
        %add3A_302 = arith.constant 1 : i32
        %add3A_303 = arith.addi %mul3A_301, %add3A_302 : i32
        %dma_wait3A_304 = arith.constant 1 : i32
        %dma_wait3A_305 = arith.constant 1 : i32
        %dma_wait3A_306 = arith.constant 0 : i32
        %dma_wait3A_307 = arith.constant 0 : i32
        %dma_wait3A_308 = tpu.memref_slice %arg10[%dma_wait3A_304, %dma_wait3A_306, %dma_wait3A_307] : memref<4x64x128xf32, #tpu.memory_space<vmem>> -> memref<1x64x128xf32, #tpu.memory_space<vmem>>
        %dma_wait3A_309 = tpu.memref_squeeze %dma_wait3A_308 : memref<1x64x128xf32, #tpu.memory_space<vmem>> -> memref<64x128xf32, #tpu.memory_space<vmem>>
        %dma_wait3A_310 = arith.constant 0 : i32
        %dma_wait3A_311 = tpu.memref_slice %arg8[%add3A_303, %dma_wait3A_310] : memref<40x64xi32, #tpu.memory_space<vmem>> -> memref<1x64xi32, #tpu.memory_space<vmem>>
        %dma_wait3A_312 = tpu.memref_squeeze %dma_wait3A_311 : memref<1x64xi32, #tpu.memory_space<vmem>> -> memref<64xi32, #tpu.memory_space<vmem>>
        %dma_wait3A_313 = arith.constant 0 : i32
        %dma_wait3A_314 = arith.constant 0 : i32
        %dma_wait3A_315 = tpu.memref_slice %arg4[%dma_wait3A_313, %dma_wait3A_314] : memref<10000x128xf32, #tpu.memory_space<hbm>> -> memref<10000x128xf32, #tpu.memory_space<hbm>>
        %dma_wait3A_316 = tpu.memref_slice %arg12[%dma_wait3A_305] : memref<4x!tpu.dma_semaphore, #tpu.memory_space<semaphore_mem>> -> memref<1x!tpu.dma_semaphore, #tpu.memory_space<semaphore_mem>>
        %dma_wait3A_317 = tpu.memref_squeeze %dma_wait3A_316 : memref<1x!tpu.dma_semaphore, #tpu.memory_space<semaphore_mem>> -> memref<!tpu.dma_semaphore, #tpu.memory_space<semaphore_mem>>
        tpu.wait_indirect_dma semaphore(%dma_wait3A_317 : memref<!tpu.dma_semaphore, #tpu.memory_space<semaphore_mem>>) src(%dma_wait3A_315 : memref<10000x128xf32, #tpu.memory_space<hbm>>) dst(%dma_wait3A_309 : memref<64x128xf32, #tpu.memory_space<vmem>>)
        %run_scoped3A_318 = arith.constant 1 : i32
        "tpu.region"() ({
          %run_scoped3A_378 = tpu.sem_alloc : memref<!tpu.dma_semaphore, #tpu.memory_space<semaphore_mem>>
          %dma_start3A_379 = arith.constant 0 : i32
          %dma_start3A_380 = arith.constant 0 : i32
          %dma_start3A_381 = tpu.memref_slice %arg10[%run_scoped3A_318, %dma_start3A_379, %dma_start3A_380] : memref<4x64x128xf32, #tpu.memory_space<vmem>> -> memref<1x64x128xf32, #tpu.memory_space<vmem>>
          %dma_start3A_382 = tpu.memref_squeeze %dma_start3A_381 : memref<1x64x128xf32, #tpu.memory_space<vmem>> -> memref<64x128xf32, #tpu.memory_space<vmem>>
          %dma_start3A_383 = arith.constant 0 : i32
          %dma_start3A_384 = tpu.memref_slice %arg9[%add3A_303, %dma_start3A_383] : memref<40x64xi32, #tpu.memory_space<vmem>> -> memref<1x64xi32, #tpu.memory_space<vmem>>
          %dma_start3A_385 = tpu.memref_squeeze %dma_start3A_384 : memref<1x64xi32, #tpu.memory_space<vmem>> -> memref<64xi32, #tpu.memory_space<vmem>>
          %dma_start3A_386 = arith.constant 0 : i32
          %dma_start3A_387 = arith.constant 0 : i32
          %dma_start3A_388 = tpu.memref_slice %arg11[%dma_start3A_386, %dma_start3A_387] : memref<10240x128xf32, #tpu.memory_space<vmem_shared>> -> memref<10240x128xf32, #tpu.memory_space<vmem_shared>>
          tpu.enqueue_indirect_dma source(%dma_start3A_382 : memref<64x128xf32, #tpu.memory_space<vmem>>) target(%dma_start3A_388 : memref<10240x128xf32, #tpu.memory_space<vmem_shared>>) offsets(%dma_start3A_385 : memref<64xi32, #tpu.memory_space<vmem>>) semaphore(%run_scoped3A_378 : memref<!tpu.dma_semaphore, #tpu.memory_space<semaphore_mem>>) {add = true}
          %dma_wait3A_389 = arith.constant 0 : i32
          %dma_wait3A_390 = arith.constant 0 : i32
          %dma_wait3A_391 = tpu.memref_slice %arg10[%run_scoped3A_318, %dma_wait3A_389, %dma_wait3A_390] : memref<4x64x128xf32, #tpu.memory_space<vmem>> -> memref<1x64x128xf32, #tpu.memory_space<vmem>>
          %dma_wait3A_392 = tpu.memref_squeeze %dma_wait3A_391 : memref<1x64x128xf32, #tpu.memory_space<vmem>> -> memref<64x128xf32, #tpu.memory_space<vmem>>
          %dma_wait3A_393 = arith.constant 0 : i32
          %dma_wait3A_394 = tpu.memref_slice %arg9[%add3A_303, %dma_wait3A_393] : memref<40x64xi32, #tpu.memory_space<vmem>> -> memref<1x64xi32, #tpu.memory_space<vmem>>
          %dma_wait3A_395 = tpu.memref_squeeze %dma_wait3A_394 : memref<1x64xi32, #tpu.memory_space<vmem>> -> memref<64xi32, #tpu.memory_space<vmem>>
          %dma_wait3A_396 = arith.constant 0 : i32
          %dma_wait3A_397 = arith.constant 0 : i32
          %dma_wait3A_398 = tpu.memref_slice %arg11[%dma_wait3A_396, %dma_wait3A_397] : memref<10240x128xf32, #tpu.memory_space<vmem_shared>> -> memref<10240x128xf32, #tpu.memory_space<vmem_shared>>
          tpu.wait_indirect_dma semaphore(%run_scoped3A_378 : memref<!tpu.dma_semaphore, #tpu.memory_space<semaphore_mem>>) src(%dma_wait3A_392 : memref<64x128xf32, #tpu.memory_space<vmem>>) dst(%dma_wait3A_398 : memref<10240x128xf32, #tpu.memory_space<vmem_shared>>)
          tpu.yield
        }) : () -> ()
        %add3A_319 = arith.constant 4 : i32
        %add3A_320 = arith.addi %add3A_303, %add3A_319 : i32
        %lt3A_321 = arith.constant 40 : i32
        %lt3A_322 = arith.cmpi slt, %add3A_320, %lt3A_321 : i32
        %convert_element_type3A_323 = arith.extui %lt3A_322 : i1 to i32
        %cond3A_324 = arith.constant 0 : i32
        %cond3A_325 = arith.cmpi ne, %convert_element_type3A_323, %cond3A_324 : i32
        scf.if %cond3A_325 {
          %dma_start3A_378 = arith.constant 1 : i32
          %dma_start3A_379 = arith.constant 1 : i32
          %dma_start3A_380 = arith.constant 0 : i32
          %dma_start3A_381 = arith.constant 0 : i32
          %dma_start3A_382 = tpu.memref_slice %arg10[%dma_start3A_378, %dma_start3A_380, %dma_start3A_381] : memref<4x64x128xf32, #tpu.memory_space<vmem>> -> memref<1x64x128xf32, #tpu.memory_space<vmem>>
          %dma_start3A_383 = tpu.memref_squeeze %dma_start3A_382 : memref<1x64x128xf32, #tpu.memory_space<vmem>> -> memref<64x128xf32, #tpu.memory_space<vmem>>
          %dma_start3A_384 = arith.constant 0 : i32
          %dma_start3A_385 = tpu.memref_slice %arg8[%add3A_320, %dma_start3A_384] : memref<40x64xi32, #tpu.memory_space<vmem>> -> memref<1x64xi32, #tpu.memory_space<vmem>>
          %dma_start3A_386 = tpu.memref_squeeze %dma_start3A_385 : memref<1x64xi32, #tpu.memory_space<vmem>> -> memref<64xi32, #tpu.memory_space<vmem>>
          %dma_start3A_387 = arith.constant 0 : i32
          %dma_start3A_388 = arith.constant 0 : i32
          %dma_start3A_389 = tpu.memref_slice %arg4[%dma_start3A_387, %dma_start3A_388] : memref<10000x128xf32, #tpu.memory_space<hbm>> -> memref<10000x128xf32, #tpu.memory_space<hbm>>
          %dma_start3A_390 = tpu.memref_slice %arg12[%dma_start3A_379] : memref<4x!tpu.dma_semaphore, #tpu.memory_space<semaphore_mem>> -> memref<1x!tpu.dma_semaphore, #tpu.memory_space<semaphore_mem>>
          %dma_start3A_391 = tpu.memref_squeeze %dma_start3A_390 : memref<1x!tpu.dma_semaphore, #tpu.memory_space<semaphore_mem>> -> memref<!tpu.dma_semaphore, #tpu.memory_space<semaphore_mem>>
          tpu.enqueue_indirect_dma source(%dma_start3A_389 : memref<10000x128xf32, #tpu.memory_space<hbm>>) target(%dma_start3A_383 : memref<64x128xf32, #tpu.memory_space<vmem>>) offsets(%dma_start3A_386 : memref<64xi32, #tpu.memory_space<vmem>>) semaphore(%dma_start3A_391 : memref<!tpu.dma_semaphore, #tpu.memory_space<semaphore_mem>>)
        } else {
        }
        %mul3A_326 = arith.constant 4 : i32
        %mul3A_327 = arith.muli %scan3A_277, %mul3A_326 : i32
        %add3A_328 = arith.constant 2 : i32
        %add3A_329 = arith.addi %mul3A_327, %add3A_328 : i32
        %dma_wait3A_330 = arith.constant 2 : i32
        %dma_wait3A_331 = arith.constant 2 : i32
        %dma_wait3A_332 = arith.constant 0 : i32
        %dma_wait3A_333 = arith.constant 0 : i32
        %dma_wait3A_334 = tpu.memref_slice %arg10[%dma_wait3A_330, %dma_wait3A_332, %dma_wait3A_333] : memref<4x64x128xf32, #tpu.memory_space<vmem>> -> memref<1x64x128xf32, #tpu.memory_space<vmem>>
        %dma_wait3A_335 = tpu.memref_squeeze %dma_wait3A_334 : memref<1x64x128xf32, #tpu.memory_space<vmem>> -> memref<64x128xf32, #tpu.memory_space<vmem>>
        %dma_wait3A_336 = arith.constant 0 : i32
        %dma_wait3A_337 = tpu.memref_slice %arg8[%add3A_329, %dma_wait3A_336] : memref<40x64xi32, #tpu.memory_space<vmem>> -> memref<1x64xi32, #tpu.memory_space<vmem>>
        %dma_wait3A_338 = tpu.memref_squeeze %dma_wait3A_337 : memref<1x64xi32, #tpu.memory_space<vmem>> -> memref<64xi32, #tpu.memory_space<vmem>>
        %dma_wait3A_339 = arith.constant 0 : i32
        %dma_wait3A_340 = arith.constant 0 : i32
        %dma_wait3A_341 = tpu.memref_slice %arg4[%dma_wait3A_339, %dma_wait3A_340] : memref<10000x128xf32, #tpu.memory_space<hbm>> -> memref<10000x128xf32, #tpu.memory_space<hbm>>
        %dma_wait3A_342 = tpu.memref_slice %arg12[%dma_wait3A_331] : memref<4x!tpu.dma_semaphore, #tpu.memory_space<semaphore_mem>> -> memref<1x!tpu.dma_semaphore, #tpu.memory_space<semaphore_mem>>
        %dma_wait3A_343 = tpu.memref_squeeze %dma_wait3A_342 : memref<1x!tpu.dma_semaphore, #tpu.memory_space<semaphore_mem>> -> memref<!tpu.dma_semaphore, #tpu.memory_space<semaphore_mem>>
        tpu.wait_indirect_dma semaphore(%dma_wait3A_343 : memref<!tpu.dma_semaphore, #tpu.memory_space<semaphore_mem>>) src(%dma_wait3A_341 : memref<10000x128xf32, #tpu.memory_space<hbm>>) dst(%dma_wait3A_335 : memref<64x128xf32, #tpu.memory_space<vmem>>)
        %run_scoped3A_344 = arith.constant 2 : i32
        "tpu.region"() ({
          %run_scoped3A_378 = tpu.sem_alloc : memref<!tpu.dma_semaphore, #tpu.memory_space<semaphore_mem>>
          %dma_start3A_379 = arith.constant 0 : i32
          %dma_start3A_380 = arith.constant 0 : i32
          %dma_start3A_381 = tpu.memref_slice %arg10[%run_scoped3A_344, %dma_start3A_379, %dma_start3A_380] : memref<4x64x128xf32, #tpu.memory_space<vmem>> -> memref<1x64x128xf32, #tpu.memory_space<vmem>>
          %dma_start3A_382 = tpu.memref_squeeze %dma_start3A_381 : memref<1x64x128xf32, #tpu.memory_space<vmem>> -> memref<64x128xf32, #tpu.memory_space<vmem>>
          %dma_start3A_383 = arith.constant 0 : i32
          %dma_start3A_384 = tpu.memref_slice %arg9[%add3A_329, %dma_start3A_383] : memref<40x64xi32, #tpu.memory_space<vmem>> -> memref<1x64xi32, #tpu.memory_space<vmem>>
          %dma_start3A_385 = tpu.memref_squeeze %dma_start3A_384 : memref<1x64xi32, #tpu.memory_space<vmem>> -> memref<64xi32, #tpu.memory_space<vmem>>
          %dma_start3A_386 = arith.constant 0 : i32
          %dma_start3A_387 = arith.constant 0 : i32
          %dma_start3A_388 = tpu.memref_slice %arg11[%dma_start3A_386, %dma_start3A_387] : memref<10240x128xf32, #tpu.memory_space<vmem_shared>> -> memref<10240x128xf32, #tpu.memory_space<vmem_shared>>
          tpu.enqueue_indirect_dma source(%dma_start3A_382 : memref<64x128xf32, #tpu.memory_space<vmem>>) target(%dma_start3A_388 : memref<10240x128xf32, #tpu.memory_space<vmem_shared>>) offsets(%dma_start3A_385 : memref<64xi32, #tpu.memory_space<vmem>>) semaphore(%run_scoped3A_378 : memref<!tpu.dma_semaphore, #tpu.memory_space<semaphore_mem>>) {add = true}
          %dma_wait3A_389 = arith.constant 0 : i32
          %dma_wait3A_390 = arith.constant 0 : i32
          %dma_wait3A_391 = tpu.memref_slice %arg10[%run_scoped3A_344, %dma_wait3A_389, %dma_wait3A_390] : memref<4x64x128xf32, #tpu.memory_space<vmem>> -> memref<1x64x128xf32, #tpu.memory_space<vmem>>
          %dma_wait3A_392 = tpu.memref_squeeze %dma_wait3A_391 : memref<1x64x128xf32, #tpu.memory_space<vmem>> -> memref<64x128xf32, #tpu.memory_space<vmem>>
          %dma_wait3A_393 = arith.constant 0 : i32
          %dma_wait3A_394 = tpu.memref_slice %arg9[%add3A_329, %dma_wait3A_393] : memref<40x64xi32, #tpu.memory_space<vmem>> -> memref<1x64xi32, #tpu.memory_space<vmem>>
          %dma_wait3A_395 = tpu.memref_squeeze %dma_wait3A_394 : memref<1x64xi32, #tpu.memory_space<vmem>> -> memref<64xi32, #tpu.memory_space<vmem>>
          %dma_wait3A_396 = arith.constant 0 : i32
          %dma_wait3A_397 = arith.constant 0 : i32
          %dma_wait3A_398 = tpu.memref_slice %arg11[%dma_wait3A_396, %dma_wait3A_397] : memref<10240x128xf32, #tpu.memory_space<vmem_shared>> -> memref<10240x128xf32, #tpu.memory_space<vmem_shared>>
          tpu.wait_indirect_dma semaphore(%run_scoped3A_378 : memref<!tpu.dma_semaphore, #tpu.memory_space<semaphore_mem>>) src(%dma_wait3A_392 : memref<64x128xf32, #tpu.memory_space<vmem>>) dst(%dma_wait3A_398 : memref<10240x128xf32, #tpu.memory_space<vmem_shared>>)
          tpu.yield
        }) : () -> ()
        %add3A_345 = arith.constant 4 : i32
        %add3A_346 = arith.addi %add3A_329, %add3A_345 : i32
        %lt3A_347 = arith.constant 40 : i32
        %lt3A_348 = arith.cmpi slt, %add3A_346, %lt3A_347 : i32
        %convert_element_type3A_349 = arith.extui %lt3A_348 : i1 to i32
        %cond3A_350 = arith.constant 0 : i32
        %cond3A_351 = arith.cmpi ne, %convert_element_type3A_349, %cond3A_350 : i32
        scf.if %cond3A_351 {
          %dma_start3A_378 = arith.constant 2 : i32
          %dma_start3A_379 = arith.constant 2 : i32
          %dma_start3A_380 = arith.constant 0 : i32
          %dma_start3A_381 = arith.constant 0 : i32
          %dma_start3A_382 = tpu.memref_slice %arg10[%dma_start3A_378, %dma_start3A_380, %dma_start3A_381] : memref<4x64x128xf32, #tpu.memory_space<vmem>> -> memref<1x64x128xf32, #tpu.memory_space<vmem>>
          %dma_start3A_383 = tpu.memref_squeeze %dma_start3A_382 : memref<1x64x128xf32, #tpu.memory_space<vmem>> -> memref<64x128xf32, #tpu.memory_space<vmem>>
          %dma_start3A_384 = arith.constant 0 : i32
          %dma_start3A_385 = tpu.memref_slice %arg8[%add3A_346, %dma_start3A_384] : memref<40x64xi32, #tpu.memory_space<vmem>> -> memref<1x64xi32, #tpu.memory_space<vmem>>
          %dma_start3A_386 = tpu.memref_squeeze %dma_start3A_385 : memref<1x64xi32, #tpu.memory_space<vmem>> -> memref<64xi32, #tpu.memory_space<vmem>>
          %dma_start3A_387 = arith.constant 0 : i32
          %dma_start3A_388 = arith.constant 0 : i32
          %dma_start3A_389 = tpu.memref_slice %arg4[%dma_start3A_387, %dma_start3A_388] : memref<10000x128xf32, #tpu.memory_space<hbm>> -> memref<10000x128xf32, #tpu.memory_space<hbm>>
          %dma_start3A_390 = tpu.memref_slice %arg12[%dma_start3A_379] : memref<4x!tpu.dma_semaphore, #tpu.memory_space<semaphore_mem>> -> memref<1x!tpu.dma_semaphore, #tpu.memory_space<semaphore_mem>>
          %dma_start3A_391 = tpu.memref_squeeze %dma_start3A_390 : memref<1x!tpu.dma_semaphore, #tpu.memory_space<semaphore_mem>> -> memref<!tpu.dma_semaphore, #tpu.memory_space<semaphore_mem>>
          tpu.enqueue_indirect_dma source(%dma_start3A_389 : memref<10000x128xf32, #tpu.memory_space<hbm>>) target(%dma_start3A_383 : memref<64x128xf32, #tpu.memory_space<vmem>>) offsets(%dma_start3A_386 : memref<64xi32, #tpu.memory_space<vmem>>) semaphore(%dma_start3A_391 : memref<!tpu.dma_semaphore, #tpu.memory_space<semaphore_mem>>)
        } else {
        }
        %mul3A_352 = arith.constant 4 : i32
        %mul3A_353 = arith.muli %scan3A_277, %mul3A_352 : i32
        %add3A_354 = arith.constant 3 : i32
        %add3A_355 = arith.addi %mul3A_353, %add3A_354 : i32
        %dma_wait3A_356 = arith.constant 3 : i32
        %dma_wait3A_357 = arith.constant 3 : i32
        %dma_wait3A_358 = arith.constant 0 : i32
        %dma_wait3A_359 = arith.constant 0 : i32
        %dma_wait3A_360 = tpu.memref_slice %arg10[%dma_wait3A_356, %dma_wait3A_358, %dma_wait3A_359] : memref<4x64x128xf32, #tpu.memory_space<vmem>> -> memref<1x64x128xf32, #tpu.memory_space<vmem>>
        %dma_wait3A_361 = tpu.memref_squeeze %dma_wait3A_360 : memref<1x64x128xf32, #tpu.memory_space<vmem>> -> memref<64x128xf32, #tpu.memory_space<vmem>>
        %dma_wait3A_362 = arith.constant 0 : i32
        %dma_wait3A_363 = tpu.memref_slice %arg8[%add3A_355, %dma_wait3A_362] : memref<40x64xi32, #tpu.memory_space<vmem>> -> memref<1x64xi32, #tpu.memory_space<vmem>>
        %dma_wait3A_364 = tpu.memref_squeeze %dma_wait3A_363 : memref<1x64xi32, #tpu.memory_space<vmem>> -> memref<64xi32, #tpu.memory_space<vmem>>
        %dma_wait3A_365 = arith.constant 0 : i32
        %dma_wait3A_366 = arith.constant 0 : i32
        %dma_wait3A_367 = tpu.memref_slice %arg4[%dma_wait3A_365, %dma_wait3A_366] : memref<10000x128xf32, #tpu.memory_space<hbm>> -> memref<10000x128xf32, #tpu.memory_space<hbm>>
        %dma_wait3A_368 = tpu.memref_slice %arg12[%dma_wait3A_357] : memref<4x!tpu.dma_semaphore, #tpu.memory_space<semaphore_mem>> -> memref<1x!tpu.dma_semaphore, #tpu.memory_space<semaphore_mem>>
        %dma_wait3A_369 = tpu.memref_squeeze %dma_wait3A_368 : memref<1x!tpu.dma_semaphore, #tpu.memory_space<semaphore_mem>> -> memref<!tpu.dma_semaphore, #tpu.memory_space<semaphore_mem>>
        tpu.wait_indirect_dma semaphore(%dma_wait3A_369 : memref<!tpu.dma_semaphore, #tpu.memory_space<semaphore_mem>>) src(%dma_wait3A_367 : memref<10000x128xf32, #tpu.memory_space<hbm>>) dst(%dma_wait3A_361 : memref<64x128xf32, #tpu.memory_space<vmem>>)
        %run_scoped3A_370 = arith.constant 3 : i32
        "tpu.region"() ({
          %run_scoped3A_378 = tpu.sem_alloc : memref<!tpu.dma_semaphore, #tpu.memory_space<semaphore_mem>>
          %dma_start3A_379 = arith.constant 0 : i32
          %dma_start3A_380 = arith.constant 0 : i32
          %dma_start3A_381 = tpu.memref_slice %arg10[%run_scoped3A_370, %dma_start3A_379, %dma_start3A_380] : memref<4x64x128xf32, #tpu.memory_space<vmem>> -> memref<1x64x128xf32, #tpu.memory_space<vmem>>
          %dma_start3A_382 = tpu.memref_squeeze %dma_start3A_381 : memref<1x64x128xf32, #tpu.memory_space<vmem>> -> memref<64x128xf32, #tpu.memory_space<vmem>>
          %dma_start3A_383 = arith.constant 0 : i32
          %dma_start3A_384 = tpu.memref_slice %arg9[%add3A_355, %dma_start3A_383] : memref<40x64xi32, #tpu.memory_space<vmem>> -> memref<1x64xi32, #tpu.memory_space<vmem>>
          %dma_start3A_385 = tpu.memref_squeeze %dma_start3A_384 : memref<1x64xi32, #tpu.memory_space<vmem>> -> memref<64xi32, #tpu.memory_space<vmem>>
          %dma_start3A_386 = arith.constant 0 : i32
          %dma_start3A_387 = arith.constant 0 : i32
          %dma_start3A_388 = tpu.memref_slice %arg11[%dma_start3A_386, %dma_start3A_387] : memref<10240x128xf32, #tpu.memory_space<vmem_shared>> -> memref<10240x128xf32, #tpu.memory_space<vmem_shared>>
          tpu.enqueue_indirect_dma source(%dma_start3A_382 : memref<64x128xf32, #tpu.memory_space<vmem>>) target(%dma_start3A_388 : memref<10240x128xf32, #tpu.memory_space<vmem_shared>>) offsets(%dma_start3A_385 : memref<64xi32, #tpu.memory_space<vmem>>) semaphore(%run_scoped3A_378 : memref<!tpu.dma_semaphore, #tpu.memory_space<semaphore_mem>>) {add = true}
          %dma_wait3A_389 = arith.constant 0 : i32
          %dma_wait3A_390 = arith.constant 0 : i32
          %dma_wait3A_391 = tpu.memref_slice %arg10[%run_scoped3A_370, %dma_wait3A_389, %dma_wait3A_390] : memref<4x64x128xf32, #tpu.memory_space<vmem>> -> memref<1x64x128xf32, #tpu.memory_space<vmem>>
          %dma_wait3A_392 = tpu.memref_squeeze %dma_wait3A_391 : memref<1x64x128xf32, #tpu.memory_space<vmem>> -> memref<64x128xf32, #tpu.memory_space<vmem>>
          %dma_wait3A_393 = arith.constant 0 : i32
          %dma_wait3A_394 = tpu.memref_slice %arg9[%add3A_355, %dma_wait3A_393] : memref<40x64xi32, #tpu.memory_space<vmem>> -> memref<1x64xi32, #tpu.memory_space<vmem>>
          %dma_wait3A_395 = tpu.memref_squeeze %dma_wait3A_394 : memref<1x64xi32, #tpu.memory_space<vmem>> -> memref<64xi32, #tpu.memory_space<vmem>>
          %dma_wait3A_396 = arith.constant 0 : i32
          %dma_wait3A_397 = arith.constant 0 : i32
          %dma_wait3A_398 = tpu.memref_slice %arg11[%dma_wait3A_396, %dma_wait3A_397] : memref<10240x128xf32, #tpu.memory_space<vmem_shared>> -> memref<10240x128xf32, #tpu.memory_space<vmem_shared>>
          tpu.wait_indirect_dma semaphore(%run_scoped3A_378 : memref<!tpu.dma_semaphore, #tpu.memory_space<semaphore_mem>>) src(%dma_wait3A_392 : memref<64x128xf32, #tpu.memory_space<vmem>>) dst(%dma_wait3A_398 : memref<10240x128xf32, #tpu.memory_space<vmem_shared>>)
          tpu.yield
        }) : () -> ()
        %add3A_371 = arith.constant 4 : i32
        %add3A_372 = arith.addi %add3A_355, %add3A_371 : i32
        %lt3A_373 = arith.constant 40 : i32
        %lt3A_374 = arith.cmpi slt, %add3A_372, %lt3A_373 : i32
        %convert_element_type3A_375 = arith.extui %lt3A_374 : i1 to i32
        %cond3A_376 = arith.constant 0 : i32
        %cond3A_377 = arith.cmpi ne, %convert_element_type3A_375, %cond3A_376 : i32
        scf.if %cond3A_377 {
          %dma_start3A_378 = arith.constant 3 : i32
          %dma_start3A_379 = arith.constant 3 : i32
          %dma_start3A_380 = arith.constant 0 : i32
          %dma_start3A_381 = arith.constant 0 : i32
          %dma_start3A_382 = tpu.memref_slice %arg10[%dma_start3A_378, %dma_start3A_380, %dma_start3A_381] : memref<4x64x128xf32, #tpu.memory_space<vmem>> -> memref<1x64x128xf32, #tpu.memory_space<vmem>>
          %dma_start3A_383 = tpu.memref_squeeze %dma_start3A_382 : memref<1x64x128xf32, #tpu.memory_space<vmem>> -> memref<64x128xf32, #tpu.memory_space<vmem>>
          %dma_start3A_384 = arith.constant 0 : i32
          %dma_start3A_385 = tpu.memref_slice %arg8[%add3A_372, %dma_start3A_384] : memref<40x64xi32, #tpu.memory_space<vmem>> -> memref<1x64xi32, #tpu.memory_space<vmem>>
          %dma_start3A_386 = tpu.memref_squeeze %dma_start3A_385 : memref<1x64xi32, #tpu.memory_space<vmem>> -> memref<64xi32, #tpu.memory_space<vmem>>
          %dma_start3A_387 = arith.constant 0 : i32
          %dma_start3A_388 = arith.constant 0 : i32
          %dma_start3A_389 = tpu.memref_slice %arg4[%dma_start3A_387, %dma_start3A_388] : memref<10000x128xf32, #tpu.memory_space<hbm>> -> memref<10000x128xf32, #tpu.memory_space<hbm>>
          %dma_start3A_390 = tpu.memref_slice %arg12[%dma_start3A_379] : memref<4x!tpu.dma_semaphore, #tpu.memory_space<semaphore_mem>> -> memref<1x!tpu.dma_semaphore, #tpu.memory_space<semaphore_mem>>
          %dma_start3A_391 = tpu.memref_squeeze %dma_start3A_390 : memref<1x!tpu.dma_semaphore, #tpu.memory_space<semaphore_mem>> -> memref<!tpu.dma_semaphore, #tpu.memory_space<semaphore_mem>>
          tpu.enqueue_indirect_dma source(%dma_start3A_389 : memref<10000x128xf32, #tpu.memory_space<hbm>>) target(%dma_start3A_383 : memref<64x128xf32, #tpu.memory_space<vmem>>) offsets(%dma_start3A_386 : memref<64xi32, #tpu.memory_space<vmem>>) semaphore(%dma_start3A_391 : memref<!tpu.dma_semaphore, #tpu.memory_space<semaphore_mem>>)
        } else {
        }
      }
      %scan3A_78 = arith.constant 10 : i32
      "tpu.region"() ({
        %run_scoped3A = tpu.sem_alloc : memref<!tpu.dma_semaphore, #tpu.memory_space<semaphore_mem>>
        %dma_start3A_277 = arith.constant 40 : i32
        %dma_start3A_278 = arith.constant 0 : i32
        %dma_start3A_279 = tpu.memref_slice %arg2[%arg1, %dma_start3A_277, %dma_start3A_278] : memref<16x160x64xi32, #tpu.memory_space<hbm>> -> memref<1x40x64xi32, #tpu.memory_space<hbm>>
        %dma_start3A_280 = tpu.memref_squeeze %dma_start3A_279 : memref<1x40x64xi32, #tpu.memory_space<hbm>> -> memref<40x64xi32, #tpu.memory_space<hbm>>
        %dma_start3A_281 = arith.constant 40 : i32
        %dma_start3A_282 = arith.constant 0 : i32
        %dma_start3A_283 = tpu.memref_slice %arg2[%arg1, %dma_start3A_281, %dma_start3A_282] : memref<16x160x64xi32, #tpu.memory_space<hbm>> -> memref<1x40x64xi32, #tpu.memory_space<hbm>>
        %dma_start3A_284 = tpu.memref_squeeze %dma_start3A_283 : memref<1x40x64xi32, #tpu.memory_space<hbm>> -> memref<40x64xi32, #tpu.memory_space<hbm>>
        tpu.enqueue_dma source(%dma_start3A_284 : memref<40x64xi32, #tpu.memory_space<hbm>>) target(%arg8 : memref<40x64xi32, #tpu.memory_space<vmem>>) target_semaphore(%run_scoped3A : memref<!tpu.dma_semaphore, #tpu.memory_space<semaphore_mem>>)
        %dma_wait3A = arith.constant 40 : i32
        %dma_wait3A_285 = arith.constant 0 : i32
        %dma_wait3A_286 = tpu.memref_slice %arg2[%arg1, %dma_wait3A, %dma_wait3A_285] : memref<16x160x64xi32, #tpu.memory_space<hbm>> -> memref<1x40x64xi32, #tpu.memory_space<hbm>>
        %dma_wait3A_287 = tpu.memref_squeeze %dma_wait3A_286 : memref<1x40x64xi32, #tpu.memory_space<hbm>> -> memref<40x64xi32, #tpu.memory_space<hbm>>
        %dma_wait3A_288 = arith.constant 40 : i32
        %dma_wait3A_289 = arith.constant 0 : i32
        %dma_wait3A_290 = tpu.memref_slice %arg2[%arg1, %dma_wait3A_288, %dma_wait3A_289] : memref<16x160x64xi32, #tpu.memory_space<hbm>> -> memref<1x40x64xi32, #tpu.memory_space<hbm>>
        %dma_wait3A_291 = tpu.memref_squeeze %dma_wait3A_290 : memref<1x40x64xi32, #tpu.memory_space<hbm>> -> memref<40x64xi32, #tpu.memory_space<hbm>>
        tpu.wait_dma2 semaphore(%run_scoped3A : memref<!tpu.dma_semaphore, #tpu.memory_space<semaphore_mem>>) src(%dma_wait3A_291 : memref<40x64xi32, #tpu.memory_space<hbm>>) dst(%arg8 : memref<40x64xi32, #tpu.memory_space<vmem>>)
        tpu.yield
      }) : () -> ()
      "tpu.region"() ({
        %run_scoped3A = tpu.sem_alloc : memref<!tpu.dma_semaphore, #tpu.memory_space<semaphore_mem>>
        %dma_start3A_277 = arith.constant 40 : i32
        %dma_start3A_278 = arith.constant 0 : i32
        %dma_start3A_279 = tpu.memref_slice %arg3[%arg1, %dma_start3A_277, %dma_start3A_278] : memref<16x160x64xi32, #tpu.memory_space<hbm>> -> memref<1x40x64xi32, #tpu.memory_space<hbm>>
        %dma_start3A_280 = tpu.memref_squeeze %dma_start3A_279 : memref<1x40x64xi32, #tpu.memory_space<hbm>> -> memref<40x64xi32, #tpu.memory_space<hbm>>
        %dma_start3A_281 = arith.constant 40 : i32
        %dma_start3A_282 = arith.constant 0 : i32
        %dma_start3A_283 = tpu.memref_slice %arg3[%arg1, %dma_start3A_281, %dma_start3A_282] : memref<16x160x64xi32, #tpu.memory_space<hbm>> -> memref<1x40x64xi32, #tpu.memory_space<hbm>>
        %dma_start3A_284 = tpu.memref_squeeze %dma_start3A_283 : memref<1x40x64xi32, #tpu.memory_space<hbm>> -> memref<40x64xi32, #tpu.memory_space<hbm>>
        tpu.enqueue_dma source(%dma_start3A_284 : memref<40x64xi32, #tpu.memory_space<hbm>>) target(%arg9 : memref<40x64xi32, #tpu.memory_space<vmem>>) target_semaphore(%run_scoped3A : memref<!tpu.dma_semaphore, #tpu.memory_space<semaphore_mem>>)
        %dma_wait3A = arith.constant 40 : i32
        %dma_wait3A_285 = arith.constant 0 : i32
        %dma_wait3A_286 = tpu.memref_slice %arg3[%arg1, %dma_wait3A, %dma_wait3A_285] : memref<16x160x64xi32, #tpu.memory_space<hbm>> -> memref<1x40x64xi32, #tpu.memory_space<hbm>>
        %dma_wait3A_287 = tpu.memref_squeeze %dma_wait3A_286 : memref<1x40x64xi32, #tpu.memory_space<hbm>> -> memref<40x64xi32, #tpu.memory_space<hbm>>
        %dma_wait3A_288 = arith.constant 40 : i32
        %dma_wait3A_289 = arith.constant 0 : i32
        %dma_wait3A_290 = tpu.memref_slice %arg3[%arg1, %dma_wait3A_288, %dma_wait3A_289] : memref<16x160x64xi32, #tpu.memory_space<hbm>> -> memref<1x40x64xi32, #tpu.memory_space<hbm>>
        %dma_wait3A_291 = tpu.memref_squeeze %dma_wait3A_290 : memref<1x40x64xi32, #tpu.memory_space<hbm>> -> memref<40x64xi32, #tpu.memory_space<hbm>>
        tpu.wait_dma2 semaphore(%run_scoped3A : memref<!tpu.dma_semaphore, #tpu.memory_space<semaphore_mem>>) src(%dma_wait3A_291 : memref<40x64xi32, #tpu.memory_space<hbm>>) dst(%arg9 : memref<40x64xi32, #tpu.memory_space<vmem>>)
        tpu.yield
      }) : () -> ()
      %dma_start3A_79 = arith.constant 0 : i32
      %dma_start3A_80 = arith.constant 0 : i32
      %dma_start3A_81 = arith.constant 0 : i32
      %dma_start3A_82 = arith.constant 0 : i32
      %dma_start3A_83 = arith.constant 0 : i32
      %dma_start3A_84 = tpu.memref_slice %arg10[%dma_start3A_80, %dma_start3A_82, %dma_start3A_83] : memref<4x64x128xf32, #tpu.memory_space<vmem>> -> memref<1x64x128xf32, #tpu.memory_space<vmem>>
      %dma_start3A_85 = tpu.memref_squeeze %dma_start3A_84 : memref<1x64x128xf32, #tpu.memory_space<vmem>> -> memref<64x128xf32, #tpu.memory_space<vmem>>
      %dma_start3A_86 = arith.constant 0 : i32
      %dma_start3A_87 = tpu.memref_slice %arg8[%dma_start3A_79, %dma_start3A_86] : memref<40x64xi32, #tpu.memory_space<vmem>> -> memref<1x64xi32, #tpu.memory_space<vmem>>
      %dma_start3A_88 = tpu.memref_squeeze %dma_start3A_87 : memref<1x64xi32, #tpu.memory_space<vmem>> -> memref<64xi32, #tpu.memory_space<vmem>>
      %dma_start3A_89 = arith.constant 0 : i32
      %dma_start3A_90 = arith.constant 0 : i32
      %dma_start3A_91 = tpu.memref_slice %arg4[%dma_start3A_89, %dma_start3A_90] : memref<10000x128xf32, #tpu.memory_space<hbm>> -> memref<10000x128xf32, #tpu.memory_space<hbm>>
      %dma_start3A_92 = tpu.memref_slice %arg12[%dma_start3A_81] : memref<4x!tpu.dma_semaphore, #tpu.memory_space<semaphore_mem>> -> memref<1x!tpu.dma_semaphore, #tpu.memory_space<semaphore_mem>>
      %dma_start3A_93 = tpu.memref_squeeze %dma_start3A_92 : memref<1x!tpu.dma_semaphore, #tpu.memory_space<semaphore_mem>> -> memref<!tpu.dma_semaphore, #tpu.memory_space<semaphore_mem>>
      tpu.enqueue_indirect_dma source(%dma_start3A_91 : memref<10000x128xf32, #tpu.memory_space<hbm>>) target(%dma_start3A_85 : memref<64x128xf32, #tpu.memory_space<vmem>>) offsets(%dma_start3A_88 : memref<64xi32, #tpu.memory_space<vmem>>) semaphore(%dma_start3A_93 : memref<!tpu.dma_semaphore, #tpu.memory_space<semaphore_mem>>)
      %dma_start3A_94 = arith.constant 1 : i32
      %dma_start3A_95 = arith.constant 1 : i32
      %dma_start3A_96 = arith.constant 1 : i32
      %dma_start3A_97 = arith.constant 0 : i32
      %dma_start3A_98 = arith.constant 0 : i32
      %dma_start3A_99 = tpu.memref_slice %arg10[%dma_start3A_95, %dma_start3A_97, %dma_start3A_98] : memref<4x64x128xf32, #tpu.memory_space<vmem>> -> memref<1x64x128xf32, #tpu.memory_space<vmem>>
      %dma_start3A_100 = tpu.memref_squeeze %dma_start3A_99 : memref<1x64x128xf32, #tpu.memory_space<vmem>> -> memref<64x128xf32, #tpu.memory_space<vmem>>
      %dma_start3A_101 = arith.constant 0 : i32
      %dma_start3A_102 = tpu.memref_slice %arg8[%dma_start3A_94, %dma_start3A_101] : memref<40x64xi32, #tpu.memory_space<vmem>> -> memref<1x64xi32, #tpu.memory_space<vmem>>
      %dma_start3A_103 = tpu.memref_squeeze %dma_start3A_102 : memref<1x64xi32, #tpu.memory_space<vmem>> -> memref<64xi32, #tpu.memory_space<vmem>>
      %dma_start3A_104 = arith.constant 0 : i32
      %dma_start3A_105 = arith.constant 0 : i32
      %dma_start3A_106 = tpu.memref_slice %arg4[%dma_start3A_104, %dma_start3A_105] : memref<10000x128xf32, #tpu.memory_space<hbm>> -> memref<10000x128xf32, #tpu.memory_space<hbm>>
      %dma_start3A_107 = tpu.memref_slice %arg12[%dma_start3A_96] : memref<4x!tpu.dma_semaphore, #tpu.memory_space<semaphore_mem>> -> memref<1x!tpu.dma_semaphore, #tpu.memory_space<semaphore_mem>>
      %dma_start3A_108 = tpu.memref_squeeze %dma_start3A_107 : memref<1x!tpu.dma_semaphore, #tpu.memory_space<semaphore_mem>> -> memref<!tpu.dma_semaphore, #tpu.memory_space<semaphore_mem>>
      tpu.enqueue_indirect_dma source(%dma_start3A_106 : memref<10000x128xf32, #tpu.memory_space<hbm>>) target(%dma_start3A_100 : memref<64x128xf32, #tpu.memory_space<vmem>>) offsets(%dma_start3A_103 : memref<64xi32, #tpu.memory_space<vmem>>) semaphore(%dma_start3A_108 : memref<!tpu.dma_semaphore, #tpu.memory_space<semaphore_mem>>)
      %dma_start3A_109 = arith.constant 2 : i32
      %dma_start3A_110 = arith.constant 2 : i32
      %dma_start3A_111 = arith.constant 2 : i32
      %dma_start3A_112 = arith.constant 0 : i32
      %dma_start3A_113 = arith.constant 0 : i32
      %dma_start3A_114 = tpu.memref_slice %arg10[%dma_start3A_110, %dma_start3A_112, %dma_start3A_113] : memref<4x64x128xf32, #tpu.memory_space<vmem>> -> memref<1x64x128xf32, #tpu.memory_space<vmem>>
      %dma_start3A_115 = tpu.memref_squeeze %dma_start3A_114 : memref<1x64x128xf32, #tpu.memory_space<vmem>> -> memref<64x128xf32, #tpu.memory_space<vmem>>
      %dma_start3A_116 = arith.constant 0 : i32
      %dma_start3A_117 = tpu.memref_slice %arg8[%dma_start3A_109, %dma_start3A_116] : memref<40x64xi32, #tpu.memory_space<vmem>> -> memref<1x64xi32, #tpu.memory_space<vmem>>
      %dma_start3A_118 = tpu.memref_squeeze %dma_start3A_117 : memref<1x64xi32, #tpu.memory_space<vmem>> -> memref<64xi32, #tpu.memory_space<vmem>>
      %dma_start3A_119 = arith.constant 0 : i32
      %dma_start3A_120 = arith.constant 0 : i32
      %dma_start3A_121 = tpu.memref_slice %arg4[%dma_start3A_119, %dma_start3A_120] : memref<10000x128xf32, #tpu.memory_space<hbm>> -> memref<10000x128xf32, #tpu.memory_space<hbm>>
      %dma_start3A_122 = tpu.memref_slice %arg12[%dma_start3A_111] : memref<4x!tpu.dma_semaphore, #tpu.memory_space<semaphore_mem>> -> memref<1x!tpu.dma_semaphore, #tpu.memory_space<semaphore_mem>>
      %dma_start3A_123 = tpu.memref_squeeze %dma_start3A_122 : memref<1x!tpu.dma_semaphore, #tpu.memory_space<semaphore_mem>> -> memref<!tpu.dma_semaphore, #tpu.memory_space<semaphore_mem>>
      tpu.enqueue_indirect_dma source(%dma_start3A_121 : memref<10000x128xf32, #tpu.memory_space<hbm>>) target(%dma_start3A_115 : memref<64x128xf32, #tpu.memory_space<vmem>>) offsets(%dma_start3A_118 : memref<64xi32, #tpu.memory_space<vmem>>) semaphore(%dma_start3A_123 : memref<!tpu.dma_semaphore, #tpu.memory_space<semaphore_mem>>)
      %dma_start3A_124 = arith.constant 3 : i32
      %dma_start3A_125 = arith.constant 3 : i32
      %dma_start3A_126 = arith.constant 3 : i32
      %dma_start3A_127 = arith.constant 0 : i32
      %dma_start3A_128 = arith.constant 0 : i32
      %dma_start3A_129 = tpu.memref_slice %arg10[%dma_start3A_125, %dma_start3A_127, %dma_start3A_128] : memref<4x64x128xf32, #tpu.memory_space<vmem>> -> memref<1x64x128xf32, #tpu.memory_space<vmem>>
      %dma_start3A_130 = tpu.memref_squeeze %dma_start3A_129 : memref<1x64x128xf32, #tpu.memory_space<vmem>> -> memref<64x128xf32, #tpu.memory_space<vmem>>
      %dma_start3A_131 = arith.constant 0 : i32
      %dma_start3A_132 = tpu.memref_slice %arg8[%dma_start3A_124, %dma_start3A_131] : memref<40x64xi32, #tpu.memory_space<vmem>> -> memref<1x64xi32, #tpu.memory_space<vmem>>
      %dma_start3A_133 = tpu.memref_squeeze %dma_start3A_132 : memref<1x64xi32, #tpu.memory_space<vmem>> -> memref<64xi32, #tpu.memory_space<vmem>>
      %dma_start3A_134 = arith.constant 0 : i32
      %dma_start3A_135 = arith.constant 0 : i32
      %dma_start3A_136 = tpu.memref_slice %arg4[%dma_start3A_134, %dma_start3A_135] : memref<10000x128xf32, #tpu.memory_space<hbm>> -> memref<10000x128xf32, #tpu.memory_space<hbm>>
      %dma_start3A_137 = tpu.memref_slice %arg12[%dma_start3A_126] : memref<4x!tpu.dma_semaphore, #tpu.memory_space<semaphore_mem>> -> memref<1x!tpu.dma_semaphore, #tpu.memory_space<semaphore_mem>>
      %dma_start3A_138 = tpu.memref_squeeze %dma_start3A_137 : memref<1x!tpu.dma_semaphore, #tpu.memory_space<semaphore_mem>> -> memref<!tpu.dma_semaphore, #tpu.memory_space<semaphore_mem>>
      tpu.enqueue_indirect_dma source(%dma_start3A_136 : memref<10000x128xf32, #tpu.memory_space<hbm>>) target(%dma_start3A_130 : memref<64x128xf32, #tpu.memory_space<vmem>>) offsets(%dma_start3A_133 : memref<64xi32, #tpu.memory_space<vmem>>) semaphore(%dma_start3A_138 : memref<!tpu.dma_semaphore, #tpu.memory_space<semaphore_mem>>)
      %scan3A_139 = arith.constant 0 : i32
      %scan3A_140 = arith.constant 0 : i32
      %scan3A_141 = arith.constant 10 : i32
      %scan3A_142 = arith.addi %scan3A_140, %scan3A_141 : i32
      %scan3A_143 = arith.constant 1 : i32
      scf.for %scan3A_277 = %scan3A_140 to %scan3A_142 step %scan3A_143  : i32 {
        %mul3A_278 = arith.constant 4 : i32
        %mul3A_279 = arith.muli %scan3A_277, %mul3A_278 : i32
        %add3A = arith.constant 0 : i32
        %add3A_280 = arith.addi %mul3A_279, %add3A : i32
        %dma_wait3A = arith.constant 0 : i32
        %dma_wait3A_281 = arith.constant 0 : i32
        %dma_wait3A_282 = arith.constant 0 : i32
        %dma_wait3A_283 = arith.constant 0 : i32
        %dma_wait3A_284 = tpu.memref_slice %arg10[%dma_wait3A, %dma_wait3A_282, %dma_wait3A_283] : memref<4x64x128xf32, #tpu.memory_space<vmem>> -> memref<1x64x128xf32, #tpu.memory_space<vmem>>
        %dma_wait3A_285 = tpu.memref_squeeze %dma_wait3A_284 : memref<1x64x128xf32, #tpu.memory_space<vmem>> -> memref<64x128xf32, #tpu.memory_space<vmem>>
        %dma_wait3A_286 = arith.constant 0 : i32
        %dma_wait3A_287 = tpu.memref_slice %arg8[%add3A_280, %dma_wait3A_286] : memref<40x64xi32, #tpu.memory_space<vmem>> -> memref<1x64xi32, #tpu.memory_space<vmem>>
        %dma_wait3A_288 = tpu.memref_squeeze %dma_wait3A_287 : memref<1x64xi32, #tpu.memory_space<vmem>> -> memref<64xi32, #tpu.memory_space<vmem>>
        %dma_wait3A_289 = arith.constant 0 : i32
        %dma_wait3A_290 = arith.constant 0 : i32
        %dma_wait3A_291 = tpu.memref_slice %arg4[%dma_wait3A_289, %dma_wait3A_290] : memref<10000x128xf32, #tpu.memory_space<hbm>> -> memref<10000x128xf32, #tpu.memory_space<hbm>>
        %dma_wait3A_292 = tpu.memref_slice %arg12[%dma_wait3A_281] : memref<4x!tpu.dma_semaphore, #tpu.memory_space<semaphore_mem>> -> memref<1x!tpu.dma_semaphore, #tpu.memory_space<semaphore_mem>>
        %dma_wait3A_293 = tpu.memref_squeeze %dma_wait3A_292 : memref<1x!tpu.dma_semaphore, #tpu.memory_space<semaphore_mem>> -> memref<!tpu.dma_semaphore, #tpu.memory_space<semaphore_mem>>
        tpu.wait_indirect_dma semaphore(%dma_wait3A_293 : memref<!tpu.dma_semaphore, #tpu.memory_space<semaphore_mem>>) src(%dma_wait3A_291 : memref<10000x128xf32, #tpu.memory_space<hbm>>) dst(%dma_wait3A_285 : memref<64x128xf32, #tpu.memory_space<vmem>>)
        %run_scoped3A = arith.constant 0 : i32
        "tpu.region"() ({
          %run_scoped3A_378 = tpu.sem_alloc : memref<!tpu.dma_semaphore, #tpu.memory_space<semaphore_mem>>
          %dma_start3A_379 = arith.constant 0 : i32
          %dma_start3A_380 = arith.constant 0 : i32
          %dma_start3A_381 = tpu.memref_slice %arg10[%run_scoped3A, %dma_start3A_379, %dma_start3A_380] : memref<4x64x128xf32, #tpu.memory_space<vmem>> -> memref<1x64x128xf32, #tpu.memory_space<vmem>>
          %dma_start3A_382 = tpu.memref_squeeze %dma_start3A_381 : memref<1x64x128xf32, #tpu.memory_space<vmem>> -> memref<64x128xf32, #tpu.memory_space<vmem>>
          %dma_start3A_383 = arith.constant 0 : i32
          %dma_start3A_384 = tpu.memref_slice %arg9[%add3A_280, %dma_start3A_383] : memref<40x64xi32, #tpu.memory_space<vmem>> -> memref<1x64xi32, #tpu.memory_space<vmem>>
          %dma_start3A_385 = tpu.memref_squeeze %dma_start3A_384 : memref<1x64xi32, #tpu.memory_space<vmem>> -> memref<64xi32, #tpu.memory_space<vmem>>
          %dma_start3A_386 = arith.constant 0 : i32
          %dma_start3A_387 = arith.constant 0 : i32
          %dma_start3A_388 = tpu.memref_slice %arg11[%dma_start3A_386, %dma_start3A_387] : memref<10240x128xf32, #tpu.memory_space<vmem_shared>> -> memref<10240x128xf32, #tpu.memory_space<vmem_shared>>
          tpu.enqueue_indirect_dma source(%dma_start3A_382 : memref<64x128xf32, #tpu.memory_space<vmem>>) target(%dma_start3A_388 : memref<10240x128xf32, #tpu.memory_space<vmem_shared>>) offsets(%dma_start3A_385 : memref<64xi32, #tpu.memory_space<vmem>>) semaphore(%run_scoped3A_378 : memref<!tpu.dma_semaphore, #tpu.memory_space<semaphore_mem>>) {add = true}
          %dma_wait3A_389 = arith.constant 0 : i32
          %dma_wait3A_390 = arith.constant 0 : i32
          %dma_wait3A_391 = tpu.memref_slice %arg10[%run_scoped3A, %dma_wait3A_389, %dma_wait3A_390] : memref<4x64x128xf32, #tpu.memory_space<vmem>> -> memref<1x64x128xf32, #tpu.memory_space<vmem>>
          %dma_wait3A_392 = tpu.memref_squeeze %dma_wait3A_391 : memref<1x64x128xf32, #tpu.memory_space<vmem>> -> memref<64x128xf32, #tpu.memory_space<vmem>>
          %dma_wait3A_393 = arith.constant 0 : i32
          %dma_wait3A_394 = tpu.memref_slice %arg9[%add3A_280, %dma_wait3A_393] : memref<40x64xi32, #tpu.memory_space<vmem>> -> memref<1x64xi32, #tpu.memory_space<vmem>>
          %dma_wait3A_395 = tpu.memref_squeeze %dma_wait3A_394 : memref<1x64xi32, #tpu.memory_space<vmem>> -> memref<64xi32, #tpu.memory_space<vmem>>
          %dma_wait3A_396 = arith.constant 0 : i32
          %dma_wait3A_397 = arith.constant 0 : i32
          %dma_wait3A_398 = tpu.memref_slice %arg11[%dma_wait3A_396, %dma_wait3A_397] : memref<10240x128xf32, #tpu.memory_space<vmem_shared>> -> memref<10240x128xf32, #tpu.memory_space<vmem_shared>>
          tpu.wait_indirect_dma semaphore(%run_scoped3A_378 : memref<!tpu.dma_semaphore, #tpu.memory_space<semaphore_mem>>) src(%dma_wait3A_392 : memref<64x128xf32, #tpu.memory_space<vmem>>) dst(%dma_wait3A_398 : memref<10240x128xf32, #tpu.memory_space<vmem_shared>>)
          tpu.yield
        }) : () -> ()
        %add3A_294 = arith.constant 4 : i32
        %add3A_295 = arith.addi %add3A_280, %add3A_294 : i32
        %lt3A = arith.constant 40 : i32
        %lt3A_296 = arith.cmpi slt, %add3A_295, %lt3A : i32
        %convert_element_type3A_297 = arith.extui %lt3A_296 : i1 to i32
        %cond3A_298 = arith.constant 0 : i32
        %cond3A_299 = arith.cmpi ne, %convert_element_type3A_297, %cond3A_298 : i32
        scf.if %cond3A_299 {
          %dma_start3A_378 = arith.constant 0 : i32
          %dma_start3A_379 = arith.constant 0 : i32
          %dma_start3A_380 = arith.constant 0 : i32
          %dma_start3A_381 = arith.constant 0 : i32
          %dma_start3A_382 = tpu.memref_slice %arg10[%dma_start3A_378, %dma_start3A_380, %dma_start3A_381] : memref<4x64x128xf32, #tpu.memory_space<vmem>> -> memref<1x64x128xf32, #tpu.memory_space<vmem>>
          %dma_start3A_383 = tpu.memref_squeeze %dma_start3A_382 : memref<1x64x128xf32, #tpu.memory_space<vmem>> -> memref<64x128xf32, #tpu.memory_space<vmem>>
          %dma_start3A_384 = arith.constant 0 : i32
          %dma_start3A_385 = tpu.memref_slice %arg8[%add3A_295, %dma_start3A_384] : memref<40x64xi32, #tpu.memory_space<vmem>> -> memref<1x64xi32, #tpu.memory_space<vmem>>
          %dma_start3A_386 = tpu.memref_squeeze %dma_start3A_385 : memref<1x64xi32, #tpu.memory_space<vmem>> -> memref<64xi32, #tpu.memory_space<vmem>>
          %dma_start3A_387 = arith.constant 0 : i32
          %dma_start3A_388 = arith.constant 0 : i32
          %dma_start3A_389 = tpu.memref_slice %arg4[%dma_start3A_387, %dma_start3A_388] : memref<10000x128xf32, #tpu.memory_space<hbm>> -> memref<10000x128xf32, #tpu.memory_space<hbm>>
          %dma_start3A_390 = tpu.memref_slice %arg12[%dma_start3A_379] : memref<4x!tpu.dma_semaphore, #tpu.memory_space<semaphore_mem>> -> memref<1x!tpu.dma_semaphore, #tpu.memory_space<semaphore_mem>>
          %dma_start3A_391 = tpu.memref_squeeze %dma_start3A_390 : memref<1x!tpu.dma_semaphore, #tpu.memory_space<semaphore_mem>> -> memref<!tpu.dma_semaphore, #tpu.memory_space<semaphore_mem>>
          tpu.enqueue_indirect_dma source(%dma_start3A_389 : memref<10000x128xf32, #tpu.memory_space<hbm>>) target(%dma_start3A_383 : memref<64x128xf32, #tpu.memory_space<vmem>>) offsets(%dma_start3A_386 : memref<64xi32, #tpu.memory_space<vmem>>) semaphore(%dma_start3A_391 : memref<!tpu.dma_semaphore, #tpu.memory_space<semaphore_mem>>)
        } else {
        }
        %mul3A_300 = arith.constant 4 : i32
        %mul3A_301 = arith.muli %scan3A_277, %mul3A_300 : i32
        %add3A_302 = arith.constant 1 : i32
        %add3A_303 = arith.addi %mul3A_301, %add3A_302 : i32
        %dma_wait3A_304 = arith.constant 1 : i32
        %dma_wait3A_305 = arith.constant 1 : i32
        %dma_wait3A_306 = arith.constant 0 : i32
        %dma_wait3A_307 = arith.constant 0 : i32
        %dma_wait3A_308 = tpu.memref_slice %arg10[%dma_wait3A_304, %dma_wait3A_306, %dma_wait3A_307] : memref<4x64x128xf32, #tpu.memory_space<vmem>> -> memref<1x64x128xf32, #tpu.memory_space<vmem>>
        %dma_wait3A_309 = tpu.memref_squeeze %dma_wait3A_308 : memref<1x64x128xf32, #tpu.memory_space<vmem>> -> memref<64x128xf32, #tpu.memory_space<vmem>>
        %dma_wait3A_310 = arith.constant 0 : i32
        %dma_wait3A_311 = tpu.memref_slice %arg8[%add3A_303, %dma_wait3A_310] : memref<40x64xi32, #tpu.memory_space<vmem>> -> memref<1x64xi32, #tpu.memory_space<vmem>>
        %dma_wait3A_312 = tpu.memref_squeeze %dma_wait3A_311 : memref<1x64xi32, #tpu.memory_space<vmem>> -> memref<64xi32, #tpu.memory_space<vmem>>
        %dma_wait3A_313 = arith.constant 0 : i32
        %dma_wait3A_314 = arith.constant 0 : i32
        %dma_wait3A_315 = tpu.memref_slice %arg4[%dma_wait3A_313, %dma_wait3A_314] : memref<10000x128xf32, #tpu.memory_space<hbm>> -> memref<10000x128xf32, #tpu.memory_space<hbm>>
        %dma_wait3A_316 = tpu.memref_slice %arg12[%dma_wait3A_305] : memref<4x!tpu.dma_semaphore, #tpu.memory_space<semaphore_mem>> -> memref<1x!tpu.dma_semaphore, #tpu.memory_space<semaphore_mem>>
        %dma_wait3A_317 = tpu.memref_squeeze %dma_wait3A_316 : memref<1x!tpu.dma_semaphore, #tpu.memory_space<semaphore_mem>> -> memref<!tpu.dma_semaphore, #tpu.memory_space<semaphore_mem>>
        tpu.wait_indirect_dma semaphore(%dma_wait3A_317 : memref<!tpu.dma_semaphore, #tpu.memory_space<semaphore_mem>>) src(%dma_wait3A_315 : memref<10000x128xf32, #tpu.memory_space<hbm>>) dst(%dma_wait3A_309 : memref<64x128xf32, #tpu.memory_space<vmem>>)
        %run_scoped3A_318 = arith.constant 1 : i32
        "tpu.region"() ({
          %run_scoped3A_378 = tpu.sem_alloc : memref<!tpu.dma_semaphore, #tpu.memory_space<semaphore_mem>>
          %dma_start3A_379 = arith.constant 0 : i32
          %dma_start3A_380 = arith.constant 0 : i32
          %dma_start3A_381 = tpu.memref_slice %arg10[%run_scoped3A_318, %dma_start3A_379, %dma_start3A_380] : memref<4x64x128xf32, #tpu.memory_space<vmem>> -> memref<1x64x128xf32, #tpu.memory_space<vmem>>
          %dma_start3A_382 = tpu.memref_squeeze %dma_start3A_381 : memref<1x64x128xf32, #tpu.memory_space<vmem>> -> memref<64x128xf32, #tpu.memory_space<vmem>>
          %dma_start3A_383 = arith.constant 0 : i32
          %dma_start3A_384 = tpu.memref_slice %arg9[%add3A_303, %dma_start3A_383] : memref<40x64xi32, #tpu.memory_space<vmem>> -> memref<1x64xi32, #tpu.memory_space<vmem>>
          %dma_start3A_385 = tpu.memref_squeeze %dma_start3A_384 : memref<1x64xi32, #tpu.memory_space<vmem>> -> memref<64xi32, #tpu.memory_space<vmem>>
          %dma_start3A_386 = arith.constant 0 : i32
          %dma_start3A_387 = arith.constant 0 : i32
          %dma_start3A_388 = tpu.memref_slice %arg11[%dma_start3A_386, %dma_start3A_387] : memref<10240x128xf32, #tpu.memory_space<vmem_shared>> -> memref<10240x128xf32, #tpu.memory_space<vmem_shared>>
          tpu.enqueue_indirect_dma source(%dma_start3A_382 : memref<64x128xf32, #tpu.memory_space<vmem>>) target(%dma_start3A_388 : memref<10240x128xf32, #tpu.memory_space<vmem_shared>>) offsets(%dma_start3A_385 : memref<64xi32, #tpu.memory_space<vmem>>) semaphore(%run_scoped3A_378 : memref<!tpu.dma_semaphore, #tpu.memory_space<semaphore_mem>>) {add = true}
          %dma_wait3A_389 = arith.constant 0 : i32
          %dma_wait3A_390 = arith.constant 0 : i32
          %dma_wait3A_391 = tpu.memref_slice %arg10[%run_scoped3A_318, %dma_wait3A_389, %dma_wait3A_390] : memref<4x64x128xf32, #tpu.memory_space<vmem>> -> memref<1x64x128xf32, #tpu.memory_space<vmem>>
          %dma_wait3A_392 = tpu.memref_squeeze %dma_wait3A_391 : memref<1x64x128xf32, #tpu.memory_space<vmem>> -> memref<64x128xf32, #tpu.memory_space<vmem>>
          %dma_wait3A_393 = arith.constant 0 : i32
          %dma_wait3A_394 = tpu.memref_slice %arg9[%add3A_303, %dma_wait3A_393] : memref<40x64xi32, #tpu.memory_space<vmem>> -> memref<1x64xi32, #tpu.memory_space<vmem>>
          %dma_wait3A_395 = tpu.memref_squeeze %dma_wait3A_394 : memref<1x64xi32, #tpu.memory_space<vmem>> -> memref<64xi32, #tpu.memory_space<vmem>>
          %dma_wait3A_396 = arith.constant 0 : i32
          %dma_wait3A_397 = arith.constant 0 : i32
          %dma_wait3A_398 = tpu.memref_slice %arg11[%dma_wait3A_396, %dma_wait3A_397] : memref<10240x128xf32, #tpu.memory_space<vmem_shared>> -> memref<10240x128xf32, #tpu.memory_space<vmem_shared>>
          tpu.wait_indirect_dma semaphore(%run_scoped3A_378 : memref<!tpu.dma_semaphore, #tpu.memory_space<semaphore_mem>>) src(%dma_wait3A_392 : memref<64x128xf32, #tpu.memory_space<vmem>>) dst(%dma_wait3A_398 : memref<10240x128xf32, #tpu.memory_space<vmem_shared>>)
          tpu.yield
        }) : () -> ()
        %add3A_319 = arith.constant 4 : i32
        %add3A_320 = arith.addi %add3A_303, %add3A_319 : i32
        %lt3A_321 = arith.constant 40 : i32
        %lt3A_322 = arith.cmpi slt, %add3A_320, %lt3A_321 : i32
        %convert_element_type3A_323 = arith.extui %lt3A_322 : i1 to i32
        %cond3A_324 = arith.constant 0 : i32
        %cond3A_325 = arith.cmpi ne, %convert_element_type3A_323, %cond3A_324 : i32
        scf.if %cond3A_325 {
          %dma_start3A_378 = arith.constant 1 : i32
          %dma_start3A_379 = arith.constant 1 : i32
          %dma_start3A_380 = arith.constant 0 : i32
          %dma_start3A_381 = arith.constant 0 : i32
          %dma_start3A_382 = tpu.memref_slice %arg10[%dma_start3A_378, %dma_start3A_380, %dma_start3A_381] : memref<4x64x128xf32, #tpu.memory_space<vmem>> -> memref<1x64x128xf32, #tpu.memory_space<vmem>>
          %dma_start3A_383 = tpu.memref_squeeze %dma_start3A_382 : memref<1x64x128xf32, #tpu.memory_space<vmem>> -> memref<64x128xf32, #tpu.memory_space<vmem>>
          %dma_start3A_384 = arith.constant 0 : i32
          %dma_start3A_385 = tpu.memref_slice %arg8[%add3A_320, %dma_start3A_384] : memref<40x64xi32, #tpu.memory_space<vmem>> -> memref<1x64xi32, #tpu.memory_space<vmem>>
          %dma_start3A_386 = tpu.memref_squeeze %dma_start3A_385 : memref<1x64xi32, #tpu.memory_space<vmem>> -> memref<64xi32, #tpu.memory_space<vmem>>
          %dma_start3A_387 = arith.constant 0 : i32
          %dma_start3A_388 = arith.constant 0 : i32
          %dma_start3A_389 = tpu.memref_slice %arg4[%dma_start3A_387, %dma_start3A_388] : memref<10000x128xf32, #tpu.memory_space<hbm>> -> memref<10000x128xf32, #tpu.memory_space<hbm>>
          %dma_start3A_390 = tpu.memref_slice %arg12[%dma_start3A_379] : memref<4x!tpu.dma_semaphore, #tpu.memory_space<semaphore_mem>> -> memref<1x!tpu.dma_semaphore, #tpu.memory_space<semaphore_mem>>
          %dma_start3A_391 = tpu.memref_squeeze %dma_start3A_390 : memref<1x!tpu.dma_semaphore, #tpu.memory_space<semaphore_mem>> -> memref<!tpu.dma_semaphore, #tpu.memory_space<semaphore_mem>>
          tpu.enqueue_indirect_dma source(%dma_start3A_389 : memref<10000x128xf32, #tpu.memory_space<hbm>>) target(%dma_start3A_383 : memref<64x128xf32, #tpu.memory_space<vmem>>) offsets(%dma_start3A_386 : memref<64xi32, #tpu.memory_space<vmem>>) semaphore(%dma_start3A_391 : memref<!tpu.dma_semaphore, #tpu.memory_space<semaphore_mem>>)
        } else {
        }
        %mul3A_326 = arith.constant 4 : i32
        %mul3A_327 = arith.muli %scan3A_277, %mul3A_326 : i32
        %add3A_328 = arith.constant 2 : i32
        %add3A_329 = arith.addi %mul3A_327, %add3A_328 : i32
        %dma_wait3A_330 = arith.constant 2 : i32
        %dma_wait3A_331 = arith.constant 2 : i32
        %dma_wait3A_332 = arith.constant 0 : i32
        %dma_wait3A_333 = arith.constant 0 : i32
        %dma_wait3A_334 = tpu.memref_slice %arg10[%dma_wait3A_330, %dma_wait3A_332, %dma_wait3A_333] : memref<4x64x128xf32, #tpu.memory_space<vmem>> -> memref<1x64x128xf32, #tpu.memory_space<vmem>>
        %dma_wait3A_335 = tpu.memref_squeeze %dma_wait3A_334 : memref<1x64x128xf32, #tpu.memory_space<vmem>> -> memref<64x128xf32, #tpu.memory_space<vmem>>
        %dma_wait3A_336 = arith.constant 0 : i32
        %dma_wait3A_337 = tpu.memref_slice %arg8[%add3A_329, %dma_wait3A_336] : memref<40x64xi32, #tpu.memory_space<vmem>> -> memref<1x64xi32, #tpu.memory_space<vmem>>
        %dma_wait3A_338 = tpu.memref_squeeze %dma_wait3A_337 : memref<1x64xi32, #tpu.memory_space<vmem>> -> memref<64xi32, #tpu.memory_space<vmem>>
        %dma_wait3A_339 = arith.constant 0 : i32
        %dma_wait3A_340 = arith.constant 0 : i32
        %dma_wait3A_341 = tpu.memref_slice %arg4[%dma_wait3A_339, %dma_wait3A_340] : memref<10000x128xf32, #tpu.memory_space<hbm>> -> memref<10000x128xf32, #tpu.memory_space<hbm>>
        %dma_wait3A_342 = tpu.memref_slice %arg12[%dma_wait3A_331] : memref<4x!tpu.dma_semaphore, #tpu.memory_space<semaphore_mem>> -> memref<1x!tpu.dma_semaphore, #tpu.memory_space<semaphore_mem>>
        %dma_wait3A_343 = tpu.memref_squeeze %dma_wait3A_342 : memref<1x!tpu.dma_semaphore, #tpu.memory_space<semaphore_mem>> -> memref<!tpu.dma_semaphore, #tpu.memory_space<semaphore_mem>>
        tpu.wait_indirect_dma semaphore(%dma_wait3A_343 : memref<!tpu.dma_semaphore, #tpu.memory_space<semaphore_mem>>) src(%dma_wait3A_341 : memref<10000x128xf32, #tpu.memory_space<hbm>>) dst(%dma_wait3A_335 : memref<64x128xf32, #tpu.memory_space<vmem>>)
        %run_scoped3A_344 = arith.constant 2 : i32
        "tpu.region"() ({
          %run_scoped3A_378 = tpu.sem_alloc : memref<!tpu.dma_semaphore, #tpu.memory_space<semaphore_mem>>
          %dma_start3A_379 = arith.constant 0 : i32
          %dma_start3A_380 = arith.constant 0 : i32
          %dma_start3A_381 = tpu.memref_slice %arg10[%run_scoped3A_344, %dma_start3A_379, %dma_start3A_380] : memref<4x64x128xf32, #tpu.memory_space<vmem>> -> memref<1x64x128xf32, #tpu.memory_space<vmem>>
          %dma_start3A_382 = tpu.memref_squeeze %dma_start3A_381 : memref<1x64x128xf32, #tpu.memory_space<vmem>> -> memref<64x128xf32, #tpu.memory_space<vmem>>
          %dma_start3A_383 = arith.constant 0 : i32
          %dma_start3A_384 = tpu.memref_slice %arg9[%add3A_329, %dma_start3A_383] : memref<40x64xi32, #tpu.memory_space<vmem>> -> memref<1x64xi32, #tpu.memory_space<vmem>>
          %dma_start3A_385 = tpu.memref_squeeze %dma_start3A_384 : memref<1x64xi32, #tpu.memory_space<vmem>> -> memref<64xi32, #tpu.memory_space<vmem>>
          %dma_start3A_386 = arith.constant 0 : i32
          %dma_start3A_387 = arith.constant 0 : i32
          %dma_start3A_388 = tpu.memref_slice %arg11[%dma_start3A_386, %dma_start3A_387] : memref<10240x128xf32, #tpu.memory_space<vmem_shared>> -> memref<10240x128xf32, #tpu.memory_space<vmem_shared>>
          tpu.enqueue_indirect_dma source(%dma_start3A_382 : memref<64x128xf32, #tpu.memory_space<vmem>>) target(%dma_start3A_388 : memref<10240x128xf32, #tpu.memory_space<vmem_shared>>) offsets(%dma_start3A_385 : memref<64xi32, #tpu.memory_space<vmem>>) semaphore(%run_scoped3A_378 : memref<!tpu.dma_semaphore, #tpu.memory_space<semaphore_mem>>) {add = true}
          %dma_wait3A_389 = arith.constant 0 : i32
          %dma_wait3A_390 = arith.constant 0 : i32
          %dma_wait3A_391 = tpu.memref_slice %arg10[%run_scoped3A_344, %dma_wait3A_389, %dma_wait3A_390] : memref<4x64x128xf32, #tpu.memory_space<vmem>> -> memref<1x64x128xf32, #tpu.memory_space<vmem>>
          %dma_wait3A_392 = tpu.memref_squeeze %dma_wait3A_391 : memref<1x64x128xf32, #tpu.memory_space<vmem>> -> memref<64x128xf32, #tpu.memory_space<vmem>>
          %dma_wait3A_393 = arith.constant 0 : i32
          %dma_wait3A_394 = tpu.memref_slice %arg9[%add3A_329, %dma_wait3A_393] : memref<40x64xi32, #tpu.memory_space<vmem>> -> memref<1x64xi32, #tpu.memory_space<vmem>>
          %dma_wait3A_395 = tpu.memref_squeeze %dma_wait3A_394 : memref<1x64xi32, #tpu.memory_space<vmem>> -> memref<64xi32, #tpu.memory_space<vmem>>
          %dma_wait3A_396 = arith.constant 0 : i32
          %dma_wait3A_397 = arith.constant 0 : i32
          %dma_wait3A_398 = tpu.memref_slice %arg11[%dma_wait3A_396, %dma_wait3A_397] : memref<10240x128xf32, #tpu.memory_space<vmem_shared>> -> memref<10240x128xf32, #tpu.memory_space<vmem_shared>>
          tpu.wait_indirect_dma semaphore(%run_scoped3A_378 : memref<!tpu.dma_semaphore, #tpu.memory_space<semaphore_mem>>) src(%dma_wait3A_392 : memref<64x128xf32, #tpu.memory_space<vmem>>) dst(%dma_wait3A_398 : memref<10240x128xf32, #tpu.memory_space<vmem_shared>>)
          tpu.yield
        }) : () -> ()
        %add3A_345 = arith.constant 4 : i32
        %add3A_346 = arith.addi %add3A_329, %add3A_345 : i32
        %lt3A_347 = arith.constant 40 : i32
        %lt3A_348 = arith.cmpi slt, %add3A_346, %lt3A_347 : i32
        %convert_element_type3A_349 = arith.extui %lt3A_348 : i1 to i32
        %cond3A_350 = arith.constant 0 : i32
        %cond3A_351 = arith.cmpi ne, %convert_element_type3A_349, %cond3A_350 : i32
        scf.if %cond3A_351 {
          %dma_start3A_378 = arith.constant 2 : i32
          %dma_start3A_379 = arith.constant 2 : i32
          %dma_start3A_380 = arith.constant 0 : i32
          %dma_start3A_381 = arith.constant 0 : i32
          %dma_start3A_382 = tpu.memref_slice %arg10[%dma_start3A_378, %dma_start3A_380, %dma_start3A_381] : memref<4x64x128xf32, #tpu.memory_space<vmem>> -> memref<1x64x128xf32, #tpu.memory_space<vmem>>
          %dma_start3A_383 = tpu.memref_squeeze %dma_start3A_382 : memref<1x64x128xf32, #tpu.memory_space<vmem>> -> memref<64x128xf32, #tpu.memory_space<vmem>>
          %dma_start3A_384 = arith.constant 0 : i32
          %dma_start3A_385 = tpu.memref_slice %arg8[%add3A_346, %dma_start3A_384] : memref<40x64xi32, #tpu.memory_space<vmem>> -> memref<1x64xi32, #tpu.memory_space<vmem>>
          %dma_start3A_386 = tpu.memref_squeeze %dma_start3A_385 : memref<1x64xi32, #tpu.memory_space<vmem>> -> memref<64xi32, #tpu.memory_space<vmem>>
          %dma_start3A_387 = arith.constant 0 : i32
          %dma_start3A_388 = arith.constant 0 : i32
          %dma_start3A_389 = tpu.memref_slice %arg4[%dma_start3A_387, %dma_start3A_388] : memref<10000x128xf32, #tpu.memory_space<hbm>> -> memref<10000x128xf32, #tpu.memory_space<hbm>>
          %dma_start3A_390 = tpu.memref_slice %arg12[%dma_start3A_379] : memref<4x!tpu.dma_semaphore, #tpu.memory_space<semaphore_mem>> -> memref<1x!tpu.dma_semaphore, #tpu.memory_space<semaphore_mem>>
          %dma_start3A_391 = tpu.memref_squeeze %dma_start3A_390 : memref<1x!tpu.dma_semaphore, #tpu.memory_space<semaphore_mem>> -> memref<!tpu.dma_semaphore, #tpu.memory_space<semaphore_mem>>
          tpu.enqueue_indirect_dma source(%dma_start3A_389 : memref<10000x128xf32, #tpu.memory_space<hbm>>) target(%dma_start3A_383 : memref<64x128xf32, #tpu.memory_space<vmem>>) offsets(%dma_start3A_386 : memref<64xi32, #tpu.memory_space<vmem>>) semaphore(%dma_start3A_391 : memref<!tpu.dma_semaphore, #tpu.memory_space<semaphore_mem>>)
        } else {
        }
        %mul3A_352 = arith.constant 4 : i32
        %mul3A_353 = arith.muli %scan3A_277, %mul3A_352 : i32
        %add3A_354 = arith.constant 3 : i32
        %add3A_355 = arith.addi %mul3A_353, %add3A_354 : i32
        %dma_wait3A_356 = arith.constant 3 : i32
        %dma_wait3A_357 = arith.constant 3 : i32
        %dma_wait3A_358 = arith.constant 0 : i32
        %dma_wait3A_359 = arith.constant 0 : i32
        %dma_wait3A_360 = tpu.memref_slice %arg10[%dma_wait3A_356, %dma_wait3A_358, %dma_wait3A_359] : memref<4x64x128xf32, #tpu.memory_space<vmem>> -> memref<1x64x128xf32, #tpu.memory_space<vmem>>
        %dma_wait3A_361 = tpu.memref_squeeze %dma_wait3A_360 : memref<1x64x128xf32, #tpu.memory_space<vmem>> -> memref<64x128xf32, #tpu.memory_space<vmem>>
        %dma_wait3A_362 = arith.constant 0 : i32
        %dma_wait3A_363 = tpu.memref_slice %arg8[%add3A_355, %dma_wait3A_362] : memref<40x64xi32, #tpu.memory_space<vmem>> -> memref<1x64xi32, #tpu.memory_space<vmem>>
        %dma_wait3A_364 = tpu.memref_squeeze %dma_wait3A_363 : memref<1x64xi32, #tpu.memory_space<vmem>> -> memref<64xi32, #tpu.memory_space<vmem>>
        %dma_wait3A_365 = arith.constant 0 : i32
        %dma_wait3A_366 = arith.constant 0 : i32
        %dma_wait3A_367 = tpu.memref_slice %arg4[%dma_wait3A_365, %dma_wait3A_366] : memref<10000x128xf32, #tpu.memory_space<hbm>> -> memref<10000x128xf32, #tpu.memory_space<hbm>>
        %dma_wait3A_368 = tpu.memref_slice %arg12[%dma_wait3A_357] : memref<4x!tpu.dma_semaphore, #tpu.memory_space<semaphore_mem>> -> memref<1x!tpu.dma_semaphore, #tpu.memory_space<semaphore_mem>>
        %dma_wait3A_369 = tpu.memref_squeeze %dma_wait3A_368 : memref<1x!tpu.dma_semaphore, #tpu.memory_space<semaphore_mem>> -> memref<!tpu.dma_semaphore, #tpu.memory_space<semaphore_mem>>
        tpu.wait_indirect_dma semaphore(%dma_wait3A_369 : memref<!tpu.dma_semaphore, #tpu.memory_space<semaphore_mem>>) src(%dma_wait3A_367 : memref<10000x128xf32, #tpu.memory_space<hbm>>) dst(%dma_wait3A_361 : memref<64x128xf32, #tpu.memory_space<vmem>>)
        %run_scoped3A_370 = arith.constant 3 : i32
        "tpu.region"() ({
          %run_scoped3A_378 = tpu.sem_alloc : memref<!tpu.dma_semaphore, #tpu.memory_space<semaphore_mem>>
          %dma_start3A_379 = arith.constant 0 : i32
          %dma_start3A_380 = arith.constant 0 : i32
          %dma_start3A_381 = tpu.memref_slice %arg10[%run_scoped3A_370, %dma_start3A_379, %dma_start3A_380] : memref<4x64x128xf32, #tpu.memory_space<vmem>> -> memref<1x64x128xf32, #tpu.memory_space<vmem>>
          %dma_start3A_382 = tpu.memref_squeeze %dma_start3A_381 : memref<1x64x128xf32, #tpu.memory_space<vmem>> -> memref<64x128xf32, #tpu.memory_space<vmem>>
          %dma_start3A_383 = arith.constant 0 : i32
          %dma_start3A_384 = tpu.memref_slice %arg9[%add3A_355, %dma_start3A_383] : memref<40x64xi32, #tpu.memory_space<vmem>> -> memref<1x64xi32, #tpu.memory_space<vmem>>
          %dma_start3A_385 = tpu.memref_squeeze %dma_start3A_384 : memref<1x64xi32, #tpu.memory_space<vmem>> -> memref<64xi32, #tpu.memory_space<vmem>>
          %dma_start3A_386 = arith.constant 0 : i32
          %dma_start3A_387 = arith.constant 0 : i32
          %dma_start3A_388 = tpu.memref_slice %arg11[%dma_start3A_386, %dma_start3A_387] : memref<10240x128xf32, #tpu.memory_space<vmem_shared>> -> memref<10240x128xf32, #tpu.memory_space<vmem_shared>>
          tpu.enqueue_indirect_dma source(%dma_start3A_382 : memref<64x128xf32, #tpu.memory_space<vmem>>) target(%dma_start3A_388 : memref<10240x128xf32, #tpu.memory_space<vmem_shared>>) offsets(%dma_start3A_385 : memref<64xi32, #tpu.memory_space<vmem>>) semaphore(%run_scoped3A_378 : memref<!tpu.dma_semaphore, #tpu.memory_space<semaphore_mem>>) {add = true}
          %dma_wait3A_389 = arith.constant 0 : i32
          %dma_wait3A_390 = arith.constant 0 : i32
          %dma_wait3A_391 = tpu.memref_slice %arg10[%run_scoped3A_370, %dma_wait3A_389, %dma_wait3A_390] : memref<4x64x128xf32, #tpu.memory_space<vmem>> -> memref<1x64x128xf32, #tpu.memory_space<vmem>>
          %dma_wait3A_392 = tpu.memref_squeeze %dma_wait3A_391 : memref<1x64x128xf32, #tpu.memory_space<vmem>> -> memref<64x128xf32, #tpu.memory_space<vmem>>
          %dma_wait3A_393 = arith.constant 0 : i32
          %dma_wait3A_394 = tpu.memref_slice %arg9[%add3A_355, %dma_wait3A_393] : memref<40x64xi32, #tpu.memory_space<vmem>> -> memref<1x64xi32, #tpu.memory_space<vmem>>
          %dma_wait3A_395 = tpu.memref_squeeze %dma_wait3A_394 : memref<1x64xi32, #tpu.memory_space<vmem>> -> memref<64xi32, #tpu.memory_space<vmem>>
          %dma_wait3A_396 = arith.constant 0 : i32
          %dma_wait3A_397 = arith.constant 0 : i32
          %dma_wait3A_398 = tpu.memref_slice %arg11[%dma_wait3A_396, %dma_wait3A_397] : memref<10240x128xf32, #tpu.memory_space<vmem_shared>> -> memref<10240x128xf32, #tpu.memory_space<vmem_shared>>
          tpu.wait_indirect_dma semaphore(%run_scoped3A_378 : memref<!tpu.dma_semaphore, #tpu.memory_space<semaphore_mem>>) src(%dma_wait3A_392 : memref<64x128xf32, #tpu.memory_space<vmem>>) dst(%dma_wait3A_398 : memref<10240x128xf32, #tpu.memory_space<vmem_shared>>)
          tpu.yield
        }) : () -> ()
        %add3A_371 = arith.constant 4 : i32
        %add3A_372 = arith.addi %add3A_355, %add3A_371 : i32
        %lt3A_373 = arith.constant 40 : i32
        %lt3A_374 = arith.cmpi slt, %add3A_372, %lt3A_373 : i32
        %convert_element_type3A_375 = arith.extui %lt3A_374 : i1 to i32
        %cond3A_376 = arith.constant 0 : i32
        %cond3A_377 = arith.cmpi ne, %convert_element_type3A_375, %cond3A_376 : i32
        scf.if %cond3A_377 {
          %dma_start3A_378 = arith.constant 3 : i32
          %dma_start3A_379 = arith.constant 3 : i32
          %dma_start3A_380 = arith.constant 0 : i32
          %dma_start3A_381 = arith.constant 0 : i32
          %dma_start3A_382 = tpu.memref_slice %arg10[%dma_start3A_378, %dma_start3A_380, %dma_start3A_381] : memref<4x64x128xf32, #tpu.memory_space<vmem>> -> memref<1x64x128xf32, #tpu.memory_space<vmem>>
          %dma_start3A_383 = tpu.memref_squeeze %dma_start3A_382 : memref<1x64x128xf32, #tpu.memory_space<vmem>> -> memref<64x128xf32, #tpu.memory_space<vmem>>
          %dma_start3A_384 = arith.constant 0 : i32
          %dma_start3A_385 = tpu.memref_slice %arg8[%add3A_372, %dma_start3A_384] : memref<40x64xi32, #tpu.memory_space<vmem>> -> memref<1x64xi32, #tpu.memory_space<vmem>>
          %dma_start3A_386 = tpu.memref_squeeze %dma_start3A_385 : memref<1x64xi32, #tpu.memory_space<vmem>> -> memref<64xi32, #tpu.memory_space<vmem>>
          %dma_start3A_387 = arith.constant 0 : i32
          %dma_start3A_388 = arith.constant 0 : i32
          %dma_start3A_389 = tpu.memref_slice %arg4[%dma_start3A_387, %dma_start3A_388] : memref<10000x128xf32, #tpu.memory_space<hbm>> -> memref<10000x128xf32, #tpu.memory_space<hbm>>
          %dma_start3A_390 = tpu.memref_slice %arg12[%dma_start3A_379] : memref<4x!tpu.dma_semaphore, #tpu.memory_space<semaphore_mem>> -> memref<1x!tpu.dma_semaphore, #tpu.memory_space<semaphore_mem>>
          %dma_start3A_391 = tpu.memref_squeeze %dma_start3A_390 : memref<1x!tpu.dma_semaphore, #tpu.memory_space<semaphore_mem>> -> memref<!tpu.dma_semaphore, #tpu.memory_space<semaphore_mem>>
          tpu.enqueue_indirect_dma source(%dma_start3A_389 : memref<10000x128xf32, #tpu.memory_space<hbm>>) target(%dma_start3A_383 : memref<64x128xf32, #tpu.memory_space<vmem>>) offsets(%dma_start3A_386 : memref<64xi32, #tpu.memory_space<vmem>>) semaphore(%dma_start3A_391 : memref<!tpu.dma_semaphore, #tpu.memory_space<semaphore_mem>>)
        } else {
        }
      }
      %scan3A_144 = arith.constant 10 : i32
      "tpu.region"() ({
        %run_scoped3A = tpu.sem_alloc : memref<!tpu.dma_semaphore, #tpu.memory_space<semaphore_mem>>
        %dma_start3A_277 = arith.constant 80 : i32
        %dma_start3A_278 = arith.constant 0 : i32
        %dma_start3A_279 = tpu.memref_slice %arg2[%arg1, %dma_start3A_277, %dma_start3A_278] : memref<16x160x64xi32, #tpu.memory_space<hbm>> -> memref<1x40x64xi32, #tpu.memory_space<hbm>>
        %dma_start3A_280 = tpu.memref_squeeze %dma_start3A_279 : memref<1x40x64xi32, #tpu.memory_space<hbm>> -> memref<40x64xi32, #tpu.memory_space<hbm>>
        %dma_start3A_281 = arith.constant 80 : i32
        %dma_start3A_282 = arith.constant 0 : i32
        %dma_start3A_283 = tpu.memref_slice %arg2[%arg1, %dma_start3A_281, %dma_start3A_282] : memref<16x160x64xi32, #tpu.memory_space<hbm>> -> memref<1x40x64xi32, #tpu.memory_space<hbm>>
        %dma_start3A_284 = tpu.memref_squeeze %dma_start3A_283 : memref<1x40x64xi32, #tpu.memory_space<hbm>> -> memref<40x64xi32, #tpu.memory_space<hbm>>
        tpu.enqueue_dma source(%dma_start3A_284 : memref<40x64xi32, #tpu.memory_space<hbm>>) target(%arg8 : memref<40x64xi32, #tpu.memory_space<vmem>>) target_semaphore(%run_scoped3A : memref<!tpu.dma_semaphore, #tpu.memory_space<semaphore_mem>>)
        %dma_wait3A = arith.constant 80 : i32
        %dma_wait3A_285 = arith.constant 0 : i32
        %dma_wait3A_286 = tpu.memref_slice %arg2[%arg1, %dma_wait3A, %dma_wait3A_285] : memref<16x160x64xi32, #tpu.memory_space<hbm>> -> memref<1x40x64xi32, #tpu.memory_space<hbm>>
        %dma_wait3A_287 = tpu.memref_squeeze %dma_wait3A_286 : memref<1x40x64xi32, #tpu.memory_space<hbm>> -> memref<40x64xi32, #tpu.memory_space<hbm>>
        %dma_wait3A_288 = arith.constant 80 : i32
        %dma_wait3A_289 = arith.constant 0 : i32
        %dma_wait3A_290 = tpu.memref_slice %arg2[%arg1, %dma_wait3A_288, %dma_wait3A_289] : memref<16x160x64xi32, #tpu.memory_space<hbm>> -> memref<1x40x64xi32, #tpu.memory_space<hbm>>
        %dma_wait3A_291 = tpu.memref_squeeze %dma_wait3A_290 : memref<1x40x64xi32, #tpu.memory_space<hbm>> -> memref<40x64xi32, #tpu.memory_space<hbm>>
        tpu.wait_dma2 semaphore(%run_scoped3A : memref<!tpu.dma_semaphore, #tpu.memory_space<semaphore_mem>>) src(%dma_wait3A_291 : memref<40x64xi32, #tpu.memory_space<hbm>>) dst(%arg8 : memref<40x64xi32, #tpu.memory_space<vmem>>)
        tpu.yield
      }) : () -> ()
      "tpu.region"() ({
        %run_scoped3A = tpu.sem_alloc : memref<!tpu.dma_semaphore, #tpu.memory_space<semaphore_mem>>
        %dma_start3A_277 = arith.constant 80 : i32
        %dma_start3A_278 = arith.constant 0 : i32
        %dma_start3A_279 = tpu.memref_slice %arg3[%arg1, %dma_start3A_277, %dma_start3A_278] : memref<16x160x64xi32, #tpu.memory_space<hbm>> -> memref<1x40x64xi32, #tpu.memory_space<hbm>>
        %dma_start3A_280 = tpu.memref_squeeze %dma_start3A_279 : memref<1x40x64xi32, #tpu.memory_space<hbm>> -> memref<40x64xi32, #tpu.memory_space<hbm>>
        %dma_start3A_281 = arith.constant 80 : i32
        %dma_start3A_282 = arith.constant 0 : i32
        %dma_start3A_283 = tpu.memref_slice %arg3[%arg1, %dma_start3A_281, %dma_start3A_282] : memref<16x160x64xi32, #tpu.memory_space<hbm>> -> memref<1x40x64xi32, #tpu.memory_space<hbm>>
        %dma_start3A_284 = tpu.memref_squeeze %dma_start3A_283 : memref<1x40x64xi32, #tpu.memory_space<hbm>> -> memref<40x64xi32, #tpu.memory_space<hbm>>
        tpu.enqueue_dma source(%dma_start3A_284 : memref<40x64xi32, #tpu.memory_space<hbm>>) target(%arg9 : memref<40x64xi32, #tpu.memory_space<vmem>>) target_semaphore(%run_scoped3A : memref<!tpu.dma_semaphore, #tpu.memory_space<semaphore_mem>>)
        %dma_wait3A = arith.constant 80 : i32
        %dma_wait3A_285 = arith.constant 0 : i32
        %dma_wait3A_286 = tpu.memref_slice %arg3[%arg1, %dma_wait3A, %dma_wait3A_285] : memref<16x160x64xi32, #tpu.memory_space<hbm>> -> memref<1x40x64xi32, #tpu.memory_space<hbm>>
        %dma_wait3A_287 = tpu.memref_squeeze %dma_wait3A_286 : memref<1x40x64xi32, #tpu.memory_space<hbm>> -> memref<40x64xi32, #tpu.memory_space<hbm>>
        %dma_wait3A_288 = arith.constant 80 : i32
        %dma_wait3A_289 = arith.constant 0 : i32
        %dma_wait3A_290 = tpu.memref_slice %arg3[%arg1, %dma_wait3A_288, %dma_wait3A_289] : memref<16x160x64xi32, #tpu.memory_space<hbm>> -> memref<1x40x64xi32, #tpu.memory_space<hbm>>
        %dma_wait3A_291 = tpu.memref_squeeze %dma_wait3A_290 : memref<1x40x64xi32, #tpu.memory_space<hbm>> -> memref<40x64xi32, #tpu.memory_space<hbm>>
        tpu.wait_dma2 semaphore(%run_scoped3A : memref<!tpu.dma_semaphore, #tpu.memory_space<semaphore_mem>>) src(%dma_wait3A_291 : memref<40x64xi32, #tpu.memory_space<hbm>>) dst(%arg9 : memref<40x64xi32, #tpu.memory_space<vmem>>)
        tpu.yield
      }) : () -> ()
      %dma_start3A_145 = arith.constant 0 : i32
      %dma_start3A_146 = arith.constant 0 : i32
      %dma_start3A_147 = arith.constant 0 : i32
      %dma_start3A_148 = arith.constant 0 : i32
      %dma_start3A_149 = arith.constant 0 : i32
      %dma_start3A_150 = tpu.memref_slice %arg10[%dma_start3A_146, %dma_start3A_148, %dma_start3A_149] : memref<4x64x128xf32, #tpu.memory_space<vmem>> -> memref<1x64x128xf32, #tpu.memory_space<vmem>>
      %dma_start3A_151 = tpu.memref_squeeze %dma_start3A_150 : memref<1x64x128xf32, #tpu.memory_space<vmem>> -> memref<64x128xf32, #tpu.memory_space<vmem>>
      %dma_start3A_152 = arith.constant 0 : i32
      %dma_start3A_153 = tpu.memref_slice %arg8[%dma_start3A_145, %dma_start3A_152] : memref<40x64xi32, #tpu.memory_space<vmem>> -> memref<1x64xi32, #tpu.memory_space<vmem>>
      %dma_start3A_154 = tpu.memref_squeeze %dma_start3A_153 : memref<1x64xi32, #tpu.memory_space<vmem>> -> memref<64xi32, #tpu.memory_space<vmem>>
      %dma_start3A_155 = arith.constant 0 : i32
      %dma_start3A_156 = arith.constant 0 : i32
      %dma_start3A_157 = tpu.memref_slice %arg4[%dma_start3A_155, %dma_start3A_156] : memref<10000x128xf32, #tpu.memory_space<hbm>> -> memref<10000x128xf32, #tpu.memory_space<hbm>>
      %dma_start3A_158 = tpu.memref_slice %arg12[%dma_start3A_147] : memref<4x!tpu.dma_semaphore, #tpu.memory_space<semaphore_mem>> -> memref<1x!tpu.dma_semaphore, #tpu.memory_space<semaphore_mem>>
      %dma_start3A_159 = tpu.memref_squeeze %dma_start3A_158 : memref<1x!tpu.dma_semaphore, #tpu.memory_space<semaphore_mem>> -> memref<!tpu.dma_semaphore, #tpu.memory_space<semaphore_mem>>
      tpu.enqueue_indirect_dma source(%dma_start3A_157 : memref<10000x128xf32, #tpu.memory_space<hbm>>) target(%dma_start3A_151 : memref<64x128xf32, #tpu.memory_space<vmem>>) offsets(%dma_start3A_154 : memref<64xi32, #tpu.memory_space<vmem>>) semaphore(%dma_start3A_159 : memref<!tpu.dma_semaphore, #tpu.memory_space<semaphore_mem>>)
      %dma_start3A_160 = arith.constant 1 : i32
      %dma_start3A_161 = arith.constant 1 : i32
      %dma_start3A_162 = arith.constant 1 : i32
      %dma_start3A_163 = arith.constant 0 : i32
      %dma_start3A_164 = arith.constant 0 : i32
      %dma_start3A_165 = tpu.memref_slice %arg10[%dma_start3A_161, %dma_start3A_163, %dma_start3A_164] : memref<4x64x128xf32, #tpu.memory_space<vmem>> -> memref<1x64x128xf32, #tpu.memory_space<vmem>>
      %dma_start3A_166 = tpu.memref_squeeze %dma_start3A_165 : memref<1x64x128xf32, #tpu.memory_space<vmem>> -> memref<64x128xf32, #tpu.memory_space<vmem>>
      %dma_start3A_167 = arith.constant 0 : i32
      %dma_start3A_168 = tpu.memref_slice %arg8[%dma_start3A_160, %dma_start3A_167] : memref<40x64xi32, #tpu.memory_space<vmem>> -> memref<1x64xi32, #tpu.memory_space<vmem>>
      %dma_start3A_169 = tpu.memref_squeeze %dma_start3A_168 : memref<1x64xi32, #tpu.memory_space<vmem>> -> memref<64xi32, #tpu.memory_space<vmem>>
      %dma_start3A_170 = arith.constant 0 : i32
      %dma_start3A_171 = arith.constant 0 : i32
      %dma_start3A_172 = tpu.memref_slice %arg4[%dma_start3A_170, %dma_start3A_171] : memref<10000x128xf32, #tpu.memory_space<hbm>> -> memref<10000x128xf32, #tpu.memory_space<hbm>>
      %dma_start3A_173 = tpu.memref_slice %arg12[%dma_start3A_162] : memref<4x!tpu.dma_semaphore, #tpu.memory_space<semaphore_mem>> -> memref<1x!tpu.dma_semaphore, #tpu.memory_space<semaphore_mem>>
      %dma_start3A_174 = tpu.memref_squeeze %dma_start3A_173 : memref<1x!tpu.dma_semaphore, #tpu.memory_space<semaphore_mem>> -> memref<!tpu.dma_semaphore, #tpu.memory_space<semaphore_mem>>
      tpu.enqueue_indirect_dma source(%dma_start3A_172 : memref<10000x128xf32, #tpu.memory_space<hbm>>) target(%dma_start3A_166 : memref<64x128xf32, #tpu.memory_space<vmem>>) offsets(%dma_start3A_169 : memref<64xi32, #tpu.memory_space<vmem>>) semaphore(%dma_start3A_174 : memref<!tpu.dma_semaphore, #tpu.memory_space<semaphore_mem>>)
      %dma_start3A_175 = arith.constant 2 : i32
      %dma_start3A_176 = arith.constant 2 : i32
      %dma_start3A_177 = arith.constant 2 : i32
      %dma_start3A_178 = arith.constant 0 : i32
      %dma_start3A_179 = arith.constant 0 : i32
      %dma_start3A_180 = tpu.memref_slice %arg10[%dma_start3A_176, %dma_start3A_178, %dma_start3A_179] : memref<4x64x128xf32, #tpu.memory_space<vmem>> -> memref<1x64x128xf32, #tpu.memory_space<vmem>>
      %dma_start3A_181 = tpu.memref_squeeze %dma_start3A_180 : memref<1x64x128xf32, #tpu.memory_space<vmem>> -> memref<64x128xf32, #tpu.memory_space<vmem>>
      %dma_start3A_182 = arith.constant 0 : i32
      %dma_start3A_183 = tpu.memref_slice %arg8[%dma_start3A_175, %dma_start3A_182] : memref<40x64xi32, #tpu.memory_space<vmem>> -> memref<1x64xi32, #tpu.memory_space<vmem>>
      %dma_start3A_184 = tpu.memref_squeeze %dma_start3A_183 : memref<1x64xi32, #tpu.memory_space<vmem>> -> memref<64xi32, #tpu.memory_space<vmem>>
      %dma_start3A_185 = arith.constant 0 : i32
      %dma_start3A_186 = arith.constant 0 : i32
      %dma_start3A_187 = tpu.memref_slice %arg4[%dma_start3A_185, %dma_start3A_186] : memref<10000x128xf32, #tpu.memory_space<hbm>> -> memref<10000x128xf32, #tpu.memory_space<hbm>>
      %dma_start3A_188 = tpu.memref_slice %arg12[%dma_start3A_177] : memref<4x!tpu.dma_semaphore, #tpu.memory_space<semaphore_mem>> -> memref<1x!tpu.dma_semaphore, #tpu.memory_space<semaphore_mem>>
      %dma_start3A_189 = tpu.memref_squeeze %dma_start3A_188 : memref<1x!tpu.dma_semaphore, #tpu.memory_space<semaphore_mem>> -> memref<!tpu.dma_semaphore, #tpu.memory_space<semaphore_mem>>
      tpu.enqueue_indirect_dma source(%dma_start3A_187 : memref<10000x128xf32, #tpu.memory_space<hbm>>) target(%dma_start3A_181 : memref<64x128xf32, #tpu.memory_space<vmem>>) offsets(%dma_start3A_184 : memref<64xi32, #tpu.memory_space<vmem>>) semaphore(%dma_start3A_189 : memref<!tpu.dma_semaphore, #tpu.memory_space<semaphore_mem>>)
      %dma_start3A_190 = arith.constant 3 : i32
      %dma_start3A_191 = arith.constant 3 : i32
      %dma_start3A_192 = arith.constant 3 : i32
      %dma_start3A_193 = arith.constant 0 : i32
      %dma_start3A_194 = arith.constant 0 : i32
      %dma_start3A_195 = tpu.memref_slice %arg10[%dma_start3A_191, %dma_start3A_193, %dma_start3A_194] : memref<4x64x128xf32, #tpu.memory_space<vmem>> -> memref<1x64x128xf32, #tpu.memory_space<vmem>>
      %dma_start3A_196 = tpu.memref_squeeze %dma_start3A_195 : memref<1x64x128xf32, #tpu.memory_space<vmem>> -> memref<64x128xf32, #tpu.memory_space<vmem>>
      %dma_start3A_197 = arith.constant 0 : i32
      %dma_start3A_198 = tpu.memref_slice %arg8[%dma_start3A_190, %dma_start3A_197] : memref<40x64xi32, #tpu.memory_space<vmem>> -> memref<1x64xi32, #tpu.memory_space<vmem>>
      %dma_start3A_199 = tpu.memref_squeeze %dma_start3A_198 : memref<1x64xi32, #tpu.memory_space<vmem>> -> memref<64xi32, #tpu.memory_space<vmem>>
      %dma_start3A_200 = arith.constant 0 : i32
      %dma_start3A_201 = arith.constant 0 : i32
      %dma_start3A_202 = tpu.memref_slice %arg4[%dma_start3A_200, %dma_start3A_201] : memref<10000x128xf32, #tpu.memory_space<hbm>> -> memref<10000x128xf32, #tpu.memory_space<hbm>>
      %dma_start3A_203 = tpu.memref_slice %arg12[%dma_start3A_192] : memref<4x!tpu.dma_semaphore, #tpu.memory_space<semaphore_mem>> -> memref<1x!tpu.dma_semaphore, #tpu.memory_space<semaphore_mem>>
      %dma_start3A_204 = tpu.memref_squeeze %dma_start3A_203 : memref<1x!tpu.dma_semaphore, #tpu.memory_space<semaphore_mem>> -> memref<!tpu.dma_semaphore, #tpu.memory_space<semaphore_mem>>
      tpu.enqueue_indirect_dma source(%dma_start3A_202 : memref<10000x128xf32, #tpu.memory_space<hbm>>) target(%dma_start3A_196 : memref<64x128xf32, #tpu.memory_space<vmem>>) offsets(%dma_start3A_199 : memref<64xi32, #tpu.memory_space<vmem>>) semaphore(%dma_start3A_204 : memref<!tpu.dma_semaphore, #tpu.memory_space<semaphore_mem>>)
      %scan3A_205 = arith.constant 0 : i32
      %scan3A_206 = arith.constant 0 : i32
      %scan3A_207 = arith.constant 10 : i32
      %scan3A_208 = arith.addi %scan3A_206, %scan3A_207 : i32
      %scan3A_209 = arith.constant 1 : i32
      scf.for %scan3A_277 = %scan3A_206 to %scan3A_208 step %scan3A_209  : i32 {
        %mul3A_278 = arith.constant 4 : i32
        %mul3A_279 = arith.muli %scan3A_277, %mul3A_278 : i32
        %add3A = arith.constant 0 : i32
        %add3A_280 = arith.addi %mul3A_279, %add3A : i32
        %dma_wait3A = arith.constant 0 : i32
        %dma_wait3A_281 = arith.constant 0 : i32
        %dma_wait3A_282 = arith.constant 0 : i32
        %dma_wait3A_283 = arith.constant 0 : i32
        %dma_wait3A_284 = tpu.memref_slice %arg10[%dma_wait3A, %dma_wait3A_282, %dma_wait3A_283] : memref<4x64x128xf32, #tpu.memory_space<vmem>> -> memref<1x64x128xf32, #tpu.memory_space<vmem>>
        %dma_wait3A_285 = tpu.memref_squeeze %dma_wait3A_284 : memref<1x64x128xf32, #tpu.memory_space<vmem>> -> memref<64x128xf32, #tpu.memory_space<vmem>>
        %dma_wait3A_286 = arith.constant 0 : i32
        %dma_wait3A_287 = tpu.memref_slice %arg8[%add3A_280, %dma_wait3A_286] : memref<40x64xi32, #tpu.memory_space<vmem>> -> memref<1x64xi32, #tpu.memory_space<vmem>>
        %dma_wait3A_288 = tpu.memref_squeeze %dma_wait3A_287 : memref<1x64xi32, #tpu.memory_space<vmem>> -> memref<64xi32, #tpu.memory_space<vmem>>
        %dma_wait3A_289 = arith.constant 0 : i32
        %dma_wait3A_290 = arith.constant 0 : i32
        %dma_wait3A_291 = tpu.memref_slice %arg4[%dma_wait3A_289, %dma_wait3A_290] : memref<10000x128xf32, #tpu.memory_space<hbm>> -> memref<10000x128xf32, #tpu.memory_space<hbm>>
        %dma_wait3A_292 = tpu.memref_slice %arg12[%dma_wait3A_281] : memref<4x!tpu.dma_semaphore, #tpu.memory_space<semaphore_mem>> -> memref<1x!tpu.dma_semaphore, #tpu.memory_space<semaphore_mem>>
        %dma_wait3A_293 = tpu.memref_squeeze %dma_wait3A_292 : memref<1x!tpu.dma_semaphore, #tpu.memory_space<semaphore_mem>> -> memref<!tpu.dma_semaphore, #tpu.memory_space<semaphore_mem>>
        tpu.wait_indirect_dma semaphore(%dma_wait3A_293 : memref<!tpu.dma_semaphore, #tpu.memory_space<semaphore_mem>>) src(%dma_wait3A_291 : memref<10000x128xf32, #tpu.memory_space<hbm>>) dst(%dma_wait3A_285 : memref<64x128xf32, #tpu.memory_space<vmem>>)
        %run_scoped3A = arith.constant 0 : i32
        "tpu.region"() ({
          %run_scoped3A_378 = tpu.sem_alloc : memref<!tpu.dma_semaphore, #tpu.memory_space<semaphore_mem>>
          %dma_start3A_379 = arith.constant 0 : i32
          %dma_start3A_380 = arith.constant 0 : i32
          %dma_start3A_381 = tpu.memref_slice %arg10[%run_scoped3A, %dma_start3A_379, %dma_start3A_380] : memref<4x64x128xf32, #tpu.memory_space<vmem>> -> memref<1x64x128xf32, #tpu.memory_space<vmem>>
          %dma_start3A_382 = tpu.memref_squeeze %dma_start3A_381 : memref<1x64x128xf32, #tpu.memory_space<vmem>> -> memref<64x128xf32, #tpu.memory_space<vmem>>
          %dma_start3A_383 = arith.constant 0 : i32
          %dma_start3A_384 = tpu.memref_slice %arg9[%add3A_280, %dma_start3A_383] : memref<40x64xi32, #tpu.memory_space<vmem>> -> memref<1x64xi32, #tpu.memory_space<vmem>>
          %dma_start3A_385 = tpu.memref_squeeze %dma_start3A_384 : memref<1x64xi32, #tpu.memory_space<vmem>> -> memref<64xi32, #tpu.memory_space<vmem>>
          %dma_start3A_386 = arith.constant 0 : i32
          %dma_start3A_387 = arith.constant 0 : i32
          %dma_start3A_388 = tpu.memref_slice %arg11[%dma_start3A_386, %dma_start3A_387] : memref<10240x128xf32, #tpu.memory_space<vmem_shared>> -> memref<10240x128xf32, #tpu.memory_space<vmem_shared>>
          tpu.enqueue_indirect_dma source(%dma_start3A_382 : memref<64x128xf32, #tpu.memory_space<vmem>>) target(%dma_start3A_388 : memref<10240x128xf32, #tpu.memory_space<vmem_shared>>) offsets(%dma_start3A_385 : memref<64xi32, #tpu.memory_space<vmem>>) semaphore(%run_scoped3A_378 : memref<!tpu.dma_semaphore, #tpu.memory_space<semaphore_mem>>) {add = true}
          %dma_wait3A_389 = arith.constant 0 : i32
          %dma_wait3A_390 = arith.constant 0 : i32
          %dma_wait3A_391 = tpu.memref_slice %arg10[%run_scoped3A, %dma_wait3A_389, %dma_wait3A_390] : memref<4x64x128xf32, #tpu.memory_space<vmem>> -> memref<1x64x128xf32, #tpu.memory_space<vmem>>
          %dma_wait3A_392 = tpu.memref_squeeze %dma_wait3A_391 : memref<1x64x128xf32, #tpu.memory_space<vmem>> -> memref<64x128xf32, #tpu.memory_space<vmem>>
          %dma_wait3A_393 = arith.constant 0 : i32
          %dma_wait3A_394 = tpu.memref_slice %arg9[%add3A_280, %dma_wait3A_393] : memref<40x64xi32, #tpu.memory_space<vmem>> -> memref<1x64xi32, #tpu.memory_space<vmem>>
          %dma_wait3A_395 = tpu.memref_squeeze %dma_wait3A_394 : memref<1x64xi32, #tpu.memory_space<vmem>> -> memref<64xi32, #tpu.memory_space<vmem>>
          %dma_wait3A_396 = arith.constant 0 : i32
          %dma_wait3A_397 = arith.constant 0 : i32
          %dma_wait3A_398 = tpu.memref_slice %arg11[%dma_wait3A_396, %dma_wait3A_397] : memref<10240x128xf32, #tpu.memory_space<vmem_shared>> -> memref<10240x128xf32, #tpu.memory_space<vmem_shared>>
          tpu.wait_indirect_dma semaphore(%run_scoped3A_378 : memref<!tpu.dma_semaphore, #tpu.memory_space<semaphore_mem>>) src(%dma_wait3A_392 : memref<64x128xf32, #tpu.memory_space<vmem>>) dst(%dma_wait3A_398 : memref<10240x128xf32, #tpu.memory_space<vmem_shared>>)
          tpu.yield
        }) : () -> ()
        %add3A_294 = arith.constant 4 : i32
        %add3A_295 = arith.addi %add3A_280, %add3A_294 : i32
        %lt3A = arith.constant 40 : i32
        %lt3A_296 = arith.cmpi slt, %add3A_295, %lt3A : i32
        %convert_element_type3A_297 = arith.extui %lt3A_296 : i1 to i32
        %cond3A_298 = arith.constant 0 : i32
        %cond3A_299 = arith.cmpi ne, %convert_element_type3A_297, %cond3A_298 : i32
        scf.if %cond3A_299 {
          %dma_start3A_378 = arith.constant 0 : i32
          %dma_start3A_379 = arith.constant 0 : i32
          %dma_start3A_380 = arith.constant 0 : i32
          %dma_start3A_381 = arith.constant 0 : i32
          %dma_start3A_382 = tpu.memref_slice %arg10[%dma_start3A_378, %dma_start3A_380, %dma_start3A_381] : memref<4x64x128xf32, #tpu.memory_space<vmem>> -> memref<1x64x128xf32, #tpu.memory_space<vmem>>
          %dma_start3A_383 = tpu.memref_squeeze %dma_start3A_382 : memref<1x64x128xf32, #tpu.memory_space<vmem>> -> memref<64x128xf32, #tpu.memory_space<vmem>>
          %dma_start3A_384 = arith.constant 0 : i32
          %dma_start3A_385 = tpu.memref_slice %arg8[%add3A_295, %dma_start3A_384] : memref<40x64xi32, #tpu.memory_space<vmem>> -> memref<1x64xi32, #tpu.memory_space<vmem>>
          %dma_start3A_386 = tpu.memref_squeeze %dma_start3A_385 : memref<1x64xi32, #tpu.memory_space<vmem>> -> memref<64xi32, #tpu.memory_space<vmem>>
          %dma_start3A_387 = arith.constant 0 : i32
          %dma_start3A_388 = arith.constant 0 : i32
          %dma_start3A_389 = tpu.memref_slice %arg4[%dma_start3A_387, %dma_start3A_388] : memref<10000x128xf32, #tpu.memory_space<hbm>> -> memref<10000x128xf32, #tpu.memory_space<hbm>>
          %dma_start3A_390 = tpu.memref_slice %arg12[%dma_start3A_379] : memref<4x!tpu.dma_semaphore, #tpu.memory_space<semaphore_mem>> -> memref<1x!tpu.dma_semaphore, #tpu.memory_space<semaphore_mem>>
          %dma_start3A_391 = tpu.memref_squeeze %dma_start3A_390 : memref<1x!tpu.dma_semaphore, #tpu.memory_space<semaphore_mem>> -> memref<!tpu.dma_semaphore, #tpu.memory_space<semaphore_mem>>
          tpu.enqueue_indirect_dma source(%dma_start3A_389 : memref<10000x128xf32, #tpu.memory_space<hbm>>) target(%dma_start3A_383 : memref<64x128xf32, #tpu.memory_space<vmem>>) offsets(%dma_start3A_386 : memref<64xi32, #tpu.memory_space<vmem>>) semaphore(%dma_start3A_391 : memref<!tpu.dma_semaphore, #tpu.memory_space<semaphore_mem>>)
        } else {
        }
        %mul3A_300 = arith.constant 4 : i32
        %mul3A_301 = arith.muli %scan3A_277, %mul3A_300 : i32
        %add3A_302 = arith.constant 1 : i32
        %add3A_303 = arith.addi %mul3A_301, %add3A_302 : i32
        %dma_wait3A_304 = arith.constant 1 : i32
        %dma_wait3A_305 = arith.constant 1 : i32
        %dma_wait3A_306 = arith.constant 0 : i32
        %dma_wait3A_307 = arith.constant 0 : i32
        %dma_wait3A_308 = tpu.memref_slice %arg10[%dma_wait3A_304, %dma_wait3A_306, %dma_wait3A_307] : memref<4x64x128xf32, #tpu.memory_space<vmem>> -> memref<1x64x128xf32, #tpu.memory_space<vmem>>
        %dma_wait3A_309 = tpu.memref_squeeze %dma_wait3A_308 : memref<1x64x128xf32, #tpu.memory_space<vmem>> -> memref<64x128xf32, #tpu.memory_space<vmem>>
        %dma_wait3A_310 = arith.constant 0 : i32
        %dma_wait3A_311 = tpu.memref_slice %arg8[%add3A_303, %dma_wait3A_310] : memref<40x64xi32, #tpu.memory_space<vmem>> -> memref<1x64xi32, #tpu.memory_space<vmem>>
        %dma_wait3A_312 = tpu.memref_squeeze %dma_wait3A_311 : memref<1x64xi32, #tpu.memory_space<vmem>> -> memref<64xi32, #tpu.memory_space<vmem>>
        %dma_wait3A_313 = arith.constant 0 : i32
        %dma_wait3A_314 = arith.constant 0 : i32
        %dma_wait3A_315 = tpu.memref_slice %arg4[%dma_wait3A_313, %dma_wait3A_314] : memref<10000x128xf32, #tpu.memory_space<hbm>> -> memref<10000x128xf32, #tpu.memory_space<hbm>>
        %dma_wait3A_316 = tpu.memref_slice %arg12[%dma_wait3A_305] : memref<4x!tpu.dma_semaphore, #tpu.memory_space<semaphore_mem>> -> memref<1x!tpu.dma_semaphore, #tpu.memory_space<semaphore_mem>>
        %dma_wait3A_317 = tpu.memref_squeeze %dma_wait3A_316 : memref<1x!tpu.dma_semaphore, #tpu.memory_space<semaphore_mem>> -> memref<!tpu.dma_semaphore, #tpu.memory_space<semaphore_mem>>
        tpu.wait_indirect_dma semaphore(%dma_wait3A_317 : memref<!tpu.dma_semaphore, #tpu.memory_space<semaphore_mem>>) src(%dma_wait3A_315 : memref<10000x128xf32, #tpu.memory_space<hbm>>) dst(%dma_wait3A_309 : memref<64x128xf32, #tpu.memory_space<vmem>>)
        %run_scoped3A_318 = arith.constant 1 : i32
        "tpu.region"() ({
          %run_scoped3A_378 = tpu.sem_alloc : memref<!tpu.dma_semaphore, #tpu.memory_space<semaphore_mem>>
          %dma_start3A_379 = arith.constant 0 : i32
          %dma_start3A_380 = arith.constant 0 : i32
          %dma_start3A_381 = tpu.memref_slice %arg10[%run_scoped3A_318, %dma_start3A_379, %dma_start3A_380] : memref<4x64x128xf32, #tpu.memory_space<vmem>> -> memref<1x64x128xf32, #tpu.memory_space<vmem>>
          %dma_start3A_382 = tpu.memref_squeeze %dma_start3A_381 : memref<1x64x128xf32, #tpu.memory_space<vmem>> -> memref<64x128xf32, #tpu.memory_space<vmem>>
          %dma_start3A_383 = arith.constant 0 : i32
          %dma_start3A_384 = tpu.memref_slice %arg9[%add3A_303, %dma_start3A_383] : memref<40x64xi32, #tpu.memory_space<vmem>> -> memref<1x64xi32, #tpu.memory_space<vmem>>
          %dma_start3A_385 = tpu.memref_squeeze %dma_start3A_384 : memref<1x64xi32, #tpu.memory_space<vmem>> -> memref<64xi32, #tpu.memory_space<vmem>>
          %dma_start3A_386 = arith.constant 0 : i32
          %dma_start3A_387 = arith.constant 0 : i32
          %dma_start3A_388 = tpu.memref_slice %arg11[%dma_start3A_386, %dma_start3A_387] : memref<10240x128xf32, #tpu.memory_space<vmem_shared>> -> memref<10240x128xf32, #tpu.memory_space<vmem_shared>>
          tpu.enqueue_indirect_dma source(%dma_start3A_382 : memref<64x128xf32, #tpu.memory_space<vmem>>) target(%dma_start3A_388 : memref<10240x128xf32, #tpu.memory_space<vmem_shared>>) offsets(%dma_start3A_385 : memref<64xi32, #tpu.memory_space<vmem>>) semaphore(%run_scoped3A_378 : memref<!tpu.dma_semaphore, #tpu.memory_space<semaphore_mem>>) {add = true}
          %dma_wait3A_389 = arith.constant 0 : i32
          %dma_wait3A_390 = arith.constant 0 : i32
          %dma_wait3A_391 = tpu.memref_slice %arg10[%run_scoped3A_318, %dma_wait3A_389, %dma_wait3A_390] : memref<4x64x128xf32, #tpu.memory_space<vmem>> -> memref<1x64x128xf32, #tpu.memory_space<vmem>>
          %dma_wait3A_392 = tpu.memref_squeeze %dma_wait3A_391 : memref<1x64x128xf32, #tpu.memory_space<vmem>> -> memref<64x128xf32, #tpu.memory_space<vmem>>
          %dma_wait3A_393 = arith.constant 0 : i32
          %dma_wait3A_394 = tpu.memref_slice %arg9[%add3A_303, %dma_wait3A_393] : memref<40x64xi32, #tpu.memory_space<vmem>> -> memref<1x64xi32, #tpu.memory_space<vmem>>
          %dma_wait3A_395 = tpu.memref_squeeze %dma_wait3A_394 : memref<1x64xi32, #tpu.memory_space<vmem>> -> memref<64xi32, #tpu.memory_space<vmem>>
          %dma_wait3A_396 = arith.constant 0 : i32
          %dma_wait3A_397 = arith.constant 0 : i32
          %dma_wait3A_398 = tpu.memref_slice %arg11[%dma_wait3A_396, %dma_wait3A_397] : memref<10240x128xf32, #tpu.memory_space<vmem_shared>> -> memref<10240x128xf32, #tpu.memory_space<vmem_shared>>
          tpu.wait_indirect_dma semaphore(%run_scoped3A_378 : memref<!tpu.dma_semaphore, #tpu.memory_space<semaphore_mem>>) src(%dma_wait3A_392 : memref<64x128xf32, #tpu.memory_space<vmem>>) dst(%dma_wait3A_398 : memref<10240x128xf32, #tpu.memory_space<vmem_shared>>)
          tpu.yield
        }) : () -> ()
        %add3A_319 = arith.constant 4 : i32
        %add3A_320 = arith.addi %add3A_303, %add3A_319 : i32
        %lt3A_321 = arith.constant 40 : i32
        %lt3A_322 = arith.cmpi slt, %add3A_320, %lt3A_321 : i32
        %convert_element_type3A_323 = arith.extui %lt3A_322 : i1 to i32
        %cond3A_324 = arith.constant 0 : i32
        %cond3A_325 = arith.cmpi ne, %convert_element_type3A_323, %cond3A_324 : i32
        scf.if %cond3A_325 {
          %dma_start3A_378 = arith.constant 1 : i32
          %dma_start3A_379 = arith.constant 1 : i32
          %dma_start3A_380 = arith.constant 0 : i32
          %dma_start3A_381 = arith.constant 0 : i32
          %dma_start3A_382 = tpu.memref_slice %arg10[%dma_start3A_378, %dma_start3A_380, %dma_start3A_381] : memref<4x64x128xf32, #tpu.memory_space<vmem>> -> memref<1x64x128xf32, #tpu.memory_space<vmem>>
          %dma_start3A_383 = tpu.memref_squeeze %dma_start3A_382 : memref<1x64x128xf32, #tpu.memory_space<vmem>> -> memref<64x128xf32, #tpu.memory_space<vmem>>
          %dma_start3A_384 = arith.constant 0 : i32
          %dma_start3A_385 = tpu.memref_slice %arg8[%add3A_320, %dma_start3A_384] : memref<40x64xi32, #tpu.memory_space<vmem>> -> memref<1x64xi32, #tpu.memory_space<vmem>>
          %dma_start3A_386 = tpu.memref_squeeze %dma_start3A_385 : memref<1x64xi32, #tpu.memory_space<vmem>> -> memref<64xi32, #tpu.memory_space<vmem>>
          %dma_start3A_387 = arith.constant 0 : i32
          %dma_start3A_388 = arith.constant 0 : i32
          %dma_start3A_389 = tpu.memref_slice %arg4[%dma_start3A_387, %dma_start3A_388] : memref<10000x128xf32, #tpu.memory_space<hbm>> -> memref<10000x128xf32, #tpu.memory_space<hbm>>
          %dma_start3A_390 = tpu.memref_slice %arg12[%dma_start3A_379] : memref<4x!tpu.dma_semaphore, #tpu.memory_space<semaphore_mem>> -> memref<1x!tpu.dma_semaphore, #tpu.memory_space<semaphore_mem>>
          %dma_start3A_391 = tpu.memref_squeeze %dma_start3A_390 : memref<1x!tpu.dma_semaphore, #tpu.memory_space<semaphore_mem>> -> memref<!tpu.dma_semaphore, #tpu.memory_space<semaphore_mem>>
          tpu.enqueue_indirect_dma source(%dma_start3A_389 : memref<10000x128xf32, #tpu.memory_space<hbm>>) target(%dma_start3A_383 : memref<64x128xf32, #tpu.memory_space<vmem>>) offsets(%dma_start3A_386 : memref<64xi32, #tpu.memory_space<vmem>>) semaphore(%dma_start3A_391 : memref<!tpu.dma_semaphore, #tpu.memory_space<semaphore_mem>>)
        } else {
        }
        %mul3A_326 = arith.constant 4 : i32
        %mul3A_327 = arith.muli %scan3A_277, %mul3A_326 : i32
        %add3A_328 = arith.constant 2 : i32
        %add3A_329 = arith.addi %mul3A_327, %add3A_328 : i32
        %dma_wait3A_330 = arith.constant 2 : i32
        %dma_wait3A_331 = arith.constant 2 : i32
        %dma_wait3A_332 = arith.constant 0 : i32
        %dma_wait3A_333 = arith.constant 0 : i32
        %dma_wait3A_334 = tpu.memref_slice %arg10[%dma_wait3A_330, %dma_wait3A_332, %dma_wait3A_333] : memref<4x64x128xf32, #tpu.memory_space<vmem>> -> memref<1x64x128xf32, #tpu.memory_space<vmem>>
        %dma_wait3A_335 = tpu.memref_squeeze %dma_wait3A_334 : memref<1x64x128xf32, #tpu.memory_space<vmem>> -> memref<64x128xf32, #tpu.memory_space<vmem>>
        %dma_wait3A_336 = arith.constant 0 : i32
        %dma_wait3A_337 = tpu.memref_slice %arg8[%add3A_329, %dma_wait3A_336] : memref<40x64xi32, #tpu.memory_space<vmem>> -> memref<1x64xi32, #tpu.memory_space<vmem>>
        %dma_wait3A_338 = tpu.memref_squeeze %dma_wait3A_337 : memref<1x64xi32, #tpu.memory_space<vmem>> -> memref<64xi32, #tpu.memory_space<vmem>>
        %dma_wait3A_339 = arith.constant 0 : i32
        %dma_wait3A_340 = arith.constant 0 : i32
        %dma_wait3A_341 = tpu.memref_slice %arg4[%dma_wait3A_339, %dma_wait3A_340] : memref<10000x128xf32, #tpu.memory_space<hbm>> -> memref<10000x128xf32, #tpu.memory_space<hbm>>
        %dma_wait3A_342 = tpu.memref_slice %arg12[%dma_wait3A_331] : memref<4x!tpu.dma_semaphore, #tpu.memory_space<semaphore_mem>> -> memref<1x!tpu.dma_semaphore, #tpu.memory_space<semaphore_mem>>
        %dma_wait3A_343 = tpu.memref_squeeze %dma_wait3A_342 : memref<1x!tpu.dma_semaphore, #tpu.memory_space<semaphore_mem>> -> memref<!tpu.dma_semaphore, #tpu.memory_space<semaphore_mem>>
        tpu.wait_indirect_dma semaphore(%dma_wait3A_343 : memref<!tpu.dma_semaphore, #tpu.memory_space<semaphore_mem>>) src(%dma_wait3A_341 : memref<10000x128xf32, #tpu.memory_space<hbm>>) dst(%dma_wait3A_335 : memref<64x128xf32, #tpu.memory_space<vmem>>)
        %run_scoped3A_344 = arith.constant 2 : i32
        "tpu.region"() ({
          %run_scoped3A_378 = tpu.sem_alloc : memref<!tpu.dma_semaphore, #tpu.memory_space<semaphore_mem>>
          %dma_start3A_379 = arith.constant 0 : i32
          %dma_start3A_380 = arith.constant 0 : i32
          %dma_start3A_381 = tpu.memref_slice %arg10[%run_scoped3A_344, %dma_start3A_379, %dma_start3A_380] : memref<4x64x128xf32, #tpu.memory_space<vmem>> -> memref<1x64x128xf32, #tpu.memory_space<vmem>>
          %dma_start3A_382 = tpu.memref_squeeze %dma_start3A_381 : memref<1x64x128xf32, #tpu.memory_space<vmem>> -> memref<64x128xf32, #tpu.memory_space<vmem>>
          %dma_start3A_383 = arith.constant 0 : i32
          %dma_start3A_384 = tpu.memref_slice %arg9[%add3A_329, %dma_start3A_383] : memref<40x64xi32, #tpu.memory_space<vmem>> -> memref<1x64xi32, #tpu.memory_space<vmem>>
          %dma_start3A_385 = tpu.memref_squeeze %dma_start3A_384 : memref<1x64xi32, #tpu.memory_space<vmem>> -> memref<64xi32, #tpu.memory_space<vmem>>
          %dma_start3A_386 = arith.constant 0 : i32
          %dma_start3A_387 = arith.constant 0 : i32
          %dma_start3A_388 = tpu.memref_slice %arg11[%dma_start3A_386, %dma_start3A_387] : memref<10240x128xf32, #tpu.memory_space<vmem_shared>> -> memref<10240x128xf32, #tpu.memory_space<vmem_shared>>
          tpu.enqueue_indirect_dma source(%dma_start3A_382 : memref<64x128xf32, #tpu.memory_space<vmem>>) target(%dma_start3A_388 : memref<10240x128xf32, #tpu.memory_space<vmem_shared>>) offsets(%dma_start3A_385 : memref<64xi32, #tpu.memory_space<vmem>>) semaphore(%run_scoped3A_378 : memref<!tpu.dma_semaphore, #tpu.memory_space<semaphore_mem>>) {add = true}
          %dma_wait3A_389 = arith.constant 0 : i32
          %dma_wait3A_390 = arith.constant 0 : i32
          %dma_wait3A_391 = tpu.memref_slice %arg10[%run_scoped3A_344, %dma_wait3A_389, %dma_wait3A_390] : memref<4x64x128xf32, #tpu.memory_space<vmem>> -> memref<1x64x128xf32, #tpu.memory_space<vmem>>
          %dma_wait3A_392 = tpu.memref_squeeze %dma_wait3A_391 : memref<1x64x128xf32, #tpu.memory_space<vmem>> -> memref<64x128xf32, #tpu.memory_space<vmem>>
          %dma_wait3A_393 = arith.constant 0 : i32
          %dma_wait3A_394 = tpu.memref_slice %arg9[%add3A_329, %dma_wait3A_393] : memref<40x64xi32, #tpu.memory_space<vmem>> -> memref<1x64xi32, #tpu.memory_space<vmem>>
          %dma_wait3A_395 = tpu.memref_squeeze %dma_wait3A_394 : memref<1x64xi32, #tpu.memory_space<vmem>> -> memref<64xi32, #tpu.memory_space<vmem>>
          %dma_wait3A_396 = arith.constant 0 : i32
          %dma_wait3A_397 = arith.constant 0 : i32
          %dma_wait3A_398 = tpu.memref_slice %arg11[%dma_wait3A_396, %dma_wait3A_397] : memref<10240x128xf32, #tpu.memory_space<vmem_shared>> -> memref<10240x128xf32, #tpu.memory_space<vmem_shared>>
          tpu.wait_indirect_dma semaphore(%run_scoped3A_378 : memref<!tpu.dma_semaphore, #tpu.memory_space<semaphore_mem>>) src(%dma_wait3A_392 : memref<64x128xf32, #tpu.memory_space<vmem>>) dst(%dma_wait3A_398 : memref<10240x128xf32, #tpu.memory_space<vmem_shared>>)
          tpu.yield
        }) : () -> ()
        %add3A_345 = arith.constant 4 : i32
        %add3A_346 = arith.addi %add3A_329, %add3A_345 : i32
        %lt3A_347 = arith.constant 40 : i32
        %lt3A_348 = arith.cmpi slt, %add3A_346, %lt3A_347 : i32
        %convert_element_type3A_349 = arith.extui %lt3A_348 : i1 to i32
        %cond3A_350 = arith.constant 0 : i32
        %cond3A_351 = arith.cmpi ne, %convert_element_type3A_349, %cond3A_350 : i32
        scf.if %cond3A_351 {
          %dma_start3A_378 = arith.constant 2 : i32
          %dma_start3A_379 = arith.constant 2 : i32
          %dma_start3A_380 = arith.constant 0 : i32
          %dma_start3A_381 = arith.constant 0 : i32
          %dma_start3A_382 = tpu.memref_slice %arg10[%dma_start3A_378, %dma_start3A_380, %dma_start3A_381] : memref<4x64x128xf32, #tpu.memory_space<vmem>> -> memref<1x64x128xf32, #tpu.memory_space<vmem>>
          %dma_start3A_383 = tpu.memref_squeeze %dma_start3A_382 : memref<1x64x128xf32, #tpu.memory_space<vmem>> -> memref<64x128xf32, #tpu.memory_space<vmem>>
          %dma_start3A_384 = arith.constant 0 : i32
          %dma_start3A_385 = tpu.memref_slice %arg8[%add3A_346, %dma_start3A_384] : memref<40x64xi32, #tpu.memory_space<vmem>> -> memref<1x64xi32, #tpu.memory_space<vmem>>
          %dma_start3A_386 = tpu.memref_squeeze %dma_start3A_385 : memref<1x64xi32, #tpu.memory_space<vmem>> -> memref<64xi32, #tpu.memory_space<vmem>>
          %dma_start3A_387 = arith.constant 0 : i32
          %dma_start3A_388 = arith.constant 0 : i32
          %dma_start3A_389 = tpu.memref_slice %arg4[%dma_start3A_387, %dma_start3A_388] : memref<10000x128xf32, #tpu.memory_space<hbm>> -> memref<10000x128xf32, #tpu.memory_space<hbm>>
          %dma_start3A_390 = tpu.memref_slice %arg12[%dma_start3A_379] : memref<4x!tpu.dma_semaphore, #tpu.memory_space<semaphore_mem>> -> memref<1x!tpu.dma_semaphore, #tpu.memory_space<semaphore_mem>>
          %dma_start3A_391 = tpu.memref_squeeze %dma_start3A_390 : memref<1x!tpu.dma_semaphore, #tpu.memory_space<semaphore_mem>> -> memref<!tpu.dma_semaphore, #tpu.memory_space<semaphore_mem>>
          tpu.enqueue_indirect_dma source(%dma_start3A_389 : memref<10000x128xf32, #tpu.memory_space<hbm>>) target(%dma_start3A_383 : memref<64x128xf32, #tpu.memory_space<vmem>>) offsets(%dma_start3A_386 : memref<64xi32, #tpu.memory_space<vmem>>) semaphore(%dma_start3A_391 : memref<!tpu.dma_semaphore, #tpu.memory_space<semaphore_mem>>)
        } else {
        }
        %mul3A_352 = arith.constant 4 : i32
        %mul3A_353 = arith.muli %scan3A_277, %mul3A_352 : i32
        %add3A_354 = arith.constant 3 : i32
        %add3A_355 = arith.addi %mul3A_353, %add3A_354 : i32
        %dma_wait3A_356 = arith.constant 3 : i32
        %dma_wait3A_357 = arith.constant 3 : i32
        %dma_wait3A_358 = arith.constant 0 : i32
        %dma_wait3A_359 = arith.constant 0 : i32
        %dma_wait3A_360 = tpu.memref_slice %arg10[%dma_wait3A_356, %dma_wait3A_358, %dma_wait3A_359] : memref<4x64x128xf32, #tpu.memory_space<vmem>> -> memref<1x64x128xf32, #tpu.memory_space<vmem>>
        %dma_wait3A_361 = tpu.memref_squeeze %dma_wait3A_360 : memref<1x64x128xf32, #tpu.memory_space<vmem>> -> memref<64x128xf32, #tpu.memory_space<vmem>>
        %dma_wait3A_362 = arith.constant 0 : i32
        %dma_wait3A_363 = tpu.memref_slice %arg8[%add3A_355, %dma_wait3A_362] : memref<40x64xi32, #tpu.memory_space<vmem>> -> memref<1x64xi32, #tpu.memory_space<vmem>>
        %dma_wait3A_364 = tpu.memref_squeeze %dma_wait3A_363 : memref<1x64xi32, #tpu.memory_space<vmem>> -> memref<64xi32, #tpu.memory_space<vmem>>
        %dma_wait3A_365 = arith.constant 0 : i32
        %dma_wait3A_366 = arith.constant 0 : i32
        %dma_wait3A_367 = tpu.memref_slice %arg4[%dma_wait3A_365, %dma_wait3A_366] : memref<10000x128xf32, #tpu.memory_space<hbm>> -> memref<10000x128xf32, #tpu.memory_space<hbm>>
        %dma_wait3A_368 = tpu.memref_slice %arg12[%dma_wait3A_357] : memref<4x!tpu.dma_semaphore, #tpu.memory_space<semaphore_mem>> -> memref<1x!tpu.dma_semaphore, #tpu.memory_space<semaphore_mem>>
        %dma_wait3A_369 = tpu.memref_squeeze %dma_wait3A_368 : memref<1x!tpu.dma_semaphore, #tpu.memory_space<semaphore_mem>> -> memref<!tpu.dma_semaphore, #tpu.memory_space<semaphore_mem>>
        tpu.wait_indirect_dma semaphore(%dma_wait3A_369 : memref<!tpu.dma_semaphore, #tpu.memory_space<semaphore_mem>>) src(%dma_wait3A_367 : memref<10000x128xf32, #tpu.memory_space<hbm>>) dst(%dma_wait3A_361 : memref<64x128xf32, #tpu.memory_space<vmem>>)
        %run_scoped3A_370 = arith.constant 3 : i32
        "tpu.region"() ({
          %run_scoped3A_378 = tpu.sem_alloc : memref<!tpu.dma_semaphore, #tpu.memory_space<semaphore_mem>>
          %dma_start3A_379 = arith.constant 0 : i32
          %dma_start3A_380 = arith.constant 0 : i32
          %dma_start3A_381 = tpu.memref_slice %arg10[%run_scoped3A_370, %dma_start3A_379, %dma_start3A_380] : memref<4x64x128xf32, #tpu.memory_space<vmem>> -> memref<1x64x128xf32, #tpu.memory_space<vmem>>
          %dma_start3A_382 = tpu.memref_squeeze %dma_start3A_381 : memref<1x64x128xf32, #tpu.memory_space<vmem>> -> memref<64x128xf32, #tpu.memory_space<vmem>>
          %dma_start3A_383 = arith.constant 0 : i32
          %dma_start3A_384 = tpu.memref_slice %arg9[%add3A_355, %dma_start3A_383] : memref<40x64xi32, #tpu.memory_space<vmem>> -> memref<1x64xi32, #tpu.memory_space<vmem>>
          %dma_start3A_385 = tpu.memref_squeeze %dma_start3A_384 : memref<1x64xi32, #tpu.memory_space<vmem>> -> memref<64xi32, #tpu.memory_space<vmem>>
          %dma_start3A_386 = arith.constant 0 : i32
          %dma_start3A_387 = arith.constant 0 : i32
          %dma_start3A_388 = tpu.memref_slice %arg11[%dma_start3A_386, %dma_start3A_387] : memref<10240x128xf32, #tpu.memory_space<vmem_shared>> -> memref<10240x128xf32, #tpu.memory_space<vmem_shared>>
          tpu.enqueue_indirect_dma source(%dma_start3A_382 : memref<64x128xf32, #tpu.memory_space<vmem>>) target(%dma_start3A_388 : memref<10240x128xf32, #tpu.memory_space<vmem_shared>>) offsets(%dma_start3A_385 : memref<64xi32, #tpu.memory_space<vmem>>) semaphore(%run_scoped3A_378 : memref<!tpu.dma_semaphore, #tpu.memory_space<semaphore_mem>>) {add = true}
          %dma_wait3A_389 = arith.constant 0 : i32
          %dma_wait3A_390 = arith.constant 0 : i32
          %dma_wait3A_391 = tpu.memref_slice %arg10[%run_scoped3A_370, %dma_wait3A_389, %dma_wait3A_390] : memref<4x64x128xf32, #tpu.memory_space<vmem>> -> memref<1x64x128xf32, #tpu.memory_space<vmem>>
          %dma_wait3A_392 = tpu.memref_squeeze %dma_wait3A_391 : memref<1x64x128xf32, #tpu.memory_space<vmem>> -> memref<64x128xf32, #tpu.memory_space<vmem>>
          %dma_wait3A_393 = arith.constant 0 : i32
          %dma_wait3A_394 = tpu.memref_slice %arg9[%add3A_355, %dma_wait3A_393] : memref<40x64xi32, #tpu.memory_space<vmem>> -> memref<1x64xi32, #tpu.memory_space<vmem>>
          %dma_wait3A_395 = tpu.memref_squeeze %dma_wait3A_394 : memref<1x64xi32, #tpu.memory_space<vmem>> -> memref<64xi32, #tpu.memory_space<vmem>>
          %dma_wait3A_396 = arith.constant 0 : i32
          %dma_wait3A_397 = arith.constant 0 : i32
          %dma_wait3A_398 = tpu.memref_slice %arg11[%dma_wait3A_396, %dma_wait3A_397] : memref<10240x128xf32, #tpu.memory_space<vmem_shared>> -> memref<10240x128xf32, #tpu.memory_space<vmem_shared>>
          tpu.wait_indirect_dma semaphore(%run_scoped3A_378 : memref<!tpu.dma_semaphore, #tpu.memory_space<semaphore_mem>>) src(%dma_wait3A_392 : memref<64x128xf32, #tpu.memory_space<vmem>>) dst(%dma_wait3A_398 : memref<10240x128xf32, #tpu.memory_space<vmem_shared>>)
          tpu.yield
        }) : () -> ()
        %add3A_371 = arith.constant 4 : i32
        %add3A_372 = arith.addi %add3A_355, %add3A_371 : i32
        %lt3A_373 = arith.constant 40 : i32
        %lt3A_374 = arith.cmpi slt, %add3A_372, %lt3A_373 : i32
        %convert_element_type3A_375 = arith.extui %lt3A_374 : i1 to i32
        %cond3A_376 = arith.constant 0 : i32
        %cond3A_377 = arith.cmpi ne, %convert_element_type3A_375, %cond3A_376 : i32
        scf.if %cond3A_377 {
          %dma_start3A_378 = arith.constant 3 : i32
          %dma_start3A_379 = arith.constant 3 : i32
          %dma_start3A_380 = arith.constant 0 : i32
          %dma_start3A_381 = arith.constant 0 : i32
          %dma_start3A_382 = tpu.memref_slice %arg10[%dma_start3A_378, %dma_start3A_380, %dma_start3A_381] : memref<4x64x128xf32, #tpu.memory_space<vmem>> -> memref<1x64x128xf32, #tpu.memory_space<vmem>>
          %dma_start3A_383 = tpu.memref_squeeze %dma_start3A_382 : memref<1x64x128xf32, #tpu.memory_space<vmem>> -> memref<64x128xf32, #tpu.memory_space<vmem>>
          %dma_start3A_384 = arith.constant 0 : i32
          %dma_start3A_385 = tpu.memref_slice %arg8[%add3A_372, %dma_start3A_384] : memref<40x64xi32, #tpu.memory_space<vmem>> -> memref<1x64xi32, #tpu.memory_space<vmem>>
          %dma_start3A_386 = tpu.memref_squeeze %dma_start3A_385 : memref<1x64xi32, #tpu.memory_space<vmem>> -> memref<64xi32, #tpu.memory_space<vmem>>
          %dma_start3A_387 = arith.constant 0 : i32
          %dma_start3A_388 = arith.constant 0 : i32
          %dma_start3A_389 = tpu.memref_slice %arg4[%dma_start3A_387, %dma_start3A_388] : memref<10000x128xf32, #tpu.memory_space<hbm>> -> memref<10000x128xf32, #tpu.memory_space<hbm>>
          %dma_start3A_390 = tpu.memref_slice %arg12[%dma_start3A_379] : memref<4x!tpu.dma_semaphore, #tpu.memory_space<semaphore_mem>> -> memref<1x!tpu.dma_semaphore, #tpu.memory_space<semaphore_mem>>
          %dma_start3A_391 = tpu.memref_squeeze %dma_start3A_390 : memref<1x!tpu.dma_semaphore, #tpu.memory_space<semaphore_mem>> -> memref<!tpu.dma_semaphore, #tpu.memory_space<semaphore_mem>>
          tpu.enqueue_indirect_dma source(%dma_start3A_389 : memref<10000x128xf32, #tpu.memory_space<hbm>>) target(%dma_start3A_383 : memref<64x128xf32, #tpu.memory_space<vmem>>) offsets(%dma_start3A_386 : memref<64xi32, #tpu.memory_space<vmem>>) semaphore(%dma_start3A_391 : memref<!tpu.dma_semaphore, #tpu.memory_space<semaphore_mem>>)
        } else {
        }
      }
      %scan3A_210 = arith.constant 10 : i32
      "tpu.region"() ({
        %run_scoped3A = tpu.sem_alloc : memref<!tpu.dma_semaphore, #tpu.memory_space<semaphore_mem>>
        %dma_start3A_277 = arith.constant 120 : i32
        %dma_start3A_278 = arith.constant 0 : i32
        %dma_start3A_279 = tpu.memref_slice %arg2[%arg1, %dma_start3A_277, %dma_start3A_278] : memref<16x160x64xi32, #tpu.memory_space<hbm>> -> memref<1x40x64xi32, #tpu.memory_space<hbm>>
        %dma_start3A_280 = tpu.memref_squeeze %dma_start3A_279 : memref<1x40x64xi32, #tpu.memory_space<hbm>> -> memref<40x64xi32, #tpu.memory_space<hbm>>
        %dma_start3A_281 = arith.constant 120 : i32
        %dma_start3A_282 = arith.constant 0 : i32
        %dma_start3A_283 = tpu.memref_slice %arg2[%arg1, %dma_start3A_281, %dma_start3A_282] : memref<16x160x64xi32, #tpu.memory_space<hbm>> -> memref<1x40x64xi32, #tpu.memory_space<hbm>>
        %dma_start3A_284 = tpu.memref_squeeze %dma_start3A_283 : memref<1x40x64xi32, #tpu.memory_space<hbm>> -> memref<40x64xi32, #tpu.memory_space<hbm>>
        tpu.enqueue_dma source(%dma_start3A_284 : memref<40x64xi32, #tpu.memory_space<hbm>>) target(%arg8 : memref<40x64xi32, #tpu.memory_space<vmem>>) target_semaphore(%run_scoped3A : memref<!tpu.dma_semaphore, #tpu.memory_space<semaphore_mem>>)
        %dma_wait3A = arith.constant 120 : i32
        %dma_wait3A_285 = arith.constant 0 : i32
        %dma_wait3A_286 = tpu.memref_slice %arg2[%arg1, %dma_wait3A, %dma_wait3A_285] : memref<16x160x64xi32, #tpu.memory_space<hbm>> -> memref<1x40x64xi32, #tpu.memory_space<hbm>>
        %dma_wait3A_287 = tpu.memref_squeeze %dma_wait3A_286 : memref<1x40x64xi32, #tpu.memory_space<hbm>> -> memref<40x64xi32, #tpu.memory_space<hbm>>
        %dma_wait3A_288 = arith.constant 120 : i32
        %dma_wait3A_289 = arith.constant 0 : i32
        %dma_wait3A_290 = tpu.memref_slice %arg2[%arg1, %dma_wait3A_288, %dma_wait3A_289] : memref<16x160x64xi32, #tpu.memory_space<hbm>> -> memref<1x40x64xi32, #tpu.memory_space<hbm>>
        %dma_wait3A_291 = tpu.memref_squeeze %dma_wait3A_290 : memref<1x40x64xi32, #tpu.memory_space<hbm>> -> memref<40x64xi32, #tpu.memory_space<hbm>>
        tpu.wait_dma2 semaphore(%run_scoped3A : memref<!tpu.dma_semaphore, #tpu.memory_space<semaphore_mem>>) src(%dma_wait3A_291 : memref<40x64xi32, #tpu.memory_space<hbm>>) dst(%arg8 : memref<40x64xi32, #tpu.memory_space<vmem>>)
        tpu.yield
      }) : () -> ()
      "tpu.region"() ({
        %run_scoped3A = tpu.sem_alloc : memref<!tpu.dma_semaphore, #tpu.memory_space<semaphore_mem>>
        %dma_start3A_277 = arith.constant 120 : i32
        %dma_start3A_278 = arith.constant 0 : i32
        %dma_start3A_279 = tpu.memref_slice %arg3[%arg1, %dma_start3A_277, %dma_start3A_278] : memref<16x160x64xi32, #tpu.memory_space<hbm>> -> memref<1x40x64xi32, #tpu.memory_space<hbm>>
        %dma_start3A_280 = tpu.memref_squeeze %dma_start3A_279 : memref<1x40x64xi32, #tpu.memory_space<hbm>> -> memref<40x64xi32, #tpu.memory_space<hbm>>
        %dma_start3A_281 = arith.constant 120 : i32
        %dma_start3A_282 = arith.constant 0 : i32
        %dma_start3A_283 = tpu.memref_slice %arg3[%arg1, %dma_start3A_281, %dma_start3A_282] : memref<16x160x64xi32, #tpu.memory_space<hbm>> -> memref<1x40x64xi32, #tpu.memory_space<hbm>>
        %dma_start3A_284 = tpu.memref_squeeze %dma_start3A_283 : memref<1x40x64xi32, #tpu.memory_space<hbm>> -> memref<40x64xi32, #tpu.memory_space<hbm>>
        tpu.enqueue_dma source(%dma_start3A_284 : memref<40x64xi32, #tpu.memory_space<hbm>>) target(%arg9 : memref<40x64xi32, #tpu.memory_space<vmem>>) target_semaphore(%run_scoped3A : memref<!tpu.dma_semaphore, #tpu.memory_space<semaphore_mem>>)
        %dma_wait3A = arith.constant 120 : i32
        %dma_wait3A_285 = arith.constant 0 : i32
        %dma_wait3A_286 = tpu.memref_slice %arg3[%arg1, %dma_wait3A, %dma_wait3A_285] : memref<16x160x64xi32, #tpu.memory_space<hbm>> -> memref<1x40x64xi32, #tpu.memory_space<hbm>>
        %dma_wait3A_287 = tpu.memref_squeeze %dma_wait3A_286 : memref<1x40x64xi32, #tpu.memory_space<hbm>> -> memref<40x64xi32, #tpu.memory_space<hbm>>
        %dma_wait3A_288 = arith.constant 120 : i32
        %dma_wait3A_289 = arith.constant 0 : i32
        %dma_wait3A_290 = tpu.memref_slice %arg3[%arg1, %dma_wait3A_288, %dma_wait3A_289] : memref<16x160x64xi32, #tpu.memory_space<hbm>> -> memref<1x40x64xi32, #tpu.memory_space<hbm>>
        %dma_wait3A_291 = tpu.memref_squeeze %dma_wait3A_290 : memref<1x40x64xi32, #tpu.memory_space<hbm>> -> memref<40x64xi32, #tpu.memory_space<hbm>>
        tpu.wait_dma2 semaphore(%run_scoped3A : memref<!tpu.dma_semaphore, #tpu.memory_space<semaphore_mem>>) src(%dma_wait3A_291 : memref<40x64xi32, #tpu.memory_space<hbm>>) dst(%arg9 : memref<40x64xi32, #tpu.memory_space<vmem>>)
        tpu.yield
      }) : () -> ()
      %dma_start3A_211 = arith.constant 0 : i32
      %dma_start3A_212 = arith.constant 0 : i32
      %dma_start3A_213 = arith.constant 0 : i32
      %dma_start3A_214 = arith.constant 0 : i32
      %dma_start3A_215 = arith.constant 0 : i32
      %dma_start3A_216 = tpu.memref_slice %arg10[%dma_start3A_212, %dma_start3A_214, %dma_start3A_215] : memref<4x64x128xf32, #tpu.memory_space<vmem>> -> memref<1x64x128xf32, #tpu.memory_space<vmem>>
      %dma_start3A_217 = tpu.memref_squeeze %dma_start3A_216 : memref<1x64x128xf32, #tpu.memory_space<vmem>> -> memref<64x128xf32, #tpu.memory_space<vmem>>
      %dma_start3A_218 = arith.constant 0 : i32
      %dma_start3A_219 = tpu.memref_slice %arg8[%dma_start3A_211, %dma_start3A_218] : memref<40x64xi32, #tpu.memory_space<vmem>> -> memref<1x64xi32, #tpu.memory_space<vmem>>
      %dma_start3A_220 = tpu.memref_squeeze %dma_start3A_219 : memref<1x64xi32, #tpu.memory_space<vmem>> -> memref<64xi32, #tpu.memory_space<vmem>>
      %dma_start3A_221 = arith.constant 0 : i32
      %dma_start3A_222 = arith.constant 0 : i32
      %dma_start3A_223 = tpu.memref_slice %arg4[%dma_start3A_221, %dma_start3A_222] : memref<10000x128xf32, #tpu.memory_space<hbm>> -> memref<10000x128xf32, #tpu.memory_space<hbm>>
      %dma_start3A_224 = tpu.memref_slice %arg12[%dma_start3A_213] : memref<4x!tpu.dma_semaphore, #tpu.memory_space<semaphore_mem>> -> memref<1x!tpu.dma_semaphore, #tpu.memory_space<semaphore_mem>>
      %dma_start3A_225 = tpu.memref_squeeze %dma_start3A_224 : memref<1x!tpu.dma_semaphore, #tpu.memory_space<semaphore_mem>> -> memref<!tpu.dma_semaphore, #tpu.memory_space<semaphore_mem>>
      tpu.enqueue_indirect_dma source(%dma_start3A_223 : memref<10000x128xf32, #tpu.memory_space<hbm>>) target(%dma_start3A_217 : memref<64x128xf32, #tpu.memory_space<vmem>>) offsets(%dma_start3A_220 : memref<64xi32, #tpu.memory_space<vmem>>) semaphore(%dma_start3A_225 : memref<!tpu.dma_semaphore, #tpu.memory_space<semaphore_mem>>)
      %dma_start3A_226 = arith.constant 1 : i32
      %dma_start3A_227 = arith.constant 1 : i32
      %dma_start3A_228 = arith.constant 1 : i32
      %dma_start3A_229 = arith.constant 0 : i32
      %dma_start3A_230 = arith.constant 0 : i32
      %dma_start3A_231 = tpu.memref_slice %arg10[%dma_start3A_227, %dma_start3A_229, %dma_start3A_230] : memref<4x64x128xf32, #tpu.memory_space<vmem>> -> memref<1x64x128xf32, #tpu.memory_space<vmem>>
      %dma_start3A_232 = tpu.memref_squeeze %dma_start3A_231 : memref<1x64x128xf32, #tpu.memory_space<vmem>> -> memref<64x128xf32, #tpu.memory_space<vmem>>
      %dma_start3A_233 = arith.constant 0 : i32
      %dma_start3A_234 = tpu.memref_slice %arg8[%dma_start3A_226, %dma_start3A_233] : memref<40x64xi32, #tpu.memory_space<vmem>> -> memref<1x64xi32, #tpu.memory_space<vmem>>
      %dma_start3A_235 = tpu.memref_squeeze %dma_start3A_234 : memref<1x64xi32, #tpu.memory_space<vmem>> -> memref<64xi32, #tpu.memory_space<vmem>>
      %dma_start3A_236 = arith.constant 0 : i32
      %dma_start3A_237 = arith.constant 0 : i32
      %dma_start3A_238 = tpu.memref_slice %arg4[%dma_start3A_236, %dma_start3A_237] : memref<10000x128xf32, #tpu.memory_space<hbm>> -> memref<10000x128xf32, #tpu.memory_space<hbm>>
      %dma_start3A_239 = tpu.memref_slice %arg12[%dma_start3A_228] : memref<4x!tpu.dma_semaphore, #tpu.memory_space<semaphore_mem>> -> memref<1x!tpu.dma_semaphore, #tpu.memory_space<semaphore_mem>>
      %dma_start3A_240 = tpu.memref_squeeze %dma_start3A_239 : memref<1x!tpu.dma_semaphore, #tpu.memory_space<semaphore_mem>> -> memref<!tpu.dma_semaphore, #tpu.memory_space<semaphore_mem>>
      tpu.enqueue_indirect_dma source(%dma_start3A_238 : memref<10000x128xf32, #tpu.memory_space<hbm>>) target(%dma_start3A_232 : memref<64x128xf32, #tpu.memory_space<vmem>>) offsets(%dma_start3A_235 : memref<64xi32, #tpu.memory_space<vmem>>) semaphore(%dma_start3A_240 : memref<!tpu.dma_semaphore, #tpu.memory_space<semaphore_mem>>)
      %dma_start3A_241 = arith.constant 2 : i32
      %dma_start3A_242 = arith.constant 2 : i32
      %dma_start3A_243 = arith.constant 2 : i32
      %dma_start3A_244 = arith.constant 0 : i32
      %dma_start3A_245 = arith.constant 0 : i32
      %dma_start3A_246 = tpu.memref_slice %arg10[%dma_start3A_242, %dma_start3A_244, %dma_start3A_245] : memref<4x64x128xf32, #tpu.memory_space<vmem>> -> memref<1x64x128xf32, #tpu.memory_space<vmem>>
      %dma_start3A_247 = tpu.memref_squeeze %dma_start3A_246 : memref<1x64x128xf32, #tpu.memory_space<vmem>> -> memref<64x128xf32, #tpu.memory_space<vmem>>
      %dma_start3A_248 = arith.constant 0 : i32
      %dma_start3A_249 = tpu.memref_slice %arg8[%dma_start3A_241, %dma_start3A_248] : memref<40x64xi32, #tpu.memory_space<vmem>> -> memref<1x64xi32, #tpu.memory_space<vmem>>
      %dma_start3A_250 = tpu.memref_squeeze %dma_start3A_249 : memref<1x64xi32, #tpu.memory_space<vmem>> -> memref<64xi32, #tpu.memory_space<vmem>>
      %dma_start3A_251 = arith.constant 0 : i32
      %dma_start3A_252 = arith.constant 0 : i32
      %dma_start3A_253 = tpu.memref_slice %arg4[%dma_start3A_251, %dma_start3A_252] : memref<10000x128xf32, #tpu.memory_space<hbm>> -> memref<10000x128xf32, #tpu.memory_space<hbm>>
      %dma_start3A_254 = tpu.memref_slice %arg12[%dma_start3A_243] : memref<4x!tpu.dma_semaphore, #tpu.memory_space<semaphore_mem>> -> memref<1x!tpu.dma_semaphore, #tpu.memory_space<semaphore_mem>>
      %dma_start3A_255 = tpu.memref_squeeze %dma_start3A_254 : memref<1x!tpu.dma_semaphore, #tpu.memory_space<semaphore_mem>> -> memref<!tpu.dma_semaphore, #tpu.memory_space<semaphore_mem>>
      tpu.enqueue_indirect_dma source(%dma_start3A_253 : memref<10000x128xf32, #tpu.memory_space<hbm>>) target(%dma_start3A_247 : memref<64x128xf32, #tpu.memory_space<vmem>>) offsets(%dma_start3A_250 : memref<64xi32, #tpu.memory_space<vmem>>) semaphore(%dma_start3A_255 : memref<!tpu.dma_semaphore, #tpu.memory_space<semaphore_mem>>)
      %dma_start3A_256 = arith.constant 3 : i32
      %dma_start3A_257 = arith.constant 3 : i32
      %dma_start3A_258 = arith.constant 3 : i32
      %dma_start3A_259 = arith.constant 0 : i32
      %dma_start3A_260 = arith.constant 0 : i32
      %dma_start3A_261 = tpu.memref_slice %arg10[%dma_start3A_257, %dma_start3A_259, %dma_start3A_260] : memref<4x64x128xf32, #tpu.memory_space<vmem>> -> memref<1x64x128xf32, #tpu.memory_space<vmem>>
      %dma_start3A_262 = tpu.memref_squeeze %dma_start3A_261 : memref<1x64x128xf32, #tpu.memory_space<vmem>> -> memref<64x128xf32, #tpu.memory_space<vmem>>
      %dma_start3A_263 = arith.constant 0 : i32
      %dma_start3A_264 = tpu.memref_slice %arg8[%dma_start3A_256, %dma_start3A_263] : memref<40x64xi32, #tpu.memory_space<vmem>> -> memref<1x64xi32, #tpu.memory_space<vmem>>
      %dma_start3A_265 = tpu.memref_squeeze %dma_start3A_264 : memref<1x64xi32, #tpu.memory_space<vmem>> -> memref<64xi32, #tpu.memory_space<vmem>>
      %dma_start3A_266 = arith.constant 0 : i32
      %dma_start3A_267 = arith.constant 0 : i32
      %dma_start3A_268 = tpu.memref_slice %arg4[%dma_start3A_266, %dma_start3A_267] : memref<10000x128xf32, #tpu.memory_space<hbm>> -> memref<10000x128xf32, #tpu.memory_space<hbm>>
      %dma_start3A_269 = tpu.memref_slice %arg12[%dma_start3A_258] : memref<4x!tpu.dma_semaphore, #tpu.memory_space<semaphore_mem>> -> memref<1x!tpu.dma_semaphore, #tpu.memory_space<semaphore_mem>>
      %dma_start3A_270 = tpu.memref_squeeze %dma_start3A_269 : memref<1x!tpu.dma_semaphore, #tpu.memory_space<semaphore_mem>> -> memref<!tpu.dma_semaphore, #tpu.memory_space<semaphore_mem>>
      tpu.enqueue_indirect_dma source(%dma_start3A_268 : memref<10000x128xf32, #tpu.memory_space<hbm>>) target(%dma_start3A_262 : memref<64x128xf32, #tpu.memory_space<vmem>>) offsets(%dma_start3A_265 : memref<64xi32, #tpu.memory_space<vmem>>) semaphore(%dma_start3A_270 : memref<!tpu.dma_semaphore, #tpu.memory_space<semaphore_mem>>)
      %scan3A_271 = arith.constant 0 : i32
      %scan3A_272 = arith.constant 0 : i32
      %scan3A_273 = arith.constant 10 : i32
      %scan3A_274 = arith.addi %scan3A_272, %scan3A_273 : i32
      %scan3A_275 = arith.constant 1 : i32
      scf.for %scan3A_277 = %scan3A_272 to %scan3A_274 step %scan3A_275  : i32 {
        %mul3A_278 = arith.constant 4 : i32
        %mul3A_279 = arith.muli %scan3A_277, %mul3A_278 : i32
        %add3A = arith.constant 0 : i32
        %add3A_280 = arith.addi %mul3A_279, %add3A : i32
        %dma_wait3A = arith.constant 0 : i32
        %dma_wait3A_281 = arith.constant 0 : i32
        %dma_wait3A_282 = arith.constant 0 : i32
        %dma_wait3A_283 = arith.constant 0 : i32
        %dma_wait3A_284 = tpu.memref_slice %arg10[%dma_wait3A, %dma_wait3A_282, %dma_wait3A_283] : memref<4x64x128xf32, #tpu.memory_space<vmem>> -> memref<1x64x128xf32, #tpu.memory_space<vmem>>
        %dma_wait3A_285 = tpu.memref_squeeze %dma_wait3A_284 : memref<1x64x128xf32, #tpu.memory_space<vmem>> -> memref<64x128xf32, #tpu.memory_space<vmem>>
        %dma_wait3A_286 = arith.constant 0 : i32
        %dma_wait3A_287 = tpu.memref_slice %arg8[%add3A_280, %dma_wait3A_286] : memref<40x64xi32, #tpu.memory_space<vmem>> -> memref<1x64xi32, #tpu.memory_space<vmem>>
        %dma_wait3A_288 = tpu.memref_squeeze %dma_wait3A_287 : memref<1x64xi32, #tpu.memory_space<vmem>> -> memref<64xi32, #tpu.memory_space<vmem>>
        %dma_wait3A_289 = arith.constant 0 : i32
        %dma_wait3A_290 = arith.constant 0 : i32
        %dma_wait3A_291 = tpu.memref_slice %arg4[%dma_wait3A_289, %dma_wait3A_290] : memref<10000x128xf32, #tpu.memory_space<hbm>> -> memref<10000x128xf32, #tpu.memory_space<hbm>>
        %dma_wait3A_292 = tpu.memref_slice %arg12[%dma_wait3A_281] : memref<4x!tpu.dma_semaphore, #tpu.memory_space<semaphore_mem>> -> memref<1x!tpu.dma_semaphore, #tpu.memory_space<semaphore_mem>>
        %dma_wait3A_293 = tpu.memref_squeeze %dma_wait3A_292 : memref<1x!tpu.dma_semaphore, #tpu.memory_space<semaphore_mem>> -> memref<!tpu.dma_semaphore, #tpu.memory_space<semaphore_mem>>
        tpu.wait_indirect_dma semaphore(%dma_wait3A_293 : memref<!tpu.dma_semaphore, #tpu.memory_space<semaphore_mem>>) src(%dma_wait3A_291 : memref<10000x128xf32, #tpu.memory_space<hbm>>) dst(%dma_wait3A_285 : memref<64x128xf32, #tpu.memory_space<vmem>>)
        %run_scoped3A = arith.constant 0 : i32
        "tpu.region"() ({
          %run_scoped3A_378 = tpu.sem_alloc : memref<!tpu.dma_semaphore, #tpu.memory_space<semaphore_mem>>
          %dma_start3A_379 = arith.constant 0 : i32
          %dma_start3A_380 = arith.constant 0 : i32
          %dma_start3A_381 = tpu.memref_slice %arg10[%run_scoped3A, %dma_start3A_379, %dma_start3A_380] : memref<4x64x128xf32, #tpu.memory_space<vmem>> -> memref<1x64x128xf32, #tpu.memory_space<vmem>>
          %dma_start3A_382 = tpu.memref_squeeze %dma_start3A_381 : memref<1x64x128xf32, #tpu.memory_space<vmem>> -> memref<64x128xf32, #tpu.memory_space<vmem>>
          %dma_start3A_383 = arith.constant 0 : i32
          %dma_start3A_384 = tpu.memref_slice %arg9[%add3A_280, %dma_start3A_383] : memref<40x64xi32, #tpu.memory_space<vmem>> -> memref<1x64xi32, #tpu.memory_space<vmem>>
          %dma_start3A_385 = tpu.memref_squeeze %dma_start3A_384 : memref<1x64xi32, #tpu.memory_space<vmem>> -> memref<64xi32, #tpu.memory_space<vmem>>
          %dma_start3A_386 = arith.constant 0 : i32
          %dma_start3A_387 = arith.constant 0 : i32
          %dma_start3A_388 = tpu.memref_slice %arg11[%dma_start3A_386, %dma_start3A_387] : memref<10240x128xf32, #tpu.memory_space<vmem_shared>> -> memref<10240x128xf32, #tpu.memory_space<vmem_shared>>
          tpu.enqueue_indirect_dma source(%dma_start3A_382 : memref<64x128xf32, #tpu.memory_space<vmem>>) target(%dma_start3A_388 : memref<10240x128xf32, #tpu.memory_space<vmem_shared>>) offsets(%dma_start3A_385 : memref<64xi32, #tpu.memory_space<vmem>>) semaphore(%run_scoped3A_378 : memref<!tpu.dma_semaphore, #tpu.memory_space<semaphore_mem>>) {add = true}
          %dma_wait3A_389 = arith.constant 0 : i32
          %dma_wait3A_390 = arith.constant 0 : i32
          %dma_wait3A_391 = tpu.memref_slice %arg10[%run_scoped3A, %dma_wait3A_389, %dma_wait3A_390] : memref<4x64x128xf32, #tpu.memory_space<vmem>> -> memref<1x64x128xf32, #tpu.memory_space<vmem>>
          %dma_wait3A_392 = tpu.memref_squeeze %dma_wait3A_391 : memref<1x64x128xf32, #tpu.memory_space<vmem>> -> memref<64x128xf32, #tpu.memory_space<vmem>>
          %dma_wait3A_393 = arith.constant 0 : i32
          %dma_wait3A_394 = tpu.memref_slice %arg9[%add3A_280, %dma_wait3A_393] : memref<40x64xi32, #tpu.memory_space<vmem>> -> memref<1x64xi32, #tpu.memory_space<vmem>>
          %dma_wait3A_395 = tpu.memref_squeeze %dma_wait3A_394 : memref<1x64xi32, #tpu.memory_space<vmem>> -> memref<64xi32, #tpu.memory_space<vmem>>
          %dma_wait3A_396 = arith.constant 0 : i32
          %dma_wait3A_397 = arith.constant 0 : i32
          %dma_wait3A_398 = tpu.memref_slice %arg11[%dma_wait3A_396, %dma_wait3A_397] : memref<10240x128xf32, #tpu.memory_space<vmem_shared>> -> memref<10240x128xf32, #tpu.memory_space<vmem_shared>>
          tpu.wait_indirect_dma semaphore(%run_scoped3A_378 : memref<!tpu.dma_semaphore, #tpu.memory_space<semaphore_mem>>) src(%dma_wait3A_392 : memref<64x128xf32, #tpu.memory_space<vmem>>) dst(%dma_wait3A_398 : memref<10240x128xf32, #tpu.memory_space<vmem_shared>>)
          tpu.yield
        }) : () -> ()
        %add3A_294 = arith.constant 4 : i32
        %add3A_295 = arith.addi %add3A_280, %add3A_294 : i32
        %lt3A = arith.constant 40 : i32
        %lt3A_296 = arith.cmpi slt, %add3A_295, %lt3A : i32
        %convert_element_type3A_297 = arith.extui %lt3A_296 : i1 to i32
        %cond3A_298 = arith.constant 0 : i32
        %cond3A_299 = arith.cmpi ne, %convert_element_type3A_297, %cond3A_298 : i32
        scf.if %cond3A_299 {
          %dma_start3A_378 = arith.constant 0 : i32
          %dma_start3A_379 = arith.constant 0 : i32
          %dma_start3A_380 = arith.constant 0 : i32
          %dma_start3A_381 = arith.constant 0 : i32
          %dma_start3A_382 = tpu.memref_slice %arg10[%dma_start3A_378, %dma_start3A_380, %dma_start3A_381] : memref<4x64x128xf32, #tpu.memory_space<vmem>> -> memref<1x64x128xf32, #tpu.memory_space<vmem>>
          %dma_start3A_383 = tpu.memref_squeeze %dma_start3A_382 : memref<1x64x128xf32, #tpu.memory_space<vmem>> -> memref<64x128xf32, #tpu.memory_space<vmem>>
          %dma_start3A_384 = arith.constant 0 : i32
          %dma_start3A_385 = tpu.memref_slice %arg8[%add3A_295, %dma_start3A_384] : memref<40x64xi32, #tpu.memory_space<vmem>> -> memref<1x64xi32, #tpu.memory_space<vmem>>
          %dma_start3A_386 = tpu.memref_squeeze %dma_start3A_385 : memref<1x64xi32, #tpu.memory_space<vmem>> -> memref<64xi32, #tpu.memory_space<vmem>>
          %dma_start3A_387 = arith.constant 0 : i32
          %dma_start3A_388 = arith.constant 0 : i32
          %dma_start3A_389 = tpu.memref_slice %arg4[%dma_start3A_387, %dma_start3A_388] : memref<10000x128xf32, #tpu.memory_space<hbm>> -> memref<10000x128xf32, #tpu.memory_space<hbm>>
          %dma_start3A_390 = tpu.memref_slice %arg12[%dma_start3A_379] : memref<4x!tpu.dma_semaphore, #tpu.memory_space<semaphore_mem>> -> memref<1x!tpu.dma_semaphore, #tpu.memory_space<semaphore_mem>>
          %dma_start3A_391 = tpu.memref_squeeze %dma_start3A_390 : memref<1x!tpu.dma_semaphore, #tpu.memory_space<semaphore_mem>> -> memref<!tpu.dma_semaphore, #tpu.memory_space<semaphore_mem>>
          tpu.enqueue_indirect_dma source(%dma_start3A_389 : memref<10000x128xf32, #tpu.memory_space<hbm>>) target(%dma_start3A_383 : memref<64x128xf32, #tpu.memory_space<vmem>>) offsets(%dma_start3A_386 : memref<64xi32, #tpu.memory_space<vmem>>) semaphore(%dma_start3A_391 : memref<!tpu.dma_semaphore, #tpu.memory_space<semaphore_mem>>)
        } else {
        }
        %mul3A_300 = arith.constant 4 : i32
        %mul3A_301 = arith.muli %scan3A_277, %mul3A_300 : i32
        %add3A_302 = arith.constant 1 : i32
        %add3A_303 = arith.addi %mul3A_301, %add3A_302 : i32
        %dma_wait3A_304 = arith.constant 1 : i32
        %dma_wait3A_305 = arith.constant 1 : i32
        %dma_wait3A_306 = arith.constant 0 : i32
        %dma_wait3A_307 = arith.constant 0 : i32
        %dma_wait3A_308 = tpu.memref_slice %arg10[%dma_wait3A_304, %dma_wait3A_306, %dma_wait3A_307] : memref<4x64x128xf32, #tpu.memory_space<vmem>> -> memref<1x64x128xf32, #tpu.memory_space<vmem>>
        %dma_wait3A_309 = tpu.memref_squeeze %dma_wait3A_308 : memref<1x64x128xf32, #tpu.memory_space<vmem>> -> memref<64x128xf32, #tpu.memory_space<vmem>>
        %dma_wait3A_310 = arith.constant 0 : i32
        %dma_wait3A_311 = tpu.memref_slice %arg8[%add3A_303, %dma_wait3A_310] : memref<40x64xi32, #tpu.memory_space<vmem>> -> memref<1x64xi32, #tpu.memory_space<vmem>>
        %dma_wait3A_312 = tpu.memref_squeeze %dma_wait3A_311 : memref<1x64xi32, #tpu.memory_space<vmem>> -> memref<64xi32, #tpu.memory_space<vmem>>
        %dma_wait3A_313 = arith.constant 0 : i32
        %dma_wait3A_314 = arith.constant 0 : i32
        %dma_wait3A_315 = tpu.memref_slice %arg4[%dma_wait3A_313, %dma_wait3A_314] : memref<10000x128xf32, #tpu.memory_space<hbm>> -> memref<10000x128xf32, #tpu.memory_space<hbm>>
        %dma_wait3A_316 = tpu.memref_slice %arg12[%dma_wait3A_305] : memref<4x!tpu.dma_semaphore, #tpu.memory_space<semaphore_mem>> -> memref<1x!tpu.dma_semaphore, #tpu.memory_space<semaphore_mem>>
        %dma_wait3A_317 = tpu.memref_squeeze %dma_wait3A_316 : memref<1x!tpu.dma_semaphore, #tpu.memory_space<semaphore_mem>> -> memref<!tpu.dma_semaphore, #tpu.memory_space<semaphore_mem>>
        tpu.wait_indirect_dma semaphore(%dma_wait3A_317 : memref<!tpu.dma_semaphore, #tpu.memory_space<semaphore_mem>>) src(%dma_wait3A_315 : memref<10000x128xf32, #tpu.memory_space<hbm>>) dst(%dma_wait3A_309 : memref<64x128xf32, #tpu.memory_space<vmem>>)
        %run_scoped3A_318 = arith.constant 1 : i32
        "tpu.region"() ({
          %run_scoped3A_378 = tpu.sem_alloc : memref<!tpu.dma_semaphore, #tpu.memory_space<semaphore_mem>>
          %dma_start3A_379 = arith.constant 0 : i32
          %dma_start3A_380 = arith.constant 0 : i32
          %dma_start3A_381 = tpu.memref_slice %arg10[%run_scoped3A_318, %dma_start3A_379, %dma_start3A_380] : memref<4x64x128xf32, #tpu.memory_space<vmem>> -> memref<1x64x128xf32, #tpu.memory_space<vmem>>
          %dma_start3A_382 = tpu.memref_squeeze %dma_start3A_381 : memref<1x64x128xf32, #tpu.memory_space<vmem>> -> memref<64x128xf32, #tpu.memory_space<vmem>>
          %dma_start3A_383 = arith.constant 0 : i32
          %dma_start3A_384 = tpu.memref_slice %arg9[%add3A_303, %dma_start3A_383] : memref<40x64xi32, #tpu.memory_space<vmem>> -> memref<1x64xi32, #tpu.memory_space<vmem>>
          %dma_start3A_385 = tpu.memref_squeeze %dma_start3A_384 : memref<1x64xi32, #tpu.memory_space<vmem>> -> memref<64xi32, #tpu.memory_space<vmem>>
          %dma_start3A_386 = arith.constant 0 : i32
          %dma_start3A_387 = arith.constant 0 : i32
          %dma_start3A_388 = tpu.memref_slice %arg11[%dma_start3A_386, %dma_start3A_387] : memref<10240x128xf32, #tpu.memory_space<vmem_shared>> -> memref<10240x128xf32, #tpu.memory_space<vmem_shared>>
          tpu.enqueue_indirect_dma source(%dma_start3A_382 : memref<64x128xf32, #tpu.memory_space<vmem>>) target(%dma_start3A_388 : memref<10240x128xf32, #tpu.memory_space<vmem_shared>>) offsets(%dma_start3A_385 : memref<64xi32, #tpu.memory_space<vmem>>) semaphore(%run_scoped3A_378 : memref<!tpu.dma_semaphore, #tpu.memory_space<semaphore_mem>>) {add = true}
          %dma_wait3A_389 = arith.constant 0 : i32
          %dma_wait3A_390 = arith.constant 0 : i32
          %dma_wait3A_391 = tpu.memref_slice %arg10[%run_scoped3A_318, %dma_wait3A_389, %dma_wait3A_390] : memref<4x64x128xf32, #tpu.memory_space<vmem>> -> memref<1x64x128xf32, #tpu.memory_space<vmem>>
          %dma_wait3A_392 = tpu.memref_squeeze %dma_wait3A_391 : memref<1x64x128xf32, #tpu.memory_space<vmem>> -> memref<64x128xf32, #tpu.memory_space<vmem>>
          %dma_wait3A_393 = arith.constant 0 : i32
          %dma_wait3A_394 = tpu.memref_slice %arg9[%add3A_303, %dma_wait3A_393] : memref<40x64xi32, #tpu.memory_space<vmem>> -> memref<1x64xi32, #tpu.memory_space<vmem>>
          %dma_wait3A_395 = tpu.memref_squeeze %dma_wait3A_394 : memref<1x64xi32, #tpu.memory_space<vmem>> -> memref<64xi32, #tpu.memory_space<vmem>>
          %dma_wait3A_396 = arith.constant 0 : i32
          %dma_wait3A_397 = arith.constant 0 : i32
          %dma_wait3A_398 = tpu.memref_slice %arg11[%dma_wait3A_396, %dma_wait3A_397] : memref<10240x128xf32, #tpu.memory_space<vmem_shared>> -> memref<10240x128xf32, #tpu.memory_space<vmem_shared>>
          tpu.wait_indirect_dma semaphore(%run_scoped3A_378 : memref<!tpu.dma_semaphore, #tpu.memory_space<semaphore_mem>>) src(%dma_wait3A_392 : memref<64x128xf32, #tpu.memory_space<vmem>>) dst(%dma_wait3A_398 : memref<10240x128xf32, #tpu.memory_space<vmem_shared>>)
          tpu.yield
        }) : () -> ()
        %add3A_319 = arith.constant 4 : i32
        %add3A_320 = arith.addi %add3A_303, %add3A_319 : i32
        %lt3A_321 = arith.constant 40 : i32
        %lt3A_322 = arith.cmpi slt, %add3A_320, %lt3A_321 : i32
        %convert_element_type3A_323 = arith.extui %lt3A_322 : i1 to i32
        %cond3A_324 = arith.constant 0 : i32
        %cond3A_325 = arith.cmpi ne, %convert_element_type3A_323, %cond3A_324 : i32
        scf.if %cond3A_325 {
          %dma_start3A_378 = arith.constant 1 : i32
          %dma_start3A_379 = arith.constant 1 : i32
          %dma_start3A_380 = arith.constant 0 : i32
          %dma_start3A_381 = arith.constant 0 : i32
          %dma_start3A_382 = tpu.memref_slice %arg10[%dma_start3A_378, %dma_start3A_380, %dma_start3A_381] : memref<4x64x128xf32, #tpu.memory_space<vmem>> -> memref<1x64x128xf32, #tpu.memory_space<vmem>>
          %dma_start3A_383 = tpu.memref_squeeze %dma_start3A_382 : memref<1x64x128xf32, #tpu.memory_space<vmem>> -> memref<64x128xf32, #tpu.memory_space<vmem>>
          %dma_start3A_384 = arith.constant 0 : i32
          %dma_start3A_385 = tpu.memref_slice %arg8[%add3A_320, %dma_start3A_384] : memref<40x64xi32, #tpu.memory_space<vmem>> -> memref<1x64xi32, #tpu.memory_space<vmem>>
          %dma_start3A_386 = tpu.memref_squeeze %dma_start3A_385 : memref<1x64xi32, #tpu.memory_space<vmem>> -> memref<64xi32, #tpu.memory_space<vmem>>
          %dma_start3A_387 = arith.constant 0 : i32
          %dma_start3A_388 = arith.constant 0 : i32
          %dma_start3A_389 = tpu.memref_slice %arg4[%dma_start3A_387, %dma_start3A_388] : memref<10000x128xf32, #tpu.memory_space<hbm>> -> memref<10000x128xf32, #tpu.memory_space<hbm>>
          %dma_start3A_390 = tpu.memref_slice %arg12[%dma_start3A_379] : memref<4x!tpu.dma_semaphore, #tpu.memory_space<semaphore_mem>> -> memref<1x!tpu.dma_semaphore, #tpu.memory_space<semaphore_mem>>
          %dma_start3A_391 = tpu.memref_squeeze %dma_start3A_390 : memref<1x!tpu.dma_semaphore, #tpu.memory_space<semaphore_mem>> -> memref<!tpu.dma_semaphore, #tpu.memory_space<semaphore_mem>>
          tpu.enqueue_indirect_dma source(%dma_start3A_389 : memref<10000x128xf32, #tpu.memory_space<hbm>>) target(%dma_start3A_383 : memref<64x128xf32, #tpu.memory_space<vmem>>) offsets(%dma_start3A_386 : memref<64xi32, #tpu.memory_space<vmem>>) semaphore(%dma_start3A_391 : memref<!tpu.dma_semaphore, #tpu.memory_space<semaphore_mem>>)
        } else {
        }
        %mul3A_326 = arith.constant 4 : i32
        %mul3A_327 = arith.muli %scan3A_277, %mul3A_326 : i32
        %add3A_328 = arith.constant 2 : i32
        %add3A_329 = arith.addi %mul3A_327, %add3A_328 : i32
        %dma_wait3A_330 = arith.constant 2 : i32
        %dma_wait3A_331 = arith.constant 2 : i32
        %dma_wait3A_332 = arith.constant 0 : i32
        %dma_wait3A_333 = arith.constant 0 : i32
        %dma_wait3A_334 = tpu.memref_slice %arg10[%dma_wait3A_330, %dma_wait3A_332, %dma_wait3A_333] : memref<4x64x128xf32, #tpu.memory_space<vmem>> -> memref<1x64x128xf32, #tpu.memory_space<vmem>>
        %dma_wait3A_335 = tpu.memref_squeeze %dma_wait3A_334 : memref<1x64x128xf32, #tpu.memory_space<vmem>> -> memref<64x128xf32, #tpu.memory_space<vmem>>
        %dma_wait3A_336 = arith.constant 0 : i32
        %dma_wait3A_337 = tpu.memref_slice %arg8[%add3A_329, %dma_wait3A_336] : memref<40x64xi32, #tpu.memory_space<vmem>> -> memref<1x64xi32, #tpu.memory_space<vmem>>
        %dma_wait3A_338 = tpu.memref_squeeze %dma_wait3A_337 : memref<1x64xi32, #tpu.memory_space<vmem>> -> memref<64xi32, #tpu.memory_space<vmem>>
        %dma_wait3A_339 = arith.constant 0 : i32
        %dma_wait3A_340 = arith.constant 0 : i32
        %dma_wait3A_341 = tpu.memref_slice %arg4[%dma_wait3A_339, %dma_wait3A_340] : memref<10000x128xf32, #tpu.memory_space<hbm>> -> memref<10000x128xf32, #tpu.memory_space<hbm>>
        %dma_wait3A_342 = tpu.memref_slice %arg12[%dma_wait3A_331] : memref<4x!tpu.dma_semaphore, #tpu.memory_space<semaphore_mem>> -> memref<1x!tpu.dma_semaphore, #tpu.memory_space<semaphore_mem>>
        %dma_wait3A_343 = tpu.memref_squeeze %dma_wait3A_342 : memref<1x!tpu.dma_semaphore, #tpu.memory_space<semaphore_mem>> -> memref<!tpu.dma_semaphore, #tpu.memory_space<semaphore_mem>>
        tpu.wait_indirect_dma semaphore(%dma_wait3A_343 : memref<!tpu.dma_semaphore, #tpu.memory_space<semaphore_mem>>) src(%dma_wait3A_341 : memref<10000x128xf32, #tpu.memory_space<hbm>>) dst(%dma_wait3A_335 : memref<64x128xf32, #tpu.memory_space<vmem>>)
        %run_scoped3A_344 = arith.constant 2 : i32
        "tpu.region"() ({
          %run_scoped3A_378 = tpu.sem_alloc : memref<!tpu.dma_semaphore, #tpu.memory_space<semaphore_mem>>
          %dma_start3A_379 = arith.constant 0 : i32
          %dma_start3A_380 = arith.constant 0 : i32
          %dma_start3A_381 = tpu.memref_slice %arg10[%run_scoped3A_344, %dma_start3A_379, %dma_start3A_380] : memref<4x64x128xf32, #tpu.memory_space<vmem>> -> memref<1x64x128xf32, #tpu.memory_space<vmem>>
          %dma_start3A_382 = tpu.memref_squeeze %dma_start3A_381 : memref<1x64x128xf32, #tpu.memory_space<vmem>> -> memref<64x128xf32, #tpu.memory_space<vmem>>
          %dma_start3A_383 = arith.constant 0 : i32
          %dma_start3A_384 = tpu.memref_slice %arg9[%add3A_329, %dma_start3A_383] : memref<40x64xi32, #tpu.memory_space<vmem>> -> memref<1x64xi32, #tpu.memory_space<vmem>>
          %dma_start3A_385 = tpu.memref_squeeze %dma_start3A_384 : memref<1x64xi32, #tpu.memory_space<vmem>> -> memref<64xi32, #tpu.memory_space<vmem>>
          %dma_start3A_386 = arith.constant 0 : i32
          %dma_start3A_387 = arith.constant 0 : i32
          %dma_start3A_388 = tpu.memref_slice %arg11[%dma_start3A_386, %dma_start3A_387] : memref<10240x128xf32, #tpu.memory_space<vmem_shared>> -> memref<10240x128xf32, #tpu.memory_space<vmem_shared>>
          tpu.enqueue_indirect_dma source(%dma_start3A_382 : memref<64x128xf32, #tpu.memory_space<vmem>>) target(%dma_start3A_388 : memref<10240x128xf32, #tpu.memory_space<vmem_shared>>) offsets(%dma_start3A_385 : memref<64xi32, #tpu.memory_space<vmem>>) semaphore(%run_scoped3A_378 : memref<!tpu.dma_semaphore, #tpu.memory_space<semaphore_mem>>) {add = true}
          %dma_wait3A_389 = arith.constant 0 : i32
          %dma_wait3A_390 = arith.constant 0 : i32
          %dma_wait3A_391 = tpu.memref_slice %arg10[%run_scoped3A_344, %dma_wait3A_389, %dma_wait3A_390] : memref<4x64x128xf32, #tpu.memory_space<vmem>> -> memref<1x64x128xf32, #tpu.memory_space<vmem>>
          %dma_wait3A_392 = tpu.memref_squeeze %dma_wait3A_391 : memref<1x64x128xf32, #tpu.memory_space<vmem>> -> memref<64x128xf32, #tpu.memory_space<vmem>>
          %dma_wait3A_393 = arith.constant 0 : i32
          %dma_wait3A_394 = tpu.memref_slice %arg9[%add3A_329, %dma_wait3A_393] : memref<40x64xi32, #tpu.memory_space<vmem>> -> memref<1x64xi32, #tpu.memory_space<vmem>>
          %dma_wait3A_395 = tpu.memref_squeeze %dma_wait3A_394 : memref<1x64xi32, #tpu.memory_space<vmem>> -> memref<64xi32, #tpu.memory_space<vmem>>
          %dma_wait3A_396 = arith.constant 0 : i32
          %dma_wait3A_397 = arith.constant 0 : i32
          %dma_wait3A_398 = tpu.memref_slice %arg11[%dma_wait3A_396, %dma_wait3A_397] : memref<10240x128xf32, #tpu.memory_space<vmem_shared>> -> memref<10240x128xf32, #tpu.memory_space<vmem_shared>>
          tpu.wait_indirect_dma semaphore(%run_scoped3A_378 : memref<!tpu.dma_semaphore, #tpu.memory_space<semaphore_mem>>) src(%dma_wait3A_392 : memref<64x128xf32, #tpu.memory_space<vmem>>) dst(%dma_wait3A_398 : memref<10240x128xf32, #tpu.memory_space<vmem_shared>>)
          tpu.yield
        }) : () -> ()
        %add3A_345 = arith.constant 4 : i32
        %add3A_346 = arith.addi %add3A_329, %add3A_345 : i32
        %lt3A_347 = arith.constant 40 : i32
        %lt3A_348 = arith.cmpi slt, %add3A_346, %lt3A_347 : i32
        %convert_element_type3A_349 = arith.extui %lt3A_348 : i1 to i32
        %cond3A_350 = arith.constant 0 : i32
        %cond3A_351 = arith.cmpi ne, %convert_element_type3A_349, %cond3A_350 : i32
        scf.if %cond3A_351 {
          %dma_start3A_378 = arith.constant 2 : i32
          %dma_start3A_379 = arith.constant 2 : i32
          %dma_start3A_380 = arith.constant 0 : i32
          %dma_start3A_381 = arith.constant 0 : i32
          %dma_start3A_382 = tpu.memref_slice %arg10[%dma_start3A_378, %dma_start3A_380, %dma_start3A_381] : memref<4x64x128xf32, #tpu.memory_space<vmem>> -> memref<1x64x128xf32, #tpu.memory_space<vmem>>
          %dma_start3A_383 = tpu.memref_squeeze %dma_start3A_382 : memref<1x64x128xf32, #tpu.memory_space<vmem>> -> memref<64x128xf32, #tpu.memory_space<vmem>>
          %dma_start3A_384 = arith.constant 0 : i32
          %dma_start3A_385 = tpu.memref_slice %arg8[%add3A_346, %dma_start3A_384] : memref<40x64xi32, #tpu.memory_space<vmem>> -> memref<1x64xi32, #tpu.memory_space<vmem>>
          %dma_start3A_386 = tpu.memref_squeeze %dma_start3A_385 : memref<1x64xi32, #tpu.memory_space<vmem>> -> memref<64xi32, #tpu.memory_space<vmem>>
          %dma_start3A_387 = arith.constant 0 : i32
          %dma_start3A_388 = arith.constant 0 : i32
          %dma_start3A_389 = tpu.memref_slice %arg4[%dma_start3A_387, %dma_start3A_388] : memref<10000x128xf32, #tpu.memory_space<hbm>> -> memref<10000x128xf32, #tpu.memory_space<hbm>>
          %dma_start3A_390 = tpu.memref_slice %arg12[%dma_start3A_379] : memref<4x!tpu.dma_semaphore, #tpu.memory_space<semaphore_mem>> -> memref<1x!tpu.dma_semaphore, #tpu.memory_space<semaphore_mem>>
          %dma_start3A_391 = tpu.memref_squeeze %dma_start3A_390 : memref<1x!tpu.dma_semaphore, #tpu.memory_space<semaphore_mem>> -> memref<!tpu.dma_semaphore, #tpu.memory_space<semaphore_mem>>
          tpu.enqueue_indirect_dma source(%dma_start3A_389 : memref<10000x128xf32, #tpu.memory_space<hbm>>) target(%dma_start3A_383 : memref<64x128xf32, #tpu.memory_space<vmem>>) offsets(%dma_start3A_386 : memref<64xi32, #tpu.memory_space<vmem>>) semaphore(%dma_start3A_391 : memref<!tpu.dma_semaphore, #tpu.memory_space<semaphore_mem>>)
        } else {
        }
        %mul3A_352 = arith.constant 4 : i32
        %mul3A_353 = arith.muli %scan3A_277, %mul3A_352 : i32
        %add3A_354 = arith.constant 3 : i32
        %add3A_355 = arith.addi %mul3A_353, %add3A_354 : i32
        %dma_wait3A_356 = arith.constant 3 : i32
        %dma_wait3A_357 = arith.constant 3 : i32
        %dma_wait3A_358 = arith.constant 0 : i32
        %dma_wait3A_359 = arith.constant 0 : i32
        %dma_wait3A_360 = tpu.memref_slice %arg10[%dma_wait3A_356, %dma_wait3A_358, %dma_wait3A_359] : memref<4x64x128xf32, #tpu.memory_space<vmem>> -> memref<1x64x128xf32, #tpu.memory_space<vmem>>
        %dma_wait3A_361 = tpu.memref_squeeze %dma_wait3A_360 : memref<1x64x128xf32, #tpu.memory_space<vmem>> -> memref<64x128xf32, #tpu.memory_space<vmem>>
        %dma_wait3A_362 = arith.constant 0 : i32
        %dma_wait3A_363 = tpu.memref_slice %arg8[%add3A_355, %dma_wait3A_362] : memref<40x64xi32, #tpu.memory_space<vmem>> -> memref<1x64xi32, #tpu.memory_space<vmem>>
        %dma_wait3A_364 = tpu.memref_squeeze %dma_wait3A_363 : memref<1x64xi32, #tpu.memory_space<vmem>> -> memref<64xi32, #tpu.memory_space<vmem>>
        %dma_wait3A_365 = arith.constant 0 : i32
        %dma_wait3A_366 = arith.constant 0 : i32
        %dma_wait3A_367 = tpu.memref_slice %arg4[%dma_wait3A_365, %dma_wait3A_366] : memref<10000x128xf32, #tpu.memory_space<hbm>> -> memref<10000x128xf32, #tpu.memory_space<hbm>>
        %dma_wait3A_368 = tpu.memref_slice %arg12[%dma_wait3A_357] : memref<4x!tpu.dma_semaphore, #tpu.memory_space<semaphore_mem>> -> memref<1x!tpu.dma_semaphore, #tpu.memory_space<semaphore_mem>>
        %dma_wait3A_369 = tpu.memref_squeeze %dma_wait3A_368 : memref<1x!tpu.dma_semaphore, #tpu.memory_space<semaphore_mem>> -> memref<!tpu.dma_semaphore, #tpu.memory_space<semaphore_mem>>
        tpu.wait_indirect_dma semaphore(%dma_wait3A_369 : memref<!tpu.dma_semaphore, #tpu.memory_space<semaphore_mem>>) src(%dma_wait3A_367 : memref<10000x128xf32, #tpu.memory_space<hbm>>) dst(%dma_wait3A_361 : memref<64x128xf32, #tpu.memory_space<vmem>>)
        %run_scoped3A_370 = arith.constant 3 : i32
        "tpu.region"() ({
          %run_scoped3A_378 = tpu.sem_alloc : memref<!tpu.dma_semaphore, #tpu.memory_space<semaphore_mem>>
          %dma_start3A_379 = arith.constant 0 : i32
          %dma_start3A_380 = arith.constant 0 : i32
          %dma_start3A_381 = tpu.memref_slice %arg10[%run_scoped3A_370, %dma_start3A_379, %dma_start3A_380] : memref<4x64x128xf32, #tpu.memory_space<vmem>> -> memref<1x64x128xf32, #tpu.memory_space<vmem>>
          %dma_start3A_382 = tpu.memref_squeeze %dma_start3A_381 : memref<1x64x128xf32, #tpu.memory_space<vmem>> -> memref<64x128xf32, #tpu.memory_space<vmem>>
          %dma_start3A_383 = arith.constant 0 : i32
          %dma_start3A_384 = tpu.memref_slice %arg9[%add3A_355, %dma_start3A_383] : memref<40x64xi32, #tpu.memory_space<vmem>> -> memref<1x64xi32, #tpu.memory_space<vmem>>
          %dma_start3A_385 = tpu.memref_squeeze %dma_start3A_384 : memref<1x64xi32, #tpu.memory_space<vmem>> -> memref<64xi32, #tpu.memory_space<vmem>>
          %dma_start3A_386 = arith.constant 0 : i32
          %dma_start3A_387 = arith.constant 0 : i32
          %dma_start3A_388 = tpu.memref_slice %arg11[%dma_start3A_386, %dma_start3A_387] : memref<10240x128xf32, #tpu.memory_space<vmem_shared>> -> memref<10240x128xf32, #tpu.memory_space<vmem_shared>>
          tpu.enqueue_indirect_dma source(%dma_start3A_382 : memref<64x128xf32, #tpu.memory_space<vmem>>) target(%dma_start3A_388 : memref<10240x128xf32, #tpu.memory_space<vmem_shared>>) offsets(%dma_start3A_385 : memref<64xi32, #tpu.memory_space<vmem>>) semaphore(%run_scoped3A_378 : memref<!tpu.dma_semaphore, #tpu.memory_space<semaphore_mem>>) {add = true}
          %dma_wait3A_389 = arith.constant 0 : i32
          %dma_wait3A_390 = arith.constant 0 : i32
          %dma_wait3A_391 = tpu.memref_slice %arg10[%run_scoped3A_370, %dma_wait3A_389, %dma_wait3A_390] : memref<4x64x128xf32, #tpu.memory_space<vmem>> -> memref<1x64x128xf32, #tpu.memory_space<vmem>>
          %dma_wait3A_392 = tpu.memref_squeeze %dma_wait3A_391 : memref<1x64x128xf32, #tpu.memory_space<vmem>> -> memref<64x128xf32, #tpu.memory_space<vmem>>
          %dma_wait3A_393 = arith.constant 0 : i32
          %dma_wait3A_394 = tpu.memref_slice %arg9[%add3A_355, %dma_wait3A_393] : memref<40x64xi32, #tpu.memory_space<vmem>> -> memref<1x64xi32, #tpu.memory_space<vmem>>
          %dma_wait3A_395 = tpu.memref_squeeze %dma_wait3A_394 : memref<1x64xi32, #tpu.memory_space<vmem>> -> memref<64xi32, #tpu.memory_space<vmem>>
          %dma_wait3A_396 = arith.constant 0 : i32
          %dma_wait3A_397 = arith.constant 0 : i32
          %dma_wait3A_398 = tpu.memref_slice %arg11[%dma_wait3A_396, %dma_wait3A_397] : memref<10240x128xf32, #tpu.memory_space<vmem_shared>> -> memref<10240x128xf32, #tpu.memory_space<vmem_shared>>
          tpu.wait_indirect_dma semaphore(%run_scoped3A_378 : memref<!tpu.dma_semaphore, #tpu.memory_space<semaphore_mem>>) src(%dma_wait3A_392 : memref<64x128xf32, #tpu.memory_space<vmem>>) dst(%dma_wait3A_398 : memref<10240x128xf32, #tpu.memory_space<vmem_shared>>)
          tpu.yield
        }) : () -> ()
        %add3A_371 = arith.constant 4 : i32
        %add3A_372 = arith.addi %add3A_355, %add3A_371 : i32
        %lt3A_373 = arith.constant 40 : i32
        %lt3A_374 = arith.cmpi slt, %add3A_372, %lt3A_373 : i32
        %convert_element_type3A_375 = arith.extui %lt3A_374 : i1 to i32
        %cond3A_376 = arith.constant 0 : i32
        %cond3A_377 = arith.cmpi ne, %convert_element_type3A_375, %cond3A_376 : i32
        scf.if %cond3A_377 {
          %dma_start3A_378 = arith.constant 3 : i32
          %dma_start3A_379 = arith.constant 3 : i32
          %dma_start3A_380 = arith.constant 0 : i32
          %dma_start3A_381 = arith.constant 0 : i32
          %dma_start3A_382 = tpu.memref_slice %arg10[%dma_start3A_378, %dma_start3A_380, %dma_start3A_381] : memref<4x64x128xf32, #tpu.memory_space<vmem>> -> memref<1x64x128xf32, #tpu.memory_space<vmem>>
          %dma_start3A_383 = tpu.memref_squeeze %dma_start3A_382 : memref<1x64x128xf32, #tpu.memory_space<vmem>> -> memref<64x128xf32, #tpu.memory_space<vmem>>
          %dma_start3A_384 = arith.constant 0 : i32
          %dma_start3A_385 = tpu.memref_slice %arg8[%add3A_372, %dma_start3A_384] : memref<40x64xi32, #tpu.memory_space<vmem>> -> memref<1x64xi32, #tpu.memory_space<vmem>>
          %dma_start3A_386 = tpu.memref_squeeze %dma_start3A_385 : memref<1x64xi32, #tpu.memory_space<vmem>> -> memref<64xi32, #tpu.memory_space<vmem>>
          %dma_start3A_387 = arith.constant 0 : i32
          %dma_start3A_388 = arith.constant 0 : i32
          %dma_start3A_389 = tpu.memref_slice %arg4[%dma_start3A_387, %dma_start3A_388] : memref<10000x128xf32, #tpu.memory_space<hbm>> -> memref<10000x128xf32, #tpu.memory_space<hbm>>
          %dma_start3A_390 = tpu.memref_slice %arg12[%dma_start3A_379] : memref<4x!tpu.dma_semaphore, #tpu.memory_space<semaphore_mem>> -> memref<1x!tpu.dma_semaphore, #tpu.memory_space<semaphore_mem>>
          %dma_start3A_391 = tpu.memref_squeeze %dma_start3A_390 : memref<1x!tpu.dma_semaphore, #tpu.memory_space<semaphore_mem>> -> memref<!tpu.dma_semaphore, #tpu.memory_space<semaphore_mem>>
          tpu.enqueue_indirect_dma source(%dma_start3A_389 : memref<10000x128xf32, #tpu.memory_space<hbm>>) target(%dma_start3A_383 : memref<64x128xf32, #tpu.memory_space<vmem>>) offsets(%dma_start3A_386 : memref<64xi32, #tpu.memory_space<vmem>>) semaphore(%dma_start3A_391 : memref<!tpu.dma_semaphore, #tpu.memory_space<semaphore_mem>>)
        } else {
        }
      }
      %scan3A_276 = arith.constant 10 : i32
    } else {
    }
    %eq3A_2 = arith.constant 1 : i32
    %eq3A_3 = arith.cmpi eq, %arg0, %eq3A_2 : i32
    %convert_element_type3A_4 = arith.extui %eq3A_3 : i1 to i32
    %cond3A_5 = arith.constant 0 : i32
    %cond3A_6 = arith.cmpi ne, %convert_element_type3A_4, %cond3A_5 : i32
    scf.if %cond3A_6 {
      "tpu.region"() ({
        %run_scoped3A = tpu.sem_alloc : memref<!tpu.dma_semaphore, #tpu.memory_space<semaphore_mem>>
        %dma_start3A_277 = arith.constant 0 : i32
        %dma_start3A_278 = arith.constant 0 : i32
        %dma_start3A_279 = tpu.memref_slice %arg2[%arg1, %dma_start3A_277, %dma_start3A_278] : memref<16x160x64xi32, #tpu.memory_space<hbm>> -> memref<1x40x64xi32, #tpu.memory_space<hbm>>
        %dma_start3A_280 = tpu.memref_squeeze %dma_start3A_279 : memref<1x40x64xi32, #tpu.memory_space<hbm>> -> memref<40x64xi32, #tpu.memory_space<hbm>>
        %dma_start3A_281 = arith.constant 0 : i32
        %dma_start3A_282 = arith.constant 0 : i32
        %dma_start3A_283 = tpu.memref_slice %arg2[%arg1, %dma_start3A_281, %dma_start3A_282] : memref<16x160x64xi32, #tpu.memory_space<hbm>> -> memref<1x40x64xi32, #tpu.memory_space<hbm>>
        %dma_start3A_284 = tpu.memref_squeeze %dma_start3A_283 : memref<1x40x64xi32, #tpu.memory_space<hbm>> -> memref<40x64xi32, #tpu.memory_space<hbm>>
        tpu.enqueue_dma source(%dma_start3A_284 : memref<40x64xi32, #tpu.memory_space<hbm>>) target(%arg8 : memref<40x64xi32, #tpu.memory_space<vmem>>) target_semaphore(%run_scoped3A : memref<!tpu.dma_semaphore, #tpu.memory_space<semaphore_mem>>)
        %dma_wait3A = arith.constant 0 : i32
        %dma_wait3A_285 = arith.constant 0 : i32
        %dma_wait3A_286 = tpu.memref_slice %arg2[%arg1, %dma_wait3A, %dma_wait3A_285] : memref<16x160x64xi32, #tpu.memory_space<hbm>> -> memref<1x40x64xi32, #tpu.memory_space<hbm>>
        %dma_wait3A_287 = tpu.memref_squeeze %dma_wait3A_286 : memref<1x40x64xi32, #tpu.memory_space<hbm>> -> memref<40x64xi32, #tpu.memory_space<hbm>>
        %dma_wait3A_288 = arith.constant 0 : i32
        %dma_wait3A_289 = arith.constant 0 : i32
        %dma_wait3A_290 = tpu.memref_slice %arg2[%arg1, %dma_wait3A_288, %dma_wait3A_289] : memref<16x160x64xi32, #tpu.memory_space<hbm>> -> memref<1x40x64xi32, #tpu.memory_space<hbm>>
        %dma_wait3A_291 = tpu.memref_squeeze %dma_wait3A_290 : memref<1x40x64xi32, #tpu.memory_space<hbm>> -> memref<40x64xi32, #tpu.memory_space<hbm>>
        tpu.wait_dma2 semaphore(%run_scoped3A : memref<!tpu.dma_semaphore, #tpu.memory_space<semaphore_mem>>) src(%dma_wait3A_291 : memref<40x64xi32, #tpu.memory_space<hbm>>) dst(%arg8 : memref<40x64xi32, #tpu.memory_space<vmem>>)
        tpu.yield
      }) : () -> ()
      "tpu.region"() ({
        %run_scoped3A = tpu.sem_alloc : memref<!tpu.dma_semaphore, #tpu.memory_space<semaphore_mem>>
        %dma_start3A_277 = arith.constant 0 : i32
        %dma_start3A_278 = arith.constant 0 : i32
        %dma_start3A_279 = tpu.memref_slice %arg3[%arg1, %dma_start3A_277, %dma_start3A_278] : memref<16x160x64xi32, #tpu.memory_space<hbm>> -> memref<1x40x64xi32, #tpu.memory_space<hbm>>
        %dma_start3A_280 = tpu.memref_squeeze %dma_start3A_279 : memref<1x40x64xi32, #tpu.memory_space<hbm>> -> memref<40x64xi32, #tpu.memory_space<hbm>>
        %dma_start3A_281 = arith.constant 0 : i32
        %dma_start3A_282 = arith.constant 0 : i32
        %dma_start3A_283 = tpu.memref_slice %arg3[%arg1, %dma_start3A_281, %dma_start3A_282] : memref<16x160x64xi32, #tpu.memory_space<hbm>> -> memref<1x40x64xi32, #tpu.memory_space<hbm>>
        %dma_start3A_284 = tpu.memref_squeeze %dma_start3A_283 : memref<1x40x64xi32, #tpu.memory_space<hbm>> -> memref<40x64xi32, #tpu.memory_space<hbm>>
        tpu.enqueue_dma source(%dma_start3A_284 : memref<40x64xi32, #tpu.memory_space<hbm>>) target(%arg9 : memref<40x64xi32, #tpu.memory_space<vmem>>) target_semaphore(%run_scoped3A : memref<!tpu.dma_semaphore, #tpu.memory_space<semaphore_mem>>)
        %dma_wait3A = arith.constant 0 : i32
        %dma_wait3A_285 = arith.constant 0 : i32
        %dma_wait3A_286 = tpu.memref_slice %arg3[%arg1, %dma_wait3A, %dma_wait3A_285] : memref<16x160x64xi32, #tpu.memory_space<hbm>> -> memref<1x40x64xi32, #tpu.memory_space<hbm>>
        %dma_wait3A_287 = tpu.memref_squeeze %dma_wait3A_286 : memref<1x40x64xi32, #tpu.memory_space<hbm>> -> memref<40x64xi32, #tpu.memory_space<hbm>>
        %dma_wait3A_288 = arith.constant 0 : i32
        %dma_wait3A_289 = arith.constant 0 : i32
        %dma_wait3A_290 = tpu.memref_slice %arg3[%arg1, %dma_wait3A_288, %dma_wait3A_289] : memref<16x160x64xi32, #tpu.memory_space<hbm>> -> memref<1x40x64xi32, #tpu.memory_space<hbm>>
        %dma_wait3A_291 = tpu.memref_squeeze %dma_wait3A_290 : memref<1x40x64xi32, #tpu.memory_space<hbm>> -> memref<40x64xi32, #tpu.memory_space<hbm>>
        tpu.wait_dma2 semaphore(%run_scoped3A : memref<!tpu.dma_semaphore, #tpu.memory_space<semaphore_mem>>) src(%dma_wait3A_291 : memref<40x64xi32, #tpu.memory_space<hbm>>) dst(%arg9 : memref<40x64xi32, #tpu.memory_space<vmem>>)
        tpu.yield
      }) : () -> ()
      %dma_start3A = arith.constant 0 : i32
      %dma_start3A_10 = arith.constant 0 : i32
      %dma_start3A_11 = arith.constant 0 : i32
      %dma_start3A_12 = arith.constant 0 : i32
      %dma_start3A_13 = arith.constant 0 : i32
      %dma_start3A_14 = tpu.memref_slice %arg10[%dma_start3A_10, %dma_start3A_12, %dma_start3A_13] : memref<4x64x128xf32, #tpu.memory_space<vmem>> -> memref<1x64x128xf32, #tpu.memory_space<vmem>>
      %dma_start3A_15 = tpu.memref_squeeze %dma_start3A_14 : memref<1x64x128xf32, #tpu.memory_space<vmem>> -> memref<64x128xf32, #tpu.memory_space<vmem>>
      %dma_start3A_16 = arith.constant 0 : i32
      %dma_start3A_17 = tpu.memref_slice %arg8[%dma_start3A, %dma_start3A_16] : memref<40x64xi32, #tpu.memory_space<vmem>> -> memref<1x64xi32, #tpu.memory_space<vmem>>
      %dma_start3A_18 = tpu.memref_squeeze %dma_start3A_17 : memref<1x64xi32, #tpu.memory_space<vmem>> -> memref<64xi32, #tpu.memory_space<vmem>>
      %dma_start3A_19 = arith.constant 0 : i32
      %dma_start3A_20 = arith.constant 0 : i32
      %dma_start3A_21 = tpu.memref_slice %arg5[%dma_start3A_19, %dma_start3A_20] : memref<10000x128xf32, #tpu.memory_space<hbm>> -> memref<10000x128xf32, #tpu.memory_space<hbm>>
      %dma_start3A_22 = tpu.memref_slice %arg12[%dma_start3A_11] : memref<4x!tpu.dma_semaphore, #tpu.memory_space<semaphore_mem>> -> memref<1x!tpu.dma_semaphore, #tpu.memory_space<semaphore_mem>>
      %dma_start3A_23 = tpu.memref_squeeze %dma_start3A_22 : memref<1x!tpu.dma_semaphore, #tpu.memory_space<semaphore_mem>> -> memref<!tpu.dma_semaphore, #tpu.memory_space<semaphore_mem>>
      tpu.enqueue_indirect_dma source(%dma_start3A_21 : memref<10000x128xf32, #tpu.memory_space<hbm>>) target(%dma_start3A_15 : memref<64x128xf32, #tpu.memory_space<vmem>>) offsets(%dma_start3A_18 : memref<64xi32, #tpu.memory_space<vmem>>) semaphore(%dma_start3A_23 : memref<!tpu.dma_semaphore, #tpu.memory_space<semaphore_mem>>)
      %dma_start3A_24 = arith.constant 1 : i32
      %dma_start3A_25 = arith.constant 1 : i32
      %dma_start3A_26 = arith.constant 1 : i32
      %dma_start3A_27 = arith.constant 0 : i32
      %dma_start3A_28 = arith.constant 0 : i32
      %dma_start3A_29 = tpu.memref_slice %arg10[%dma_start3A_25, %dma_start3A_27, %dma_start3A_28] : memref<4x64x128xf32, #tpu.memory_space<vmem>> -> memref<1x64x128xf32, #tpu.memory_space<vmem>>
      %dma_start3A_30 = tpu.memref_squeeze %dma_start3A_29 : memref<1x64x128xf32, #tpu.memory_space<vmem>> -> memref<64x128xf32, #tpu.memory_space<vmem>>
      %dma_start3A_31 = arith.constant 0 : i32
      %dma_start3A_32 = tpu.memref_slice %arg8[%dma_start3A_24, %dma_start3A_31] : memref<40x64xi32, #tpu.memory_space<vmem>> -> memref<1x64xi32, #tpu.memory_space<vmem>>
      %dma_start3A_33 = tpu.memref_squeeze %dma_start3A_32 : memref<1x64xi32, #tpu.memory_space<vmem>> -> memref<64xi32, #tpu.memory_space<vmem>>
      %dma_start3A_34 = arith.constant 0 : i32
      %dma_start3A_35 = arith.constant 0 : i32
      %dma_start3A_36 = tpu.memref_slice %arg5[%dma_start3A_34, %dma_start3A_35] : memref<10000x128xf32, #tpu.memory_space<hbm>> -> memref<10000x128xf32, #tpu.memory_space<hbm>>
      %dma_start3A_37 = tpu.memref_slice %arg12[%dma_start3A_26] : memref<4x!tpu.dma_semaphore, #tpu.memory_space<semaphore_mem>> -> memref<1x!tpu.dma_semaphore, #tpu.memory_space<semaphore_mem>>
      %dma_start3A_38 = tpu.memref_squeeze %dma_start3A_37 : memref<1x!tpu.dma_semaphore, #tpu.memory_space<semaphore_mem>> -> memref<!tpu.dma_semaphore, #tpu.memory_space<semaphore_mem>>
      tpu.enqueue_indirect_dma source(%dma_start3A_36 : memref<10000x128xf32, #tpu.memory_space<hbm>>) target(%dma_start3A_30 : memref<64x128xf32, #tpu.memory_space<vmem>>) offsets(%dma_start3A_33 : memref<64xi32, #tpu.memory_space<vmem>>) semaphore(%dma_start3A_38 : memref<!tpu.dma_semaphore, #tpu.memory_space<semaphore_mem>>)
      %dma_start3A_39 = arith.constant 2 : i32
      %dma_start3A_40 = arith.constant 2 : i32
      %dma_start3A_41 = arith.constant 2 : i32
      %dma_start3A_42 = arith.constant 0 : i32
      %dma_start3A_43 = arith.constant 0 : i32
      %dma_start3A_44 = tpu.memref_slice %arg10[%dma_start3A_40, %dma_start3A_42, %dma_start3A_43] : memref<4x64x128xf32, #tpu.memory_space<vmem>> -> memref<1x64x128xf32, #tpu.memory_space<vmem>>
      %dma_start3A_45 = tpu.memref_squeeze %dma_start3A_44 : memref<1x64x128xf32, #tpu.memory_space<vmem>> -> memref<64x128xf32, #tpu.memory_space<vmem>>
      %dma_start3A_46 = arith.constant 0 : i32
      %dma_start3A_47 = tpu.memref_slice %arg8[%dma_start3A_39, %dma_start3A_46] : memref<40x64xi32, #tpu.memory_space<vmem>> -> memref<1x64xi32, #tpu.memory_space<vmem>>
      %dma_start3A_48 = tpu.memref_squeeze %dma_start3A_47 : memref<1x64xi32, #tpu.memory_space<vmem>> -> memref<64xi32, #tpu.memory_space<vmem>>
      %dma_start3A_49 = arith.constant 0 : i32
      %dma_start3A_50 = arith.constant 0 : i32
      %dma_start3A_51 = tpu.memref_slice %arg5[%dma_start3A_49, %dma_start3A_50] : memref<10000x128xf32, #tpu.memory_space<hbm>> -> memref<10000x128xf32, #tpu.memory_space<hbm>>
      %dma_start3A_52 = tpu.memref_slice %arg12[%dma_start3A_41] : memref<4x!tpu.dma_semaphore, #tpu.memory_space<semaphore_mem>> -> memref<1x!tpu.dma_semaphore, #tpu.memory_space<semaphore_mem>>
      %dma_start3A_53 = tpu.memref_squeeze %dma_start3A_52 : memref<1x!tpu.dma_semaphore, #tpu.memory_space<semaphore_mem>> -> memref<!tpu.dma_semaphore, #tpu.memory_space<semaphore_mem>>
      tpu.enqueue_indirect_dma source(%dma_start3A_51 : memref<10000x128xf32, #tpu.memory_space<hbm>>) target(%dma_start3A_45 : memref<64x128xf32, #tpu.memory_space<vmem>>) offsets(%dma_start3A_48 : memref<64xi32, #tpu.memory_space<vmem>>) semaphore(%dma_start3A_53 : memref<!tpu.dma_semaphore, #tpu.memory_space<semaphore_mem>>)
      %dma_start3A_54 = arith.constant 3 : i32
      %dma_start3A_55 = arith.constant 3 : i32
      %dma_start3A_56 = arith.constant 3 : i32
      %dma_start3A_57 = arith.constant 0 : i32
      %dma_start3A_58 = arith.constant 0 : i32
      %dma_start3A_59 = tpu.memref_slice %arg10[%dma_start3A_55, %dma_start3A_57, %dma_start3A_58] : memref<4x64x128xf32, #tpu.memory_space<vmem>> -> memref<1x64x128xf32, #tpu.memory_space<vmem>>
      %dma_start3A_60 = tpu.memref_squeeze %dma_start3A_59 : memref<1x64x128xf32, #tpu.memory_space<vmem>> -> memref<64x128xf32, #tpu.memory_space<vmem>>
      %dma_start3A_61 = arith.constant 0 : i32
      %dma_start3A_62 = tpu.memref_slice %arg8[%dma_start3A_54, %dma_start3A_61] : memref<40x64xi32, #tpu.memory_space<vmem>> -> memref<1x64xi32, #tpu.memory_space<vmem>>
      %dma_start3A_63 = tpu.memref_squeeze %dma_start3A_62 : memref<1x64xi32, #tpu.memory_space<vmem>> -> memref<64xi32, #tpu.memory_space<vmem>>
      %dma_start3A_64 = arith.constant 0 : i32
      %dma_start3A_65 = arith.constant 0 : i32
      %dma_start3A_66 = tpu.memref_slice %arg5[%dma_start3A_64, %dma_start3A_65] : memref<10000x128xf32, #tpu.memory_space<hbm>> -> memref<10000x128xf32, #tpu.memory_space<hbm>>
      %dma_start3A_67 = tpu.memref_slice %arg12[%dma_start3A_56] : memref<4x!tpu.dma_semaphore, #tpu.memory_space<semaphore_mem>> -> memref<1x!tpu.dma_semaphore, #tpu.memory_space<semaphore_mem>>
      %dma_start3A_68 = tpu.memref_squeeze %dma_start3A_67 : memref<1x!tpu.dma_semaphore, #tpu.memory_space<semaphore_mem>> -> memref<!tpu.dma_semaphore, #tpu.memory_space<semaphore_mem>>
      tpu.enqueue_indirect_dma source(%dma_start3A_66 : memref<10000x128xf32, #tpu.memory_space<hbm>>) target(%dma_start3A_60 : memref<64x128xf32, #tpu.memory_space<vmem>>) offsets(%dma_start3A_63 : memref<64xi32, #tpu.memory_space<vmem>>) semaphore(%dma_start3A_68 : memref<!tpu.dma_semaphore, #tpu.memory_space<semaphore_mem>>)
      %mul3A_69 = arith.constant 640 : i32
      %mul3A_70 = arith.muli %arg1, %mul3A_69 : i32
      %mul3A_71 = arith.constant 640 : i32
      %mul3A_72 = arith.muli %arg1, %mul3A_71 : i32
      "tpu.region"() ({
        %run_scoped3A = tpu.sem_alloc : memref<!tpu.dma_semaphore, #tpu.memory_space<semaphore_mem>>
        %dma_start3A_277 = arith.constant 0 : i32
        %dma_start3A_278 = tpu.memref_slice %arg11[%mul3A_72, %dma_start3A_277] : memref<10240x128xf32, #tpu.memory_space<vmem_shared>> -> memref<640x128xf32, #tpu.memory_space<vmem_shared>>
        %dma_start3A_279 = arith.constant 0 : i32
        %dma_start3A_280 = tpu.memref_slice %arg6[%mul3A_70, %dma_start3A_279] : memref<10240x128xf32, #tpu.memory_space<hbm>> -> memref<640x128xf32, #tpu.memory_space<hbm>>
        tpu.enqueue_dma source(%dma_start3A_280 : memref<640x128xf32, #tpu.memory_space<hbm>>) target(%dma_start3A_278 : memref<640x128xf32, #tpu.memory_space<vmem_shared>>) target_semaphore(%run_scoped3A : memref<!tpu.dma_semaphore, #tpu.memory_space<semaphore_mem>>)
        %dma_wait3A = arith.constant 0 : i32
        %dma_wait3A_281 = tpu.memref_slice %arg11[%mul3A_72, %dma_wait3A] : memref<10240x128xf32, #tpu.memory_space<vmem_shared>> -> memref<640x128xf32, #tpu.memory_space<vmem_shared>>
        %dma_wait3A_282 = arith.constant 0 : i32
        %dma_wait3A_283 = tpu.memref_slice %arg6[%mul3A_70, %dma_wait3A_282] : memref<10240x128xf32, #tpu.memory_space<hbm>> -> memref<640x128xf32, #tpu.memory_space<hbm>>
        tpu.wait_dma2 semaphore(%run_scoped3A : memref<!tpu.dma_semaphore, #tpu.memory_space<semaphore_mem>>) src(%dma_wait3A_283 : memref<640x128xf32, #tpu.memory_space<hbm>>) dst(%dma_wait3A_281 : memref<640x128xf32, #tpu.memory_space<vmem_shared>>)
        tpu.yield
      }) : () -> ()
      %barrier3A_73 = arith.constant 0 : index
      tpu.barrier barrier_id(%barrier3A_73)
      %scan3A = arith.constant 0 : i32
      %scan3A_74 = arith.constant 0 : i32
      %scan3A_75 = arith.constant 10 : i32
      %scan3A_76 = arith.addi %scan3A_74, %scan3A_75 : i32
      %scan3A_77 = arith.constant 1 : i32
      scf.for %scan3A_277 = %scan3A_74 to %scan3A_76 step %scan3A_77  : i32 {
        %mul3A_278 = arith.constant 4 : i32
        %mul3A_279 = arith.muli %scan3A_277, %mul3A_278 : i32
        %add3A = arith.constant 0 : i32
        %add3A_280 = arith.addi %mul3A_279, %add3A : i32
        %dma_wait3A = arith.constant 0 : i32
        %dma_wait3A_281 = arith.constant 0 : i32
        %dma_wait3A_282 = arith.constant 0 : i32
        %dma_wait3A_283 = arith.constant 0 : i32
        %dma_wait3A_284 = tpu.memref_slice %arg10[%dma_wait3A, %dma_wait3A_282, %dma_wait3A_283] : memref<4x64x128xf32, #tpu.memory_space<vmem>> -> memref<1x64x128xf32, #tpu.memory_space<vmem>>
        %dma_wait3A_285 = tpu.memref_squeeze %dma_wait3A_284 : memref<1x64x128xf32, #tpu.memory_space<vmem>> -> memref<64x128xf32, #tpu.memory_space<vmem>>
        %dma_wait3A_286 = arith.constant 0 : i32
        %dma_wait3A_287 = tpu.memref_slice %arg8[%add3A_280, %dma_wait3A_286] : memref<40x64xi32, #tpu.memory_space<vmem>> -> memref<1x64xi32, #tpu.memory_space<vmem>>
        %dma_wait3A_288 = tpu.memref_squeeze %dma_wait3A_287 : memref<1x64xi32, #tpu.memory_space<vmem>> -> memref<64xi32, #tpu.memory_space<vmem>>
        %dma_wait3A_289 = arith.constant 0 : i32
        %dma_wait3A_290 = arith.constant 0 : i32
        %dma_wait3A_291 = tpu.memref_slice %arg5[%dma_wait3A_289, %dma_wait3A_290] : memref<10000x128xf32, #tpu.memory_space<hbm>> -> memref<10000x128xf32, #tpu.memory_space<hbm>>
        %dma_wait3A_292 = tpu.memref_slice %arg12[%dma_wait3A_281] : memref<4x!tpu.dma_semaphore, #tpu.memory_space<semaphore_mem>> -> memref<1x!tpu.dma_semaphore, #tpu.memory_space<semaphore_mem>>
        %dma_wait3A_293 = tpu.memref_squeeze %dma_wait3A_292 : memref<1x!tpu.dma_semaphore, #tpu.memory_space<semaphore_mem>> -> memref<!tpu.dma_semaphore, #tpu.memory_space<semaphore_mem>>
        tpu.wait_indirect_dma semaphore(%dma_wait3A_293 : memref<!tpu.dma_semaphore, #tpu.memory_space<semaphore_mem>>) src(%dma_wait3A_291 : memref<10000x128xf32, #tpu.memory_space<hbm>>) dst(%dma_wait3A_285 : memref<64x128xf32, #tpu.memory_space<vmem>>)
        %run_scoped3A = arith.constant 0 : i32
        "tpu.region"() ({
          %run_scoped3A_378 = tpu.sem_alloc : memref<!tpu.dma_semaphore, #tpu.memory_space<semaphore_mem>>
          %dma_start3A_379 = arith.constant 0 : i32
          %dma_start3A_380 = arith.constant 0 : i32
          %dma_start3A_381 = tpu.memref_slice %arg10[%run_scoped3A, %dma_start3A_379, %dma_start3A_380] : memref<4x64x128xf32, #tpu.memory_space<vmem>> -> memref<1x64x128xf32, #tpu.memory_space<vmem>>
          %dma_start3A_382 = tpu.memref_squeeze %dma_start3A_381 : memref<1x64x128xf32, #tpu.memory_space<vmem>> -> memref<64x128xf32, #tpu.memory_space<vmem>>
          %dma_start3A_383 = arith.constant 0 : i32
          %dma_start3A_384 = tpu.memref_slice %arg9[%add3A_280, %dma_start3A_383] : memref<40x64xi32, #tpu.memory_space<vmem>> -> memref<1x64xi32, #tpu.memory_space<vmem>>
          %dma_start3A_385 = tpu.memref_squeeze %dma_start3A_384 : memref<1x64xi32, #tpu.memory_space<vmem>> -> memref<64xi32, #tpu.memory_space<vmem>>
          %dma_start3A_386 = arith.constant 0 : i32
          %dma_start3A_387 = arith.constant 0 : i32
          %dma_start3A_388 = tpu.memref_slice %arg11[%dma_start3A_386, %dma_start3A_387] : memref<10240x128xf32, #tpu.memory_space<vmem_shared>> -> memref<10240x128xf32, #tpu.memory_space<vmem_shared>>
          tpu.enqueue_indirect_dma source(%dma_start3A_382 : memref<64x128xf32, #tpu.memory_space<vmem>>) target(%dma_start3A_388 : memref<10240x128xf32, #tpu.memory_space<vmem_shared>>) offsets(%dma_start3A_385 : memref<64xi32, #tpu.memory_space<vmem>>) semaphore(%run_scoped3A_378 : memref<!tpu.dma_semaphore, #tpu.memory_space<semaphore_mem>>) {add = true}
          %dma_wait3A_389 = arith.constant 0 : i32
          %dma_wait3A_390 = arith.constant 0 : i32
          %dma_wait3A_391 = tpu.memref_slice %arg10[%run_scoped3A, %dma_wait3A_389, %dma_wait3A_390] : memref<4x64x128xf32, #tpu.memory_space<vmem>> -> memref<1x64x128xf32, #tpu.memory_space<vmem>>
          %dma_wait3A_392 = tpu.memref_squeeze %dma_wait3A_391 : memref<1x64x128xf32, #tpu.memory_space<vmem>> -> memref<64x128xf32, #tpu.memory_space<vmem>>
          %dma_wait3A_393 = arith.constant 0 : i32
          %dma_wait3A_394 = tpu.memref_slice %arg9[%add3A_280, %dma_wait3A_393] : memref<40x64xi32, #tpu.memory_space<vmem>> -> memref<1x64xi32, #tpu.memory_space<vmem>>
          %dma_wait3A_395 = tpu.memref_squeeze %dma_wait3A_394 : memref<1x64xi32, #tpu.memory_space<vmem>> -> memref<64xi32, #tpu.memory_space<vmem>>
          %dma_wait3A_396 = arith.constant 0 : i32
          %dma_wait3A_397 = arith.constant 0 : i32
          %dma_wait3A_398 = tpu.memref_slice %arg11[%dma_wait3A_396, %dma_wait3A_397] : memref<10240x128xf32, #tpu.memory_space<vmem_shared>> -> memref<10240x128xf32, #tpu.memory_space<vmem_shared>>
          tpu.wait_indirect_dma semaphore(%run_scoped3A_378 : memref<!tpu.dma_semaphore, #tpu.memory_space<semaphore_mem>>) src(%dma_wait3A_392 : memref<64x128xf32, #tpu.memory_space<vmem>>) dst(%dma_wait3A_398 : memref<10240x128xf32, #tpu.memory_space<vmem_shared>>)
          tpu.yield
        }) : () -> ()
        %add3A_294 = arith.constant 4 : i32
        %add3A_295 = arith.addi %add3A_280, %add3A_294 : i32
        %lt3A = arith.constant 40 : i32
        %lt3A_296 = arith.cmpi slt, %add3A_295, %lt3A : i32
        %convert_element_type3A_297 = arith.extui %lt3A_296 : i1 to i32
        %cond3A_298 = arith.constant 0 : i32
        %cond3A_299 = arith.cmpi ne, %convert_element_type3A_297, %cond3A_298 : i32
        scf.if %cond3A_299 {
          %dma_start3A_378 = arith.constant 0 : i32
          %dma_start3A_379 = arith.constant 0 : i32
          %dma_start3A_380 = arith.constant 0 : i32
          %dma_start3A_381 = arith.constant 0 : i32
          %dma_start3A_382 = tpu.memref_slice %arg10[%dma_start3A_378, %dma_start3A_380, %dma_start3A_381] : memref<4x64x128xf32, #tpu.memory_space<vmem>> -> memref<1x64x128xf32, #tpu.memory_space<vmem>>
          %dma_start3A_383 = tpu.memref_squeeze %dma_start3A_382 : memref<1x64x128xf32, #tpu.memory_space<vmem>> -> memref<64x128xf32, #tpu.memory_space<vmem>>
          %dma_start3A_384 = arith.constant 0 : i32
          %dma_start3A_385 = tpu.memref_slice %arg8[%add3A_295, %dma_start3A_384] : memref<40x64xi32, #tpu.memory_space<vmem>> -> memref<1x64xi32, #tpu.memory_space<vmem>>
          %dma_start3A_386 = tpu.memref_squeeze %dma_start3A_385 : memref<1x64xi32, #tpu.memory_space<vmem>> -> memref<64xi32, #tpu.memory_space<vmem>>
          %dma_start3A_387 = arith.constant 0 : i32
          %dma_start3A_388 = arith.constant 0 : i32
          %dma_start3A_389 = tpu.memref_slice %arg5[%dma_start3A_387, %dma_start3A_388] : memref<10000x128xf32, #tpu.memory_space<hbm>> -> memref<10000x128xf32, #tpu.memory_space<hbm>>
          %dma_start3A_390 = tpu.memref_slice %arg12[%dma_start3A_379] : memref<4x!tpu.dma_semaphore, #tpu.memory_space<semaphore_mem>> -> memref<1x!tpu.dma_semaphore, #tpu.memory_space<semaphore_mem>>
          %dma_start3A_391 = tpu.memref_squeeze %dma_start3A_390 : memref<1x!tpu.dma_semaphore, #tpu.memory_space<semaphore_mem>> -> memref<!tpu.dma_semaphore, #tpu.memory_space<semaphore_mem>>
          tpu.enqueue_indirect_dma source(%dma_start3A_389 : memref<10000x128xf32, #tpu.memory_space<hbm>>) target(%dma_start3A_383 : memref<64x128xf32, #tpu.memory_space<vmem>>) offsets(%dma_start3A_386 : memref<64xi32, #tpu.memory_space<vmem>>) semaphore(%dma_start3A_391 : memref<!tpu.dma_semaphore, #tpu.memory_space<semaphore_mem>>)
        } else {
        }
        %mul3A_300 = arith.constant 4 : i32
        %mul3A_301 = arith.muli %scan3A_277, %mul3A_300 : i32
        %add3A_302 = arith.constant 1 : i32
        %add3A_303 = arith.addi %mul3A_301, %add3A_302 : i32
        %dma_wait3A_304 = arith.constant 1 : i32
        %dma_wait3A_305 = arith.constant 1 : i32
        %dma_wait3A_306 = arith.constant 0 : i32
        %dma_wait3A_307 = arith.constant 0 : i32
        %dma_wait3A_308 = tpu.memref_slice %arg10[%dma_wait3A_304, %dma_wait3A_306, %dma_wait3A_307] : memref<4x64x128xf32, #tpu.memory_space<vmem>> -> memref<1x64x128xf32, #tpu.memory_space<vmem>>
        %dma_wait3A_309 = tpu.memref_squeeze %dma_wait3A_308 : memref<1x64x128xf32, #tpu.memory_space<vmem>> -> memref<64x128xf32, #tpu.memory_space<vmem>>
        %dma_wait3A_310 = arith.constant 0 : i32
        %dma_wait3A_311 = tpu.memref_slice %arg8[%add3A_303, %dma_wait3A_310] : memref<40x64xi32, #tpu.memory_space<vmem>> -> memref<1x64xi32, #tpu.memory_space<vmem>>
        %dma_wait3A_312 = tpu.memref_squeeze %dma_wait3A_311 : memref<1x64xi32, #tpu.memory_space<vmem>> -> memref<64xi32, #tpu.memory_space<vmem>>
        %dma_wait3A_313 = arith.constant 0 : i32
        %dma_wait3A_314 = arith.constant 0 : i32
        %dma_wait3A_315 = tpu.memref_slice %arg5[%dma_wait3A_313, %dma_wait3A_314] : memref<10000x128xf32, #tpu.memory_space<hbm>> -> memref<10000x128xf32, #tpu.memory_space<hbm>>
        %dma_wait3A_316 = tpu.memref_slice %arg12[%dma_wait3A_305] : memref<4x!tpu.dma_semaphore, #tpu.memory_space<semaphore_mem>> -> memref<1x!tpu.dma_semaphore, #tpu.memory_space<semaphore_mem>>
        %dma_wait3A_317 = tpu.memref_squeeze %dma_wait3A_316 : memref<1x!tpu.dma_semaphore, #tpu.memory_space<semaphore_mem>> -> memref<!tpu.dma_semaphore, #tpu.memory_space<semaphore_mem>>
        tpu.wait_indirect_dma semaphore(%dma_wait3A_317 : memref<!tpu.dma_semaphore, #tpu.memory_space<semaphore_mem>>) src(%dma_wait3A_315 : memref<10000x128xf32, #tpu.memory_space<hbm>>) dst(%dma_wait3A_309 : memref<64x128xf32, #tpu.memory_space<vmem>>)
        %run_scoped3A_318 = arith.constant 1 : i32
        "tpu.region"() ({
          %run_scoped3A_378 = tpu.sem_alloc : memref<!tpu.dma_semaphore, #tpu.memory_space<semaphore_mem>>
          %dma_start3A_379 = arith.constant 0 : i32
          %dma_start3A_380 = arith.constant 0 : i32
          %dma_start3A_381 = tpu.memref_slice %arg10[%run_scoped3A_318, %dma_start3A_379, %dma_start3A_380] : memref<4x64x128xf32, #tpu.memory_space<vmem>> -> memref<1x64x128xf32, #tpu.memory_space<vmem>>
          %dma_start3A_382 = tpu.memref_squeeze %dma_start3A_381 : memref<1x64x128xf32, #tpu.memory_space<vmem>> -> memref<64x128xf32, #tpu.memory_space<vmem>>
          %dma_start3A_383 = arith.constant 0 : i32
          %dma_start3A_384 = tpu.memref_slice %arg9[%add3A_303, %dma_start3A_383] : memref<40x64xi32, #tpu.memory_space<vmem>> -> memref<1x64xi32, #tpu.memory_space<vmem>>
          %dma_start3A_385 = tpu.memref_squeeze %dma_start3A_384 : memref<1x64xi32, #tpu.memory_space<vmem>> -> memref<64xi32, #tpu.memory_space<vmem>>
          %dma_start3A_386 = arith.constant 0 : i32
          %dma_start3A_387 = arith.constant 0 : i32
          %dma_start3A_388 = tpu.memref_slice %arg11[%dma_start3A_386, %dma_start3A_387] : memref<10240x128xf32, #tpu.memory_space<vmem_shared>> -> memref<10240x128xf32, #tpu.memory_space<vmem_shared>>
          tpu.enqueue_indirect_dma source(%dma_start3A_382 : memref<64x128xf32, #tpu.memory_space<vmem>>) target(%dma_start3A_388 : memref<10240x128xf32, #tpu.memory_space<vmem_shared>>) offsets(%dma_start3A_385 : memref<64xi32, #tpu.memory_space<vmem>>) semaphore(%run_scoped3A_378 : memref<!tpu.dma_semaphore, #tpu.memory_space<semaphore_mem>>) {add = true}
          %dma_wait3A_389 = arith.constant 0 : i32
          %dma_wait3A_390 = arith.constant 0 : i32
          %dma_wait3A_391 = tpu.memref_slice %arg10[%run_scoped3A_318, %dma_wait3A_389, %dma_wait3A_390] : memref<4x64x128xf32, #tpu.memory_space<vmem>> -> memref<1x64x128xf32, #tpu.memory_space<vmem>>
          %dma_wait3A_392 = tpu.memref_squeeze %dma_wait3A_391 : memref<1x64x128xf32, #tpu.memory_space<vmem>> -> memref<64x128xf32, #tpu.memory_space<vmem>>
          %dma_wait3A_393 = arith.constant 0 : i32
          %dma_wait3A_394 = tpu.memref_slice %arg9[%add3A_303, %dma_wait3A_393] : memref<40x64xi32, #tpu.memory_space<vmem>> -> memref<1x64xi32, #tpu.memory_space<vmem>>
          %dma_wait3A_395 = tpu.memref_squeeze %dma_wait3A_394 : memref<1x64xi32, #tpu.memory_space<vmem>> -> memref<64xi32, #tpu.memory_space<vmem>>
          %dma_wait3A_396 = arith.constant 0 : i32
          %dma_wait3A_397 = arith.constant 0 : i32
          %dma_wait3A_398 = tpu.memref_slice %arg11[%dma_wait3A_396, %dma_wait3A_397] : memref<10240x128xf32, #tpu.memory_space<vmem_shared>> -> memref<10240x128xf32, #tpu.memory_space<vmem_shared>>
          tpu.wait_indirect_dma semaphore(%run_scoped3A_378 : memref<!tpu.dma_semaphore, #tpu.memory_space<semaphore_mem>>) src(%dma_wait3A_392 : memref<64x128xf32, #tpu.memory_space<vmem>>) dst(%dma_wait3A_398 : memref<10240x128xf32, #tpu.memory_space<vmem_shared>>)
          tpu.yield
        }) : () -> ()
        %add3A_319 = arith.constant 4 : i32
        %add3A_320 = arith.addi %add3A_303, %add3A_319 : i32
        %lt3A_321 = arith.constant 40 : i32
        %lt3A_322 = arith.cmpi slt, %add3A_320, %lt3A_321 : i32
        %convert_element_type3A_323 = arith.extui %lt3A_322 : i1 to i32
        %cond3A_324 = arith.constant 0 : i32
        %cond3A_325 = arith.cmpi ne, %convert_element_type3A_323, %cond3A_324 : i32
        scf.if %cond3A_325 {
          %dma_start3A_378 = arith.constant 1 : i32
          %dma_start3A_379 = arith.constant 1 : i32
          %dma_start3A_380 = arith.constant 0 : i32
          %dma_start3A_381 = arith.constant 0 : i32
          %dma_start3A_382 = tpu.memref_slice %arg10[%dma_start3A_378, %dma_start3A_380, %dma_start3A_381] : memref<4x64x128xf32, #tpu.memory_space<vmem>> -> memref<1x64x128xf32, #tpu.memory_space<vmem>>
          %dma_start3A_383 = tpu.memref_squeeze %dma_start3A_382 : memref<1x64x128xf32, #tpu.memory_space<vmem>> -> memref<64x128xf32, #tpu.memory_space<vmem>>
          %dma_start3A_384 = arith.constant 0 : i32
          %dma_start3A_385 = tpu.memref_slice %arg8[%add3A_320, %dma_start3A_384] : memref<40x64xi32, #tpu.memory_space<vmem>> -> memref<1x64xi32, #tpu.memory_space<vmem>>
          %dma_start3A_386 = tpu.memref_squeeze %dma_start3A_385 : memref<1x64xi32, #tpu.memory_space<vmem>> -> memref<64xi32, #tpu.memory_space<vmem>>
          %dma_start3A_387 = arith.constant 0 : i32
          %dma_start3A_388 = arith.constant 0 : i32
          %dma_start3A_389 = tpu.memref_slice %arg5[%dma_start3A_387, %dma_start3A_388] : memref<10000x128xf32, #tpu.memory_space<hbm>> -> memref<10000x128xf32, #tpu.memory_space<hbm>>
          %dma_start3A_390 = tpu.memref_slice %arg12[%dma_start3A_379] : memref<4x!tpu.dma_semaphore, #tpu.memory_space<semaphore_mem>> -> memref<1x!tpu.dma_semaphore, #tpu.memory_space<semaphore_mem>>
          %dma_start3A_391 = tpu.memref_squeeze %dma_start3A_390 : memref<1x!tpu.dma_semaphore, #tpu.memory_space<semaphore_mem>> -> memref<!tpu.dma_semaphore, #tpu.memory_space<semaphore_mem>>
          tpu.enqueue_indirect_dma source(%dma_start3A_389 : memref<10000x128xf32, #tpu.memory_space<hbm>>) target(%dma_start3A_383 : memref<64x128xf32, #tpu.memory_space<vmem>>) offsets(%dma_start3A_386 : memref<64xi32, #tpu.memory_space<vmem>>) semaphore(%dma_start3A_391 : memref<!tpu.dma_semaphore, #tpu.memory_space<semaphore_mem>>)
        } else {
        }
        %mul3A_326 = arith.constant 4 : i32
        %mul3A_327 = arith.muli %scan3A_277, %mul3A_326 : i32
        %add3A_328 = arith.constant 2 : i32
        %add3A_329 = arith.addi %mul3A_327, %add3A_328 : i32
        %dma_wait3A_330 = arith.constant 2 : i32
        %dma_wait3A_331 = arith.constant 2 : i32
        %dma_wait3A_332 = arith.constant 0 : i32
        %dma_wait3A_333 = arith.constant 0 : i32
        %dma_wait3A_334 = tpu.memref_slice %arg10[%dma_wait3A_330, %dma_wait3A_332, %dma_wait3A_333] : memref<4x64x128xf32, #tpu.memory_space<vmem>> -> memref<1x64x128xf32, #tpu.memory_space<vmem>>
        %dma_wait3A_335 = tpu.memref_squeeze %dma_wait3A_334 : memref<1x64x128xf32, #tpu.memory_space<vmem>> -> memref<64x128xf32, #tpu.memory_space<vmem>>
        %dma_wait3A_336 = arith.constant 0 : i32
        %dma_wait3A_337 = tpu.memref_slice %arg8[%add3A_329, %dma_wait3A_336] : memref<40x64xi32, #tpu.memory_space<vmem>> -> memref<1x64xi32, #tpu.memory_space<vmem>>
        %dma_wait3A_338 = tpu.memref_squeeze %dma_wait3A_337 : memref<1x64xi32, #tpu.memory_space<vmem>> -> memref<64xi32, #tpu.memory_space<vmem>>
        %dma_wait3A_339 = arith.constant 0 : i32
        %dma_wait3A_340 = arith.constant 0 : i32
        %dma_wait3A_341 = tpu.memref_slice %arg5[%dma_wait3A_339, %dma_wait3A_340] : memref<10000x128xf32, #tpu.memory_space<hbm>> -> memref<10000x128xf32, #tpu.memory_space<hbm>>
        %dma_wait3A_342 = tpu.memref_slice %arg12[%dma_wait3A_331] : memref<4x!tpu.dma_semaphore, #tpu.memory_space<semaphore_mem>> -> memref<1x!tpu.dma_semaphore, #tpu.memory_space<semaphore_mem>>
        %dma_wait3A_343 = tpu.memref_squeeze %dma_wait3A_342 : memref<1x!tpu.dma_semaphore, #tpu.memory_space<semaphore_mem>> -> memref<!tpu.dma_semaphore, #tpu.memory_space<semaphore_mem>>
        tpu.wait_indirect_dma semaphore(%dma_wait3A_343 : memref<!tpu.dma_semaphore, #tpu.memory_space<semaphore_mem>>) src(%dma_wait3A_341 : memref<10000x128xf32, #tpu.memory_space<hbm>>) dst(%dma_wait3A_335 : memref<64x128xf32, #tpu.memory_space<vmem>>)
        %run_scoped3A_344 = arith.constant 2 : i32
        "tpu.region"() ({
          %run_scoped3A_378 = tpu.sem_alloc : memref<!tpu.dma_semaphore, #tpu.memory_space<semaphore_mem>>
          %dma_start3A_379 = arith.constant 0 : i32
          %dma_start3A_380 = arith.constant 0 : i32
          %dma_start3A_381 = tpu.memref_slice %arg10[%run_scoped3A_344, %dma_start3A_379, %dma_start3A_380] : memref<4x64x128xf32, #tpu.memory_space<vmem>> -> memref<1x64x128xf32, #tpu.memory_space<vmem>>
          %dma_start3A_382 = tpu.memref_squeeze %dma_start3A_381 : memref<1x64x128xf32, #tpu.memory_space<vmem>> -> memref<64x128xf32, #tpu.memory_space<vmem>>
          %dma_start3A_383 = arith.constant 0 : i32
          %dma_start3A_384 = tpu.memref_slice %arg9[%add3A_329, %dma_start3A_383] : memref<40x64xi32, #tpu.memory_space<vmem>> -> memref<1x64xi32, #tpu.memory_space<vmem>>
          %dma_start3A_385 = tpu.memref_squeeze %dma_start3A_384 : memref<1x64xi32, #tpu.memory_space<vmem>> -> memref<64xi32, #tpu.memory_space<vmem>>
          %dma_start3A_386 = arith.constant 0 : i32
          %dma_start3A_387 = arith.constant 0 : i32
          %dma_start3A_388 = tpu.memref_slice %arg11[%dma_start3A_386, %dma_start3A_387] : memref<10240x128xf32, #tpu.memory_space<vmem_shared>> -> memref<10240x128xf32, #tpu.memory_space<vmem_shared>>
          tpu.enqueue_indirect_dma source(%dma_start3A_382 : memref<64x128xf32, #tpu.memory_space<vmem>>) target(%dma_start3A_388 : memref<10240x128xf32, #tpu.memory_space<vmem_shared>>) offsets(%dma_start3A_385 : memref<64xi32, #tpu.memory_space<vmem>>) semaphore(%run_scoped3A_378 : memref<!tpu.dma_semaphore, #tpu.memory_space<semaphore_mem>>) {add = true}
          %dma_wait3A_389 = arith.constant 0 : i32
          %dma_wait3A_390 = arith.constant 0 : i32
          %dma_wait3A_391 = tpu.memref_slice %arg10[%run_scoped3A_344, %dma_wait3A_389, %dma_wait3A_390] : memref<4x64x128xf32, #tpu.memory_space<vmem>> -> memref<1x64x128xf32, #tpu.memory_space<vmem>>
          %dma_wait3A_392 = tpu.memref_squeeze %dma_wait3A_391 : memref<1x64x128xf32, #tpu.memory_space<vmem>> -> memref<64x128xf32, #tpu.memory_space<vmem>>
          %dma_wait3A_393 = arith.constant 0 : i32
          %dma_wait3A_394 = tpu.memref_slice %arg9[%add3A_329, %dma_wait3A_393] : memref<40x64xi32, #tpu.memory_space<vmem>> -> memref<1x64xi32, #tpu.memory_space<vmem>>
          %dma_wait3A_395 = tpu.memref_squeeze %dma_wait3A_394 : memref<1x64xi32, #tpu.memory_space<vmem>> -> memref<64xi32, #tpu.memory_space<vmem>>
          %dma_wait3A_396 = arith.constant 0 : i32
          %dma_wait3A_397 = arith.constant 0 : i32
          %dma_wait3A_398 = tpu.memref_slice %arg11[%dma_wait3A_396, %dma_wait3A_397] : memref<10240x128xf32, #tpu.memory_space<vmem_shared>> -> memref<10240x128xf32, #tpu.memory_space<vmem_shared>>
          tpu.wait_indirect_dma semaphore(%run_scoped3A_378 : memref<!tpu.dma_semaphore, #tpu.memory_space<semaphore_mem>>) src(%dma_wait3A_392 : memref<64x128xf32, #tpu.memory_space<vmem>>) dst(%dma_wait3A_398 : memref<10240x128xf32, #tpu.memory_space<vmem_shared>>)
          tpu.yield
        }) : () -> ()
        %add3A_345 = arith.constant 4 : i32
        %add3A_346 = arith.addi %add3A_329, %add3A_345 : i32
        %lt3A_347 = arith.constant 40 : i32
        %lt3A_348 = arith.cmpi slt, %add3A_346, %lt3A_347 : i32
        %convert_element_type3A_349 = arith.extui %lt3A_348 : i1 to i32
        %cond3A_350 = arith.constant 0 : i32
        %cond3A_351 = arith.cmpi ne, %convert_element_type3A_349, %cond3A_350 : i32
        scf.if %cond3A_351 {
          %dma_start3A_378 = arith.constant 2 : i32
          %dma_start3A_379 = arith.constant 2 : i32
          %dma_start3A_380 = arith.constant 0 : i32
          %dma_start3A_381 = arith.constant 0 : i32
          %dma_start3A_382 = tpu.memref_slice %arg10[%dma_start3A_378, %dma_start3A_380, %dma_start3A_381] : memref<4x64x128xf32, #tpu.memory_space<vmem>> -> memref<1x64x128xf32, #tpu.memory_space<vmem>>
          %dma_start3A_383 = tpu.memref_squeeze %dma_start3A_382 : memref<1x64x128xf32, #tpu.memory_space<vmem>> -> memref<64x128xf32, #tpu.memory_space<vmem>>
          %dma_start3A_384 = arith.constant 0 : i32
          %dma_start3A_385 = tpu.memref_slice %arg8[%add3A_346, %dma_start3A_384] : memref<40x64xi32, #tpu.memory_space<vmem>> -> memref<1x64xi32, #tpu.memory_space<vmem>>
          %dma_start3A_386 = tpu.memref_squeeze %dma_start3A_385 : memref<1x64xi32, #tpu.memory_space<vmem>> -> memref<64xi32, #tpu.memory_space<vmem>>
          %dma_start3A_387 = arith.constant 0 : i32
          %dma_start3A_388 = arith.constant 0 : i32
          %dma_start3A_389 = tpu.memref_slice %arg5[%dma_start3A_387, %dma_start3A_388] : memref<10000x128xf32, #tpu.memory_space<hbm>> -> memref<10000x128xf32, #tpu.memory_space<hbm>>
          %dma_start3A_390 = tpu.memref_slice %arg12[%dma_start3A_379] : memref<4x!tpu.dma_semaphore, #tpu.memory_space<semaphore_mem>> -> memref<1x!tpu.dma_semaphore, #tpu.memory_space<semaphore_mem>>
          %dma_start3A_391 = tpu.memref_squeeze %dma_start3A_390 : memref<1x!tpu.dma_semaphore, #tpu.memory_space<semaphore_mem>> -> memref<!tpu.dma_semaphore, #tpu.memory_space<semaphore_mem>>
          tpu.enqueue_indirect_dma source(%dma_start3A_389 : memref<10000x128xf32, #tpu.memory_space<hbm>>) target(%dma_start3A_383 : memref<64x128xf32, #tpu.memory_space<vmem>>) offsets(%dma_start3A_386 : memref<64xi32, #tpu.memory_space<vmem>>) semaphore(%dma_start3A_391 : memref<!tpu.dma_semaphore, #tpu.memory_space<semaphore_mem>>)
        } else {
        }
        %mul3A_352 = arith.constant 4 : i32
        %mul3A_353 = arith.muli %scan3A_277, %mul3A_352 : i32
        %add3A_354 = arith.constant 3 : i32
        %add3A_355 = arith.addi %mul3A_353, %add3A_354 : i32
        %dma_wait3A_356 = arith.constant 3 : i32
        %dma_wait3A_357 = arith.constant 3 : i32
        %dma_wait3A_358 = arith.constant 0 : i32
        %dma_wait3A_359 = arith.constant 0 : i32
        %dma_wait3A_360 = tpu.memref_slice %arg10[%dma_wait3A_356, %dma_wait3A_358, %dma_wait3A_359] : memref<4x64x128xf32, #tpu.memory_space<vmem>> -> memref<1x64x128xf32, #tpu.memory_space<vmem>>
        %dma_wait3A_361 = tpu.memref_squeeze %dma_wait3A_360 : memref<1x64x128xf32, #tpu.memory_space<vmem>> -> memref<64x128xf32, #tpu.memory_space<vmem>>
        %dma_wait3A_362 = arith.constant 0 : i32
        %dma_wait3A_363 = tpu.memref_slice %arg8[%add3A_355, %dma_wait3A_362] : memref<40x64xi32, #tpu.memory_space<vmem>> -> memref<1x64xi32, #tpu.memory_space<vmem>>
        %dma_wait3A_364 = tpu.memref_squeeze %dma_wait3A_363 : memref<1x64xi32, #tpu.memory_space<vmem>> -> memref<64xi32, #tpu.memory_space<vmem>>
        %dma_wait3A_365 = arith.constant 0 : i32
        %dma_wait3A_366 = arith.constant 0 : i32
        %dma_wait3A_367 = tpu.memref_slice %arg5[%dma_wait3A_365, %dma_wait3A_366] : memref<10000x128xf32, #tpu.memory_space<hbm>> -> memref<10000x128xf32, #tpu.memory_space<hbm>>
        %dma_wait3A_368 = tpu.memref_slice %arg12[%dma_wait3A_357] : memref<4x!tpu.dma_semaphore, #tpu.memory_space<semaphore_mem>> -> memref<1x!tpu.dma_semaphore, #tpu.memory_space<semaphore_mem>>
        %dma_wait3A_369 = tpu.memref_squeeze %dma_wait3A_368 : memref<1x!tpu.dma_semaphore, #tpu.memory_space<semaphore_mem>> -> memref<!tpu.dma_semaphore, #tpu.memory_space<semaphore_mem>>
        tpu.wait_indirect_dma semaphore(%dma_wait3A_369 : memref<!tpu.dma_semaphore, #tpu.memory_space<semaphore_mem>>) src(%dma_wait3A_367 : memref<10000x128xf32, #tpu.memory_space<hbm>>) dst(%dma_wait3A_361 : memref<64x128xf32, #tpu.memory_space<vmem>>)
        %run_scoped3A_370 = arith.constant 3 : i32
        "tpu.region"() ({
          %run_scoped3A_378 = tpu.sem_alloc : memref<!tpu.dma_semaphore, #tpu.memory_space<semaphore_mem>>
          %dma_start3A_379 = arith.constant 0 : i32
          %dma_start3A_380 = arith.constant 0 : i32
          %dma_start3A_381 = tpu.memref_slice %arg10[%run_scoped3A_370, %dma_start3A_379, %dma_start3A_380] : memref<4x64x128xf32, #tpu.memory_space<vmem>> -> memref<1x64x128xf32, #tpu.memory_space<vmem>>
          %dma_start3A_382 = tpu.memref_squeeze %dma_start3A_381 : memref<1x64x128xf32, #tpu.memory_space<vmem>> -> memref<64x128xf32, #tpu.memory_space<vmem>>
          %dma_start3A_383 = arith.constant 0 : i32
          %dma_start3A_384 = tpu.memref_slice %arg9[%add3A_355, %dma_start3A_383] : memref<40x64xi32, #tpu.memory_space<vmem>> -> memref<1x64xi32, #tpu.memory_space<vmem>>
          %dma_start3A_385 = tpu.memref_squeeze %dma_start3A_384 : memref<1x64xi32, #tpu.memory_space<vmem>> -> memref<64xi32, #tpu.memory_space<vmem>>
          %dma_start3A_386 = arith.constant 0 : i32
          %dma_start3A_387 = arith.constant 0 : i32
          %dma_start3A_388 = tpu.memref_slice %arg11[%dma_start3A_386, %dma_start3A_387] : memref<10240x128xf32, #tpu.memory_space<vmem_shared>> -> memref<10240x128xf32, #tpu.memory_space<vmem_shared>>
          tpu.enqueue_indirect_dma source(%dma_start3A_382 : memref<64x128xf32, #tpu.memory_space<vmem>>) target(%dma_start3A_388 : memref<10240x128xf32, #tpu.memory_space<vmem_shared>>) offsets(%dma_start3A_385 : memref<64xi32, #tpu.memory_space<vmem>>) semaphore(%run_scoped3A_378 : memref<!tpu.dma_semaphore, #tpu.memory_space<semaphore_mem>>) {add = true}
          %dma_wait3A_389 = arith.constant 0 : i32
          %dma_wait3A_390 = arith.constant 0 : i32
          %dma_wait3A_391 = tpu.memref_slice %arg10[%run_scoped3A_370, %dma_wait3A_389, %dma_wait3A_390] : memref<4x64x128xf32, #tpu.memory_space<vmem>> -> memref<1x64x128xf32, #tpu.memory_space<vmem>>
          %dma_wait3A_392 = tpu.memref_squeeze %dma_wait3A_391 : memref<1x64x128xf32, #tpu.memory_space<vmem>> -> memref<64x128xf32, #tpu.memory_space<vmem>>
          %dma_wait3A_393 = arith.constant 0 : i32
          %dma_wait3A_394 = tpu.memref_slice %arg9[%add3A_355, %dma_wait3A_393] : memref<40x64xi32, #tpu.memory_space<vmem>> -> memref<1x64xi32, #tpu.memory_space<vmem>>
          %dma_wait3A_395 = tpu.memref_squeeze %dma_wait3A_394 : memref<1x64xi32, #tpu.memory_space<vmem>> -> memref<64xi32, #tpu.memory_space<vmem>>
          %dma_wait3A_396 = arith.constant 0 : i32
          %dma_wait3A_397 = arith.constant 0 : i32
          %dma_wait3A_398 = tpu.memref_slice %arg11[%dma_wait3A_396, %dma_wait3A_397] : memref<10240x128xf32, #tpu.memory_space<vmem_shared>> -> memref<10240x128xf32, #tpu.memory_space<vmem_shared>>
          tpu.wait_indirect_dma semaphore(%run_scoped3A_378 : memref<!tpu.dma_semaphore, #tpu.memory_space<semaphore_mem>>) src(%dma_wait3A_392 : memref<64x128xf32, #tpu.memory_space<vmem>>) dst(%dma_wait3A_398 : memref<10240x128xf32, #tpu.memory_space<vmem_shared>>)
          tpu.yield
        }) : () -> ()
        %add3A_371 = arith.constant 4 : i32
        %add3A_372 = arith.addi %add3A_355, %add3A_371 : i32
        %lt3A_373 = arith.constant 40 : i32
        %lt3A_374 = arith.cmpi slt, %add3A_372, %lt3A_373 : i32
        %convert_element_type3A_375 = arith.extui %lt3A_374 : i1 to i32
        %cond3A_376 = arith.constant 0 : i32
        %cond3A_377 = arith.cmpi ne, %convert_element_type3A_375, %cond3A_376 : i32
        scf.if %cond3A_377 {
          %dma_start3A_378 = arith.constant 3 : i32
          %dma_start3A_379 = arith.constant 3 : i32
          %dma_start3A_380 = arith.constant 0 : i32
          %dma_start3A_381 = arith.constant 0 : i32
          %dma_start3A_382 = tpu.memref_slice %arg10[%dma_start3A_378, %dma_start3A_380, %dma_start3A_381] : memref<4x64x128xf32, #tpu.memory_space<vmem>> -> memref<1x64x128xf32, #tpu.memory_space<vmem>>
          %dma_start3A_383 = tpu.memref_squeeze %dma_start3A_382 : memref<1x64x128xf32, #tpu.memory_space<vmem>> -> memref<64x128xf32, #tpu.memory_space<vmem>>
          %dma_start3A_384 = arith.constant 0 : i32
          %dma_start3A_385 = tpu.memref_slice %arg8[%add3A_372, %dma_start3A_384] : memref<40x64xi32, #tpu.memory_space<vmem>> -> memref<1x64xi32, #tpu.memory_space<vmem>>
          %dma_start3A_386 = tpu.memref_squeeze %dma_start3A_385 : memref<1x64xi32, #tpu.memory_space<vmem>> -> memref<64xi32, #tpu.memory_space<vmem>>
          %dma_start3A_387 = arith.constant 0 : i32
          %dma_start3A_388 = arith.constant 0 : i32
          %dma_start3A_389 = tpu.memref_slice %arg5[%dma_start3A_387, %dma_start3A_388] : memref<10000x128xf32, #tpu.memory_space<hbm>> -> memref<10000x128xf32, #tpu.memory_space<hbm>>
          %dma_start3A_390 = tpu.memref_slice %arg12[%dma_start3A_379] : memref<4x!tpu.dma_semaphore, #tpu.memory_space<semaphore_mem>> -> memref<1x!tpu.dma_semaphore, #tpu.memory_space<semaphore_mem>>
          %dma_start3A_391 = tpu.memref_squeeze %dma_start3A_390 : memref<1x!tpu.dma_semaphore, #tpu.memory_space<semaphore_mem>> -> memref<!tpu.dma_semaphore, #tpu.memory_space<semaphore_mem>>
          tpu.enqueue_indirect_dma source(%dma_start3A_389 : memref<10000x128xf32, #tpu.memory_space<hbm>>) target(%dma_start3A_383 : memref<64x128xf32, #tpu.memory_space<vmem>>) offsets(%dma_start3A_386 : memref<64xi32, #tpu.memory_space<vmem>>) semaphore(%dma_start3A_391 : memref<!tpu.dma_semaphore, #tpu.memory_space<semaphore_mem>>)
        } else {
        }
      }
      %scan3A_78 = arith.constant 10 : i32
      "tpu.region"() ({
        %run_scoped3A = tpu.sem_alloc : memref<!tpu.dma_semaphore, #tpu.memory_space<semaphore_mem>>
        %dma_start3A_277 = arith.constant 40 : i32
        %dma_start3A_278 = arith.constant 0 : i32
        %dma_start3A_279 = tpu.memref_slice %arg2[%arg1, %dma_start3A_277, %dma_start3A_278] : memref<16x160x64xi32, #tpu.memory_space<hbm>> -> memref<1x40x64xi32, #tpu.memory_space<hbm>>
        %dma_start3A_280 = tpu.memref_squeeze %dma_start3A_279 : memref<1x40x64xi32, #tpu.memory_space<hbm>> -> memref<40x64xi32, #tpu.memory_space<hbm>>
        %dma_start3A_281 = arith.constant 40 : i32
        %dma_start3A_282 = arith.constant 0 : i32
        %dma_start3A_283 = tpu.memref_slice %arg2[%arg1, %dma_start3A_281, %dma_start3A_282] : memref<16x160x64xi32, #tpu.memory_space<hbm>> -> memref<1x40x64xi32, #tpu.memory_space<hbm>>
        %dma_start3A_284 = tpu.memref_squeeze %dma_start3A_283 : memref<1x40x64xi32, #tpu.memory_space<hbm>> -> memref<40x64xi32, #tpu.memory_space<hbm>>
        tpu.enqueue_dma source(%dma_start3A_284 : memref<40x64xi32, #tpu.memory_space<hbm>>) target(%arg8 : memref<40x64xi32, #tpu.memory_space<vmem>>) target_semaphore(%run_scoped3A : memref<!tpu.dma_semaphore, #tpu.memory_space<semaphore_mem>>)
        %dma_wait3A = arith.constant 40 : i32
        %dma_wait3A_285 = arith.constant 0 : i32
        %dma_wait3A_286 = tpu.memref_slice %arg2[%arg1, %dma_wait3A, %dma_wait3A_285] : memref<16x160x64xi32, #tpu.memory_space<hbm>> -> memref<1x40x64xi32, #tpu.memory_space<hbm>>
        %dma_wait3A_287 = tpu.memref_squeeze %dma_wait3A_286 : memref<1x40x64xi32, #tpu.memory_space<hbm>> -> memref<40x64xi32, #tpu.memory_space<hbm>>
        %dma_wait3A_288 = arith.constant 40 : i32
        %dma_wait3A_289 = arith.constant 0 : i32
        %dma_wait3A_290 = tpu.memref_slice %arg2[%arg1, %dma_wait3A_288, %dma_wait3A_289] : memref<16x160x64xi32, #tpu.memory_space<hbm>> -> memref<1x40x64xi32, #tpu.memory_space<hbm>>
        %dma_wait3A_291 = tpu.memref_squeeze %dma_wait3A_290 : memref<1x40x64xi32, #tpu.memory_space<hbm>> -> memref<40x64xi32, #tpu.memory_space<hbm>>
        tpu.wait_dma2 semaphore(%run_scoped3A : memref<!tpu.dma_semaphore, #tpu.memory_space<semaphore_mem>>) src(%dma_wait3A_291 : memref<40x64xi32, #tpu.memory_space<hbm>>) dst(%arg8 : memref<40x64xi32, #tpu.memory_space<vmem>>)
        tpu.yield
      }) : () -> ()
      "tpu.region"() ({
        %run_scoped3A = tpu.sem_alloc : memref<!tpu.dma_semaphore, #tpu.memory_space<semaphore_mem>>
        %dma_start3A_277 = arith.constant 40 : i32
        %dma_start3A_278 = arith.constant 0 : i32
        %dma_start3A_279 = tpu.memref_slice %arg3[%arg1, %dma_start3A_277, %dma_start3A_278] : memref<16x160x64xi32, #tpu.memory_space<hbm>> -> memref<1x40x64xi32, #tpu.memory_space<hbm>>
        %dma_start3A_280 = tpu.memref_squeeze %dma_start3A_279 : memref<1x40x64xi32, #tpu.memory_space<hbm>> -> memref<40x64xi32, #tpu.memory_space<hbm>>
        %dma_start3A_281 = arith.constant 40 : i32
        %dma_start3A_282 = arith.constant 0 : i32
        %dma_start3A_283 = tpu.memref_slice %arg3[%arg1, %dma_start3A_281, %dma_start3A_282] : memref<16x160x64xi32, #tpu.memory_space<hbm>> -> memref<1x40x64xi32, #tpu.memory_space<hbm>>
        %dma_start3A_284 = tpu.memref_squeeze %dma_start3A_283 : memref<1x40x64xi32, #tpu.memory_space<hbm>> -> memref<40x64xi32, #tpu.memory_space<hbm>>
        tpu.enqueue_dma source(%dma_start3A_284 : memref<40x64xi32, #tpu.memory_space<hbm>>) target(%arg9 : memref<40x64xi32, #tpu.memory_space<vmem>>) target_semaphore(%run_scoped3A : memref<!tpu.dma_semaphore, #tpu.memory_space<semaphore_mem>>)
        %dma_wait3A = arith.constant 40 : i32
        %dma_wait3A_285 = arith.constant 0 : i32
        %dma_wait3A_286 = tpu.memref_slice %arg3[%arg1, %dma_wait3A, %dma_wait3A_285] : memref<16x160x64xi32, #tpu.memory_space<hbm>> -> memref<1x40x64xi32, #tpu.memory_space<hbm>>
        %dma_wait3A_287 = tpu.memref_squeeze %dma_wait3A_286 : memref<1x40x64xi32, #tpu.memory_space<hbm>> -> memref<40x64xi32, #tpu.memory_space<hbm>>
        %dma_wait3A_288 = arith.constant 40 : i32
        %dma_wait3A_289 = arith.constant 0 : i32
        %dma_wait3A_290 = tpu.memref_slice %arg3[%arg1, %dma_wait3A_288, %dma_wait3A_289] : memref<16x160x64xi32, #tpu.memory_space<hbm>> -> memref<1x40x64xi32, #tpu.memory_space<hbm>>
        %dma_wait3A_291 = tpu.memref_squeeze %dma_wait3A_290 : memref<1x40x64xi32, #tpu.memory_space<hbm>> -> memref<40x64xi32, #tpu.memory_space<hbm>>
        tpu.wait_dma2 semaphore(%run_scoped3A : memref<!tpu.dma_semaphore, #tpu.memory_space<semaphore_mem>>) src(%dma_wait3A_291 : memref<40x64xi32, #tpu.memory_space<hbm>>) dst(%arg9 : memref<40x64xi32, #tpu.memory_space<vmem>>)
        tpu.yield
      }) : () -> ()
      %dma_start3A_79 = arith.constant 0 : i32
      %dma_start3A_80 = arith.constant 0 : i32
      %dma_start3A_81 = arith.constant 0 : i32
      %dma_start3A_82 = arith.constant 0 : i32
      %dma_start3A_83 = arith.constant 0 : i32
      %dma_start3A_84 = tpu.memref_slice %arg10[%dma_start3A_80, %dma_start3A_82, %dma_start3A_83] : memref<4x64x128xf32, #tpu.memory_space<vmem>> -> memref<1x64x128xf32, #tpu.memory_space<vmem>>
      %dma_start3A_85 = tpu.memref_squeeze %dma_start3A_84 : memref<1x64x128xf32, #tpu.memory_space<vmem>> -> memref<64x128xf32, #tpu.memory_space<vmem>>
      %dma_start3A_86 = arith.constant 0 : i32
      %dma_start3A_87 = tpu.memref_slice %arg8[%dma_start3A_79, %dma_start3A_86] : memref<40x64xi32, #tpu.memory_space<vmem>> -> memref<1x64xi32, #tpu.memory_space<vmem>>
      %dma_start3A_88 = tpu.memref_squeeze %dma_start3A_87 : memref<1x64xi32, #tpu.memory_space<vmem>> -> memref<64xi32, #tpu.memory_space<vmem>>
      %dma_start3A_89 = arith.constant 0 : i32
      %dma_start3A_90 = arith.constant 0 : i32
      %dma_start3A_91 = tpu.memref_slice %arg5[%dma_start3A_89, %dma_start3A_90] : memref<10000x128xf32, #tpu.memory_space<hbm>> -> memref<10000x128xf32, #tpu.memory_space<hbm>>
      %dma_start3A_92 = tpu.memref_slice %arg12[%dma_start3A_81] : memref<4x!tpu.dma_semaphore, #tpu.memory_space<semaphore_mem>> -> memref<1x!tpu.dma_semaphore, #tpu.memory_space<semaphore_mem>>
      %dma_start3A_93 = tpu.memref_squeeze %dma_start3A_92 : memref<1x!tpu.dma_semaphore, #tpu.memory_space<semaphore_mem>> -> memref<!tpu.dma_semaphore, #tpu.memory_space<semaphore_mem>>
      tpu.enqueue_indirect_dma source(%dma_start3A_91 : memref<10000x128xf32, #tpu.memory_space<hbm>>) target(%dma_start3A_85 : memref<64x128xf32, #tpu.memory_space<vmem>>) offsets(%dma_start3A_88 : memref<64xi32, #tpu.memory_space<vmem>>) semaphore(%dma_start3A_93 : memref<!tpu.dma_semaphore, #tpu.memory_space<semaphore_mem>>)
      %dma_start3A_94 = arith.constant 1 : i32
      %dma_start3A_95 = arith.constant 1 : i32
      %dma_start3A_96 = arith.constant 1 : i32
      %dma_start3A_97 = arith.constant 0 : i32
      %dma_start3A_98 = arith.constant 0 : i32
      %dma_start3A_99 = tpu.memref_slice %arg10[%dma_start3A_95, %dma_start3A_97, %dma_start3A_98] : memref<4x64x128xf32, #tpu.memory_space<vmem>> -> memref<1x64x128xf32, #tpu.memory_space<vmem>>
      %dma_start3A_100 = tpu.memref_squeeze %dma_start3A_99 : memref<1x64x128xf32, #tpu.memory_space<vmem>> -> memref<64x128xf32, #tpu.memory_space<vmem>>
      %dma_start3A_101 = arith.constant 0 : i32
      %dma_start3A_102 = tpu.memref_slice %arg8[%dma_start3A_94, %dma_start3A_101] : memref<40x64xi32, #tpu.memory_space<vmem>> -> memref<1x64xi32, #tpu.memory_space<vmem>>
      %dma_start3A_103 = tpu.memref_squeeze %dma_start3A_102 : memref<1x64xi32, #tpu.memory_space<vmem>> -> memref<64xi32, #tpu.memory_space<vmem>>
      %dma_start3A_104 = arith.constant 0 : i32
      %dma_start3A_105 = arith.constant 0 : i32
      %dma_start3A_106 = tpu.memref_slice %arg5[%dma_start3A_104, %dma_start3A_105] : memref<10000x128xf32, #tpu.memory_space<hbm>> -> memref<10000x128xf32, #tpu.memory_space<hbm>>
      %dma_start3A_107 = tpu.memref_slice %arg12[%dma_start3A_96] : memref<4x!tpu.dma_semaphore, #tpu.memory_space<semaphore_mem>> -> memref<1x!tpu.dma_semaphore, #tpu.memory_space<semaphore_mem>>
      %dma_start3A_108 = tpu.memref_squeeze %dma_start3A_107 : memref<1x!tpu.dma_semaphore, #tpu.memory_space<semaphore_mem>> -> memref<!tpu.dma_semaphore, #tpu.memory_space<semaphore_mem>>
      tpu.enqueue_indirect_dma source(%dma_start3A_106 : memref<10000x128xf32, #tpu.memory_space<hbm>>) target(%dma_start3A_100 : memref<64x128xf32, #tpu.memory_space<vmem>>) offsets(%dma_start3A_103 : memref<64xi32, #tpu.memory_space<vmem>>) semaphore(%dma_start3A_108 : memref<!tpu.dma_semaphore, #tpu.memory_space<semaphore_mem>>)
      %dma_start3A_109 = arith.constant 2 : i32
      %dma_start3A_110 = arith.constant 2 : i32
      %dma_start3A_111 = arith.constant 2 : i32
      %dma_start3A_112 = arith.constant 0 : i32
      %dma_start3A_113 = arith.constant 0 : i32
      %dma_start3A_114 = tpu.memref_slice %arg10[%dma_start3A_110, %dma_start3A_112, %dma_start3A_113] : memref<4x64x128xf32, #tpu.memory_space<vmem>> -> memref<1x64x128xf32, #tpu.memory_space<vmem>>
      %dma_start3A_115 = tpu.memref_squeeze %dma_start3A_114 : memref<1x64x128xf32, #tpu.memory_space<vmem>> -> memref<64x128xf32, #tpu.memory_space<vmem>>
      %dma_start3A_116 = arith.constant 0 : i32
      %dma_start3A_117 = tpu.memref_slice %arg8[%dma_start3A_109, %dma_start3A_116] : memref<40x64xi32, #tpu.memory_space<vmem>> -> memref<1x64xi32, #tpu.memory_space<vmem>>
      %dma_start3A_118 = tpu.memref_squeeze %dma_start3A_117 : memref<1x64xi32, #tpu.memory_space<vmem>> -> memref<64xi32, #tpu.memory_space<vmem>>
      %dma_start3A_119 = arith.constant 0 : i32
      %dma_start3A_120 = arith.constant 0 : i32
      %dma_start3A_121 = tpu.memref_slice %arg5[%dma_start3A_119, %dma_start3A_120] : memref<10000x128xf32, #tpu.memory_space<hbm>> -> memref<10000x128xf32, #tpu.memory_space<hbm>>
      %dma_start3A_122 = tpu.memref_slice %arg12[%dma_start3A_111] : memref<4x!tpu.dma_semaphore, #tpu.memory_space<semaphore_mem>> -> memref<1x!tpu.dma_semaphore, #tpu.memory_space<semaphore_mem>>
      %dma_start3A_123 = tpu.memref_squeeze %dma_start3A_122 : memref<1x!tpu.dma_semaphore, #tpu.memory_space<semaphore_mem>> -> memref<!tpu.dma_semaphore, #tpu.memory_space<semaphore_mem>>
      tpu.enqueue_indirect_dma source(%dma_start3A_121 : memref<10000x128xf32, #tpu.memory_space<hbm>>) target(%dma_start3A_115 : memref<64x128xf32, #tpu.memory_space<vmem>>) offsets(%dma_start3A_118 : memref<64xi32, #tpu.memory_space<vmem>>) semaphore(%dma_start3A_123 : memref<!tpu.dma_semaphore, #tpu.memory_space<semaphore_mem>>)
      %dma_start3A_124 = arith.constant 3 : i32
      %dma_start3A_125 = arith.constant 3 : i32
      %dma_start3A_126 = arith.constant 3 : i32
      %dma_start3A_127 = arith.constant 0 : i32
      %dma_start3A_128 = arith.constant 0 : i32
      %dma_start3A_129 = tpu.memref_slice %arg10[%dma_start3A_125, %dma_start3A_127, %dma_start3A_128] : memref<4x64x128xf32, #tpu.memory_space<vmem>> -> memref<1x64x128xf32, #tpu.memory_space<vmem>>
      %dma_start3A_130 = tpu.memref_squeeze %dma_start3A_129 : memref<1x64x128xf32, #tpu.memory_space<vmem>> -> memref<64x128xf32, #tpu.memory_space<vmem>>
      %dma_start3A_131 = arith.constant 0 : i32
      %dma_start3A_132 = tpu.memref_slice %arg8[%dma_start3A_124, %dma_start3A_131] : memref<40x64xi32, #tpu.memory_space<vmem>> -> memref<1x64xi32, #tpu.memory_space<vmem>>
      %dma_start3A_133 = tpu.memref_squeeze %dma_start3A_132 : memref<1x64xi32, #tpu.memory_space<vmem>> -> memref<64xi32, #tpu.memory_space<vmem>>
      %dma_start3A_134 = arith.constant 0 : i32
      %dma_start3A_135 = arith.constant 0 : i32
      %dma_start3A_136 = tpu.memref_slice %arg5[%dma_start3A_134, %dma_start3A_135] : memref<10000x128xf32, #tpu.memory_space<hbm>> -> memref<10000x128xf32, #tpu.memory_space<hbm>>
      %dma_start3A_137 = tpu.memref_slice %arg12[%dma_start3A_126] : memref<4x!tpu.dma_semaphore, #tpu.memory_space<semaphore_mem>> -> memref<1x!tpu.dma_semaphore, #tpu.memory_space<semaphore_mem>>
      %dma_start3A_138 = tpu.memref_squeeze %dma_start3A_137 : memref<1x!tpu.dma_semaphore, #tpu.memory_space<semaphore_mem>> -> memref<!tpu.dma_semaphore, #tpu.memory_space<semaphore_mem>>
      tpu.enqueue_indirect_dma source(%dma_start3A_136 : memref<10000x128xf32, #tpu.memory_space<hbm>>) target(%dma_start3A_130 : memref<64x128xf32, #tpu.memory_space<vmem>>) offsets(%dma_start3A_133 : memref<64xi32, #tpu.memory_space<vmem>>) semaphore(%dma_start3A_138 : memref<!tpu.dma_semaphore, #tpu.memory_space<semaphore_mem>>)
      %scan3A_139 = arith.constant 0 : i32
      %scan3A_140 = arith.constant 0 : i32
      %scan3A_141 = arith.constant 10 : i32
      %scan3A_142 = arith.addi %scan3A_140, %scan3A_141 : i32
      %scan3A_143 = arith.constant 1 : i32
      scf.for %scan3A_277 = %scan3A_140 to %scan3A_142 step %scan3A_143  : i32 {
        %mul3A_278 = arith.constant 4 : i32
        %mul3A_279 = arith.muli %scan3A_277, %mul3A_278 : i32
        %add3A = arith.constant 0 : i32
        %add3A_280 = arith.addi %mul3A_279, %add3A : i32
        %dma_wait3A = arith.constant 0 : i32
        %dma_wait3A_281 = arith.constant 0 : i32
        %dma_wait3A_282 = arith.constant 0 : i32
        %dma_wait3A_283 = arith.constant 0 : i32
        %dma_wait3A_284 = tpu.memref_slice %arg10[%dma_wait3A, %dma_wait3A_282, %dma_wait3A_283] : memref<4x64x128xf32, #tpu.memory_space<vmem>> -> memref<1x64x128xf32, #tpu.memory_space<vmem>>
        %dma_wait3A_285 = tpu.memref_squeeze %dma_wait3A_284 : memref<1x64x128xf32, #tpu.memory_space<vmem>> -> memref<64x128xf32, #tpu.memory_space<vmem>>
        %dma_wait3A_286 = arith.constant 0 : i32
        %dma_wait3A_287 = tpu.memref_slice %arg8[%add3A_280, %dma_wait3A_286] : memref<40x64xi32, #tpu.memory_space<vmem>> -> memref<1x64xi32, #tpu.memory_space<vmem>>
        %dma_wait3A_288 = tpu.memref_squeeze %dma_wait3A_287 : memref<1x64xi32, #tpu.memory_space<vmem>> -> memref<64xi32, #tpu.memory_space<vmem>>
        %dma_wait3A_289 = arith.constant 0 : i32
        %dma_wait3A_290 = arith.constant 0 : i32
        %dma_wait3A_291 = tpu.memref_slice %arg5[%dma_wait3A_289, %dma_wait3A_290] : memref<10000x128xf32, #tpu.memory_space<hbm>> -> memref<10000x128xf32, #tpu.memory_space<hbm>>
        %dma_wait3A_292 = tpu.memref_slice %arg12[%dma_wait3A_281] : memref<4x!tpu.dma_semaphore, #tpu.memory_space<semaphore_mem>> -> memref<1x!tpu.dma_semaphore, #tpu.memory_space<semaphore_mem>>
        %dma_wait3A_293 = tpu.memref_squeeze %dma_wait3A_292 : memref<1x!tpu.dma_semaphore, #tpu.memory_space<semaphore_mem>> -> memref<!tpu.dma_semaphore, #tpu.memory_space<semaphore_mem>>
        tpu.wait_indirect_dma semaphore(%dma_wait3A_293 : memref<!tpu.dma_semaphore, #tpu.memory_space<semaphore_mem>>) src(%dma_wait3A_291 : memref<10000x128xf32, #tpu.memory_space<hbm>>) dst(%dma_wait3A_285 : memref<64x128xf32, #tpu.memory_space<vmem>>)
        %run_scoped3A = arith.constant 0 : i32
        "tpu.region"() ({
          %run_scoped3A_378 = tpu.sem_alloc : memref<!tpu.dma_semaphore, #tpu.memory_space<semaphore_mem>>
          %dma_start3A_379 = arith.constant 0 : i32
          %dma_start3A_380 = arith.constant 0 : i32
          %dma_start3A_381 = tpu.memref_slice %arg10[%run_scoped3A, %dma_start3A_379, %dma_start3A_380] : memref<4x64x128xf32, #tpu.memory_space<vmem>> -> memref<1x64x128xf32, #tpu.memory_space<vmem>>
          %dma_start3A_382 = tpu.memref_squeeze %dma_start3A_381 : memref<1x64x128xf32, #tpu.memory_space<vmem>> -> memref<64x128xf32, #tpu.memory_space<vmem>>
          %dma_start3A_383 = arith.constant 0 : i32
          %dma_start3A_384 = tpu.memref_slice %arg9[%add3A_280, %dma_start3A_383] : memref<40x64xi32, #tpu.memory_space<vmem>> -> memref<1x64xi32, #tpu.memory_space<vmem>>
          %dma_start3A_385 = tpu.memref_squeeze %dma_start3A_384 : memref<1x64xi32, #tpu.memory_space<vmem>> -> memref<64xi32, #tpu.memory_space<vmem>>
          %dma_start3A_386 = arith.constant 0 : i32
          %dma_start3A_387 = arith.constant 0 : i32
          %dma_start3A_388 = tpu.memref_slice %arg11[%dma_start3A_386, %dma_start3A_387] : memref<10240x128xf32, #tpu.memory_space<vmem_shared>> -> memref<10240x128xf32, #tpu.memory_space<vmem_shared>>
          tpu.enqueue_indirect_dma source(%dma_start3A_382 : memref<64x128xf32, #tpu.memory_space<vmem>>) target(%dma_start3A_388 : memref<10240x128xf32, #tpu.memory_space<vmem_shared>>) offsets(%dma_start3A_385 : memref<64xi32, #tpu.memory_space<vmem>>) semaphore(%run_scoped3A_378 : memref<!tpu.dma_semaphore, #tpu.memory_space<semaphore_mem>>) {add = true}
          %dma_wait3A_389 = arith.constant 0 : i32
          %dma_wait3A_390 = arith.constant 0 : i32
          %dma_wait3A_391 = tpu.memref_slice %arg10[%run_scoped3A, %dma_wait3A_389, %dma_wait3A_390] : memref<4x64x128xf32, #tpu.memory_space<vmem>> -> memref<1x64x128xf32, #tpu.memory_space<vmem>>
          %dma_wait3A_392 = tpu.memref_squeeze %dma_wait3A_391 : memref<1x64x128xf32, #tpu.memory_space<vmem>> -> memref<64x128xf32, #tpu.memory_space<vmem>>
          %dma_wait3A_393 = arith.constant 0 : i32
          %dma_wait3A_394 = tpu.memref_slice %arg9[%add3A_280, %dma_wait3A_393] : memref<40x64xi32, #tpu.memory_space<vmem>> -> memref<1x64xi32, #tpu.memory_space<vmem>>
          %dma_wait3A_395 = tpu.memref_squeeze %dma_wait3A_394 : memref<1x64xi32, #tpu.memory_space<vmem>> -> memref<64xi32, #tpu.memory_space<vmem>>
          %dma_wait3A_396 = arith.constant 0 : i32
          %dma_wait3A_397 = arith.constant 0 : i32
          %dma_wait3A_398 = tpu.memref_slice %arg11[%dma_wait3A_396, %dma_wait3A_397] : memref<10240x128xf32, #tpu.memory_space<vmem_shared>> -> memref<10240x128xf32, #tpu.memory_space<vmem_shared>>
          tpu.wait_indirect_dma semaphore(%run_scoped3A_378 : memref<!tpu.dma_semaphore, #tpu.memory_space<semaphore_mem>>) src(%dma_wait3A_392 : memref<64x128xf32, #tpu.memory_space<vmem>>) dst(%dma_wait3A_398 : memref<10240x128xf32, #tpu.memory_space<vmem_shared>>)
          tpu.yield
        }) : () -> ()
        %add3A_294 = arith.constant 4 : i32
        %add3A_295 = arith.addi %add3A_280, %add3A_294 : i32
        %lt3A = arith.constant 40 : i32
        %lt3A_296 = arith.cmpi slt, %add3A_295, %lt3A : i32
        %convert_element_type3A_297 = arith.extui %lt3A_296 : i1 to i32
        %cond3A_298 = arith.constant 0 : i32
        %cond3A_299 = arith.cmpi ne, %convert_element_type3A_297, %cond3A_298 : i32
        scf.if %cond3A_299 {
          %dma_start3A_378 = arith.constant 0 : i32
          %dma_start3A_379 = arith.constant 0 : i32
          %dma_start3A_380 = arith.constant 0 : i32
          %dma_start3A_381 = arith.constant 0 : i32
          %dma_start3A_382 = tpu.memref_slice %arg10[%dma_start3A_378, %dma_start3A_380, %dma_start3A_381] : memref<4x64x128xf32, #tpu.memory_space<vmem>> -> memref<1x64x128xf32, #tpu.memory_space<vmem>>
          %dma_start3A_383 = tpu.memref_squeeze %dma_start3A_382 : memref<1x64x128xf32, #tpu.memory_space<vmem>> -> memref<64x128xf32, #tpu.memory_space<vmem>>
          %dma_start3A_384 = arith.constant 0 : i32
          %dma_start3A_385 = tpu.memref_slice %arg8[%add3A_295, %dma_start3A_384] : memref<40x64xi32, #tpu.memory_space<vmem>> -> memref<1x64xi32, #tpu.memory_space<vmem>>
          %dma_start3A_386 = tpu.memref_squeeze %dma_start3A_385 : memref<1x64xi32, #tpu.memory_space<vmem>> -> memref<64xi32, #tpu.memory_space<vmem>>
          %dma_start3A_387 = arith.constant 0 : i32
          %dma_start3A_388 = arith.constant 0 : i32
          %dma_start3A_389 = tpu.memref_slice %arg5[%dma_start3A_387, %dma_start3A_388] : memref<10000x128xf32, #tpu.memory_space<hbm>> -> memref<10000x128xf32, #tpu.memory_space<hbm>>
          %dma_start3A_390 = tpu.memref_slice %arg12[%dma_start3A_379] : memref<4x!tpu.dma_semaphore, #tpu.memory_space<semaphore_mem>> -> memref<1x!tpu.dma_semaphore, #tpu.memory_space<semaphore_mem>>
          %dma_start3A_391 = tpu.memref_squeeze %dma_start3A_390 : memref<1x!tpu.dma_semaphore, #tpu.memory_space<semaphore_mem>> -> memref<!tpu.dma_semaphore, #tpu.memory_space<semaphore_mem>>
          tpu.enqueue_indirect_dma source(%dma_start3A_389 : memref<10000x128xf32, #tpu.memory_space<hbm>>) target(%dma_start3A_383 : memref<64x128xf32, #tpu.memory_space<vmem>>) offsets(%dma_start3A_386 : memref<64xi32, #tpu.memory_space<vmem>>) semaphore(%dma_start3A_391 : memref<!tpu.dma_semaphore, #tpu.memory_space<semaphore_mem>>)
        } else {
        }
        %mul3A_300 = arith.constant 4 : i32
        %mul3A_301 = arith.muli %scan3A_277, %mul3A_300 : i32
        %add3A_302 = arith.constant 1 : i32
        %add3A_303 = arith.addi %mul3A_301, %add3A_302 : i32
        %dma_wait3A_304 = arith.constant 1 : i32
        %dma_wait3A_305 = arith.constant 1 : i32
        %dma_wait3A_306 = arith.constant 0 : i32
        %dma_wait3A_307 = arith.constant 0 : i32
        %dma_wait3A_308 = tpu.memref_slice %arg10[%dma_wait3A_304, %dma_wait3A_306, %dma_wait3A_307] : memref<4x64x128xf32, #tpu.memory_space<vmem>> -> memref<1x64x128xf32, #tpu.memory_space<vmem>>
        %dma_wait3A_309 = tpu.memref_squeeze %dma_wait3A_308 : memref<1x64x128xf32, #tpu.memory_space<vmem>> -> memref<64x128xf32, #tpu.memory_space<vmem>>
        %dma_wait3A_310 = arith.constant 0 : i32
        %dma_wait3A_311 = tpu.memref_slice %arg8[%add3A_303, %dma_wait3A_310] : memref<40x64xi32, #tpu.memory_space<vmem>> -> memref<1x64xi32, #tpu.memory_space<vmem>>
        %dma_wait3A_312 = tpu.memref_squeeze %dma_wait3A_311 : memref<1x64xi32, #tpu.memory_space<vmem>> -> memref<64xi32, #tpu.memory_space<vmem>>
        %dma_wait3A_313 = arith.constant 0 : i32
        %dma_wait3A_314 = arith.constant 0 : i32
        %dma_wait3A_315 = tpu.memref_slice %arg5[%dma_wait3A_313, %dma_wait3A_314] : memref<10000x128xf32, #tpu.memory_space<hbm>> -> memref<10000x128xf32, #tpu.memory_space<hbm>>
        %dma_wait3A_316 = tpu.memref_slice %arg12[%dma_wait3A_305] : memref<4x!tpu.dma_semaphore, #tpu.memory_space<semaphore_mem>> -> memref<1x!tpu.dma_semaphore, #tpu.memory_space<semaphore_mem>>
        %dma_wait3A_317 = tpu.memref_squeeze %dma_wait3A_316 : memref<1x!tpu.dma_semaphore, #tpu.memory_space<semaphore_mem>> -> memref<!tpu.dma_semaphore, #tpu.memory_space<semaphore_mem>>
        tpu.wait_indirect_dma semaphore(%dma_wait3A_317 : memref<!tpu.dma_semaphore, #tpu.memory_space<semaphore_mem>>) src(%dma_wait3A_315 : memref<10000x128xf32, #tpu.memory_space<hbm>>) dst(%dma_wait3A_309 : memref<64x128xf32, #tpu.memory_space<vmem>>)
        %run_scoped3A_318 = arith.constant 1 : i32
        "tpu.region"() ({
          %run_scoped3A_378 = tpu.sem_alloc : memref<!tpu.dma_semaphore, #tpu.memory_space<semaphore_mem>>
          %dma_start3A_379 = arith.constant 0 : i32
          %dma_start3A_380 = arith.constant 0 : i32
          %dma_start3A_381 = tpu.memref_slice %arg10[%run_scoped3A_318, %dma_start3A_379, %dma_start3A_380] : memref<4x64x128xf32, #tpu.memory_space<vmem>> -> memref<1x64x128xf32, #tpu.memory_space<vmem>>
          %dma_start3A_382 = tpu.memref_squeeze %dma_start3A_381 : memref<1x64x128xf32, #tpu.memory_space<vmem>> -> memref<64x128xf32, #tpu.memory_space<vmem>>
          %dma_start3A_383 = arith.constant 0 : i32
          %dma_start3A_384 = tpu.memref_slice %arg9[%add3A_303, %dma_start3A_383] : memref<40x64xi32, #tpu.memory_space<vmem>> -> memref<1x64xi32, #tpu.memory_space<vmem>>
          %dma_start3A_385 = tpu.memref_squeeze %dma_start3A_384 : memref<1x64xi32, #tpu.memory_space<vmem>> -> memref<64xi32, #tpu.memory_space<vmem>>
          %dma_start3A_386 = arith.constant 0 : i32
          %dma_start3A_387 = arith.constant 0 : i32
          %dma_start3A_388 = tpu.memref_slice %arg11[%dma_start3A_386, %dma_start3A_387] : memref<10240x128xf32, #tpu.memory_space<vmem_shared>> -> memref<10240x128xf32, #tpu.memory_space<vmem_shared>>
          tpu.enqueue_indirect_dma source(%dma_start3A_382 : memref<64x128xf32, #tpu.memory_space<vmem>>) target(%dma_start3A_388 : memref<10240x128xf32, #tpu.memory_space<vmem_shared>>) offsets(%dma_start3A_385 : memref<64xi32, #tpu.memory_space<vmem>>) semaphore(%run_scoped3A_378 : memref<!tpu.dma_semaphore, #tpu.memory_space<semaphore_mem>>) {add = true}
          %dma_wait3A_389 = arith.constant 0 : i32
          %dma_wait3A_390 = arith.constant 0 : i32
          %dma_wait3A_391 = tpu.memref_slice %arg10[%run_scoped3A_318, %dma_wait3A_389, %dma_wait3A_390] : memref<4x64x128xf32, #tpu.memory_space<vmem>> -> memref<1x64x128xf32, #tpu.memory_space<vmem>>
          %dma_wait3A_392 = tpu.memref_squeeze %dma_wait3A_391 : memref<1x64x128xf32, #tpu.memory_space<vmem>> -> memref<64x128xf32, #tpu.memory_space<vmem>>
          %dma_wait3A_393 = arith.constant 0 : i32
          %dma_wait3A_394 = tpu.memref_slice %arg9[%add3A_303, %dma_wait3A_393] : memref<40x64xi32, #tpu.memory_space<vmem>> -> memref<1x64xi32, #tpu.memory_space<vmem>>
          %dma_wait3A_395 = tpu.memref_squeeze %dma_wait3A_394 : memref<1x64xi32, #tpu.memory_space<vmem>> -> memref<64xi32, #tpu.memory_space<vmem>>
          %dma_wait3A_396 = arith.constant 0 : i32
          %dma_wait3A_397 = arith.constant 0 : i32
          %dma_wait3A_398 = tpu.memref_slice %arg11[%dma_wait3A_396, %dma_wait3A_397] : memref<10240x128xf32, #tpu.memory_space<vmem_shared>> -> memref<10240x128xf32, #tpu.memory_space<vmem_shared>>
          tpu.wait_indirect_dma semaphore(%run_scoped3A_378 : memref<!tpu.dma_semaphore, #tpu.memory_space<semaphore_mem>>) src(%dma_wait3A_392 : memref<64x128xf32, #tpu.memory_space<vmem>>) dst(%dma_wait3A_398 : memref<10240x128xf32, #tpu.memory_space<vmem_shared>>)
          tpu.yield
        }) : () -> ()
        %add3A_319 = arith.constant 4 : i32
        %add3A_320 = arith.addi %add3A_303, %add3A_319 : i32
        %lt3A_321 = arith.constant 40 : i32
        %lt3A_322 = arith.cmpi slt, %add3A_320, %lt3A_321 : i32
        %convert_element_type3A_323 = arith.extui %lt3A_322 : i1 to i32
        %cond3A_324 = arith.constant 0 : i32
        %cond3A_325 = arith.cmpi ne, %convert_element_type3A_323, %cond3A_324 : i32
        scf.if %cond3A_325 {
          %dma_start3A_378 = arith.constant 1 : i32
          %dma_start3A_379 = arith.constant 1 : i32
          %dma_start3A_380 = arith.constant 0 : i32
          %dma_start3A_381 = arith.constant 0 : i32
          %dma_start3A_382 = tpu.memref_slice %arg10[%dma_start3A_378, %dma_start3A_380, %dma_start3A_381] : memref<4x64x128xf32, #tpu.memory_space<vmem>> -> memref<1x64x128xf32, #tpu.memory_space<vmem>>
          %dma_start3A_383 = tpu.memref_squeeze %dma_start3A_382 : memref<1x64x128xf32, #tpu.memory_space<vmem>> -> memref<64x128xf32, #tpu.memory_space<vmem>>
          %dma_start3A_384 = arith.constant 0 : i32
          %dma_start3A_385 = tpu.memref_slice %arg8[%add3A_320, %dma_start3A_384] : memref<40x64xi32, #tpu.memory_space<vmem>> -> memref<1x64xi32, #tpu.memory_space<vmem>>
          %dma_start3A_386 = tpu.memref_squeeze %dma_start3A_385 : memref<1x64xi32, #tpu.memory_space<vmem>> -> memref<64xi32, #tpu.memory_space<vmem>>
          %dma_start3A_387 = arith.constant 0 : i32
          %dma_start3A_388 = arith.constant 0 : i32
          %dma_start3A_389 = tpu.memref_slice %arg5[%dma_start3A_387, %dma_start3A_388] : memref<10000x128xf32, #tpu.memory_space<hbm>> -> memref<10000x128xf32, #tpu.memory_space<hbm>>
          %dma_start3A_390 = tpu.memref_slice %arg12[%dma_start3A_379] : memref<4x!tpu.dma_semaphore, #tpu.memory_space<semaphore_mem>> -> memref<1x!tpu.dma_semaphore, #tpu.memory_space<semaphore_mem>>
          %dma_start3A_391 = tpu.memref_squeeze %dma_start3A_390 : memref<1x!tpu.dma_semaphore, #tpu.memory_space<semaphore_mem>> -> memref<!tpu.dma_semaphore, #tpu.memory_space<semaphore_mem>>
          tpu.enqueue_indirect_dma source(%dma_start3A_389 : memref<10000x128xf32, #tpu.memory_space<hbm>>) target(%dma_start3A_383 : memref<64x128xf32, #tpu.memory_space<vmem>>) offsets(%dma_start3A_386 : memref<64xi32, #tpu.memory_space<vmem>>) semaphore(%dma_start3A_391 : memref<!tpu.dma_semaphore, #tpu.memory_space<semaphore_mem>>)
        } else {
        }
        %mul3A_326 = arith.constant 4 : i32
        %mul3A_327 = arith.muli %scan3A_277, %mul3A_326 : i32
        %add3A_328 = arith.constant 2 : i32
        %add3A_329 = arith.addi %mul3A_327, %add3A_328 : i32
        %dma_wait3A_330 = arith.constant 2 : i32
        %dma_wait3A_331 = arith.constant 2 : i32
        %dma_wait3A_332 = arith.constant 0 : i32
        %dma_wait3A_333 = arith.constant 0 : i32
        %dma_wait3A_334 = tpu.memref_slice %arg10[%dma_wait3A_330, %dma_wait3A_332, %dma_wait3A_333] : memref<4x64x128xf32, #tpu.memory_space<vmem>> -> memref<1x64x128xf32, #tpu.memory_space<vmem>>
        %dma_wait3A_335 = tpu.memref_squeeze %dma_wait3A_334 : memref<1x64x128xf32, #tpu.memory_space<vmem>> -> memref<64x128xf32, #tpu.memory_space<vmem>>
        %dma_wait3A_336 = arith.constant 0 : i32
        %dma_wait3A_337 = tpu.memref_slice %arg8[%add3A_329, %dma_wait3A_336] : memref<40x64xi32, #tpu.memory_space<vmem>> -> memref<1x64xi32, #tpu.memory_space<vmem>>
        %dma_wait3A_338 = tpu.memref_squeeze %dma_wait3A_337 : memref<1x64xi32, #tpu.memory_space<vmem>> -> memref<64xi32, #tpu.memory_space<vmem>>
        %dma_wait3A_339 = arith.constant 0 : i32
        %dma_wait3A_340 = arith.constant 0 : i32
        %dma_wait3A_341 = tpu.memref_slice %arg5[%dma_wait3A_339, %dma_wait3A_340] : memref<10000x128xf32, #tpu.memory_space<hbm>> -> memref<10000x128xf32, #tpu.memory_space<hbm>>
        %dma_wait3A_342 = tpu.memref_slice %arg12[%dma_wait3A_331] : memref<4x!tpu.dma_semaphore, #tpu.memory_space<semaphore_mem>> -> memref<1x!tpu.dma_semaphore, #tpu.memory_space<semaphore_mem>>
        %dma_wait3A_343 = tpu.memref_squeeze %dma_wait3A_342 : memref<1x!tpu.dma_semaphore, #tpu.memory_space<semaphore_mem>> -> memref<!tpu.dma_semaphore, #tpu.memory_space<semaphore_mem>>
        tpu.wait_indirect_dma semaphore(%dma_wait3A_343 : memref<!tpu.dma_semaphore, #tpu.memory_space<semaphore_mem>>) src(%dma_wait3A_341 : memref<10000x128xf32, #tpu.memory_space<hbm>>) dst(%dma_wait3A_335 : memref<64x128xf32, #tpu.memory_space<vmem>>)
        %run_scoped3A_344 = arith.constant 2 : i32
        "tpu.region"() ({
          %run_scoped3A_378 = tpu.sem_alloc : memref<!tpu.dma_semaphore, #tpu.memory_space<semaphore_mem>>
          %dma_start3A_379 = arith.constant 0 : i32
          %dma_start3A_380 = arith.constant 0 : i32
          %dma_start3A_381 = tpu.memref_slice %arg10[%run_scoped3A_344, %dma_start3A_379, %dma_start3A_380] : memref<4x64x128xf32, #tpu.memory_space<vmem>> -> memref<1x64x128xf32, #tpu.memory_space<vmem>>
          %dma_start3A_382 = tpu.memref_squeeze %dma_start3A_381 : memref<1x64x128xf32, #tpu.memory_space<vmem>> -> memref<64x128xf32, #tpu.memory_space<vmem>>
          %dma_start3A_383 = arith.constant 0 : i32
          %dma_start3A_384 = tpu.memref_slice %arg9[%add3A_329, %dma_start3A_383] : memref<40x64xi32, #tpu.memory_space<vmem>> -> memref<1x64xi32, #tpu.memory_space<vmem>>
          %dma_start3A_385 = tpu.memref_squeeze %dma_start3A_384 : memref<1x64xi32, #tpu.memory_space<vmem>> -> memref<64xi32, #tpu.memory_space<vmem>>
          %dma_start3A_386 = arith.constant 0 : i32
          %dma_start3A_387 = arith.constant 0 : i32
          %dma_start3A_388 = tpu.memref_slice %arg11[%dma_start3A_386, %dma_start3A_387] : memref<10240x128xf32, #tpu.memory_space<vmem_shared>> -> memref<10240x128xf32, #tpu.memory_space<vmem_shared>>
          tpu.enqueue_indirect_dma source(%dma_start3A_382 : memref<64x128xf32, #tpu.memory_space<vmem>>) target(%dma_start3A_388 : memref<10240x128xf32, #tpu.memory_space<vmem_shared>>) offsets(%dma_start3A_385 : memref<64xi32, #tpu.memory_space<vmem>>) semaphore(%run_scoped3A_378 : memref<!tpu.dma_semaphore, #tpu.memory_space<semaphore_mem>>) {add = true}
          %dma_wait3A_389 = arith.constant 0 : i32
          %dma_wait3A_390 = arith.constant 0 : i32
          %dma_wait3A_391 = tpu.memref_slice %arg10[%run_scoped3A_344, %dma_wait3A_389, %dma_wait3A_390] : memref<4x64x128xf32, #tpu.memory_space<vmem>> -> memref<1x64x128xf32, #tpu.memory_space<vmem>>
          %dma_wait3A_392 = tpu.memref_squeeze %dma_wait3A_391 : memref<1x64x128xf32, #tpu.memory_space<vmem>> -> memref<64x128xf32, #tpu.memory_space<vmem>>
          %dma_wait3A_393 = arith.constant 0 : i32
          %dma_wait3A_394 = tpu.memref_slice %arg9[%add3A_329, %dma_wait3A_393] : memref<40x64xi32, #tpu.memory_space<vmem>> -> memref<1x64xi32, #tpu.memory_space<vmem>>
          %dma_wait3A_395 = tpu.memref_squeeze %dma_wait3A_394 : memref<1x64xi32, #tpu.memory_space<vmem>> -> memref<64xi32, #tpu.memory_space<vmem>>
          %dma_wait3A_396 = arith.constant 0 : i32
          %dma_wait3A_397 = arith.constant 0 : i32
          %dma_wait3A_398 = tpu.memref_slice %arg11[%dma_wait3A_396, %dma_wait3A_397] : memref<10240x128xf32, #tpu.memory_space<vmem_shared>> -> memref<10240x128xf32, #tpu.memory_space<vmem_shared>>
          tpu.wait_indirect_dma semaphore(%run_scoped3A_378 : memref<!tpu.dma_semaphore, #tpu.memory_space<semaphore_mem>>) src(%dma_wait3A_392 : memref<64x128xf32, #tpu.memory_space<vmem>>) dst(%dma_wait3A_398 : memref<10240x128xf32, #tpu.memory_space<vmem_shared>>)
          tpu.yield
        }) : () -> ()
        %add3A_345 = arith.constant 4 : i32
        %add3A_346 = arith.addi %add3A_329, %add3A_345 : i32
        %lt3A_347 = arith.constant 40 : i32
        %lt3A_348 = arith.cmpi slt, %add3A_346, %lt3A_347 : i32
        %convert_element_type3A_349 = arith.extui %lt3A_348 : i1 to i32
        %cond3A_350 = arith.constant 0 : i32
        %cond3A_351 = arith.cmpi ne, %convert_element_type3A_349, %cond3A_350 : i32
        scf.if %cond3A_351 {
          %dma_start3A_378 = arith.constant 2 : i32
          %dma_start3A_379 = arith.constant 2 : i32
          %dma_start3A_380 = arith.constant 0 : i32
          %dma_start3A_381 = arith.constant 0 : i32
          %dma_start3A_382 = tpu.memref_slice %arg10[%dma_start3A_378, %dma_start3A_380, %dma_start3A_381] : memref<4x64x128xf32, #tpu.memory_space<vmem>> -> memref<1x64x128xf32, #tpu.memory_space<vmem>>
          %dma_start3A_383 = tpu.memref_squeeze %dma_start3A_382 : memref<1x64x128xf32, #tpu.memory_space<vmem>> -> memref<64x128xf32, #tpu.memory_space<vmem>>
          %dma_start3A_384 = arith.constant 0 : i32
          %dma_start3A_385 = tpu.memref_slice %arg8[%add3A_346, %dma_start3A_384] : memref<40x64xi32, #tpu.memory_space<vmem>> -> memref<1x64xi32, #tpu.memory_space<vmem>>
          %dma_start3A_386 = tpu.memref_squeeze %dma_start3A_385 : memref<1x64xi32, #tpu.memory_space<vmem>> -> memref<64xi32, #tpu.memory_space<vmem>>
          %dma_start3A_387 = arith.constant 0 : i32
          %dma_start3A_388 = arith.constant 0 : i32
          %dma_start3A_389 = tpu.memref_slice %arg5[%dma_start3A_387, %dma_start3A_388] : memref<10000x128xf32, #tpu.memory_space<hbm>> -> memref<10000x128xf32, #tpu.memory_space<hbm>>
          %dma_start3A_390 = tpu.memref_slice %arg12[%dma_start3A_379] : memref<4x!tpu.dma_semaphore, #tpu.memory_space<semaphore_mem>> -> memref<1x!tpu.dma_semaphore, #tpu.memory_space<semaphore_mem>>
          %dma_start3A_391 = tpu.memref_squeeze %dma_start3A_390 : memref<1x!tpu.dma_semaphore, #tpu.memory_space<semaphore_mem>> -> memref<!tpu.dma_semaphore, #tpu.memory_space<semaphore_mem>>
          tpu.enqueue_indirect_dma source(%dma_start3A_389 : memref<10000x128xf32, #tpu.memory_space<hbm>>) target(%dma_start3A_383 : memref<64x128xf32, #tpu.memory_space<vmem>>) offsets(%dma_start3A_386 : memref<64xi32, #tpu.memory_space<vmem>>) semaphore(%dma_start3A_391 : memref<!tpu.dma_semaphore, #tpu.memory_space<semaphore_mem>>)
        } else {
        }
        %mul3A_352 = arith.constant 4 : i32
        %mul3A_353 = arith.muli %scan3A_277, %mul3A_352 : i32
        %add3A_354 = arith.constant 3 : i32
        %add3A_355 = arith.addi %mul3A_353, %add3A_354 : i32
        %dma_wait3A_356 = arith.constant 3 : i32
        %dma_wait3A_357 = arith.constant 3 : i32
        %dma_wait3A_358 = arith.constant 0 : i32
        %dma_wait3A_359 = arith.constant 0 : i32
        %dma_wait3A_360 = tpu.memref_slice %arg10[%dma_wait3A_356, %dma_wait3A_358, %dma_wait3A_359] : memref<4x64x128xf32, #tpu.memory_space<vmem>> -> memref<1x64x128xf32, #tpu.memory_space<vmem>>
        %dma_wait3A_361 = tpu.memref_squeeze %dma_wait3A_360 : memref<1x64x128xf32, #tpu.memory_space<vmem>> -> memref<64x128xf32, #tpu.memory_space<vmem>>
        %dma_wait3A_362 = arith.constant 0 : i32
        %dma_wait3A_363 = tpu.memref_slice %arg8[%add3A_355, %dma_wait3A_362] : memref<40x64xi32, #tpu.memory_space<vmem>> -> memref<1x64xi32, #tpu.memory_space<vmem>>
        %dma_wait3A_364 = tpu.memref_squeeze %dma_wait3A_363 : memref<1x64xi32, #tpu.memory_space<vmem>> -> memref<64xi32, #tpu.memory_space<vmem>>
        %dma_wait3A_365 = arith.constant 0 : i32
        %dma_wait3A_366 = arith.constant 0 : i32
        %dma_wait3A_367 = tpu.memref_slice %arg5[%dma_wait3A_365, %dma_wait3A_366] : memref<10000x128xf32, #tpu.memory_space<hbm>> -> memref<10000x128xf32, #tpu.memory_space<hbm>>
        %dma_wait3A_368 = tpu.memref_slice %arg12[%dma_wait3A_357] : memref<4x!tpu.dma_semaphore, #tpu.memory_space<semaphore_mem>> -> memref<1x!tpu.dma_semaphore, #tpu.memory_space<semaphore_mem>>
        %dma_wait3A_369 = tpu.memref_squeeze %dma_wait3A_368 : memref<1x!tpu.dma_semaphore, #tpu.memory_space<semaphore_mem>> -> memref<!tpu.dma_semaphore, #tpu.memory_space<semaphore_mem>>
        tpu.wait_indirect_dma semaphore(%dma_wait3A_369 : memref<!tpu.dma_semaphore, #tpu.memory_space<semaphore_mem>>) src(%dma_wait3A_367 : memref<10000x128xf32, #tpu.memory_space<hbm>>) dst(%dma_wait3A_361 : memref<64x128xf32, #tpu.memory_space<vmem>>)
        %run_scoped3A_370 = arith.constant 3 : i32
        "tpu.region"() ({
          %run_scoped3A_378 = tpu.sem_alloc : memref<!tpu.dma_semaphore, #tpu.memory_space<semaphore_mem>>
          %dma_start3A_379 = arith.constant 0 : i32
          %dma_start3A_380 = arith.constant 0 : i32
          %dma_start3A_381 = tpu.memref_slice %arg10[%run_scoped3A_370, %dma_start3A_379, %dma_start3A_380] : memref<4x64x128xf32, #tpu.memory_space<vmem>> -> memref<1x64x128xf32, #tpu.memory_space<vmem>>
          %dma_start3A_382 = tpu.memref_squeeze %dma_start3A_381 : memref<1x64x128xf32, #tpu.memory_space<vmem>> -> memref<64x128xf32, #tpu.memory_space<vmem>>
          %dma_start3A_383 = arith.constant 0 : i32
          %dma_start3A_384 = tpu.memref_slice %arg9[%add3A_355, %dma_start3A_383] : memref<40x64xi32, #tpu.memory_space<vmem>> -> memref<1x64xi32, #tpu.memory_space<vmem>>
          %dma_start3A_385 = tpu.memref_squeeze %dma_start3A_384 : memref<1x64xi32, #tpu.memory_space<vmem>> -> memref<64xi32, #tpu.memory_space<vmem>>
          %dma_start3A_386 = arith.constant 0 : i32
          %dma_start3A_387 = arith.constant 0 : i32
          %dma_start3A_388 = tpu.memref_slice %arg11[%dma_start3A_386, %dma_start3A_387] : memref<10240x128xf32, #tpu.memory_space<vmem_shared>> -> memref<10240x128xf32, #tpu.memory_space<vmem_shared>>
          tpu.enqueue_indirect_dma source(%dma_start3A_382 : memref<64x128xf32, #tpu.memory_space<vmem>>) target(%dma_start3A_388 : memref<10240x128xf32, #tpu.memory_space<vmem_shared>>) offsets(%dma_start3A_385 : memref<64xi32, #tpu.memory_space<vmem>>) semaphore(%run_scoped3A_378 : memref<!tpu.dma_semaphore, #tpu.memory_space<semaphore_mem>>) {add = true}
          %dma_wait3A_389 = arith.constant 0 : i32
          %dma_wait3A_390 = arith.constant 0 : i32
          %dma_wait3A_391 = tpu.memref_slice %arg10[%run_scoped3A_370, %dma_wait3A_389, %dma_wait3A_390] : memref<4x64x128xf32, #tpu.memory_space<vmem>> -> memref<1x64x128xf32, #tpu.memory_space<vmem>>
          %dma_wait3A_392 = tpu.memref_squeeze %dma_wait3A_391 : memref<1x64x128xf32, #tpu.memory_space<vmem>> -> memref<64x128xf32, #tpu.memory_space<vmem>>
          %dma_wait3A_393 = arith.constant 0 : i32
          %dma_wait3A_394 = tpu.memref_slice %arg9[%add3A_355, %dma_wait3A_393] : memref<40x64xi32, #tpu.memory_space<vmem>> -> memref<1x64xi32, #tpu.memory_space<vmem>>
          %dma_wait3A_395 = tpu.memref_squeeze %dma_wait3A_394 : memref<1x64xi32, #tpu.memory_space<vmem>> -> memref<64xi32, #tpu.memory_space<vmem>>
          %dma_wait3A_396 = arith.constant 0 : i32
          %dma_wait3A_397 = arith.constant 0 : i32
          %dma_wait3A_398 = tpu.memref_slice %arg11[%dma_wait3A_396, %dma_wait3A_397] : memref<10240x128xf32, #tpu.memory_space<vmem_shared>> -> memref<10240x128xf32, #tpu.memory_space<vmem_shared>>
          tpu.wait_indirect_dma semaphore(%run_scoped3A_378 : memref<!tpu.dma_semaphore, #tpu.memory_space<semaphore_mem>>) src(%dma_wait3A_392 : memref<64x128xf32, #tpu.memory_space<vmem>>) dst(%dma_wait3A_398 : memref<10240x128xf32, #tpu.memory_space<vmem_shared>>)
          tpu.yield
        }) : () -> ()
        %add3A_371 = arith.constant 4 : i32
        %add3A_372 = arith.addi %add3A_355, %add3A_371 : i32
        %lt3A_373 = arith.constant 40 : i32
        %lt3A_374 = arith.cmpi slt, %add3A_372, %lt3A_373 : i32
        %convert_element_type3A_375 = arith.extui %lt3A_374 : i1 to i32
        %cond3A_376 = arith.constant 0 : i32
        %cond3A_377 = arith.cmpi ne, %convert_element_type3A_375, %cond3A_376 : i32
        scf.if %cond3A_377 {
          %dma_start3A_378 = arith.constant 3 : i32
          %dma_start3A_379 = arith.constant 3 : i32
          %dma_start3A_380 = arith.constant 0 : i32
          %dma_start3A_381 = arith.constant 0 : i32
          %dma_start3A_382 = tpu.memref_slice %arg10[%dma_start3A_378, %dma_start3A_380, %dma_start3A_381] : memref<4x64x128xf32, #tpu.memory_space<vmem>> -> memref<1x64x128xf32, #tpu.memory_space<vmem>>
          %dma_start3A_383 = tpu.memref_squeeze %dma_start3A_382 : memref<1x64x128xf32, #tpu.memory_space<vmem>> -> memref<64x128xf32, #tpu.memory_space<vmem>>
          %dma_start3A_384 = arith.constant 0 : i32
          %dma_start3A_385 = tpu.memref_slice %arg8[%add3A_372, %dma_start3A_384] : memref<40x64xi32, #tpu.memory_space<vmem>> -> memref<1x64xi32, #tpu.memory_space<vmem>>
          %dma_start3A_386 = tpu.memref_squeeze %dma_start3A_385 : memref<1x64xi32, #tpu.memory_space<vmem>> -> memref<64xi32, #tpu.memory_space<vmem>>
          %dma_start3A_387 = arith.constant 0 : i32
          %dma_start3A_388 = arith.constant 0 : i32
          %dma_start3A_389 = tpu.memref_slice %arg5[%dma_start3A_387, %dma_start3A_388] : memref<10000x128xf32, #tpu.memory_space<hbm>> -> memref<10000x128xf32, #tpu.memory_space<hbm>>
          %dma_start3A_390 = tpu.memref_slice %arg12[%dma_start3A_379] : memref<4x!tpu.dma_semaphore, #tpu.memory_space<semaphore_mem>> -> memref<1x!tpu.dma_semaphore, #tpu.memory_space<semaphore_mem>>
          %dma_start3A_391 = tpu.memref_squeeze %dma_start3A_390 : memref<1x!tpu.dma_semaphore, #tpu.memory_space<semaphore_mem>> -> memref<!tpu.dma_semaphore, #tpu.memory_space<semaphore_mem>>
          tpu.enqueue_indirect_dma source(%dma_start3A_389 : memref<10000x128xf32, #tpu.memory_space<hbm>>) target(%dma_start3A_383 : memref<64x128xf32, #tpu.memory_space<vmem>>) offsets(%dma_start3A_386 : memref<64xi32, #tpu.memory_space<vmem>>) semaphore(%dma_start3A_391 : memref<!tpu.dma_semaphore, #tpu.memory_space<semaphore_mem>>)
        } else {
        }
      }
      %scan3A_144 = arith.constant 10 : i32
      "tpu.region"() ({
        %run_scoped3A = tpu.sem_alloc : memref<!tpu.dma_semaphore, #tpu.memory_space<semaphore_mem>>
        %dma_start3A_277 = arith.constant 80 : i32
        %dma_start3A_278 = arith.constant 0 : i32
        %dma_start3A_279 = tpu.memref_slice %arg2[%arg1, %dma_start3A_277, %dma_start3A_278] : memref<16x160x64xi32, #tpu.memory_space<hbm>> -> memref<1x40x64xi32, #tpu.memory_space<hbm>>
        %dma_start3A_280 = tpu.memref_squeeze %dma_start3A_279 : memref<1x40x64xi32, #tpu.memory_space<hbm>> -> memref<40x64xi32, #tpu.memory_space<hbm>>
        %dma_start3A_281 = arith.constant 80 : i32
        %dma_start3A_282 = arith.constant 0 : i32
        %dma_start3A_283 = tpu.memref_slice %arg2[%arg1, %dma_start3A_281, %dma_start3A_282] : memref<16x160x64xi32, #tpu.memory_space<hbm>> -> memref<1x40x64xi32, #tpu.memory_space<hbm>>
        %dma_start3A_284 = tpu.memref_squeeze %dma_start3A_283 : memref<1x40x64xi32, #tpu.memory_space<hbm>> -> memref<40x64xi32, #tpu.memory_space<hbm>>
        tpu.enqueue_dma source(%dma_start3A_284 : memref<40x64xi32, #tpu.memory_space<hbm>>) target(%arg8 : memref<40x64xi32, #tpu.memory_space<vmem>>) target_semaphore(%run_scoped3A : memref<!tpu.dma_semaphore, #tpu.memory_space<semaphore_mem>>)
        %dma_wait3A = arith.constant 80 : i32
        %dma_wait3A_285 = arith.constant 0 : i32
        %dma_wait3A_286 = tpu.memref_slice %arg2[%arg1, %dma_wait3A, %dma_wait3A_285] : memref<16x160x64xi32, #tpu.memory_space<hbm>> -> memref<1x40x64xi32, #tpu.memory_space<hbm>>
        %dma_wait3A_287 = tpu.memref_squeeze %dma_wait3A_286 : memref<1x40x64xi32, #tpu.memory_space<hbm>> -> memref<40x64xi32, #tpu.memory_space<hbm>>
        %dma_wait3A_288 = arith.constant 80 : i32
        %dma_wait3A_289 = arith.constant 0 : i32
        %dma_wait3A_290 = tpu.memref_slice %arg2[%arg1, %dma_wait3A_288, %dma_wait3A_289] : memref<16x160x64xi32, #tpu.memory_space<hbm>> -> memref<1x40x64xi32, #tpu.memory_space<hbm>>
        %dma_wait3A_291 = tpu.memref_squeeze %dma_wait3A_290 : memref<1x40x64xi32, #tpu.memory_space<hbm>> -> memref<40x64xi32, #tpu.memory_space<hbm>>
        tpu.wait_dma2 semaphore(%run_scoped3A : memref<!tpu.dma_semaphore, #tpu.memory_space<semaphore_mem>>) src(%dma_wait3A_291 : memref<40x64xi32, #tpu.memory_space<hbm>>) dst(%arg8 : memref<40x64xi32, #tpu.memory_space<vmem>>)
        tpu.yield
      }) : () -> ()
      "tpu.region"() ({
        %run_scoped3A = tpu.sem_alloc : memref<!tpu.dma_semaphore, #tpu.memory_space<semaphore_mem>>
        %dma_start3A_277 = arith.constant 80 : i32
        %dma_start3A_278 = arith.constant 0 : i32
        %dma_start3A_279 = tpu.memref_slice %arg3[%arg1, %dma_start3A_277, %dma_start3A_278] : memref<16x160x64xi32, #tpu.memory_space<hbm>> -> memref<1x40x64xi32, #tpu.memory_space<hbm>>
        %dma_start3A_280 = tpu.memref_squeeze %dma_start3A_279 : memref<1x40x64xi32, #tpu.memory_space<hbm>> -> memref<40x64xi32, #tpu.memory_space<hbm>>
        %dma_start3A_281 = arith.constant 80 : i32
        %dma_start3A_282 = arith.constant 0 : i32
        %dma_start3A_283 = tpu.memref_slice %arg3[%arg1, %dma_start3A_281, %dma_start3A_282] : memref<16x160x64xi32, #tpu.memory_space<hbm>> -> memref<1x40x64xi32, #tpu.memory_space<hbm>>
        %dma_start3A_284 = tpu.memref_squeeze %dma_start3A_283 : memref<1x40x64xi32, #tpu.memory_space<hbm>> -> memref<40x64xi32, #tpu.memory_space<hbm>>
        tpu.enqueue_dma source(%dma_start3A_284 : memref<40x64xi32, #tpu.memory_space<hbm>>) target(%arg9 : memref<40x64xi32, #tpu.memory_space<vmem>>) target_semaphore(%run_scoped3A : memref<!tpu.dma_semaphore, #tpu.memory_space<semaphore_mem>>)
        %dma_wait3A = arith.constant 80 : i32
        %dma_wait3A_285 = arith.constant 0 : i32
        %dma_wait3A_286 = tpu.memref_slice %arg3[%arg1, %dma_wait3A, %dma_wait3A_285] : memref<16x160x64xi32, #tpu.memory_space<hbm>> -> memref<1x40x64xi32, #tpu.memory_space<hbm>>
        %dma_wait3A_287 = tpu.memref_squeeze %dma_wait3A_286 : memref<1x40x64xi32, #tpu.memory_space<hbm>> -> memref<40x64xi32, #tpu.memory_space<hbm>>
        %dma_wait3A_288 = arith.constant 80 : i32
        %dma_wait3A_289 = arith.constant 0 : i32
        %dma_wait3A_290 = tpu.memref_slice %arg3[%arg1, %dma_wait3A_288, %dma_wait3A_289] : memref<16x160x64xi32, #tpu.memory_space<hbm>> -> memref<1x40x64xi32, #tpu.memory_space<hbm>>
        %dma_wait3A_291 = tpu.memref_squeeze %dma_wait3A_290 : memref<1x40x64xi32, #tpu.memory_space<hbm>> -> memref<40x64xi32, #tpu.memory_space<hbm>>
        tpu.wait_dma2 semaphore(%run_scoped3A : memref<!tpu.dma_semaphore, #tpu.memory_space<semaphore_mem>>) src(%dma_wait3A_291 : memref<40x64xi32, #tpu.memory_space<hbm>>) dst(%arg9 : memref<40x64xi32, #tpu.memory_space<vmem>>)
        tpu.yield
      }) : () -> ()
      %dma_start3A_145 = arith.constant 0 : i32
      %dma_start3A_146 = arith.constant 0 : i32
      %dma_start3A_147 = arith.constant 0 : i32
      %dma_start3A_148 = arith.constant 0 : i32
      %dma_start3A_149 = arith.constant 0 : i32
      %dma_start3A_150 = tpu.memref_slice %arg10[%dma_start3A_146, %dma_start3A_148, %dma_start3A_149] : memref<4x64x128xf32, #tpu.memory_space<vmem>> -> memref<1x64x128xf32, #tpu.memory_space<vmem>>
      %dma_start3A_151 = tpu.memref_squeeze %dma_start3A_150 : memref<1x64x128xf32, #tpu.memory_space<vmem>> -> memref<64x128xf32, #tpu.memory_space<vmem>>
      %dma_start3A_152 = arith.constant 0 : i32
      %dma_start3A_153 = tpu.memref_slice %arg8[%dma_start3A_145, %dma_start3A_152] : memref<40x64xi32, #tpu.memory_space<vmem>> -> memref<1x64xi32, #tpu.memory_space<vmem>>
      %dma_start3A_154 = tpu.memref_squeeze %dma_start3A_153 : memref<1x64xi32, #tpu.memory_space<vmem>> -> memref<64xi32, #tpu.memory_space<vmem>>
      %dma_start3A_155 = arith.constant 0 : i32
      %dma_start3A_156 = arith.constant 0 : i32
      %dma_start3A_157 = tpu.memref_slice %arg5[%dma_start3A_155, %dma_start3A_156] : memref<10000x128xf32, #tpu.memory_space<hbm>> -> memref<10000x128xf32, #tpu.memory_space<hbm>>
      %dma_start3A_158 = tpu.memref_slice %arg12[%dma_start3A_147] : memref<4x!tpu.dma_semaphore, #tpu.memory_space<semaphore_mem>> -> memref<1x!tpu.dma_semaphore, #tpu.memory_space<semaphore_mem>>
      %dma_start3A_159 = tpu.memref_squeeze %dma_start3A_158 : memref<1x!tpu.dma_semaphore, #tpu.memory_space<semaphore_mem>> -> memref<!tpu.dma_semaphore, #tpu.memory_space<semaphore_mem>>
      tpu.enqueue_indirect_dma source(%dma_start3A_157 : memref<10000x128xf32, #tpu.memory_space<hbm>>) target(%dma_start3A_151 : memref<64x128xf32, #tpu.memory_space<vmem>>) offsets(%dma_start3A_154 : memref<64xi32, #tpu.memory_space<vmem>>) semaphore(%dma_start3A_159 : memref<!tpu.dma_semaphore, #tpu.memory_space<semaphore_mem>>)
      %dma_start3A_160 = arith.constant 1 : i32
      %dma_start3A_161 = arith.constant 1 : i32
      %dma_start3A_162 = arith.constant 1 : i32
      %dma_start3A_163 = arith.constant 0 : i32
      %dma_start3A_164 = arith.constant 0 : i32
      %dma_start3A_165 = tpu.memref_slice %arg10[%dma_start3A_161, %dma_start3A_163, %dma_start3A_164] : memref<4x64x128xf32, #tpu.memory_space<vmem>> -> memref<1x64x128xf32, #tpu.memory_space<vmem>>
      %dma_start3A_166 = tpu.memref_squeeze %dma_start3A_165 : memref<1x64x128xf32, #tpu.memory_space<vmem>> -> memref<64x128xf32, #tpu.memory_space<vmem>>
      %dma_start3A_167 = arith.constant 0 : i32
      %dma_start3A_168 = tpu.memref_slice %arg8[%dma_start3A_160, %dma_start3A_167] : memref<40x64xi32, #tpu.memory_space<vmem>> -> memref<1x64xi32, #tpu.memory_space<vmem>>
      %dma_start3A_169 = tpu.memref_squeeze %dma_start3A_168 : memref<1x64xi32, #tpu.memory_space<vmem>> -> memref<64xi32, #tpu.memory_space<vmem>>
      %dma_start3A_170 = arith.constant 0 : i32
      %dma_start3A_171 = arith.constant 0 : i32
      %dma_start3A_172 = tpu.memref_slice %arg5[%dma_start3A_170, %dma_start3A_171] : memref<10000x128xf32, #tpu.memory_space<hbm>> -> memref<10000x128xf32, #tpu.memory_space<hbm>>
      %dma_start3A_173 = tpu.memref_slice %arg12[%dma_start3A_162] : memref<4x!tpu.dma_semaphore, #tpu.memory_space<semaphore_mem>> -> memref<1x!tpu.dma_semaphore, #tpu.memory_space<semaphore_mem>>
      %dma_start3A_174 = tpu.memref_squeeze %dma_start3A_173 : memref<1x!tpu.dma_semaphore, #tpu.memory_space<semaphore_mem>> -> memref<!tpu.dma_semaphore, #tpu.memory_space<semaphore_mem>>
      tpu.enqueue_indirect_dma source(%dma_start3A_172 : memref<10000x128xf32, #tpu.memory_space<hbm>>) target(%dma_start3A_166 : memref<64x128xf32, #tpu.memory_space<vmem>>) offsets(%dma_start3A_169 : memref<64xi32, #tpu.memory_space<vmem>>) semaphore(%dma_start3A_174 : memref<!tpu.dma_semaphore, #tpu.memory_space<semaphore_mem>>)
      %dma_start3A_175 = arith.constant 2 : i32
      %dma_start3A_176 = arith.constant 2 : i32
      %dma_start3A_177 = arith.constant 2 : i32
      %dma_start3A_178 = arith.constant 0 : i32
      %dma_start3A_179 = arith.constant 0 : i32
      %dma_start3A_180 = tpu.memref_slice %arg10[%dma_start3A_176, %dma_start3A_178, %dma_start3A_179] : memref<4x64x128xf32, #tpu.memory_space<vmem>> -> memref<1x64x128xf32, #tpu.memory_space<vmem>>
      %dma_start3A_181 = tpu.memref_squeeze %dma_start3A_180 : memref<1x64x128xf32, #tpu.memory_space<vmem>> -> memref<64x128xf32, #tpu.memory_space<vmem>>
      %dma_start3A_182 = arith.constant 0 : i32
      %dma_start3A_183 = tpu.memref_slice %arg8[%dma_start3A_175, %dma_start3A_182] : memref<40x64xi32, #tpu.memory_space<vmem>> -> memref<1x64xi32, #tpu.memory_space<vmem>>
      %dma_start3A_184 = tpu.memref_squeeze %dma_start3A_183 : memref<1x64xi32, #tpu.memory_space<vmem>> -> memref<64xi32, #tpu.memory_space<vmem>>
      %dma_start3A_185 = arith.constant 0 : i32
      %dma_start3A_186 = arith.constant 0 : i32
      %dma_start3A_187 = tpu.memref_slice %arg5[%dma_start3A_185, %dma_start3A_186] : memref<10000x128xf32, #tpu.memory_space<hbm>> -> memref<10000x128xf32, #tpu.memory_space<hbm>>
      %dma_start3A_188 = tpu.memref_slice %arg12[%dma_start3A_177] : memref<4x!tpu.dma_semaphore, #tpu.memory_space<semaphore_mem>> -> memref<1x!tpu.dma_semaphore, #tpu.memory_space<semaphore_mem>>
      %dma_start3A_189 = tpu.memref_squeeze %dma_start3A_188 : memref<1x!tpu.dma_semaphore, #tpu.memory_space<semaphore_mem>> -> memref<!tpu.dma_semaphore, #tpu.memory_space<semaphore_mem>>
      tpu.enqueue_indirect_dma source(%dma_start3A_187 : memref<10000x128xf32, #tpu.memory_space<hbm>>) target(%dma_start3A_181 : memref<64x128xf32, #tpu.memory_space<vmem>>) offsets(%dma_start3A_184 : memref<64xi32, #tpu.memory_space<vmem>>) semaphore(%dma_start3A_189 : memref<!tpu.dma_semaphore, #tpu.memory_space<semaphore_mem>>)
      %dma_start3A_190 = arith.constant 3 : i32
      %dma_start3A_191 = arith.constant 3 : i32
      %dma_start3A_192 = arith.constant 3 : i32
      %dma_start3A_193 = arith.constant 0 : i32
      %dma_start3A_194 = arith.constant 0 : i32
      %dma_start3A_195 = tpu.memref_slice %arg10[%dma_start3A_191, %dma_start3A_193, %dma_start3A_194] : memref<4x64x128xf32, #tpu.memory_space<vmem>> -> memref<1x64x128xf32, #tpu.memory_space<vmem>>
      %dma_start3A_196 = tpu.memref_squeeze %dma_start3A_195 : memref<1x64x128xf32, #tpu.memory_space<vmem>> -> memref<64x128xf32, #tpu.memory_space<vmem>>
      %dma_start3A_197 = arith.constant 0 : i32
      %dma_start3A_198 = tpu.memref_slice %arg8[%dma_start3A_190, %dma_start3A_197] : memref<40x64xi32, #tpu.memory_space<vmem>> -> memref<1x64xi32, #tpu.memory_space<vmem>>
      %dma_start3A_199 = tpu.memref_squeeze %dma_start3A_198 : memref<1x64xi32, #tpu.memory_space<vmem>> -> memref<64xi32, #tpu.memory_space<vmem>>
      %dma_start3A_200 = arith.constant 0 : i32
      %dma_start3A_201 = arith.constant 0 : i32
      %dma_start3A_202 = tpu.memref_slice %arg5[%dma_start3A_200, %dma_start3A_201] : memref<10000x128xf32, #tpu.memory_space<hbm>> -> memref<10000x128xf32, #tpu.memory_space<hbm>>
      %dma_start3A_203 = tpu.memref_slice %arg12[%dma_start3A_192] : memref<4x!tpu.dma_semaphore, #tpu.memory_space<semaphore_mem>> -> memref<1x!tpu.dma_semaphore, #tpu.memory_space<semaphore_mem>>
      %dma_start3A_204 = tpu.memref_squeeze %dma_start3A_203 : memref<1x!tpu.dma_semaphore, #tpu.memory_space<semaphore_mem>> -> memref<!tpu.dma_semaphore, #tpu.memory_space<semaphore_mem>>
      tpu.enqueue_indirect_dma source(%dma_start3A_202 : memref<10000x128xf32, #tpu.memory_space<hbm>>) target(%dma_start3A_196 : memref<64x128xf32, #tpu.memory_space<vmem>>) offsets(%dma_start3A_199 : memref<64xi32, #tpu.memory_space<vmem>>) semaphore(%dma_start3A_204 : memref<!tpu.dma_semaphore, #tpu.memory_space<semaphore_mem>>)
      %scan3A_205 = arith.constant 0 : i32
      %scan3A_206 = arith.constant 0 : i32
      %scan3A_207 = arith.constant 10 : i32
      %scan3A_208 = arith.addi %scan3A_206, %scan3A_207 : i32
      %scan3A_209 = arith.constant 1 : i32
      scf.for %scan3A_277 = %scan3A_206 to %scan3A_208 step %scan3A_209  : i32 {
        %mul3A_278 = arith.constant 4 : i32
        %mul3A_279 = arith.muli %scan3A_277, %mul3A_278 : i32
        %add3A = arith.constant 0 : i32
        %add3A_280 = arith.addi %mul3A_279, %add3A : i32
        %dma_wait3A = arith.constant 0 : i32
        %dma_wait3A_281 = arith.constant 0 : i32
        %dma_wait3A_282 = arith.constant 0 : i32
        %dma_wait3A_283 = arith.constant 0 : i32
        %dma_wait3A_284 = tpu.memref_slice %arg10[%dma_wait3A, %dma_wait3A_282, %dma_wait3A_283] : memref<4x64x128xf32, #tpu.memory_space<vmem>> -> memref<1x64x128xf32, #tpu.memory_space<vmem>>
        %dma_wait3A_285 = tpu.memref_squeeze %dma_wait3A_284 : memref<1x64x128xf32, #tpu.memory_space<vmem>> -> memref<64x128xf32, #tpu.memory_space<vmem>>
        %dma_wait3A_286 = arith.constant 0 : i32
        %dma_wait3A_287 = tpu.memref_slice %arg8[%add3A_280, %dma_wait3A_286] : memref<40x64xi32, #tpu.memory_space<vmem>> -> memref<1x64xi32, #tpu.memory_space<vmem>>
        %dma_wait3A_288 = tpu.memref_squeeze %dma_wait3A_287 : memref<1x64xi32, #tpu.memory_space<vmem>> -> memref<64xi32, #tpu.memory_space<vmem>>
        %dma_wait3A_289 = arith.constant 0 : i32
        %dma_wait3A_290 = arith.constant 0 : i32
        %dma_wait3A_291 = tpu.memref_slice %arg5[%dma_wait3A_289, %dma_wait3A_290] : memref<10000x128xf32, #tpu.memory_space<hbm>> -> memref<10000x128xf32, #tpu.memory_space<hbm>>
        %dma_wait3A_292 = tpu.memref_slice %arg12[%dma_wait3A_281] : memref<4x!tpu.dma_semaphore, #tpu.memory_space<semaphore_mem>> -> memref<1x!tpu.dma_semaphore, #tpu.memory_space<semaphore_mem>>
        %dma_wait3A_293 = tpu.memref_squeeze %dma_wait3A_292 : memref<1x!tpu.dma_semaphore, #tpu.memory_space<semaphore_mem>> -> memref<!tpu.dma_semaphore, #tpu.memory_space<semaphore_mem>>
        tpu.wait_indirect_dma semaphore(%dma_wait3A_293 : memref<!tpu.dma_semaphore, #tpu.memory_space<semaphore_mem>>) src(%dma_wait3A_291 : memref<10000x128xf32, #tpu.memory_space<hbm>>) dst(%dma_wait3A_285 : memref<64x128xf32, #tpu.memory_space<vmem>>)
        %run_scoped3A = arith.constant 0 : i32
        "tpu.region"() ({
          %run_scoped3A_378 = tpu.sem_alloc : memref<!tpu.dma_semaphore, #tpu.memory_space<semaphore_mem>>
          %dma_start3A_379 = arith.constant 0 : i32
          %dma_start3A_380 = arith.constant 0 : i32
          %dma_start3A_381 = tpu.memref_slice %arg10[%run_scoped3A, %dma_start3A_379, %dma_start3A_380] : memref<4x64x128xf32, #tpu.memory_space<vmem>> -> memref<1x64x128xf32, #tpu.memory_space<vmem>>
          %dma_start3A_382 = tpu.memref_squeeze %dma_start3A_381 : memref<1x64x128xf32, #tpu.memory_space<vmem>> -> memref<64x128xf32, #tpu.memory_space<vmem>>
          %dma_start3A_383 = arith.constant 0 : i32
          %dma_start3A_384 = tpu.memref_slice %arg9[%add3A_280, %dma_start3A_383] : memref<40x64xi32, #tpu.memory_space<vmem>> -> memref<1x64xi32, #tpu.memory_space<vmem>>
          %dma_start3A_385 = tpu.memref_squeeze %dma_start3A_384 : memref<1x64xi32, #tpu.memory_space<vmem>> -> memref<64xi32, #tpu.memory_space<vmem>>
          %dma_start3A_386 = arith.constant 0 : i32
          %dma_start3A_387 = arith.constant 0 : i32
          %dma_start3A_388 = tpu.memref_slice %arg11[%dma_start3A_386, %dma_start3A_387] : memref<10240x128xf32, #tpu.memory_space<vmem_shared>> -> memref<10240x128xf32, #tpu.memory_space<vmem_shared>>
          tpu.enqueue_indirect_dma source(%dma_start3A_382 : memref<64x128xf32, #tpu.memory_space<vmem>>) target(%dma_start3A_388 : memref<10240x128xf32, #tpu.memory_space<vmem_shared>>) offsets(%dma_start3A_385 : memref<64xi32, #tpu.memory_space<vmem>>) semaphore(%run_scoped3A_378 : memref<!tpu.dma_semaphore, #tpu.memory_space<semaphore_mem>>) {add = true}
          %dma_wait3A_389 = arith.constant 0 : i32
          %dma_wait3A_390 = arith.constant 0 : i32
          %dma_wait3A_391 = tpu.memref_slice %arg10[%run_scoped3A, %dma_wait3A_389, %dma_wait3A_390] : memref<4x64x128xf32, #tpu.memory_space<vmem>> -> memref<1x64x128xf32, #tpu.memory_space<vmem>>
          %dma_wait3A_392 = tpu.memref_squeeze %dma_wait3A_391 : memref<1x64x128xf32, #tpu.memory_space<vmem>> -> memref<64x128xf32, #tpu.memory_space<vmem>>
          %dma_wait3A_393 = arith.constant 0 : i32
          %dma_wait3A_394 = tpu.memref_slice %arg9[%add3A_280, %dma_wait3A_393] : memref<40x64xi32, #tpu.memory_space<vmem>> -> memref<1x64xi32, #tpu.memory_space<vmem>>
          %dma_wait3A_395 = tpu.memref_squeeze %dma_wait3A_394 : memref<1x64xi32, #tpu.memory_space<vmem>> -> memref<64xi32, #tpu.memory_space<vmem>>
          %dma_wait3A_396 = arith.constant 0 : i32
          %dma_wait3A_397 = arith.constant 0 : i32
          %dma_wait3A_398 = tpu.memref_slice %arg11[%dma_wait3A_396, %dma_wait3A_397] : memref<10240x128xf32, #tpu.memory_space<vmem_shared>> -> memref<10240x128xf32, #tpu.memory_space<vmem_shared>>
          tpu.wait_indirect_dma semaphore(%run_scoped3A_378 : memref<!tpu.dma_semaphore, #tpu.memory_space<semaphore_mem>>) src(%dma_wait3A_392 : memref<64x128xf32, #tpu.memory_space<vmem>>) dst(%dma_wait3A_398 : memref<10240x128xf32, #tpu.memory_space<vmem_shared>>)
          tpu.yield
        }) : () -> ()
        %add3A_294 = arith.constant 4 : i32
        %add3A_295 = arith.addi %add3A_280, %add3A_294 : i32
        %lt3A = arith.constant 40 : i32
        %lt3A_296 = arith.cmpi slt, %add3A_295, %lt3A : i32
        %convert_element_type3A_297 = arith.extui %lt3A_296 : i1 to i32
        %cond3A_298 = arith.constant 0 : i32
        %cond3A_299 = arith.cmpi ne, %convert_element_type3A_297, %cond3A_298 : i32
        scf.if %cond3A_299 {
          %dma_start3A_378 = arith.constant 0 : i32
          %dma_start3A_379 = arith.constant 0 : i32
          %dma_start3A_380 = arith.constant 0 : i32
          %dma_start3A_381 = arith.constant 0 : i32
          %dma_start3A_382 = tpu.memref_slice %arg10[%dma_start3A_378, %dma_start3A_380, %dma_start3A_381] : memref<4x64x128xf32, #tpu.memory_space<vmem>> -> memref<1x64x128xf32, #tpu.memory_space<vmem>>
          %dma_start3A_383 = tpu.memref_squeeze %dma_start3A_382 : memref<1x64x128xf32, #tpu.memory_space<vmem>> -> memref<64x128xf32, #tpu.memory_space<vmem>>
          %dma_start3A_384 = arith.constant 0 : i32
          %dma_start3A_385 = tpu.memref_slice %arg8[%add3A_295, %dma_start3A_384] : memref<40x64xi32, #tpu.memory_space<vmem>> -> memref<1x64xi32, #tpu.memory_space<vmem>>
          %dma_start3A_386 = tpu.memref_squeeze %dma_start3A_385 : memref<1x64xi32, #tpu.memory_space<vmem>> -> memref<64xi32, #tpu.memory_space<vmem>>
          %dma_start3A_387 = arith.constant 0 : i32
          %dma_start3A_388 = arith.constant 0 : i32
          %dma_start3A_389 = tpu.memref_slice %arg5[%dma_start3A_387, %dma_start3A_388] : memref<10000x128xf32, #tpu.memory_space<hbm>> -> memref<10000x128xf32, #tpu.memory_space<hbm>>
          %dma_start3A_390 = tpu.memref_slice %arg12[%dma_start3A_379] : memref<4x!tpu.dma_semaphore, #tpu.memory_space<semaphore_mem>> -> memref<1x!tpu.dma_semaphore, #tpu.memory_space<semaphore_mem>>
          %dma_start3A_391 = tpu.memref_squeeze %dma_start3A_390 : memref<1x!tpu.dma_semaphore, #tpu.memory_space<semaphore_mem>> -> memref<!tpu.dma_semaphore, #tpu.memory_space<semaphore_mem>>
          tpu.enqueue_indirect_dma source(%dma_start3A_389 : memref<10000x128xf32, #tpu.memory_space<hbm>>) target(%dma_start3A_383 : memref<64x128xf32, #tpu.memory_space<vmem>>) offsets(%dma_start3A_386 : memref<64xi32, #tpu.memory_space<vmem>>) semaphore(%dma_start3A_391 : memref<!tpu.dma_semaphore, #tpu.memory_space<semaphore_mem>>)
        } else {
        }
        %mul3A_300 = arith.constant 4 : i32
        %mul3A_301 = arith.muli %scan3A_277, %mul3A_300 : i32
        %add3A_302 = arith.constant 1 : i32
        %add3A_303 = arith.addi %mul3A_301, %add3A_302 : i32
        %dma_wait3A_304 = arith.constant 1 : i32
        %dma_wait3A_305 = arith.constant 1 : i32
        %dma_wait3A_306 = arith.constant 0 : i32
        %dma_wait3A_307 = arith.constant 0 : i32
        %dma_wait3A_308 = tpu.memref_slice %arg10[%dma_wait3A_304, %dma_wait3A_306, %dma_wait3A_307] : memref<4x64x128xf32, #tpu.memory_space<vmem>> -> memref<1x64x128xf32, #tpu.memory_space<vmem>>
        %dma_wait3A_309 = tpu.memref_squeeze %dma_wait3A_308 : memref<1x64x128xf32, #tpu.memory_space<vmem>> -> memref<64x128xf32, #tpu.memory_space<vmem>>
        %dma_wait3A_310 = arith.constant 0 : i32
        %dma_wait3A_311 = tpu.memref_slice %arg8[%add3A_303, %dma_wait3A_310] : memref<40x64xi32, #tpu.memory_space<vmem>> -> memref<1x64xi32, #tpu.memory_space<vmem>>
        %dma_wait3A_312 = tpu.memref_squeeze %dma_wait3A_311 : memref<1x64xi32, #tpu.memory_space<vmem>> -> memref<64xi32, #tpu.memory_space<vmem>>
        %dma_wait3A_313 = arith.constant 0 : i32
        %dma_wait3A_314 = arith.constant 0 : i32
        %dma_wait3A_315 = tpu.memref_slice %arg5[%dma_wait3A_313, %dma_wait3A_314] : memref<10000x128xf32, #tpu.memory_space<hbm>> -> memref<10000x128xf32, #tpu.memory_space<hbm>>
        %dma_wait3A_316 = tpu.memref_slice %arg12[%dma_wait3A_305] : memref<4x!tpu.dma_semaphore, #tpu.memory_space<semaphore_mem>> -> memref<1x!tpu.dma_semaphore, #tpu.memory_space<semaphore_mem>>
        %dma_wait3A_317 = tpu.memref_squeeze %dma_wait3A_316 : memref<1x!tpu.dma_semaphore, #tpu.memory_space<semaphore_mem>> -> memref<!tpu.dma_semaphore, #tpu.memory_space<semaphore_mem>>
        tpu.wait_indirect_dma semaphore(%dma_wait3A_317 : memref<!tpu.dma_semaphore, #tpu.memory_space<semaphore_mem>>) src(%dma_wait3A_315 : memref<10000x128xf32, #tpu.memory_space<hbm>>) dst(%dma_wait3A_309 : memref<64x128xf32, #tpu.memory_space<vmem>>)
        %run_scoped3A_318 = arith.constant 1 : i32
        "tpu.region"() ({
          %run_scoped3A_378 = tpu.sem_alloc : memref<!tpu.dma_semaphore, #tpu.memory_space<semaphore_mem>>
          %dma_start3A_379 = arith.constant 0 : i32
          %dma_start3A_380 = arith.constant 0 : i32
          %dma_start3A_381 = tpu.memref_slice %arg10[%run_scoped3A_318, %dma_start3A_379, %dma_start3A_380] : memref<4x64x128xf32, #tpu.memory_space<vmem>> -> memref<1x64x128xf32, #tpu.memory_space<vmem>>
          %dma_start3A_382 = tpu.memref_squeeze %dma_start3A_381 : memref<1x64x128xf32, #tpu.memory_space<vmem>> -> memref<64x128xf32, #tpu.memory_space<vmem>>
          %dma_start3A_383 = arith.constant 0 : i32
          %dma_start3A_384 = tpu.memref_slice %arg9[%add3A_303, %dma_start3A_383] : memref<40x64xi32, #tpu.memory_space<vmem>> -> memref<1x64xi32, #tpu.memory_space<vmem>>
          %dma_start3A_385 = tpu.memref_squeeze %dma_start3A_384 : memref<1x64xi32, #tpu.memory_space<vmem>> -> memref<64xi32, #tpu.memory_space<vmem>>
          %dma_start3A_386 = arith.constant 0 : i32
          %dma_start3A_387 = arith.constant 0 : i32
          %dma_start3A_388 = tpu.memref_slice %arg11[%dma_start3A_386, %dma_start3A_387] : memref<10240x128xf32, #tpu.memory_space<vmem_shared>> -> memref<10240x128xf32, #tpu.memory_space<vmem_shared>>
          tpu.enqueue_indirect_dma source(%dma_start3A_382 : memref<64x128xf32, #tpu.memory_space<vmem>>) target(%dma_start3A_388 : memref<10240x128xf32, #tpu.memory_space<vmem_shared>>) offsets(%dma_start3A_385 : memref<64xi32, #tpu.memory_space<vmem>>) semaphore(%run_scoped3A_378 : memref<!tpu.dma_semaphore, #tpu.memory_space<semaphore_mem>>) {add = true}
          %dma_wait3A_389 = arith.constant 0 : i32
          %dma_wait3A_390 = arith.constant 0 : i32
          %dma_wait3A_391 = tpu.memref_slice %arg10[%run_scoped3A_318, %dma_wait3A_389, %dma_wait3A_390] : memref<4x64x128xf32, #tpu.memory_space<vmem>> -> memref<1x64x128xf32, #tpu.memory_space<vmem>>
          %dma_wait3A_392 = tpu.memref_squeeze %dma_wait3A_391 : memref<1x64x128xf32, #tpu.memory_space<vmem>> -> memref<64x128xf32, #tpu.memory_space<vmem>>
          %dma_wait3A_393 = arith.constant 0 : i32
          %dma_wait3A_394 = tpu.memref_slice %arg9[%add3A_303, %dma_wait3A_393] : memref<40x64xi32, #tpu.memory_space<vmem>> -> memref<1x64xi32, #tpu.memory_space<vmem>>
          %dma_wait3A_395 = tpu.memref_squeeze %dma_wait3A_394 : memref<1x64xi32, #tpu.memory_space<vmem>> -> memref<64xi32, #tpu.memory_space<vmem>>
          %dma_wait3A_396 = arith.constant 0 : i32
          %dma_wait3A_397 = arith.constant 0 : i32
          %dma_wait3A_398 = tpu.memref_slice %arg11[%dma_wait3A_396, %dma_wait3A_397] : memref<10240x128xf32, #tpu.memory_space<vmem_shared>> -> memref<10240x128xf32, #tpu.memory_space<vmem_shared>>
          tpu.wait_indirect_dma semaphore(%run_scoped3A_378 : memref<!tpu.dma_semaphore, #tpu.memory_space<semaphore_mem>>) src(%dma_wait3A_392 : memref<64x128xf32, #tpu.memory_space<vmem>>) dst(%dma_wait3A_398 : memref<10240x128xf32, #tpu.memory_space<vmem_shared>>)
          tpu.yield
        }) : () -> ()
        %add3A_319 = arith.constant 4 : i32
        %add3A_320 = arith.addi %add3A_303, %add3A_319 : i32
        %lt3A_321 = arith.constant 40 : i32
        %lt3A_322 = arith.cmpi slt, %add3A_320, %lt3A_321 : i32
        %convert_element_type3A_323 = arith.extui %lt3A_322 : i1 to i32
        %cond3A_324 = arith.constant 0 : i32
        %cond3A_325 = arith.cmpi ne, %convert_element_type3A_323, %cond3A_324 : i32
        scf.if %cond3A_325 {
          %dma_start3A_378 = arith.constant 1 : i32
          %dma_start3A_379 = arith.constant 1 : i32
          %dma_start3A_380 = arith.constant 0 : i32
          %dma_start3A_381 = arith.constant 0 : i32
          %dma_start3A_382 = tpu.memref_slice %arg10[%dma_start3A_378, %dma_start3A_380, %dma_start3A_381] : memref<4x64x128xf32, #tpu.memory_space<vmem>> -> memref<1x64x128xf32, #tpu.memory_space<vmem>>
          %dma_start3A_383 = tpu.memref_squeeze %dma_start3A_382 : memref<1x64x128xf32, #tpu.memory_space<vmem>> -> memref<64x128xf32, #tpu.memory_space<vmem>>
          %dma_start3A_384 = arith.constant 0 : i32
          %dma_start3A_385 = tpu.memref_slice %arg8[%add3A_320, %dma_start3A_384] : memref<40x64xi32, #tpu.memory_space<vmem>> -> memref<1x64xi32, #tpu.memory_space<vmem>>
          %dma_start3A_386 = tpu.memref_squeeze %dma_start3A_385 : memref<1x64xi32, #tpu.memory_space<vmem>> -> memref<64xi32, #tpu.memory_space<vmem>>
          %dma_start3A_387 = arith.constant 0 : i32
          %dma_start3A_388 = arith.constant 0 : i32
          %dma_start3A_389 = tpu.memref_slice %arg5[%dma_start3A_387, %dma_start3A_388] : memref<10000x128xf32, #tpu.memory_space<hbm>> -> memref<10000x128xf32, #tpu.memory_space<hbm>>
          %dma_start3A_390 = tpu.memref_slice %arg12[%dma_start3A_379] : memref<4x!tpu.dma_semaphore, #tpu.memory_space<semaphore_mem>> -> memref<1x!tpu.dma_semaphore, #tpu.memory_space<semaphore_mem>>
          %dma_start3A_391 = tpu.memref_squeeze %dma_start3A_390 : memref<1x!tpu.dma_semaphore, #tpu.memory_space<semaphore_mem>> -> memref<!tpu.dma_semaphore, #tpu.memory_space<semaphore_mem>>
          tpu.enqueue_indirect_dma source(%dma_start3A_389 : memref<10000x128xf32, #tpu.memory_space<hbm>>) target(%dma_start3A_383 : memref<64x128xf32, #tpu.memory_space<vmem>>) offsets(%dma_start3A_386 : memref<64xi32, #tpu.memory_space<vmem>>) semaphore(%dma_start3A_391 : memref<!tpu.dma_semaphore, #tpu.memory_space<semaphore_mem>>)
        } else {
        }
        %mul3A_326 = arith.constant 4 : i32
        %mul3A_327 = arith.muli %scan3A_277, %mul3A_326 : i32
        %add3A_328 = arith.constant 2 : i32
        %add3A_329 = arith.addi %mul3A_327, %add3A_328 : i32
        %dma_wait3A_330 = arith.constant 2 : i32
        %dma_wait3A_331 = arith.constant 2 : i32
        %dma_wait3A_332 = arith.constant 0 : i32
        %dma_wait3A_333 = arith.constant 0 : i32
        %dma_wait3A_334 = tpu.memref_slice %arg10[%dma_wait3A_330, %dma_wait3A_332, %dma_wait3A_333] : memref<4x64x128xf32, #tpu.memory_space<vmem>> -> memref<1x64x128xf32, #tpu.memory_space<vmem>>
        %dma_wait3A_335 = tpu.memref_squeeze %dma_wait3A_334 : memref<1x64x128xf32, #tpu.memory_space<vmem>> -> memref<64x128xf32, #tpu.memory_space<vmem>>
        %dma_wait3A_336 = arith.constant 0 : i32
        %dma_wait3A_337 = tpu.memref_slice %arg8[%add3A_329, %dma_wait3A_336] : memref<40x64xi32, #tpu.memory_space<vmem>> -> memref<1x64xi32, #tpu.memory_space<vmem>>
        %dma_wait3A_338 = tpu.memref_squeeze %dma_wait3A_337 : memref<1x64xi32, #tpu.memory_space<vmem>> -> memref<64xi32, #tpu.memory_space<vmem>>
        %dma_wait3A_339 = arith.constant 0 : i32
        %dma_wait3A_340 = arith.constant 0 : i32
        %dma_wait3A_341 = tpu.memref_slice %arg5[%dma_wait3A_339, %dma_wait3A_340] : memref<10000x128xf32, #tpu.memory_space<hbm>> -> memref<10000x128xf32, #tpu.memory_space<hbm>>
        %dma_wait3A_342 = tpu.memref_slice %arg12[%dma_wait3A_331] : memref<4x!tpu.dma_semaphore, #tpu.memory_space<semaphore_mem>> -> memref<1x!tpu.dma_semaphore, #tpu.memory_space<semaphore_mem>>
        %dma_wait3A_343 = tpu.memref_squeeze %dma_wait3A_342 : memref<1x!tpu.dma_semaphore, #tpu.memory_space<semaphore_mem>> -> memref<!tpu.dma_semaphore, #tpu.memory_space<semaphore_mem>>
        tpu.wait_indirect_dma semaphore(%dma_wait3A_343 : memref<!tpu.dma_semaphore, #tpu.memory_space<semaphore_mem>>) src(%dma_wait3A_341 : memref<10000x128xf32, #tpu.memory_space<hbm>>) dst(%dma_wait3A_335 : memref<64x128xf32, #tpu.memory_space<vmem>>)
        %run_scoped3A_344 = arith.constant 2 : i32
        "tpu.region"() ({
          %run_scoped3A_378 = tpu.sem_alloc : memref<!tpu.dma_semaphore, #tpu.memory_space<semaphore_mem>>
          %dma_start3A_379 = arith.constant 0 : i32
          %dma_start3A_380 = arith.constant 0 : i32
          %dma_start3A_381 = tpu.memref_slice %arg10[%run_scoped3A_344, %dma_start3A_379, %dma_start3A_380] : memref<4x64x128xf32, #tpu.memory_space<vmem>> -> memref<1x64x128xf32, #tpu.memory_space<vmem>>
          %dma_start3A_382 = tpu.memref_squeeze %dma_start3A_381 : memref<1x64x128xf32, #tpu.memory_space<vmem>> -> memref<64x128xf32, #tpu.memory_space<vmem>>
          %dma_start3A_383 = arith.constant 0 : i32
          %dma_start3A_384 = tpu.memref_slice %arg9[%add3A_329, %dma_start3A_383] : memref<40x64xi32, #tpu.memory_space<vmem>> -> memref<1x64xi32, #tpu.memory_space<vmem>>
          %dma_start3A_385 = tpu.memref_squeeze %dma_start3A_384 : memref<1x64xi32, #tpu.memory_space<vmem>> -> memref<64xi32, #tpu.memory_space<vmem>>
          %dma_start3A_386 = arith.constant 0 : i32
          %dma_start3A_387 = arith.constant 0 : i32
          %dma_start3A_388 = tpu.memref_slice %arg11[%dma_start3A_386, %dma_start3A_387] : memref<10240x128xf32, #tpu.memory_space<vmem_shared>> -> memref<10240x128xf32, #tpu.memory_space<vmem_shared>>
          tpu.enqueue_indirect_dma source(%dma_start3A_382 : memref<64x128xf32, #tpu.memory_space<vmem>>) target(%dma_start3A_388 : memref<10240x128xf32, #tpu.memory_space<vmem_shared>>) offsets(%dma_start3A_385 : memref<64xi32, #tpu.memory_space<vmem>>) semaphore(%run_scoped3A_378 : memref<!tpu.dma_semaphore, #tpu.memory_space<semaphore_mem>>) {add = true}
          %dma_wait3A_389 = arith.constant 0 : i32
          %dma_wait3A_390 = arith.constant 0 : i32
          %dma_wait3A_391 = tpu.memref_slice %arg10[%run_scoped3A_344, %dma_wait3A_389, %dma_wait3A_390] : memref<4x64x128xf32, #tpu.memory_space<vmem>> -> memref<1x64x128xf32, #tpu.memory_space<vmem>>
          %dma_wait3A_392 = tpu.memref_squeeze %dma_wait3A_391 : memref<1x64x128xf32, #tpu.memory_space<vmem>> -> memref<64x128xf32, #tpu.memory_space<vmem>>
          %dma_wait3A_393 = arith.constant 0 : i32
          %dma_wait3A_394 = tpu.memref_slice %arg9[%add3A_329, %dma_wait3A_393] : memref<40x64xi32, #tpu.memory_space<vmem>> -> memref<1x64xi32, #tpu.memory_space<vmem>>
          %dma_wait3A_395 = tpu.memref_squeeze %dma_wait3A_394 : memref<1x64xi32, #tpu.memory_space<vmem>> -> memref<64xi32, #tpu.memory_space<vmem>>
          %dma_wait3A_396 = arith.constant 0 : i32
          %dma_wait3A_397 = arith.constant 0 : i32
          %dma_wait3A_398 = tpu.memref_slice %arg11[%dma_wait3A_396, %dma_wait3A_397] : memref<10240x128xf32, #tpu.memory_space<vmem_shared>> -> memref<10240x128xf32, #tpu.memory_space<vmem_shared>>
          tpu.wait_indirect_dma semaphore(%run_scoped3A_378 : memref<!tpu.dma_semaphore, #tpu.memory_space<semaphore_mem>>) src(%dma_wait3A_392 : memref<64x128xf32, #tpu.memory_space<vmem>>) dst(%dma_wait3A_398 : memref<10240x128xf32, #tpu.memory_space<vmem_shared>>)
          tpu.yield
        }) : () -> ()
        %add3A_345 = arith.constant 4 : i32
        %add3A_346 = arith.addi %add3A_329, %add3A_345 : i32
        %lt3A_347 = arith.constant 40 : i32
        %lt3A_348 = arith.cmpi slt, %add3A_346, %lt3A_347 : i32
        %convert_element_type3A_349 = arith.extui %lt3A_348 : i1 to i32
        %cond3A_350 = arith.constant 0 : i32
        %cond3A_351 = arith.cmpi ne, %convert_element_type3A_349, %cond3A_350 : i32
        scf.if %cond3A_351 {
          %dma_start3A_378 = arith.constant 2 : i32
          %dma_start3A_379 = arith.constant 2 : i32
          %dma_start3A_380 = arith.constant 0 : i32
          %dma_start3A_381 = arith.constant 0 : i32
          %dma_start3A_382 = tpu.memref_slice %arg10[%dma_start3A_378, %dma_start3A_380, %dma_start3A_381] : memref<4x64x128xf32, #tpu.memory_space<vmem>> -> memref<1x64x128xf32, #tpu.memory_space<vmem>>
          %dma_start3A_383 = tpu.memref_squeeze %dma_start3A_382 : memref<1x64x128xf32, #tpu.memory_space<vmem>> -> memref<64x128xf32, #tpu.memory_space<vmem>>
          %dma_start3A_384 = arith.constant 0 : i32
          %dma_start3A_385 = tpu.memref_slice %arg8[%add3A_346, %dma_start3A_384] : memref<40x64xi32, #tpu.memory_space<vmem>> -> memref<1x64xi32, #tpu.memory_space<vmem>>
          %dma_start3A_386 = tpu.memref_squeeze %dma_start3A_385 : memref<1x64xi32, #tpu.memory_space<vmem>> -> memref<64xi32, #tpu.memory_space<vmem>>
          %dma_start3A_387 = arith.constant 0 : i32
          %dma_start3A_388 = arith.constant 0 : i32
          %dma_start3A_389 = tpu.memref_slice %arg5[%dma_start3A_387, %dma_start3A_388] : memref<10000x128xf32, #tpu.memory_space<hbm>> -> memref<10000x128xf32, #tpu.memory_space<hbm>>
          %dma_start3A_390 = tpu.memref_slice %arg12[%dma_start3A_379] : memref<4x!tpu.dma_semaphore, #tpu.memory_space<semaphore_mem>> -> memref<1x!tpu.dma_semaphore, #tpu.memory_space<semaphore_mem>>
          %dma_start3A_391 = tpu.memref_squeeze %dma_start3A_390 : memref<1x!tpu.dma_semaphore, #tpu.memory_space<semaphore_mem>> -> memref<!tpu.dma_semaphore, #tpu.memory_space<semaphore_mem>>
          tpu.enqueue_indirect_dma source(%dma_start3A_389 : memref<10000x128xf32, #tpu.memory_space<hbm>>) target(%dma_start3A_383 : memref<64x128xf32, #tpu.memory_space<vmem>>) offsets(%dma_start3A_386 : memref<64xi32, #tpu.memory_space<vmem>>) semaphore(%dma_start3A_391 : memref<!tpu.dma_semaphore, #tpu.memory_space<semaphore_mem>>)
        } else {
        }
        %mul3A_352 = arith.constant 4 : i32
        %mul3A_353 = arith.muli %scan3A_277, %mul3A_352 : i32
        %add3A_354 = arith.constant 3 : i32
        %add3A_355 = arith.addi %mul3A_353, %add3A_354 : i32
        %dma_wait3A_356 = arith.constant 3 : i32
        %dma_wait3A_357 = arith.constant 3 : i32
        %dma_wait3A_358 = arith.constant 0 : i32
        %dma_wait3A_359 = arith.constant 0 : i32
        %dma_wait3A_360 = tpu.memref_slice %arg10[%dma_wait3A_356, %dma_wait3A_358, %dma_wait3A_359] : memref<4x64x128xf32, #tpu.memory_space<vmem>> -> memref<1x64x128xf32, #tpu.memory_space<vmem>>
        %dma_wait3A_361 = tpu.memref_squeeze %dma_wait3A_360 : memref<1x64x128xf32, #tpu.memory_space<vmem>> -> memref<64x128xf32, #tpu.memory_space<vmem>>
        %dma_wait3A_362 = arith.constant 0 : i32
        %dma_wait3A_363 = tpu.memref_slice %arg8[%add3A_355, %dma_wait3A_362] : memref<40x64xi32, #tpu.memory_space<vmem>> -> memref<1x64xi32, #tpu.memory_space<vmem>>
        %dma_wait3A_364 = tpu.memref_squeeze %dma_wait3A_363 : memref<1x64xi32, #tpu.memory_space<vmem>> -> memref<64xi32, #tpu.memory_space<vmem>>
        %dma_wait3A_365 = arith.constant 0 : i32
        %dma_wait3A_366 = arith.constant 0 : i32
        %dma_wait3A_367 = tpu.memref_slice %arg5[%dma_wait3A_365, %dma_wait3A_366] : memref<10000x128xf32, #tpu.memory_space<hbm>> -> memref<10000x128xf32, #tpu.memory_space<hbm>>
        %dma_wait3A_368 = tpu.memref_slice %arg12[%dma_wait3A_357] : memref<4x!tpu.dma_semaphore, #tpu.memory_space<semaphore_mem>> -> memref<1x!tpu.dma_semaphore, #tpu.memory_space<semaphore_mem>>
        %dma_wait3A_369 = tpu.memref_squeeze %dma_wait3A_368 : memref<1x!tpu.dma_semaphore, #tpu.memory_space<semaphore_mem>> -> memref<!tpu.dma_semaphore, #tpu.memory_space<semaphore_mem>>
        tpu.wait_indirect_dma semaphore(%dma_wait3A_369 : memref<!tpu.dma_semaphore, #tpu.memory_space<semaphore_mem>>) src(%dma_wait3A_367 : memref<10000x128xf32, #tpu.memory_space<hbm>>) dst(%dma_wait3A_361 : memref<64x128xf32, #tpu.memory_space<vmem>>)
        %run_scoped3A_370 = arith.constant 3 : i32
        "tpu.region"() ({
          %run_scoped3A_378 = tpu.sem_alloc : memref<!tpu.dma_semaphore, #tpu.memory_space<semaphore_mem>>
          %dma_start3A_379 = arith.constant 0 : i32
          %dma_start3A_380 = arith.constant 0 : i32
          %dma_start3A_381 = tpu.memref_slice %arg10[%run_scoped3A_370, %dma_start3A_379, %dma_start3A_380] : memref<4x64x128xf32, #tpu.memory_space<vmem>> -> memref<1x64x128xf32, #tpu.memory_space<vmem>>
          %dma_start3A_382 = tpu.memref_squeeze %dma_start3A_381 : memref<1x64x128xf32, #tpu.memory_space<vmem>> -> memref<64x128xf32, #tpu.memory_space<vmem>>
          %dma_start3A_383 = arith.constant 0 : i32
          %dma_start3A_384 = tpu.memref_slice %arg9[%add3A_355, %dma_start3A_383] : memref<40x64xi32, #tpu.memory_space<vmem>> -> memref<1x64xi32, #tpu.memory_space<vmem>>
          %dma_start3A_385 = tpu.memref_squeeze %dma_start3A_384 : memref<1x64xi32, #tpu.memory_space<vmem>> -> memref<64xi32, #tpu.memory_space<vmem>>
          %dma_start3A_386 = arith.constant 0 : i32
          %dma_start3A_387 = arith.constant 0 : i32
          %dma_start3A_388 = tpu.memref_slice %arg11[%dma_start3A_386, %dma_start3A_387] : memref<10240x128xf32, #tpu.memory_space<vmem_shared>> -> memref<10240x128xf32, #tpu.memory_space<vmem_shared>>
          tpu.enqueue_indirect_dma source(%dma_start3A_382 : memref<64x128xf32, #tpu.memory_space<vmem>>) target(%dma_start3A_388 : memref<10240x128xf32, #tpu.memory_space<vmem_shared>>) offsets(%dma_start3A_385 : memref<64xi32, #tpu.memory_space<vmem>>) semaphore(%run_scoped3A_378 : memref<!tpu.dma_semaphore, #tpu.memory_space<semaphore_mem>>) {add = true}
          %dma_wait3A_389 = arith.constant 0 : i32
          %dma_wait3A_390 = arith.constant 0 : i32
          %dma_wait3A_391 = tpu.memref_slice %arg10[%run_scoped3A_370, %dma_wait3A_389, %dma_wait3A_390] : memref<4x64x128xf32, #tpu.memory_space<vmem>> -> memref<1x64x128xf32, #tpu.memory_space<vmem>>
          %dma_wait3A_392 = tpu.memref_squeeze %dma_wait3A_391 : memref<1x64x128xf32, #tpu.memory_space<vmem>> -> memref<64x128xf32, #tpu.memory_space<vmem>>
          %dma_wait3A_393 = arith.constant 0 : i32
          %dma_wait3A_394 = tpu.memref_slice %arg9[%add3A_355, %dma_wait3A_393] : memref<40x64xi32, #tpu.memory_space<vmem>> -> memref<1x64xi32, #tpu.memory_space<vmem>>
          %dma_wait3A_395 = tpu.memref_squeeze %dma_wait3A_394 : memref<1x64xi32, #tpu.memory_space<vmem>> -> memref<64xi32, #tpu.memory_space<vmem>>
          %dma_wait3A_396 = arith.constant 0 : i32
          %dma_wait3A_397 = arith.constant 0 : i32
          %dma_wait3A_398 = tpu.memref_slice %arg11[%dma_wait3A_396, %dma_wait3A_397] : memref<10240x128xf32, #tpu.memory_space<vmem_shared>> -> memref<10240x128xf32, #tpu.memory_space<vmem_shared>>
          tpu.wait_indirect_dma semaphore(%run_scoped3A_378 : memref<!tpu.dma_semaphore, #tpu.memory_space<semaphore_mem>>) src(%dma_wait3A_392 : memref<64x128xf32, #tpu.memory_space<vmem>>) dst(%dma_wait3A_398 : memref<10240x128xf32, #tpu.memory_space<vmem_shared>>)
          tpu.yield
        }) : () -> ()
        %add3A_371 = arith.constant 4 : i32
        %add3A_372 = arith.addi %add3A_355, %add3A_371 : i32
        %lt3A_373 = arith.constant 40 : i32
        %lt3A_374 = arith.cmpi slt, %add3A_372, %lt3A_373 : i32
        %convert_element_type3A_375 = arith.extui %lt3A_374 : i1 to i32
        %cond3A_376 = arith.constant 0 : i32
        %cond3A_377 = arith.cmpi ne, %convert_element_type3A_375, %cond3A_376 : i32
        scf.if %cond3A_377 {
          %dma_start3A_378 = arith.constant 3 : i32
          %dma_start3A_379 = arith.constant 3 : i32
          %dma_start3A_380 = arith.constant 0 : i32
          %dma_start3A_381 = arith.constant 0 : i32
          %dma_start3A_382 = tpu.memref_slice %arg10[%dma_start3A_378, %dma_start3A_380, %dma_start3A_381] : memref<4x64x128xf32, #tpu.memory_space<vmem>> -> memref<1x64x128xf32, #tpu.memory_space<vmem>>
          %dma_start3A_383 = tpu.memref_squeeze %dma_start3A_382 : memref<1x64x128xf32, #tpu.memory_space<vmem>> -> memref<64x128xf32, #tpu.memory_space<vmem>>
          %dma_start3A_384 = arith.constant 0 : i32
          %dma_start3A_385 = tpu.memref_slice %arg8[%add3A_372, %dma_start3A_384] : memref<40x64xi32, #tpu.memory_space<vmem>> -> memref<1x64xi32, #tpu.memory_space<vmem>>
          %dma_start3A_386 = tpu.memref_squeeze %dma_start3A_385 : memref<1x64xi32, #tpu.memory_space<vmem>> -> memref<64xi32, #tpu.memory_space<vmem>>
          %dma_start3A_387 = arith.constant 0 : i32
          %dma_start3A_388 = arith.constant 0 : i32
          %dma_start3A_389 = tpu.memref_slice %arg5[%dma_start3A_387, %dma_start3A_388] : memref<10000x128xf32, #tpu.memory_space<hbm>> -> memref<10000x128xf32, #tpu.memory_space<hbm>>
          %dma_start3A_390 = tpu.memref_slice %arg12[%dma_start3A_379] : memref<4x!tpu.dma_semaphore, #tpu.memory_space<semaphore_mem>> -> memref<1x!tpu.dma_semaphore, #tpu.memory_space<semaphore_mem>>
          %dma_start3A_391 = tpu.memref_squeeze %dma_start3A_390 : memref<1x!tpu.dma_semaphore, #tpu.memory_space<semaphore_mem>> -> memref<!tpu.dma_semaphore, #tpu.memory_space<semaphore_mem>>
          tpu.enqueue_indirect_dma source(%dma_start3A_389 : memref<10000x128xf32, #tpu.memory_space<hbm>>) target(%dma_start3A_383 : memref<64x128xf32, #tpu.memory_space<vmem>>) offsets(%dma_start3A_386 : memref<64xi32, #tpu.memory_space<vmem>>) semaphore(%dma_start3A_391 : memref<!tpu.dma_semaphore, #tpu.memory_space<semaphore_mem>>)
        } else {
        }
      }
      %scan3A_210 = arith.constant 10 : i32
      "tpu.region"() ({
        %run_scoped3A = tpu.sem_alloc : memref<!tpu.dma_semaphore, #tpu.memory_space<semaphore_mem>>
        %dma_start3A_277 = arith.constant 120 : i32
        %dma_start3A_278 = arith.constant 0 : i32
        %dma_start3A_279 = tpu.memref_slice %arg2[%arg1, %dma_start3A_277, %dma_start3A_278] : memref<16x160x64xi32, #tpu.memory_space<hbm>> -> memref<1x40x64xi32, #tpu.memory_space<hbm>>
        %dma_start3A_280 = tpu.memref_squeeze %dma_start3A_279 : memref<1x40x64xi32, #tpu.memory_space<hbm>> -> memref<40x64xi32, #tpu.memory_space<hbm>>
        %dma_start3A_281 = arith.constant 120 : i32
        %dma_start3A_282 = arith.constant 0 : i32
        %dma_start3A_283 = tpu.memref_slice %arg2[%arg1, %dma_start3A_281, %dma_start3A_282] : memref<16x160x64xi32, #tpu.memory_space<hbm>> -> memref<1x40x64xi32, #tpu.memory_space<hbm>>
        %dma_start3A_284 = tpu.memref_squeeze %dma_start3A_283 : memref<1x40x64xi32, #tpu.memory_space<hbm>> -> memref<40x64xi32, #tpu.memory_space<hbm>>
        tpu.enqueue_dma source(%dma_start3A_284 : memref<40x64xi32, #tpu.memory_space<hbm>>) target(%arg8 : memref<40x64xi32, #tpu.memory_space<vmem>>) target_semaphore(%run_scoped3A : memref<!tpu.dma_semaphore, #tpu.memory_space<semaphore_mem>>)
        %dma_wait3A = arith.constant 120 : i32
        %dma_wait3A_285 = arith.constant 0 : i32
        %dma_wait3A_286 = tpu.memref_slice %arg2[%arg1, %dma_wait3A, %dma_wait3A_285] : memref<16x160x64xi32, #tpu.memory_space<hbm>> -> memref<1x40x64xi32, #tpu.memory_space<hbm>>
        %dma_wait3A_287 = tpu.memref_squeeze %dma_wait3A_286 : memref<1x40x64xi32, #tpu.memory_space<hbm>> -> memref<40x64xi32, #tpu.memory_space<hbm>>
        %dma_wait3A_288 = arith.constant 120 : i32
        %dma_wait3A_289 = arith.constant 0 : i32
        %dma_wait3A_290 = tpu.memref_slice %arg2[%arg1, %dma_wait3A_288, %dma_wait3A_289] : memref<16x160x64xi32, #tpu.memory_space<hbm>> -> memref<1x40x64xi32, #tpu.memory_space<hbm>>
        %dma_wait3A_291 = tpu.memref_squeeze %dma_wait3A_290 : memref<1x40x64xi32, #tpu.memory_space<hbm>> -> memref<40x64xi32, #tpu.memory_space<hbm>>
        tpu.wait_dma2 semaphore(%run_scoped3A : memref<!tpu.dma_semaphore, #tpu.memory_space<semaphore_mem>>) src(%dma_wait3A_291 : memref<40x64xi32, #tpu.memory_space<hbm>>) dst(%arg8 : memref<40x64xi32, #tpu.memory_space<vmem>>)
        tpu.yield
      }) : () -> ()
      "tpu.region"() ({
        %run_scoped3A = tpu.sem_alloc : memref<!tpu.dma_semaphore, #tpu.memory_space<semaphore_mem>>
        %dma_start3A_277 = arith.constant 120 : i32
        %dma_start3A_278 = arith.constant 0 : i32
        %dma_start3A_279 = tpu.memref_slice %arg3[%arg1, %dma_start3A_277, %dma_start3A_278] : memref<16x160x64xi32, #tpu.memory_space<hbm>> -> memref<1x40x64xi32, #tpu.memory_space<hbm>>
        %dma_start3A_280 = tpu.memref_squeeze %dma_start3A_279 : memref<1x40x64xi32, #tpu.memory_space<hbm>> -> memref<40x64xi32, #tpu.memory_space<hbm>>
        %dma_start3A_281 = arith.constant 120 : i32
        %dma_start3A_282 = arith.constant 0 : i32
        %dma_start3A_283 = tpu.memref_slice %arg3[%arg1, %dma_start3A_281, %dma_start3A_282] : memref<16x160x64xi32, #tpu.memory_space<hbm>> -> memref<1x40x64xi32, #tpu.memory_space<hbm>>
        %dma_start3A_284 = tpu.memref_squeeze %dma_start3A_283 : memref<1x40x64xi32, #tpu.memory_space<hbm>> -> memref<40x64xi32, #tpu.memory_space<hbm>>
        tpu.enqueue_dma source(%dma_start3A_284 : memref<40x64xi32, #tpu.memory_space<hbm>>) target(%arg9 : memref<40x64xi32, #tpu.memory_space<vmem>>) target_semaphore(%run_scoped3A : memref<!tpu.dma_semaphore, #tpu.memory_space<semaphore_mem>>)
        %dma_wait3A = arith.constant 120 : i32
        %dma_wait3A_285 = arith.constant 0 : i32
        %dma_wait3A_286 = tpu.memref_slice %arg3[%arg1, %dma_wait3A, %dma_wait3A_285] : memref<16x160x64xi32, #tpu.memory_space<hbm>> -> memref<1x40x64xi32, #tpu.memory_space<hbm>>
        %dma_wait3A_287 = tpu.memref_squeeze %dma_wait3A_286 : memref<1x40x64xi32, #tpu.memory_space<hbm>> -> memref<40x64xi32, #tpu.memory_space<hbm>>
        %dma_wait3A_288 = arith.constant 120 : i32
        %dma_wait3A_289 = arith.constant 0 : i32
        %dma_wait3A_290 = tpu.memref_slice %arg3[%arg1, %dma_wait3A_288, %dma_wait3A_289] : memref<16x160x64xi32, #tpu.memory_space<hbm>> -> memref<1x40x64xi32, #tpu.memory_space<hbm>>
        %dma_wait3A_291 = tpu.memref_squeeze %dma_wait3A_290 : memref<1x40x64xi32, #tpu.memory_space<hbm>> -> memref<40x64xi32, #tpu.memory_space<hbm>>
        tpu.wait_dma2 semaphore(%run_scoped3A : memref<!tpu.dma_semaphore, #tpu.memory_space<semaphore_mem>>) src(%dma_wait3A_291 : memref<40x64xi32, #tpu.memory_space<hbm>>) dst(%arg9 : memref<40x64xi32, #tpu.memory_space<vmem>>)
        tpu.yield
      }) : () -> ()
      %dma_start3A_211 = arith.constant 0 : i32
      %dma_start3A_212 = arith.constant 0 : i32
      %dma_start3A_213 = arith.constant 0 : i32
      %dma_start3A_214 = arith.constant 0 : i32
      %dma_start3A_215 = arith.constant 0 : i32
      %dma_start3A_216 = tpu.memref_slice %arg10[%dma_start3A_212, %dma_start3A_214, %dma_start3A_215] : memref<4x64x128xf32, #tpu.memory_space<vmem>> -> memref<1x64x128xf32, #tpu.memory_space<vmem>>
      %dma_start3A_217 = tpu.memref_squeeze %dma_start3A_216 : memref<1x64x128xf32, #tpu.memory_space<vmem>> -> memref<64x128xf32, #tpu.memory_space<vmem>>
      %dma_start3A_218 = arith.constant 0 : i32
      %dma_start3A_219 = tpu.memref_slice %arg8[%dma_start3A_211, %dma_start3A_218] : memref<40x64xi32, #tpu.memory_space<vmem>> -> memref<1x64xi32, #tpu.memory_space<vmem>>
      %dma_start3A_220 = tpu.memref_squeeze %dma_start3A_219 : memref<1x64xi32, #tpu.memory_space<vmem>> -> memref<64xi32, #tpu.memory_space<vmem>>
      %dma_start3A_221 = arith.constant 0 : i32
      %dma_start3A_222 = arith.constant 0 : i32
      %dma_start3A_223 = tpu.memref_slice %arg5[%dma_start3A_221, %dma_start3A_222] : memref<10000x128xf32, #tpu.memory_space<hbm>> -> memref<10000x128xf32, #tpu.memory_space<hbm>>
      %dma_start3A_224 = tpu.memref_slice %arg12[%dma_start3A_213] : memref<4x!tpu.dma_semaphore, #tpu.memory_space<semaphore_mem>> -> memref<1x!tpu.dma_semaphore, #tpu.memory_space<semaphore_mem>>
      %dma_start3A_225 = tpu.memref_squeeze %dma_start3A_224 : memref<1x!tpu.dma_semaphore, #tpu.memory_space<semaphore_mem>> -> memref<!tpu.dma_semaphore, #tpu.memory_space<semaphore_mem>>
      tpu.enqueue_indirect_dma source(%dma_start3A_223 : memref<10000x128xf32, #tpu.memory_space<hbm>>) target(%dma_start3A_217 : memref<64x128xf32, #tpu.memory_space<vmem>>) offsets(%dma_start3A_220 : memref<64xi32, #tpu.memory_space<vmem>>) semaphore(%dma_start3A_225 : memref<!tpu.dma_semaphore, #tpu.memory_space<semaphore_mem>>)
      %dma_start3A_226 = arith.constant 1 : i32
      %dma_start3A_227 = arith.constant 1 : i32
      %dma_start3A_228 = arith.constant 1 : i32
      %dma_start3A_229 = arith.constant 0 : i32
      %dma_start3A_230 = arith.constant 0 : i32
      %dma_start3A_231 = tpu.memref_slice %arg10[%dma_start3A_227, %dma_start3A_229, %dma_start3A_230] : memref<4x64x128xf32, #tpu.memory_space<vmem>> -> memref<1x64x128xf32, #tpu.memory_space<vmem>>
      %dma_start3A_232 = tpu.memref_squeeze %dma_start3A_231 : memref<1x64x128xf32, #tpu.memory_space<vmem>> -> memref<64x128xf32, #tpu.memory_space<vmem>>
      %dma_start3A_233 = arith.constant 0 : i32
      %dma_start3A_234 = tpu.memref_slice %arg8[%dma_start3A_226, %dma_start3A_233] : memref<40x64xi32, #tpu.memory_space<vmem>> -> memref<1x64xi32, #tpu.memory_space<vmem>>
      %dma_start3A_235 = tpu.memref_squeeze %dma_start3A_234 : memref<1x64xi32, #tpu.memory_space<vmem>> -> memref<64xi32, #tpu.memory_space<vmem>>
      %dma_start3A_236 = arith.constant 0 : i32
      %dma_start3A_237 = arith.constant 0 : i32
      %dma_start3A_238 = tpu.memref_slice %arg5[%dma_start3A_236, %dma_start3A_237] : memref<10000x128xf32, #tpu.memory_space<hbm>> -> memref<10000x128xf32, #tpu.memory_space<hbm>>
      %dma_start3A_239 = tpu.memref_slice %arg12[%dma_start3A_228] : memref<4x!tpu.dma_semaphore, #tpu.memory_space<semaphore_mem>> -> memref<1x!tpu.dma_semaphore, #tpu.memory_space<semaphore_mem>>
      %dma_start3A_240 = tpu.memref_squeeze %dma_start3A_239 : memref<1x!tpu.dma_semaphore, #tpu.memory_space<semaphore_mem>> -> memref<!tpu.dma_semaphore, #tpu.memory_space<semaphore_mem>>
      tpu.enqueue_indirect_dma source(%dma_start3A_238 : memref<10000x128xf32, #tpu.memory_space<hbm>>) target(%dma_start3A_232 : memref<64x128xf32, #tpu.memory_space<vmem>>) offsets(%dma_start3A_235 : memref<64xi32, #tpu.memory_space<vmem>>) semaphore(%dma_start3A_240 : memref<!tpu.dma_semaphore, #tpu.memory_space<semaphore_mem>>)
      %dma_start3A_241 = arith.constant 2 : i32
      %dma_start3A_242 = arith.constant 2 : i32
      %dma_start3A_243 = arith.constant 2 : i32
      %dma_start3A_244 = arith.constant 0 : i32
      %dma_start3A_245 = arith.constant 0 : i32
      %dma_start3A_246 = tpu.memref_slice %arg10[%dma_start3A_242, %dma_start3A_244, %dma_start3A_245] : memref<4x64x128xf32, #tpu.memory_space<vmem>> -> memref<1x64x128xf32, #tpu.memory_space<vmem>>
      %dma_start3A_247 = tpu.memref_squeeze %dma_start3A_246 : memref<1x64x128xf32, #tpu.memory_space<vmem>> -> memref<64x128xf32, #tpu.memory_space<vmem>>
      %dma_start3A_248 = arith.constant 0 : i32
      %dma_start3A_249 = tpu.memref_slice %arg8[%dma_start3A_241, %dma_start3A_248] : memref<40x64xi32, #tpu.memory_space<vmem>> -> memref<1x64xi32, #tpu.memory_space<vmem>>
      %dma_start3A_250 = tpu.memref_squeeze %dma_start3A_249 : memref<1x64xi32, #tpu.memory_space<vmem>> -> memref<64xi32, #tpu.memory_space<vmem>>
      %dma_start3A_251 = arith.constant 0 : i32
      %dma_start3A_252 = arith.constant 0 : i32
      %dma_start3A_253 = tpu.memref_slice %arg5[%dma_start3A_251, %dma_start3A_252] : memref<10000x128xf32, #tpu.memory_space<hbm>> -> memref<10000x128xf32, #tpu.memory_space<hbm>>
      %dma_start3A_254 = tpu.memref_slice %arg12[%dma_start3A_243] : memref<4x!tpu.dma_semaphore, #tpu.memory_space<semaphore_mem>> -> memref<1x!tpu.dma_semaphore, #tpu.memory_space<semaphore_mem>>
      %dma_start3A_255 = tpu.memref_squeeze %dma_start3A_254 : memref<1x!tpu.dma_semaphore, #tpu.memory_space<semaphore_mem>> -> memref<!tpu.dma_semaphore, #tpu.memory_space<semaphore_mem>>
      tpu.enqueue_indirect_dma source(%dma_start3A_253 : memref<10000x128xf32, #tpu.memory_space<hbm>>) target(%dma_start3A_247 : memref<64x128xf32, #tpu.memory_space<vmem>>) offsets(%dma_start3A_250 : memref<64xi32, #tpu.memory_space<vmem>>) semaphore(%dma_start3A_255 : memref<!tpu.dma_semaphore, #tpu.memory_space<semaphore_mem>>)
      %dma_start3A_256 = arith.constant 3 : i32
      %dma_start3A_257 = arith.constant 3 : i32
      %dma_start3A_258 = arith.constant 3 : i32
      %dma_start3A_259 = arith.constant 0 : i32
      %dma_start3A_260 = arith.constant 0 : i32
      %dma_start3A_261 = tpu.memref_slice %arg10[%dma_start3A_257, %dma_start3A_259, %dma_start3A_260] : memref<4x64x128xf32, #tpu.memory_space<vmem>> -> memref<1x64x128xf32, #tpu.memory_space<vmem>>
      %dma_start3A_262 = tpu.memref_squeeze %dma_start3A_261 : memref<1x64x128xf32, #tpu.memory_space<vmem>> -> memref<64x128xf32, #tpu.memory_space<vmem>>
      %dma_start3A_263 = arith.constant 0 : i32
      %dma_start3A_264 = tpu.memref_slice %arg8[%dma_start3A_256, %dma_start3A_263] : memref<40x64xi32, #tpu.memory_space<vmem>> -> memref<1x64xi32, #tpu.memory_space<vmem>>
      %dma_start3A_265 = tpu.memref_squeeze %dma_start3A_264 : memref<1x64xi32, #tpu.memory_space<vmem>> -> memref<64xi32, #tpu.memory_space<vmem>>
      %dma_start3A_266 = arith.constant 0 : i32
      %dma_start3A_267 = arith.constant 0 : i32
      %dma_start3A_268 = tpu.memref_slice %arg5[%dma_start3A_266, %dma_start3A_267] : memref<10000x128xf32, #tpu.memory_space<hbm>> -> memref<10000x128xf32, #tpu.memory_space<hbm>>
      %dma_start3A_269 = tpu.memref_slice %arg12[%dma_start3A_258] : memref<4x!tpu.dma_semaphore, #tpu.memory_space<semaphore_mem>> -> memref<1x!tpu.dma_semaphore, #tpu.memory_space<semaphore_mem>>
      %dma_start3A_270 = tpu.memref_squeeze %dma_start3A_269 : memref<1x!tpu.dma_semaphore, #tpu.memory_space<semaphore_mem>> -> memref<!tpu.dma_semaphore, #tpu.memory_space<semaphore_mem>>
      tpu.enqueue_indirect_dma source(%dma_start3A_268 : memref<10000x128xf32, #tpu.memory_space<hbm>>) target(%dma_start3A_262 : memref<64x128xf32, #tpu.memory_space<vmem>>) offsets(%dma_start3A_265 : memref<64xi32, #tpu.memory_space<vmem>>) semaphore(%dma_start3A_270 : memref<!tpu.dma_semaphore, #tpu.memory_space<semaphore_mem>>)
      %scan3A_271 = arith.constant 0 : i32
      %scan3A_272 = arith.constant 0 : i32
      %scan3A_273 = arith.constant 10 : i32
      %scan3A_274 = arith.addi %scan3A_272, %scan3A_273 : i32
      %scan3A_275 = arith.constant 1 : i32
      scf.for %scan3A_277 = %scan3A_272 to %scan3A_274 step %scan3A_275  : i32 {
        %mul3A_278 = arith.constant 4 : i32
        %mul3A_279 = arith.muli %scan3A_277, %mul3A_278 : i32
        %add3A = arith.constant 0 : i32
        %add3A_280 = arith.addi %mul3A_279, %add3A : i32
        %dma_wait3A = arith.constant 0 : i32
        %dma_wait3A_281 = arith.constant 0 : i32
        %dma_wait3A_282 = arith.constant 0 : i32
        %dma_wait3A_283 = arith.constant 0 : i32
        %dma_wait3A_284 = tpu.memref_slice %arg10[%dma_wait3A, %dma_wait3A_282, %dma_wait3A_283] : memref<4x64x128xf32, #tpu.memory_space<vmem>> -> memref<1x64x128xf32, #tpu.memory_space<vmem>>
        %dma_wait3A_285 = tpu.memref_squeeze %dma_wait3A_284 : memref<1x64x128xf32, #tpu.memory_space<vmem>> -> memref<64x128xf32, #tpu.memory_space<vmem>>
        %dma_wait3A_286 = arith.constant 0 : i32
        %dma_wait3A_287 = tpu.memref_slice %arg8[%add3A_280, %dma_wait3A_286] : memref<40x64xi32, #tpu.memory_space<vmem>> -> memref<1x64xi32, #tpu.memory_space<vmem>>
        %dma_wait3A_288 = tpu.memref_squeeze %dma_wait3A_287 : memref<1x64xi32, #tpu.memory_space<vmem>> -> memref<64xi32, #tpu.memory_space<vmem>>
        %dma_wait3A_289 = arith.constant 0 : i32
        %dma_wait3A_290 = arith.constant 0 : i32
        %dma_wait3A_291 = tpu.memref_slice %arg5[%dma_wait3A_289, %dma_wait3A_290] : memref<10000x128xf32, #tpu.memory_space<hbm>> -> memref<10000x128xf32, #tpu.memory_space<hbm>>
        %dma_wait3A_292 = tpu.memref_slice %arg12[%dma_wait3A_281] : memref<4x!tpu.dma_semaphore, #tpu.memory_space<semaphore_mem>> -> memref<1x!tpu.dma_semaphore, #tpu.memory_space<semaphore_mem>>
        %dma_wait3A_293 = tpu.memref_squeeze %dma_wait3A_292 : memref<1x!tpu.dma_semaphore, #tpu.memory_space<semaphore_mem>> -> memref<!tpu.dma_semaphore, #tpu.memory_space<semaphore_mem>>
        tpu.wait_indirect_dma semaphore(%dma_wait3A_293 : memref<!tpu.dma_semaphore, #tpu.memory_space<semaphore_mem>>) src(%dma_wait3A_291 : memref<10000x128xf32, #tpu.memory_space<hbm>>) dst(%dma_wait3A_285 : memref<64x128xf32, #tpu.memory_space<vmem>>)
        %run_scoped3A = arith.constant 0 : i32
        "tpu.region"() ({
          %run_scoped3A_378 = tpu.sem_alloc : memref<!tpu.dma_semaphore, #tpu.memory_space<semaphore_mem>>
          %dma_start3A_379 = arith.constant 0 : i32
          %dma_start3A_380 = arith.constant 0 : i32
          %dma_start3A_381 = tpu.memref_slice %arg10[%run_scoped3A, %dma_start3A_379, %dma_start3A_380] : memref<4x64x128xf32, #tpu.memory_space<vmem>> -> memref<1x64x128xf32, #tpu.memory_space<vmem>>
          %dma_start3A_382 = tpu.memref_squeeze %dma_start3A_381 : memref<1x64x128xf32, #tpu.memory_space<vmem>> -> memref<64x128xf32, #tpu.memory_space<vmem>>
          %dma_start3A_383 = arith.constant 0 : i32
          %dma_start3A_384 = tpu.memref_slice %arg9[%add3A_280, %dma_start3A_383] : memref<40x64xi32, #tpu.memory_space<vmem>> -> memref<1x64xi32, #tpu.memory_space<vmem>>
          %dma_start3A_385 = tpu.memref_squeeze %dma_start3A_384 : memref<1x64xi32, #tpu.memory_space<vmem>> -> memref<64xi32, #tpu.memory_space<vmem>>
          %dma_start3A_386 = arith.constant 0 : i32
          %dma_start3A_387 = arith.constant 0 : i32
          %dma_start3A_388 = tpu.memref_slice %arg11[%dma_start3A_386, %dma_start3A_387] : memref<10240x128xf32, #tpu.memory_space<vmem_shared>> -> memref<10240x128xf32, #tpu.memory_space<vmem_shared>>
          tpu.enqueue_indirect_dma source(%dma_start3A_382 : memref<64x128xf32, #tpu.memory_space<vmem>>) target(%dma_start3A_388 : memref<10240x128xf32, #tpu.memory_space<vmem_shared>>) offsets(%dma_start3A_385 : memref<64xi32, #tpu.memory_space<vmem>>) semaphore(%run_scoped3A_378 : memref<!tpu.dma_semaphore, #tpu.memory_space<semaphore_mem>>) {add = true}
          %dma_wait3A_389 = arith.constant 0 : i32
          %dma_wait3A_390 = arith.constant 0 : i32
          %dma_wait3A_391 = tpu.memref_slice %arg10[%run_scoped3A, %dma_wait3A_389, %dma_wait3A_390] : memref<4x64x128xf32, #tpu.memory_space<vmem>> -> memref<1x64x128xf32, #tpu.memory_space<vmem>>
          %dma_wait3A_392 = tpu.memref_squeeze %dma_wait3A_391 : memref<1x64x128xf32, #tpu.memory_space<vmem>> -> memref<64x128xf32, #tpu.memory_space<vmem>>
          %dma_wait3A_393 = arith.constant 0 : i32
          %dma_wait3A_394 = tpu.memref_slice %arg9[%add3A_280, %dma_wait3A_393] : memref<40x64xi32, #tpu.memory_space<vmem>> -> memref<1x64xi32, #tpu.memory_space<vmem>>
          %dma_wait3A_395 = tpu.memref_squeeze %dma_wait3A_394 : memref<1x64xi32, #tpu.memory_space<vmem>> -> memref<64xi32, #tpu.memory_space<vmem>>
          %dma_wait3A_396 = arith.constant 0 : i32
          %dma_wait3A_397 = arith.constant 0 : i32
          %dma_wait3A_398 = tpu.memref_slice %arg11[%dma_wait3A_396, %dma_wait3A_397] : memref<10240x128xf32, #tpu.memory_space<vmem_shared>> -> memref<10240x128xf32, #tpu.memory_space<vmem_shared>>
          tpu.wait_indirect_dma semaphore(%run_scoped3A_378 : memref<!tpu.dma_semaphore, #tpu.memory_space<semaphore_mem>>) src(%dma_wait3A_392 : memref<64x128xf32, #tpu.memory_space<vmem>>) dst(%dma_wait3A_398 : memref<10240x128xf32, #tpu.memory_space<vmem_shared>>)
          tpu.yield
        }) : () -> ()
        %add3A_294 = arith.constant 4 : i32
        %add3A_295 = arith.addi %add3A_280, %add3A_294 : i32
        %lt3A = arith.constant 40 : i32
        %lt3A_296 = arith.cmpi slt, %add3A_295, %lt3A : i32
        %convert_element_type3A_297 = arith.extui %lt3A_296 : i1 to i32
        %cond3A_298 = arith.constant 0 : i32
        %cond3A_299 = arith.cmpi ne, %convert_element_type3A_297, %cond3A_298 : i32
        scf.if %cond3A_299 {
          %dma_start3A_378 = arith.constant 0 : i32
          %dma_start3A_379 = arith.constant 0 : i32
          %dma_start3A_380 = arith.constant 0 : i32
          %dma_start3A_381 = arith.constant 0 : i32
          %dma_start3A_382 = tpu.memref_slice %arg10[%dma_start3A_378, %dma_start3A_380, %dma_start3A_381] : memref<4x64x128xf32, #tpu.memory_space<vmem>> -> memref<1x64x128xf32, #tpu.memory_space<vmem>>
          %dma_start3A_383 = tpu.memref_squeeze %dma_start3A_382 : memref<1x64x128xf32, #tpu.memory_space<vmem>> -> memref<64x128xf32, #tpu.memory_space<vmem>>
          %dma_start3A_384 = arith.constant 0 : i32
          %dma_start3A_385 = tpu.memref_slice %arg8[%add3A_295, %dma_start3A_384] : memref<40x64xi32, #tpu.memory_space<vmem>> -> memref<1x64xi32, #tpu.memory_space<vmem>>
          %dma_start3A_386 = tpu.memref_squeeze %dma_start3A_385 : memref<1x64xi32, #tpu.memory_space<vmem>> -> memref<64xi32, #tpu.memory_space<vmem>>
          %dma_start3A_387 = arith.constant 0 : i32
          %dma_start3A_388 = arith.constant 0 : i32
          %dma_start3A_389 = tpu.memref_slice %arg5[%dma_start3A_387, %dma_start3A_388] : memref<10000x128xf32, #tpu.memory_space<hbm>> -> memref<10000x128xf32, #tpu.memory_space<hbm>>
          %dma_start3A_390 = tpu.memref_slice %arg12[%dma_start3A_379] : memref<4x!tpu.dma_semaphore, #tpu.memory_space<semaphore_mem>> -> memref<1x!tpu.dma_semaphore, #tpu.memory_space<semaphore_mem>>
          %dma_start3A_391 = tpu.memref_squeeze %dma_start3A_390 : memref<1x!tpu.dma_semaphore, #tpu.memory_space<semaphore_mem>> -> memref<!tpu.dma_semaphore, #tpu.memory_space<semaphore_mem>>
          tpu.enqueue_indirect_dma source(%dma_start3A_389 : memref<10000x128xf32, #tpu.memory_space<hbm>>) target(%dma_start3A_383 : memref<64x128xf32, #tpu.memory_space<vmem>>) offsets(%dma_start3A_386 : memref<64xi32, #tpu.memory_space<vmem>>) semaphore(%dma_start3A_391 : memref<!tpu.dma_semaphore, #tpu.memory_space<semaphore_mem>>)
        } else {
        }
        %mul3A_300 = arith.constant 4 : i32
        %mul3A_301 = arith.muli %scan3A_277, %mul3A_300 : i32
        %add3A_302 = arith.constant 1 : i32
        %add3A_303 = arith.addi %mul3A_301, %add3A_302 : i32
        %dma_wait3A_304 = arith.constant 1 : i32
        %dma_wait3A_305 = arith.constant 1 : i32
        %dma_wait3A_306 = arith.constant 0 : i32
        %dma_wait3A_307 = arith.constant 0 : i32
        %dma_wait3A_308 = tpu.memref_slice %arg10[%dma_wait3A_304, %dma_wait3A_306, %dma_wait3A_307] : memref<4x64x128xf32, #tpu.memory_space<vmem>> -> memref<1x64x128xf32, #tpu.memory_space<vmem>>
        %dma_wait3A_309 = tpu.memref_squeeze %dma_wait3A_308 : memref<1x64x128xf32, #tpu.memory_space<vmem>> -> memref<64x128xf32, #tpu.memory_space<vmem>>
        %dma_wait3A_310 = arith.constant 0 : i32
        %dma_wait3A_311 = tpu.memref_slice %arg8[%add3A_303, %dma_wait3A_310] : memref<40x64xi32, #tpu.memory_space<vmem>> -> memref<1x64xi32, #tpu.memory_space<vmem>>
        %dma_wait3A_312 = tpu.memref_squeeze %dma_wait3A_311 : memref<1x64xi32, #tpu.memory_space<vmem>> -> memref<64xi32, #tpu.memory_space<vmem>>
        %dma_wait3A_313 = arith.constant 0 : i32
        %dma_wait3A_314 = arith.constant 0 : i32
        %dma_wait3A_315 = tpu.memref_slice %arg5[%dma_wait3A_313, %dma_wait3A_314] : memref<10000x128xf32, #tpu.memory_space<hbm>> -> memref<10000x128xf32, #tpu.memory_space<hbm>>
        %dma_wait3A_316 = tpu.memref_slice %arg12[%dma_wait3A_305] : memref<4x!tpu.dma_semaphore, #tpu.memory_space<semaphore_mem>> -> memref<1x!tpu.dma_semaphore, #tpu.memory_space<semaphore_mem>>
        %dma_wait3A_317 = tpu.memref_squeeze %dma_wait3A_316 : memref<1x!tpu.dma_semaphore, #tpu.memory_space<semaphore_mem>> -> memref<!tpu.dma_semaphore, #tpu.memory_space<semaphore_mem>>
        tpu.wait_indirect_dma semaphore(%dma_wait3A_317 : memref<!tpu.dma_semaphore, #tpu.memory_space<semaphore_mem>>) src(%dma_wait3A_315 : memref<10000x128xf32, #tpu.memory_space<hbm>>) dst(%dma_wait3A_309 : memref<64x128xf32, #tpu.memory_space<vmem>>)
        %run_scoped3A_318 = arith.constant 1 : i32
        "tpu.region"() ({
          %run_scoped3A_378 = tpu.sem_alloc : memref<!tpu.dma_semaphore, #tpu.memory_space<semaphore_mem>>
          %dma_start3A_379 = arith.constant 0 : i32
          %dma_start3A_380 = arith.constant 0 : i32
          %dma_start3A_381 = tpu.memref_slice %arg10[%run_scoped3A_318, %dma_start3A_379, %dma_start3A_380] : memref<4x64x128xf32, #tpu.memory_space<vmem>> -> memref<1x64x128xf32, #tpu.memory_space<vmem>>
          %dma_start3A_382 = tpu.memref_squeeze %dma_start3A_381 : memref<1x64x128xf32, #tpu.memory_space<vmem>> -> memref<64x128xf32, #tpu.memory_space<vmem>>
          %dma_start3A_383 = arith.constant 0 : i32
          %dma_start3A_384 = tpu.memref_slice %arg9[%add3A_303, %dma_start3A_383] : memref<40x64xi32, #tpu.memory_space<vmem>> -> memref<1x64xi32, #tpu.memory_space<vmem>>
          %dma_start3A_385 = tpu.memref_squeeze %dma_start3A_384 : memref<1x64xi32, #tpu.memory_space<vmem>> -> memref<64xi32, #tpu.memory_space<vmem>>
          %dma_start3A_386 = arith.constant 0 : i32
          %dma_start3A_387 = arith.constant 0 : i32
          %dma_start3A_388 = tpu.memref_slice %arg11[%dma_start3A_386, %dma_start3A_387] : memref<10240x128xf32, #tpu.memory_space<vmem_shared>> -> memref<10240x128xf32, #tpu.memory_space<vmem_shared>>
          tpu.enqueue_indirect_dma source(%dma_start3A_382 : memref<64x128xf32, #tpu.memory_space<vmem>>) target(%dma_start3A_388 : memref<10240x128xf32, #tpu.memory_space<vmem_shared>>) offsets(%dma_start3A_385 : memref<64xi32, #tpu.memory_space<vmem>>) semaphore(%run_scoped3A_378 : memref<!tpu.dma_semaphore, #tpu.memory_space<semaphore_mem>>) {add = true}
          %dma_wait3A_389 = arith.constant 0 : i32
          %dma_wait3A_390 = arith.constant 0 : i32
          %dma_wait3A_391 = tpu.memref_slice %arg10[%run_scoped3A_318, %dma_wait3A_389, %dma_wait3A_390] : memref<4x64x128xf32, #tpu.memory_space<vmem>> -> memref<1x64x128xf32, #tpu.memory_space<vmem>>
          %dma_wait3A_392 = tpu.memref_squeeze %dma_wait3A_391 : memref<1x64x128xf32, #tpu.memory_space<vmem>> -> memref<64x128xf32, #tpu.memory_space<vmem>>
          %dma_wait3A_393 = arith.constant 0 : i32
          %dma_wait3A_394 = tpu.memref_slice %arg9[%add3A_303, %dma_wait3A_393] : memref<40x64xi32, #tpu.memory_space<vmem>> -> memref<1x64xi32, #tpu.memory_space<vmem>>
          %dma_wait3A_395 = tpu.memref_squeeze %dma_wait3A_394 : memref<1x64xi32, #tpu.memory_space<vmem>> -> memref<64xi32, #tpu.memory_space<vmem>>
          %dma_wait3A_396 = arith.constant 0 : i32
          %dma_wait3A_397 = arith.constant 0 : i32
          %dma_wait3A_398 = tpu.memref_slice %arg11[%dma_wait3A_396, %dma_wait3A_397] : memref<10240x128xf32, #tpu.memory_space<vmem_shared>> -> memref<10240x128xf32, #tpu.memory_space<vmem_shared>>
          tpu.wait_indirect_dma semaphore(%run_scoped3A_378 : memref<!tpu.dma_semaphore, #tpu.memory_space<semaphore_mem>>) src(%dma_wait3A_392 : memref<64x128xf32, #tpu.memory_space<vmem>>) dst(%dma_wait3A_398 : memref<10240x128xf32, #tpu.memory_space<vmem_shared>>)
          tpu.yield
        }) : () -> ()
        %add3A_319 = arith.constant 4 : i32
        %add3A_320 = arith.addi %add3A_303, %add3A_319 : i32
        %lt3A_321 = arith.constant 40 : i32
        %lt3A_322 = arith.cmpi slt, %add3A_320, %lt3A_321 : i32
        %convert_element_type3A_323 = arith.extui %lt3A_322 : i1 to i32
        %cond3A_324 = arith.constant 0 : i32
        %cond3A_325 = arith.cmpi ne, %convert_element_type3A_323, %cond3A_324 : i32
        scf.if %cond3A_325 {
          %dma_start3A_378 = arith.constant 1 : i32
          %dma_start3A_379 = arith.constant 1 : i32
          %dma_start3A_380 = arith.constant 0 : i32
          %dma_start3A_381 = arith.constant 0 : i32
          %dma_start3A_382 = tpu.memref_slice %arg10[%dma_start3A_378, %dma_start3A_380, %dma_start3A_381] : memref<4x64x128xf32, #tpu.memory_space<vmem>> -> memref<1x64x128xf32, #tpu.memory_space<vmem>>
          %dma_start3A_383 = tpu.memref_squeeze %dma_start3A_382 : memref<1x64x128xf32, #tpu.memory_space<vmem>> -> memref<64x128xf32, #tpu.memory_space<vmem>>
          %dma_start3A_384 = arith.constant 0 : i32
          %dma_start3A_385 = tpu.memref_slice %arg8[%add3A_320, %dma_start3A_384] : memref<40x64xi32, #tpu.memory_space<vmem>> -> memref<1x64xi32, #tpu.memory_space<vmem>>
          %dma_start3A_386 = tpu.memref_squeeze %dma_start3A_385 : memref<1x64xi32, #tpu.memory_space<vmem>> -> memref<64xi32, #tpu.memory_space<vmem>>
          %dma_start3A_387 = arith.constant 0 : i32
          %dma_start3A_388 = arith.constant 0 : i32
          %dma_start3A_389 = tpu.memref_slice %arg5[%dma_start3A_387, %dma_start3A_388] : memref<10000x128xf32, #tpu.memory_space<hbm>> -> memref<10000x128xf32, #tpu.memory_space<hbm>>
          %dma_start3A_390 = tpu.memref_slice %arg12[%dma_start3A_379] : memref<4x!tpu.dma_semaphore, #tpu.memory_space<semaphore_mem>> -> memref<1x!tpu.dma_semaphore, #tpu.memory_space<semaphore_mem>>
          %dma_start3A_391 = tpu.memref_squeeze %dma_start3A_390 : memref<1x!tpu.dma_semaphore, #tpu.memory_space<semaphore_mem>> -> memref<!tpu.dma_semaphore, #tpu.memory_space<semaphore_mem>>
          tpu.enqueue_indirect_dma source(%dma_start3A_389 : memref<10000x128xf32, #tpu.memory_space<hbm>>) target(%dma_start3A_383 : memref<64x128xf32, #tpu.memory_space<vmem>>) offsets(%dma_start3A_386 : memref<64xi32, #tpu.memory_space<vmem>>) semaphore(%dma_start3A_391 : memref<!tpu.dma_semaphore, #tpu.memory_space<semaphore_mem>>)
        } else {
        }
        %mul3A_326 = arith.constant 4 : i32
        %mul3A_327 = arith.muli %scan3A_277, %mul3A_326 : i32
        %add3A_328 = arith.constant 2 : i32
        %add3A_329 = arith.addi %mul3A_327, %add3A_328 : i32
        %dma_wait3A_330 = arith.constant 2 : i32
        %dma_wait3A_331 = arith.constant 2 : i32
        %dma_wait3A_332 = arith.constant 0 : i32
        %dma_wait3A_333 = arith.constant 0 : i32
        %dma_wait3A_334 = tpu.memref_slice %arg10[%dma_wait3A_330, %dma_wait3A_332, %dma_wait3A_333] : memref<4x64x128xf32, #tpu.memory_space<vmem>> -> memref<1x64x128xf32, #tpu.memory_space<vmem>>
        %dma_wait3A_335 = tpu.memref_squeeze %dma_wait3A_334 : memref<1x64x128xf32, #tpu.memory_space<vmem>> -> memref<64x128xf32, #tpu.memory_space<vmem>>
        %dma_wait3A_336 = arith.constant 0 : i32
        %dma_wait3A_337 = tpu.memref_slice %arg8[%add3A_329, %dma_wait3A_336] : memref<40x64xi32, #tpu.memory_space<vmem>> -> memref<1x64xi32, #tpu.memory_space<vmem>>
        %dma_wait3A_338 = tpu.memref_squeeze %dma_wait3A_337 : memref<1x64xi32, #tpu.memory_space<vmem>> -> memref<64xi32, #tpu.memory_space<vmem>>
        %dma_wait3A_339 = arith.constant 0 : i32
        %dma_wait3A_340 = arith.constant 0 : i32
        %dma_wait3A_341 = tpu.memref_slice %arg5[%dma_wait3A_339, %dma_wait3A_340] : memref<10000x128xf32, #tpu.memory_space<hbm>> -> memref<10000x128xf32, #tpu.memory_space<hbm>>
        %dma_wait3A_342 = tpu.memref_slice %arg12[%dma_wait3A_331] : memref<4x!tpu.dma_semaphore, #tpu.memory_space<semaphore_mem>> -> memref<1x!tpu.dma_semaphore, #tpu.memory_space<semaphore_mem>>
        %dma_wait3A_343 = tpu.memref_squeeze %dma_wait3A_342 : memref<1x!tpu.dma_semaphore, #tpu.memory_space<semaphore_mem>> -> memref<!tpu.dma_semaphore, #tpu.memory_space<semaphore_mem>>
        tpu.wait_indirect_dma semaphore(%dma_wait3A_343 : memref<!tpu.dma_semaphore, #tpu.memory_space<semaphore_mem>>) src(%dma_wait3A_341 : memref<10000x128xf32, #tpu.memory_space<hbm>>) dst(%dma_wait3A_335 : memref<64x128xf32, #tpu.memory_space<vmem>>)
        %run_scoped3A_344 = arith.constant 2 : i32
        "tpu.region"() ({
          %run_scoped3A_378 = tpu.sem_alloc : memref<!tpu.dma_semaphore, #tpu.memory_space<semaphore_mem>>
          %dma_start3A_379 = arith.constant 0 : i32
          %dma_start3A_380 = arith.constant 0 : i32
          %dma_start3A_381 = tpu.memref_slice %arg10[%run_scoped3A_344, %dma_start3A_379, %dma_start3A_380] : memref<4x64x128xf32, #tpu.memory_space<vmem>> -> memref<1x64x128xf32, #tpu.memory_space<vmem>>
          %dma_start3A_382 = tpu.memref_squeeze %dma_start3A_381 : memref<1x64x128xf32, #tpu.memory_space<vmem>> -> memref<64x128xf32, #tpu.memory_space<vmem>>
          %dma_start3A_383 = arith.constant 0 : i32
          %dma_start3A_384 = tpu.memref_slice %arg9[%add3A_329, %dma_start3A_383] : memref<40x64xi32, #tpu.memory_space<vmem>> -> memref<1x64xi32, #tpu.memory_space<vmem>>
          %dma_start3A_385 = tpu.memref_squeeze %dma_start3A_384 : memref<1x64xi32, #tpu.memory_space<vmem>> -> memref<64xi32, #tpu.memory_space<vmem>>
          %dma_start3A_386 = arith.constant 0 : i32
          %dma_start3A_387 = arith.constant 0 : i32
          %dma_start3A_388 = tpu.memref_slice %arg11[%dma_start3A_386, %dma_start3A_387] : memref<10240x128xf32, #tpu.memory_space<vmem_shared>> -> memref<10240x128xf32, #tpu.memory_space<vmem_shared>>
          tpu.enqueue_indirect_dma source(%dma_start3A_382 : memref<64x128xf32, #tpu.memory_space<vmem>>) target(%dma_start3A_388 : memref<10240x128xf32, #tpu.memory_space<vmem_shared>>) offsets(%dma_start3A_385 : memref<64xi32, #tpu.memory_space<vmem>>) semaphore(%run_scoped3A_378 : memref<!tpu.dma_semaphore, #tpu.memory_space<semaphore_mem>>) {add = true}
          %dma_wait3A_389 = arith.constant 0 : i32
          %dma_wait3A_390 = arith.constant 0 : i32
          %dma_wait3A_391 = tpu.memref_slice %arg10[%run_scoped3A_344, %dma_wait3A_389, %dma_wait3A_390] : memref<4x64x128xf32, #tpu.memory_space<vmem>> -> memref<1x64x128xf32, #tpu.memory_space<vmem>>
          %dma_wait3A_392 = tpu.memref_squeeze %dma_wait3A_391 : memref<1x64x128xf32, #tpu.memory_space<vmem>> -> memref<64x128xf32, #tpu.memory_space<vmem>>
          %dma_wait3A_393 = arith.constant 0 : i32
          %dma_wait3A_394 = tpu.memref_slice %arg9[%add3A_329, %dma_wait3A_393] : memref<40x64xi32, #tpu.memory_space<vmem>> -> memref<1x64xi32, #tpu.memory_space<vmem>>
          %dma_wait3A_395 = tpu.memref_squeeze %dma_wait3A_394 : memref<1x64xi32, #tpu.memory_space<vmem>> -> memref<64xi32, #tpu.memory_space<vmem>>
          %dma_wait3A_396 = arith.constant 0 : i32
          %dma_wait3A_397 = arith.constant 0 : i32
          %dma_wait3A_398 = tpu.memref_slice %arg11[%dma_wait3A_396, %dma_wait3A_397] : memref<10240x128xf32, #tpu.memory_space<vmem_shared>> -> memref<10240x128xf32, #tpu.memory_space<vmem_shared>>
          tpu.wait_indirect_dma semaphore(%run_scoped3A_378 : memref<!tpu.dma_semaphore, #tpu.memory_space<semaphore_mem>>) src(%dma_wait3A_392 : memref<64x128xf32, #tpu.memory_space<vmem>>) dst(%dma_wait3A_398 : memref<10240x128xf32, #tpu.memory_space<vmem_shared>>)
          tpu.yield
        }) : () -> ()
        %add3A_345 = arith.constant 4 : i32
        %add3A_346 = arith.addi %add3A_329, %add3A_345 : i32
        %lt3A_347 = arith.constant 40 : i32
        %lt3A_348 = arith.cmpi slt, %add3A_346, %lt3A_347 : i32
        %convert_element_type3A_349 = arith.extui %lt3A_348 : i1 to i32
        %cond3A_350 = arith.constant 0 : i32
        %cond3A_351 = arith.cmpi ne, %convert_element_type3A_349, %cond3A_350 : i32
        scf.if %cond3A_351 {
          %dma_start3A_378 = arith.constant 2 : i32
          %dma_start3A_379 = arith.constant 2 : i32
          %dma_start3A_380 = arith.constant 0 : i32
          %dma_start3A_381 = arith.constant 0 : i32
          %dma_start3A_382 = tpu.memref_slice %arg10[%dma_start3A_378, %dma_start3A_380, %dma_start3A_381] : memref<4x64x128xf32, #tpu.memory_space<vmem>> -> memref<1x64x128xf32, #tpu.memory_space<vmem>>
          %dma_start3A_383 = tpu.memref_squeeze %dma_start3A_382 : memref<1x64x128xf32, #tpu.memory_space<vmem>> -> memref<64x128xf32, #tpu.memory_space<vmem>>
          %dma_start3A_384 = arith.constant 0 : i32
          %dma_start3A_385 = tpu.memref_slice %arg8[%add3A_346, %dma_start3A_384] : memref<40x64xi32, #tpu.memory_space<vmem>> -> memref<1x64xi32, #tpu.memory_space<vmem>>
          %dma_start3A_386 = tpu.memref_squeeze %dma_start3A_385 : memref<1x64xi32, #tpu.memory_space<vmem>> -> memref<64xi32, #tpu.memory_space<vmem>>
          %dma_start3A_387 = arith.constant 0 : i32
          %dma_start3A_388 = arith.constant 0 : i32
          %dma_start3A_389 = tpu.memref_slice %arg5[%dma_start3A_387, %dma_start3A_388] : memref<10000x128xf32, #tpu.memory_space<hbm>> -> memref<10000x128xf32, #tpu.memory_space<hbm>>
          %dma_start3A_390 = tpu.memref_slice %arg12[%dma_start3A_379] : memref<4x!tpu.dma_semaphore, #tpu.memory_space<semaphore_mem>> -> memref<1x!tpu.dma_semaphore, #tpu.memory_space<semaphore_mem>>
          %dma_start3A_391 = tpu.memref_squeeze %dma_start3A_390 : memref<1x!tpu.dma_semaphore, #tpu.memory_space<semaphore_mem>> -> memref<!tpu.dma_semaphore, #tpu.memory_space<semaphore_mem>>
          tpu.enqueue_indirect_dma source(%dma_start3A_389 : memref<10000x128xf32, #tpu.memory_space<hbm>>) target(%dma_start3A_383 : memref<64x128xf32, #tpu.memory_space<vmem>>) offsets(%dma_start3A_386 : memref<64xi32, #tpu.memory_space<vmem>>) semaphore(%dma_start3A_391 : memref<!tpu.dma_semaphore, #tpu.memory_space<semaphore_mem>>)
        } else {
        }
        %mul3A_352 = arith.constant 4 : i32
        %mul3A_353 = arith.muli %scan3A_277, %mul3A_352 : i32
        %add3A_354 = arith.constant 3 : i32
        %add3A_355 = arith.addi %mul3A_353, %add3A_354 : i32
        %dma_wait3A_356 = arith.constant 3 : i32
        %dma_wait3A_357 = arith.constant 3 : i32
        %dma_wait3A_358 = arith.constant 0 : i32
        %dma_wait3A_359 = arith.constant 0 : i32
        %dma_wait3A_360 = tpu.memref_slice %arg10[%dma_wait3A_356, %dma_wait3A_358, %dma_wait3A_359] : memref<4x64x128xf32, #tpu.memory_space<vmem>> -> memref<1x64x128xf32, #tpu.memory_space<vmem>>
        %dma_wait3A_361 = tpu.memref_squeeze %dma_wait3A_360 : memref<1x64x128xf32, #tpu.memory_space<vmem>> -> memref<64x128xf32, #tpu.memory_space<vmem>>
        %dma_wait3A_362 = arith.constant 0 : i32
        %dma_wait3A_363 = tpu.memref_slice %arg8[%add3A_355, %dma_wait3A_362] : memref<40x64xi32, #tpu.memory_space<vmem>> -> memref<1x64xi32, #tpu.memory_space<vmem>>
        %dma_wait3A_364 = tpu.memref_squeeze %dma_wait3A_363 : memref<1x64xi32, #tpu.memory_space<vmem>> -> memref<64xi32, #tpu.memory_space<vmem>>
        %dma_wait3A_365 = arith.constant 0 : i32
        %dma_wait3A_366 = arith.constant 0 : i32
        %dma_wait3A_367 = tpu.memref_slice %arg5[%dma_wait3A_365, %dma_wait3A_366] : memref<10000x128xf32, #tpu.memory_space<hbm>> -> memref<10000x128xf32, #tpu.memory_space<hbm>>
        %dma_wait3A_368 = tpu.memref_slice %arg12[%dma_wait3A_357] : memref<4x!tpu.dma_semaphore, #tpu.memory_space<semaphore_mem>> -> memref<1x!tpu.dma_semaphore, #tpu.memory_space<semaphore_mem>>
        %dma_wait3A_369 = tpu.memref_squeeze %dma_wait3A_368 : memref<1x!tpu.dma_semaphore, #tpu.memory_space<semaphore_mem>> -> memref<!tpu.dma_semaphore, #tpu.memory_space<semaphore_mem>>
        tpu.wait_indirect_dma semaphore(%dma_wait3A_369 : memref<!tpu.dma_semaphore, #tpu.memory_space<semaphore_mem>>) src(%dma_wait3A_367 : memref<10000x128xf32, #tpu.memory_space<hbm>>) dst(%dma_wait3A_361 : memref<64x128xf32, #tpu.memory_space<vmem>>)
        %run_scoped3A_370 = arith.constant 3 : i32
        "tpu.region"() ({
          %run_scoped3A_378 = tpu.sem_alloc : memref<!tpu.dma_semaphore, #tpu.memory_space<semaphore_mem>>
          %dma_start3A_379 = arith.constant 0 : i32
          %dma_start3A_380 = arith.constant 0 : i32
          %dma_start3A_381 = tpu.memref_slice %arg10[%run_scoped3A_370, %dma_start3A_379, %dma_start3A_380] : memref<4x64x128xf32, #tpu.memory_space<vmem>> -> memref<1x64x128xf32, #tpu.memory_space<vmem>>
          %dma_start3A_382 = tpu.memref_squeeze %dma_start3A_381 : memref<1x64x128xf32, #tpu.memory_space<vmem>> -> memref<64x128xf32, #tpu.memory_space<vmem>>
          %dma_start3A_383 = arith.constant 0 : i32
          %dma_start3A_384 = tpu.memref_slice %arg9[%add3A_355, %dma_start3A_383] : memref<40x64xi32, #tpu.memory_space<vmem>> -> memref<1x64xi32, #tpu.memory_space<vmem>>
          %dma_start3A_385 = tpu.memref_squeeze %dma_start3A_384 : memref<1x64xi32, #tpu.memory_space<vmem>> -> memref<64xi32, #tpu.memory_space<vmem>>
          %dma_start3A_386 = arith.constant 0 : i32
          %dma_start3A_387 = arith.constant 0 : i32
          %dma_start3A_388 = tpu.memref_slice %arg11[%dma_start3A_386, %dma_start3A_387] : memref<10240x128xf32, #tpu.memory_space<vmem_shared>> -> memref<10240x128xf32, #tpu.memory_space<vmem_shared>>
          tpu.enqueue_indirect_dma source(%dma_start3A_382 : memref<64x128xf32, #tpu.memory_space<vmem>>) target(%dma_start3A_388 : memref<10240x128xf32, #tpu.memory_space<vmem_shared>>) offsets(%dma_start3A_385 : memref<64xi32, #tpu.memory_space<vmem>>) semaphore(%run_scoped3A_378 : memref<!tpu.dma_semaphore, #tpu.memory_space<semaphore_mem>>) {add = true}
          %dma_wait3A_389 = arith.constant 0 : i32
          %dma_wait3A_390 = arith.constant 0 : i32
          %dma_wait3A_391 = tpu.memref_slice %arg10[%run_scoped3A_370, %dma_wait3A_389, %dma_wait3A_390] : memref<4x64x128xf32, #tpu.memory_space<vmem>> -> memref<1x64x128xf32, #tpu.memory_space<vmem>>
          %dma_wait3A_392 = tpu.memref_squeeze %dma_wait3A_391 : memref<1x64x128xf32, #tpu.memory_space<vmem>> -> memref<64x128xf32, #tpu.memory_space<vmem>>
          %dma_wait3A_393 = arith.constant 0 : i32
          %dma_wait3A_394 = tpu.memref_slice %arg9[%add3A_355, %dma_wait3A_393] : memref<40x64xi32, #tpu.memory_space<vmem>> -> memref<1x64xi32, #tpu.memory_space<vmem>>
          %dma_wait3A_395 = tpu.memref_squeeze %dma_wait3A_394 : memref<1x64xi32, #tpu.memory_space<vmem>> -> memref<64xi32, #tpu.memory_space<vmem>>
          %dma_wait3A_396 = arith.constant 0 : i32
          %dma_wait3A_397 = arith.constant 0 : i32
          %dma_wait3A_398 = tpu.memref_slice %arg11[%dma_wait3A_396, %dma_wait3A_397] : memref<10240x128xf32, #tpu.memory_space<vmem_shared>> -> memref<10240x128xf32, #tpu.memory_space<vmem_shared>>
          tpu.wait_indirect_dma semaphore(%run_scoped3A_378 : memref<!tpu.dma_semaphore, #tpu.memory_space<semaphore_mem>>) src(%dma_wait3A_392 : memref<64x128xf32, #tpu.memory_space<vmem>>) dst(%dma_wait3A_398 : memref<10240x128xf32, #tpu.memory_space<vmem_shared>>)
          tpu.yield
        }) : () -> ()
        %add3A_371 = arith.constant 4 : i32
        %add3A_372 = arith.addi %add3A_355, %add3A_371 : i32
        %lt3A_373 = arith.constant 40 : i32
        %lt3A_374 = arith.cmpi slt, %add3A_372, %lt3A_373 : i32
        %convert_element_type3A_375 = arith.extui %lt3A_374 : i1 to i32
        %cond3A_376 = arith.constant 0 : i32
        %cond3A_377 = arith.cmpi ne, %convert_element_type3A_375, %cond3A_376 : i32
        scf.if %cond3A_377 {
          %dma_start3A_378 = arith.constant 3 : i32
          %dma_start3A_379 = arith.constant 3 : i32
          %dma_start3A_380 = arith.constant 0 : i32
          %dma_start3A_381 = arith.constant 0 : i32
          %dma_start3A_382 = tpu.memref_slice %arg10[%dma_start3A_378, %dma_start3A_380, %dma_start3A_381] : memref<4x64x128xf32, #tpu.memory_space<vmem>> -> memref<1x64x128xf32, #tpu.memory_space<vmem>>
          %dma_start3A_383 = tpu.memref_squeeze %dma_start3A_382 : memref<1x64x128xf32, #tpu.memory_space<vmem>> -> memref<64x128xf32, #tpu.memory_space<vmem>>
          %dma_start3A_384 = arith.constant 0 : i32
          %dma_start3A_385 = tpu.memref_slice %arg8[%add3A_372, %dma_start3A_384] : memref<40x64xi32, #tpu.memory_space<vmem>> -> memref<1x64xi32, #tpu.memory_space<vmem>>
          %dma_start3A_386 = tpu.memref_squeeze %dma_start3A_385 : memref<1x64xi32, #tpu.memory_space<vmem>> -> memref<64xi32, #tpu.memory_space<vmem>>
          %dma_start3A_387 = arith.constant 0 : i32
          %dma_start3A_388 = arith.constant 0 : i32
          %dma_start3A_389 = tpu.memref_slice %arg5[%dma_start3A_387, %dma_start3A_388] : memref<10000x128xf32, #tpu.memory_space<hbm>> -> memref<10000x128xf32, #tpu.memory_space<hbm>>
          %dma_start3A_390 = tpu.memref_slice %arg12[%dma_start3A_379] : memref<4x!tpu.dma_semaphore, #tpu.memory_space<semaphore_mem>> -> memref<1x!tpu.dma_semaphore, #tpu.memory_space<semaphore_mem>>
          %dma_start3A_391 = tpu.memref_squeeze %dma_start3A_390 : memref<1x!tpu.dma_semaphore, #tpu.memory_space<semaphore_mem>> -> memref<!tpu.dma_semaphore, #tpu.memory_space<semaphore_mem>>
          tpu.enqueue_indirect_dma source(%dma_start3A_389 : memref<10000x128xf32, #tpu.memory_space<hbm>>) target(%dma_start3A_383 : memref<64x128xf32, #tpu.memory_space<vmem>>) offsets(%dma_start3A_386 : memref<64xi32, #tpu.memory_space<vmem>>) semaphore(%dma_start3A_391 : memref<!tpu.dma_semaphore, #tpu.memory_space<semaphore_mem>>)
        } else {
        }
      }
      %scan3A_276 = arith.constant 10 : i32
    } else {
    }
    %barrier3A = arith.constant 0 : index
    tpu.barrier barrier_id(%barrier3A)
    %mul3A = arith.constant 640 : i32
    %mul3A_7 = arith.muli %arg1, %mul3A : i32
    %mul3A_8 = arith.constant 640 : i32
    %mul3A_9 = arith.muli %arg1, %mul3A_8 : i32
    "tpu.region"() ({
      %run_scoped3A = tpu.sem_alloc : memref<!tpu.dma_semaphore, #tpu.memory_space<semaphore_mem>>
      %dma_start3A = arith.constant 0 : i32
      %dma_start3A_10 = tpu.memref_slice %arg7[%arg0, %mul3A_9, %dma_start3A] : memref<2x10240x128xf32, #tpu.memory_space<hbm>> -> memref<1x640x128xf32, #tpu.memory_space<hbm>>
      %dma_start3A_11 = tpu.memref_squeeze %dma_start3A_10 : memref<1x640x128xf32, #tpu.memory_space<hbm>> -> memref<640x128xf32, #tpu.memory_space<hbm>>
      %dma_start3A_12 = arith.constant 0 : i32
      %dma_start3A_13 = tpu.memref_slice %arg11[%mul3A_7, %dma_start3A_12] : memref<10240x128xf32, #tpu.memory_space<vmem_shared>> -> memref<640x128xf32, #tpu.memory_space<vmem_shared>>
      tpu.enqueue_dma source(%dma_start3A_13 : memref<640x128xf32, #tpu.memory_space<vmem_shared>>) target(%dma_start3A_11 : memref<640x128xf32, #tpu.memory_space<hbm>>) target_semaphore(%run_scoped3A : memref<!tpu.dma_semaphore, #tpu.memory_space<semaphore_mem>>)
      %dma_wait3A = arith.constant 0 : i32
      %dma_wait3A_14 = tpu.memref_slice %arg7[%arg0, %mul3A_9, %dma_wait3A] : memref<2x10240x128xf32, #tpu.memory_space<hbm>> -> memref<1x640x128xf32, #tpu.memory_space<hbm>>
      %dma_wait3A_15 = tpu.memref_squeeze %dma_wait3A_14 : memref<1x640x128xf32, #tpu.memory_space<hbm>> -> memref<640x128xf32, #tpu.memory_space<hbm>>
      %dma_wait3A_16 = arith.constant 0 : i32
      %dma_wait3A_17 = tpu.memref_slice %arg11[%mul3A_7, %dma_wait3A_16] : memref<10240x128xf32, #tpu.memory_space<vmem_shared>> -> memref<640x128xf32, #tpu.memory_space<vmem_shared>>
      tpu.wait_dma2 semaphore(%run_scoped3A : memref<!tpu.dma_semaphore, #tpu.memory_space<semaphore_mem>>) src(%dma_wait3A_17 : memref<640x128xf32, #tpu.memory_space<vmem_shared>>) dst(%dma_wait3A_15 : memref<640x128xf32, #tpu.memory_space<hbm>>)
      tpu.yield
    }) : () -> ()
    return
  }
}

module attributes {stable_mosaic.version = 14 : i64} {
  func.func @_scale_body(%arg0: i32, %arg1: memref<2000x2xf32, #tpu.memory_space<vmem>>, %arg2: memref<2000x256xf32, #tpu.memory_space<vmem>>, %arg3: memref<2000x128xf32, #tpu.memory_space<vmem>>, %arg4: memref<2000x128xf32, #tpu.memory_space<vmem>>) attributes {dimension_semantics = [#tpu.dimension_semantics<arbitrary>], iteration_bounds = array<i64: 5>, scalar_prefetch = 0 : i64, scratch_operands = 0 : i64, tpu.core_type = #tpu.core_type<tc>, window_params = [{transform_indices = @transform_0, window_bounds = array<i64: 2000, 2>}, {transform_indices = @transform_1, window_bounds = array<i64: 2000, 256>}, {transform_indices = @transform_2, window_bounds = array<i64: 2000, 128>}, {transform_indices = @transform_3, window_bounds = array<i64: 2000, 128>}]} {
    %get3A = arith.constant 0 : index
    %get3A_0 = arith.constant 0 : index
    %get3A_1 = vector.load %arg1[%get3A, %get3A_0] : memref<2000x2xf32, #tpu.memory_space<vmem>>, vector<2000x2xf32>
    %slice3A = vector.extract_strided_slice %get3A_1 {offsets = [0, 0], sizes = [2000, 1], strides = [1, 1]} : vector<2000x2xf32> to vector<2000x1xf32>
    %slice3A_2 = vector.extract_strided_slice %get3A_1 {offsets = [0, 1], sizes = [2000, 1], strides = [1, 1]} : vector<2000x2xf32> to vector<2000x1xf32>
    %add3A = arith.addf %slice3A, %slice3A_2 : vector<2000x1xf32>
    %add3A_3 = arith.constant 1.000000e+00 : f32
    %add3A_4 = vector.broadcast %add3A_3 : f32 to vector<2000x1xf32>
    %add3A_5 = arith.addf %add3A, %add3A_4 : vector<2000x1xf32>
    %rsqrt3A = math.rsqrt %add3A_5 : vector<2000x1xf32>
    %get3A_6 = arith.constant 0 : index
    %get3A_7 = arith.constant 0 : index
    %get3A_8 = vector.load %arg2[%get3A_6, %get3A_7] : memref<2000x256xf32, #tpu.memory_space<vmem>>, vector<2000x256xf32>
    %mul3A = vector.broadcast %rsqrt3A : vector<2000x1xf32> to vector<2000x256xf32>
    %mul3A_9 = arith.mulf %get3A_8, %mul3A : vector<2000x256xf32>
    %slice3A_10 = vector.extract_strided_slice %mul3A_9 {offsets = [0, 0], sizes = [2000, 128], strides = [1, 1]} : vector<2000x256xf32> to vector<2000x128xf32>
    %swap3A = arith.constant 0 : index
    %swap3A_11 = arith.constant 0 : index
    %swap3A_12 = vector.load %arg3[%swap3A, %swap3A_11] : memref<2000x128xf32, #tpu.memory_space<vmem>>, vector<2000x128xf32>
    tpu.vector_store %arg3[%swap3A, %swap3A_11], %slice3A_10 {strides = array<i32>} : memref<2000x128xf32, #tpu.memory_space<vmem>>, vector<2000x128xf32>,
    %slice3A_13 = vector.extract_strided_slice %mul3A_9 {offsets = [0, 128], sizes = [2000, 128], strides = [1, 1]} : vector<2000x256xf32> to vector<2000x128xf32>
    %swap3A_14 = arith.constant 0 : index
    %swap3A_15 = arith.constant 0 : index
    %swap3A_16 = vector.load %arg4[%swap3A_14, %swap3A_15] : memref<2000x128xf32, #tpu.memory_space<vmem>>, vector<2000x128xf32>
    tpu.vector_store %arg4[%swap3A_14, %swap3A_15], %slice3A_13 {strides = array<i32>} : memref<2000x128xf32, #tpu.memory_space<vmem>>, vector<2000x128xf32>,
    return
  }
  func.func @transform_0(%arg0: i32) -> (i32, i32) {
    %c0_i32 = arith.constant 0 : i32
    %c0_i32_0 = arith.constant 0 : i32
    return %arg0, %c0_i32 : i32, i32
  }
  func.func @transform_1(%arg0: i32) -> (i32, i32) {
    %c0_i32 = arith.constant 0 : i32
    %c0_i32_0 = arith.constant 0 : i32
    return %arg0, %c0_i32 : i32, i32
  }
  func.func @transform_2(%arg0: i32) -> (i32, i32) {
    %c0_i32 = arith.constant 0 : i32
    %c0_i32_0 = arith.constant 0 : i32
    return %arg0, %c0_i32 : i32, i32
  }
  func.func @transform_3(%arg0: i32) -> (i32, i32) {
    %c0_i32 = arith.constant 0 : i32
    %c0_i32_0 = arith.constant 0 : i32
    return %arg0, %c0_i32 : i32, i32
  }
}

module attributes {stable_mosaic.version = 14 : i64} {
  func.func @_out_body(%arg0: i32, %arg1: memref<2000x2xf32, #tpu.memory_space<vmem>>, %arg2: memref<2000x256xf32, #tpu.memory_space<vmem>>, %arg3: memref<2000x128xf32, #tpu.memory_space<vmem>>, %arg4: memref<2000x128xf32, #tpu.memory_space<vmem>>, %arg5: memref<3x256x256xf32, #tpu.memory_space<vmem>>, %arg6: memref<3x256xf32, #tpu.memory_space<vmem>>, %arg7: memref<2000x256xf32, #tpu.memory_space<vmem>>) attributes {dimension_semantics = [#tpu.dimension_semantics<arbitrary>], iteration_bounds = array<i64: 5>, scalar_prefetch = 0 : i64, scratch_operands = 0 : i64, tpu.core_type = #tpu.core_type<tc>, window_params = [{transform_indices = @transform_0, window_bounds = array<i64: 2000, 2>}, {transform_indices = @transform_1, window_bounds = array<i64: 2000, 256>}, {transform_indices = @transform_2, window_bounds = array<i64: 2000, 128>}, {transform_indices = @transform_3, window_bounds = array<i64: 2000, 128>}, {pipeline_mode = #tpu.pipeline_mode<synchronous>, transform_indices = @transform_4, window_bounds = array<i64: 3, 256, 256>}, {pipeline_mode = #tpu.pipeline_mode<synchronous>, transform_indices = @transform_5, window_bounds = array<i64: 3, 256>}, {transform_indices = @transform_6, window_bounds = array<i64: 2000, 256>}]} {
    %get3A = arith.constant 0 : index
    %get3A_0 = arith.constant 0 : index
    %get3A_1 = vector.load %arg1[%get3A, %get3A_0] : memref<2000x2xf32, #tpu.memory_space<vmem>>, vector<2000x2xf32>
    %slice3A = vector.extract_strided_slice %get3A_1 {offsets = [0, 0], sizes = [2000, 1], strides = [1, 1]} : vector<2000x2xf32> to vector<2000x1xf32>
    %slice3A_2 = vector.extract_strided_slice %get3A_1 {offsets = [0, 1], sizes = [2000, 1], strides = [1, 1]} : vector<2000x2xf32> to vector<2000x1xf32>
    %add3A = arith.addf %slice3A, %slice3A_2 : vector<2000x1xf32>
    %add3A_3 = arith.constant 1.000000e+00 : f32
    %add3A_4 = vector.broadcast %add3A_3 : f32 to vector<2000x1xf32>
    %add3A_5 = arith.addf %add3A, %add3A_4 : vector<2000x1xf32>
    %rsqrt3A = math.rsqrt %add3A_5 : vector<2000x1xf32>
    %div3A = arith.constant 1.000000e+00 : f32
    %div3A_6 = vector.broadcast %div3A : f32 to vector<2000x1xf32>
    %div3A_7 = arith.divf %div3A_6, %add3A_5 : vector<2000x1xf32>
    %get3A_8 = arith.constant 0 : index
    %get3A_9 = arith.constant 0 : index
    %get3A_10 = vector.load %arg3[%get3A_8, %get3A_9] : memref<2000x128xf32, #tpu.memory_space<vmem>>, vector<2000x128xf32>
    %get3A_11 = arith.constant 0 : index
    %get3A_12 = arith.constant 0 : index
    %get3A_13 = vector.load %arg4[%get3A_11, %get3A_12] : memref<2000x128xf32, #tpu.memory_space<vmem>>, vector<2000x128xf32>
    %concatenate3A = tpu.concatenate %get3A_10, %get3A_13 in 1 : vector<2000x128xf32>, vector<2000x128xf32> -> vector<2000x256xf32>
    %mul3A = vector.broadcast %rsqrt3A : vector<2000x1xf32> to vector<2000x256xf32>
    %mul3A_14 = arith.mulf %concatenate3A, %mul3A : vector<2000x256xf32>
    %get3A_15 = arith.constant 0 : index
    %get3A_16 = arith.constant 0 : index
    %get3A_17 = vector.load %arg2[%get3A_15, %get3A_16] : memref<2000x256xf32, #tpu.memory_space<vmem>>, vector<2000x256xf32>
    %mul3A_18 = vector.broadcast %div3A_7 : vector<2000x1xf32> to vector<2000x256xf32>
    %mul3A_19 = arith.mulf %get3A_17, %mul3A_18 : vector<2000x256xf32>
    %add3A_20 = arith.addf %mul3A_14, %mul3A_19 : vector<2000x256xf32>
    %convert_element_type3A = arith.truncf %add3A_20 : vector<2000x256xf32> to vector<2000x256xbf16>
    %get3A_21 = arith.constant 0 : index
    %get3A_22 = arith.constant 0 : index
    %get3A_23 = arith.constant 0 : index
    %get3A_24 = vector.load %arg5[%get3A_21, %get3A_22, %get3A_23] : memref<3x256x256xf32, #tpu.memory_space<vmem>>, vector<1x256x256xf32>
    %get3A_25 = vector.shape_cast %get3A_24 : vector<1x256x256xf32> to vector<256x256xf32>
    %convert_element_type3A_26 = arith.truncf %get3A_25 : vector<256x256xf32> to vector<256x256xbf16>
    %dot_general3A = arith.constant dense<0.000000e+00> : vector<2000x256xf32>
    %dot_general3A_27 = tpu.matmul %convert_element_type3A, %convert_element_type3A_26, %dot_general3A {dimension_numbers = #tpu.dot_dimension_numbers<[1], [0], [0], [1], [0, 0, 1, 1], [], []>, transpose_lhs_hint = false} : vector<2000x256xbf16>, vector<256x256xbf16>, vector<2000x256xf32> -> vector<2000x256xf32>
    %get3A_28 = arith.constant 0 : index
    %get3A_29 = arith.constant 0 : index
    %get3A_30 = vector.load %arg6[%get3A_28, %get3A_29] : memref<3x256xf32, #tpu.memory_space<vmem>>, vector<1x256xf32>
    %get3A_31 = vector.shape_cast %get3A_30 : vector<1x256xf32> to vector<256xf32>
    %broadcast_in_dim3A = vector.shape_cast %get3A_31 : vector<256xf32> to vector<1x256xf32>
    %add3A_32 = vector.broadcast %broadcast_in_dim3A : vector<1x256xf32> to vector<2000x256xf32>
    %add3A_33 = arith.addf %dot_general3A_27, %add3A_32 : vector<2000x256xf32>
    %max3A = arith.constant 0.000000e+00 : f32
    %max3A_34 = vector.broadcast %max3A : f32 to vector<2000x256xf32>
    %max3A_35 = arith.maximumf %add3A_33, %max3A_34 : vector<2000x256xf32>
    %get3A_36 = arith.constant 1 : index
    %get3A_37 = arith.constant 0 : index
    %get3A_38 = arith.constant 0 : index
    %get3A_39 = vector.load %arg5[%get3A_36, %get3A_37, %get3A_38] : memref<3x256x256xf32, #tpu.memory_space<vmem>>, vector<1x256x256xf32>
    %get3A_40 = vector.shape_cast %get3A_39 : vector<1x256x256xf32> to vector<256x256xf32>
    %convert_element_type3A_41 = arith.truncf %get3A_40 : vector<256x256xf32> to vector<256x256xbf16>
    %dot_general3A_42 = arith.constant dense<0.000000e+00> : vector<2000x256xf32>
    %dot_general3A_43 = tpu.matmul %convert_element_type3A, %convert_element_type3A_41, %dot_general3A_42 {dimension_numbers = #tpu.dot_dimension_numbers<[1], [0], [0], [1], [0, 0, 1, 1], [], []>, transpose_lhs_hint = false} : vector<2000x256xbf16>, vector<256x256xbf16>, vector<2000x256xf32> -> vector<2000x256xf32>
    %get3A_44 = arith.constant 1 : index
    %get3A_45 = arith.constant 0 : index
    %get3A_46 = vector.load %arg6[%get3A_44, %get3A_45] : memref<3x256xf32, #tpu.memory_space<vmem>>, vector<1x256xf32>
    %get3A_47 = vector.shape_cast %get3A_46 : vector<1x256xf32> to vector<256xf32>
    %broadcast_in_dim3A_48 = vector.shape_cast %get3A_47 : vector<256xf32> to vector<1x256xf32>
    %add3A_49 = vector.broadcast %broadcast_in_dim3A_48 : vector<1x256xf32> to vector<2000x256xf32>
    %add3A_50 = arith.addf %dot_general3A_43, %add3A_49 : vector<2000x256xf32>
    %max3A_51 = arith.constant 0.000000e+00 : f32
    %max3A_52 = vector.broadcast %max3A_51 : f32 to vector<2000x256xf32>
    %max3A_53 = arith.maximumf %add3A_50, %max3A_52 : vector<2000x256xf32>
    %add3A_54 = arith.addf %max3A_35, %max3A_53 : vector<2000x256xf32>
    %get3A_55 = arith.constant 2 : index
    %get3A_56 = arith.constant 0 : index
    %get3A_57 = arith.constant 0 : index
    %get3A_58 = vector.load %arg5[%get3A_55, %get3A_56, %get3A_57] : memref<3x256x256xf32, #tpu.memory_space<vmem>>, vector<1x256x256xf32>
    %get3A_59 = vector.shape_cast %get3A_58 : vector<1x256x256xf32> to vector<256x256xf32>
    %convert_element_type3A_60 = arith.truncf %get3A_59 : vector<256x256xf32> to vector<256x256xbf16>
    %dot_general3A_61 = arith.constant dense<0.000000e+00> : vector<2000x256xf32>
    %dot_general3A_62 = tpu.matmul %convert_element_type3A, %convert_element_type3A_60, %dot_general3A_61 {dimension_numbers = #tpu.dot_dimension_numbers<[1], [0], [0], [1], [0, 0, 1, 1], [], []>, transpose_lhs_hint = false} : vector<2000x256xbf16>, vector<256x256xbf16>, vector<2000x256xf32> -> vector<2000x256xf32>
    %get3A_63 = arith.constant 2 : index
    %get3A_64 = arith.constant 0 : index
    %get3A_65 = vector.load %arg6[%get3A_63, %get3A_64] : memref<3x256xf32, #tpu.memory_space<vmem>>, vector<1x256xf32>
    %get3A_66 = vector.shape_cast %get3A_65 : vector<1x256xf32> to vector<256xf32>
    %broadcast_in_dim3A_67 = vector.shape_cast %get3A_66 : vector<256xf32> to vector<1x256xf32>
    %add3A_68 = vector.broadcast %broadcast_in_dim3A_67 : vector<1x256xf32> to vector<2000x256xf32>
    %add3A_69 = arith.addf %dot_general3A_62, %add3A_68 : vector<2000x256xf32>
    %max3A_70 = arith.constant 0.000000e+00 : f32
    %max3A_71 = vector.broadcast %max3A_70 : f32 to vector<2000x256xf32>
    %max3A_72 = arith.maximumf %add3A_69, %max3A_71 : vector<2000x256xf32>
    %add3A_73 = arith.addf %add3A_54, %max3A_72 : vector<2000x256xf32>
    %mul3A_74 = arith.constant 0.333333343 : f32
    %mul3A_75 = vector.broadcast %mul3A_74 : f32 to vector<2000x256xf32>
    %mul3A_76 = arith.mulf %add3A_73, %mul3A_75 : vector<2000x256xf32>
    %swap3A = arith.constant 0 : index
    %swap3A_77 = arith.constant 0 : index
    %swap3A_78 = vector.load %arg7[%swap3A, %swap3A_77] : memref<2000x256xf32, #tpu.memory_space<vmem>>, vector<2000x256xf32>
    tpu.vector_store %arg7[%swap3A, %swap3A_77], %mul3A_76 {strides = array<i32>} : memref<2000x256xf32, #tpu.memory_space<vmem>>, vector<2000x256xf32>,
    return
  }
  func.func @transform_0(%arg0: i32) -> (i32, i32) {
    %c0_i32 = arith.constant 0 : i32
    %c0_i32_0 = arith.constant 0 : i32
    return %arg0, %c0_i32 : i32, i32
  }
  func.func @transform_1(%arg0: i32) -> (i32, i32) {
    %c0_i32 = arith.constant 0 : i32
    %c0_i32_0 = arith.constant 0 : i32
    return %arg0, %c0_i32 : i32, i32
  }
  func.func @transform_2(%arg0: i32) -> (i32, i32) {
    %c0_i32 = arith.constant 0 : i32
    %c0_i32_0 = arith.constant 0 : i32
    return %arg0, %c0_i32 : i32, i32
  }
  func.func @transform_3(%arg0: i32) -> (i32, i32) {
    %c0_i32 = arith.constant 0 : i32
    %c0_i32_0 = arith.constant 0 : i32
    return %arg0, %c0_i32 : i32, i32
  }
  func.func @transform_4(%arg0: i32) -> (i32, i32, i32) {
    %c0_i32 = arith.constant 0 : i32
    %c0_i32_0 = arith.constant 0 : i32
    %c0_i32_1 = arith.constant 0 : i32
    %c0_i32_2 = arith.constant 0 : i32
    return %c0_i32, %c0_i32_0, %c0_i32_1 : i32, i32, i32
  }
  func.func @transform_5(%arg0: i32) -> (i32, i32) {
    %c0_i32 = arith.constant 0 : i32
    %c0_i32_0 = arith.constant 0 : i32
    %c0_i32_1 = arith.constant 0 : i32
    return %c0_i32, %c0_i32_0 : i32, i32
  }
  func.func @transform_6(%arg0: i32) -> (i32, i32) {
    %c0_i32 = arith.constant 0 : i32
    %c0_i32_0 = arith.constant 0 : i32
    return %arg0, %c0_i32 : i32, i32
  }
}

</mosaic_0001>

<sc_bundles>
// kernel: kernel.6.cloned.1.call-start
scs
__scs_entry_jumppad:
0x0: {  	(pc) =	sbr.rel $0x88, $3  }
0x1: {  	(tag) =	ssettag $0x0;
	lr =	simm.s32 $0x1  }
0x2: {  	[smem:$0x3F9D] =	sst lr;
	_ =	strace $0xD0000000  }
0x3: {  	_ = 	snop  }
0x4: {  	_ = 	snop  }
0x5: {  	_ = 	snop  }
0x6: {  	_ = 	snop  }
0x7: {  	_ = 	snop  }
__scs_overlays_trampoline_lowered:
0x8: {  	[smem:$0x3FAC] =	sst s0  }
0x9: {  	[smem:$0x3FAD] =	sst s1  }
0xa: {  	[smem:$0x3FAE] =	sst s2  }
0xb: {  	[smem:$0x3FAF] =	sst s3  }
0xc: {  	[smem:$0x3FB0] =	sst s4  }
0xd: {  	[smem:$0x3FB1] =	sst s5  }
0xe: {  	[smem:$0x3FB2] =	sst s6  }
0xf: {  	[smem:$0x3FB3] =	sst s7  }
0x10: {  	[smem:$0x3FB4] =	sst s8  }
0x11: {  	[smem:$0x3FB5] =	sst s9;
	s0 =	simm.s32 @!p0 $0x0  }
0x12: {  	s1 =	sld [smem:$0x3F9B];
	s0 =	simm.s32 @p0 $0x1  }
0x13: {  	[smem:$0x3FB6] =	sst s0;
	s0 =	simm.s32 @!p1 $0x0  }
0x14: {  	s2 =	sld [smem:$0x3F9A];
	s0 =	simm.s32 @p1 $0x1  }
0x15: {  	[smem:$0x3FB7] =	sst s0;
	s0 =	simm.s32 @!p2 $0x0  }
0x16: {  	s3 =	sld [smem:$0x3FDB];
	s0 =	simm.s32 @p2 $0x1  }
0x17: {  	s4 =	simm.s32 $0x1BF5;
	[smem:$0x3FB9] =	sst s0  }
0x18: {  	s0 =	sld [smem:$0x3F9C];
	_ =	swait.ge [sflag:s4], $0x0  }
0x19: {  	s7 =	sld [smem:$0x3F9D]  }
0x1a: {  	s8 =	sadd.s32 $0xFFFFE003, lr  }
0x1b: {  	s9 =	sadd.s32 $0xFFFFFEF7, lr;
	s5 =	simm.s32 $0xFFFFFFFF;
	p2 =	slt.u32 s8, $0xFFFFF086  }
0x1c: {  	p1 =	slt.u32 s9, $0xF7A;
	s5 =	simm.s32 @!p2 $0x0  }
0x1d: {  	s5 =	simm.s32 @p1 $0x1;
	p0 =	seq.s32 s7, s2  }
0x1e: {  	s7 =	smul.u32 @!p0 $0xF7A, s2;
	p2 =	seq.s32 @!p0 s5, $0x0  }
0x1f: {  	s9 =	smul.u32 $0xF7A, s1;
	s8 =	simm.s32 @!p0 $0x1BF5;
	p2 =	por !p2, p0  }
0x20: {  	[sflag:s8] =	ssyncset.s32 @!p0 $0xFFFFF086;
	s6 =	sadd.s32 @!p0 s3, s7;
	s7 =	simm.s32 @!p0 $0x108  }
0x21: {  	s3 =	sadd.s32 s3, s9;
	s6 =	sadd.s32 @!p0 $0x88, s6;
	s7 =	simm.s32 @p2 $0x1082  }
0x22: {  	[simem:s7], [sflag:s8] =	dma.local @!p0 [hbm:s6], $0xF7A  }
0x23: {  	s9 =	sor.u32 $0xD0000000, s2;
	s6 =	simm.s32 $0x108;
	_ =	swait.ge @!p0 [sflag:s8], $0x0  }
0x24: {  	s3 =	sadd.s32 $0x88, s3;
	s6 =	simm.s32 @!p1 $0x1082;
	[sflag:s4] =	ssyncset.s32 $0xFFFFF086  }
0x25: {  	[simem:s6], [sflag:s4] =	dma.local [hbm:s3], $0xF7A  }
0x26: {  	[smem:$0x3F9D] =	sst s1;
	(tag) =	ssettag s2;
	_ =	strace s9  }
0x27: {  	s1 =	sld [smem:$0x3FAD]  }
0x28: {  	s2 =	sld [smem:$0x3FAE]  }
0x29: {  	s4 =	sld [smem:$0x3FB0]  }
0x2a: {  	p0 =	seq.s32 s5, $0x0;
	s5 =	sld [smem:$0x3FB1]  }
0x2b: {  	s6 =	sld [smem:$0x3FB2]  }
0x2c: {  	s7 =	sld [smem:$0x3FB3]  }
0x2d: {  	s3 =	simm.s32 $0x108;
	s8 =	sld [smem:$0x3FB4]  }
0x2e: {  	s3 =	simm.s32 @!p0 $0x1082;
	s9 =	sld [smem:$0x3FB5]  }
0x2f: {  	lr =	sadd.s32 s0, s3;
	s0 =	sld [smem:$0x3FAC]  }
0x30: {  	s3 =	sld [smem:$0x3FAF]  }
0x31: {  	[smem:$0x3FB8] =	sst s10  }
0x32: {  	s10 =	sld [smem:$0x3FB6];
	_ =	sdelay $0x3  }
0x33: {  	p0 =	seq.s32 s10, $0x1;
	s10 =	sld [smem:$0x3FB8];
	_ =	sdelay $0x3  }
0x34: {  	[smem:$0x3FB8] =	sst s10  }
0x35: {  	s10 =	sld [smem:$0x3FB7];
	_ =	sdelay $0x3  }
0x36: {  	p1 =	seq.s32 s10, $0x1;
	s10 =	sld [smem:$0x3FB8];
	_ =	sdelay $0x3  }
0x37: {  	[smem:$0x3FB8] =	sst s10  }
0x38: {  	s10 =	sld [smem:$0x3FB9]  }
0x39: {  	_ = 	snop;
	(pc) =	sbr.ind lr, $3  }
0x3a: {  	_ = 	snop  }
0x3b: {  	_ = 	snop  }
0x3c: {  	p2 =	seq.s32 s10, $0x1;
	s10 =	sld [smem:$0x3FB8]  }
0x3d: {  	_ =	shalt  }
0x3e: {  	_ =	shalt  }
0x3f: {  	_ =	shalt  }
0x40: {  	_ =	shalt  }
0x41: {  	_ =	shalt  }
0x42: {  	_ =	shalt  }
0x43: {  	_ =	shalt  }
0x44: {  	_ =	shalt  }
0x45: {  	_ =	shalt  }
0x46: {  	_ =	shalt  }
0x47: {  	_ =	shalt  }
0x48: {  	_ =	shalt  }
0x49: {  	_ =	shalt  }
0x4a: {  	_ =	shalt  }
0x4b: {  	_ =	shalt  }
0x4c: {  	_ =	shalt  }
0x4d: {  	_ =	shalt  }
0x4e: {  	_ =	shalt  }
0x4f: {  	_ =	shalt  }
0x50: {  	_ =	shalt  }
0x51: {  	_ =	shalt  }
0x52: {  	_ =	shalt  }
0x53: {  	_ =	shalt  }
0x54: {  	_ =	shalt  }
0x55: {  	_ =	shalt  }
0x56: {  	_ =	shalt  }
0x57: {  	_ =	shalt  }
0x58: {  	_ =	shalt  }
0x59: {  	_ =	shalt  }
0x5a: {  	_ =	shalt  }
0x5b: {  	_ =	shalt  }
0x5c: {  	_ =	shalt  }
0x5d: {  	_ =	shalt  }
0x5e: {  	_ =	shalt  }
0x5f: {  	_ =	shalt  }
0x60: {  	_ =	shalt  }
0x61: {  	_ =	shalt  }
0x62: {  	_ =	shalt  }
0x63: {  	_ =	shalt  }
0x64: {  	_ =	shalt  }
0x65: {  	_ =	shalt  }
0x66: {  	_ =	shalt  }
0x67: {  	_ =	shalt  }
0x68: {  	_ =	shalt  }
0x69: {  	_ =	shalt  }
0x6a: {  	_ =	shalt  }
0x6b: {  	_ =	shalt  }
0x6c: {  	_ =	shalt  }
0x6d: {  	_ =	shalt  }
0x6e: {  	_ =	shalt  }
0x6f: {  	_ =	shalt  }
0x70: {  	_ =	shalt  }
0x71: {  	_ =	shalt  }
0x72: {  	_ =	shalt  }
0x73: {  	_ =	shalt  }
0x74: {  	_ =	shalt  }
0x75: {  	_ =	shalt  }
0x76: {  	_ =	shalt  }
0x77: {  	_ =	shalt  }
0x78: {  	_ =	shalt  }
0x79: {  	_ =	shalt  }
0x7a: {  	_ =	shalt  }
0x7b: {  	_ =	shalt  }
0x7c: {  	_ =	shalt  }
0x7d: {  	_ =	shalt  }
0x7e: {  	_ =	shalt  }
0x7f: {  	_ =	shalt  }
0x80: {  	_ =	shalt  }
0x81: {  	_ =	shalt  }
0x82: {  	_ =	shalt  }
0x83: {  	_ =	shalt  }
0x84: {  	_ =	shalt  }
0x85: {  	_ =	shalt  }
0x86: {  	_ =	shalt  }
0x87: {  	_ =	shalt  }
.Lfunc_end0:
.L_simem_size_0:
called_computation_lowered:
.L_overlay_start_0:
0x88: {  	s2 =	sld [smem:$0x3FD9]  }
0x89: {  	s3 =	sld [smem:$0x3FFE];
	_ =	sdelay $0x1  }
0x8a: {  	s1 =	srdreg.scid  }
0x8b: {  	s0 =	sand.u32 $0x1, s1  }
0x8c: {  	s17 =	sshll.u32 s0, $0xA;
	s2 =	sadd.s32 s3, s2  }
0x8d: {  	s2 =	sadd.s32 s2, s17  }
0x8e: {  	[smem:$0x3FC4] =	sst s2  }
0x8f: {  	_ = 	snop  }
0x90: {  	s2 =	sld [smem:$0x3FD0];
	(tm) =	ssettm $0x1  }
0x91: {  	s18 =	sld [smem:$0x3FFB];
	_ =	sdelay $0x3  }
0x92: {  	_ =	strace s18  }
0x93: {  	s3 =	sld [smem:$0x3FFC];
	_ =	sdelay $0x3  }
0x94: {  	_ =	strace s3  }
0x95: {  	s3 =	sld [smem:$0x3FFD];
	_ =	sdelay $0x3  }
0x96: {  	_ =	strace s3  }
0x97: {  	_ =	strace $0x8FFFFFFF  }
0x98: {  	s19 =	sld [smem:$0x3FDB];
	_ =	sdelay $0x1  }
0x99: {  	s4 =	simm.s32 $_scs_section_size  }
0x9a: {  	s5 =	simm.s32 $_size__tile_overlayer_lowered;
	s6 =	simm.s32 $_tile_overlayer_lowered  }
0x9b: {  	s22 =	simm.s32 $0x1BFF;
	s21 =	sshll.u32 s6, $0x1;
	s3 =	sadd.s32 s4, s19  }
0x9c: {  	s7 =	simm.s32 $0x0;
	s20 =	sshll.u32 s5, $0x1;
	s5 =	sadd.s32 s21, s3  }
0x9d: {  	[timem:s7], [sflag:s22] =	dma.local [hbm:s5], s20  }
0x9e: {  	_ =	swait.ge [sflag:s22], s20  }
0x9f: {  	s4 =	ssub.s32 $0x0, s20;
	[sflag:s22] =	ssyncset.done $0x0  }
0xa0: {  	[sflag:s22] =	ssyncadd.s32 s4;
	_ =	sdelay $0x1  }
0xa1: {  	s23 =	simm.s32 $0x1B8B  }
0xa2: {  	_ =	swait.ge [sflag:s23], $0x1  }
0xa3: {  	[sflag:s23] =	ssyncset.done $0x0  }
0xa4: {  	s25 =	simm.s32 $0x1B8E;
	s24 =	sld [smem:$0x3FFE];
	[sflag:s23] =	ssyncadd.s32 $0xFFFFFFFF  }
0xa5: {  	s26 =	simm.s32 $execute0_lowered;
	[smem:$0x3FD2] =	sst s25  }
0xa6: {  	s5 =	sshll.u32 s26, $0x1;
	_ =	strace $0x80000046;
	[dreg:$0x1] =	wrdreg $0xFFFFFFFF  }
0xa7: {  	s28 =	simm.s32 $_size_execute0_lowered;
	s3 =	sadd.s32 s3, s5;
	[dreg:$0x0] =	wrdreg $0x0  }
0xa8: {  	s5 =	sshll.u32 s28, $0x1;
	[dreg:$0x2] =	wrdreg s3  }
0xa9: {  	[dreg:$0x3] =	wrdreg s5  }
0xaa: {  	[dreg:$0x4] =	wrdreg $0xC0  }
0xab: {  	_ =	task [dreg:s7], $0x5FFFF  }
0xac: {  	[dreg:$0x1] =	wrdreg $0xFFFFFFFF  }
0xad: {  	[dreg:$0x0] =	wrdreg $0x60  }
0xae: {  	[dreg:$0x2] =	wrdreg s2  }
0xaf: {  	[dreg:$0x3] =	wrdreg s24  }
0xb0: {  	[dreg:$0x4] =	wrdreg $0x14800  }
0xb1: {  	[dreg:$0x5] =	wrdreg $0x9  }
0xb2: {  	_ =	task.clear_ibuf [dreg:s7], $0x6FFFF;
	_ =	strace $0x90000046  }
0xb3: {  	s29 =	simm.s32 $0x9;
	_ =	strace $0x80000048  }
0xb4: {  	_ =	swait.ge [sflag:s29], $0x1  }
0xb5: {  	[sflag:s29] =	ssyncadd.s32 $0xFFFFFFFF  }
0xb6: {  	_ =	strace $0x90000048  }
0xb7: {  	_ =	sfence  }
0xb8: {  	s30 =	sld [smem:$0x0];
	_ =	sdelay $0x2  }
0xb9: {  	s31 =	sshll.u32 s1, $0xD;
	s1 =	sshrl.u32 s1, $0x2  }
0xba: {  	s3 =	sand.u32 $0x4000, s31;
	s1 =	sadd.s32 s1, s30  }
0xbb: {  	s0 =	sor.u32 s3, s0;
	s1 =	sshll.u32 s1, $0x11  }
0xbc: {  	s0 =	sor.u32 s1, s0  }
0xbd: {  	s0 =	sadd.s32 $0x8F2B, s0  }
0xbe: {  	[sflag:s0] =	ssyncadd.remote.s32 $0x1  }
0xbf: {  	_ =	sfence.sel $0xFFFF  }
0xc0: {  	[dreg:$0x0] =	wrdreg $0xFFFFFFFF;
	(pc) =	sbr.abs _section_cstart, $3  }
0xc1: {  	[dreg:$0x1] =	wrdreg $0xFFFFFFFF  }
0xc2: {  	_ =	task.clear_ibuf [dreg:s7], $0x2FFFF;
	_ =	strace $0x9FFFFFFF  }
0xc3: {  	(tm) =	ssettm $0x7FFFFFFF  }
tec
execute0_lowered:
.L_overlay_start_1:
0x0: {  	(tag) =	ssettag $0x1  }
0x1: {  	s6 =	rddreg [dreg:$0x0]  }
0x2: {  	s4 =	rddreg [dreg:$0x1]  }
0x3: {  	s2 =	rddreg [dreg:$0x2]  }
0x4: {  	s0 =	rddreg [dreg:$0x3]  }
0x5: {  	s1 =	stileid.u32;
	s7 =	srdreg.scid;
	s3 =	simm.s32 $0x0  }
0x6: {  	s13 =	simm.s32 $0x10;
	s14 =	simm.s32 $0x0;
	s5 =	smul.u32 $0x280, s1  }
0x7: {  	s7 =	sand.u32 $0x1, s7;
	s8 =	smul.u32 $0x500, s1;
	[smem:$0x7FF] =	sst s3  }
0x8: {  	s11 =	sshll.u32 s1, $0x6;
	s10 =	sshll.u32 s7, $0x7;
	_ =	strace $0x80000047  }
0x9: {  	s30 =	ssub.s32 $0x2, s7;
	s7 =	sshll.u32 s7, $0x4;
	s9 =	sshrl.u32 s5, $0x3  }
0xa: {  	s8 =	sor.u32 s10, s8;
	s31 =	sshrl.u32 s30, $0x1;
	s7 =	sor.u32 s1, s7  }
0xb: {  	s12 =	sadd.s32 s5, s2;
	s5 =	sor.u32 $0x1C01, s11;
	s11 =	simm.s32 $0x80  }
0xc: {  	s9 =	sadd.s32 s9, s4;
	s8 =	sshrl.u32 s8, $0x3;
	s7 =	smul.u32 $0x280, s7  }
0xd: {  	s10 =	ssub.s32 s30, s31;
	s8 =	sadd.s32 s8, s4;
	s4 =	sadd.s32 $0x1000, s9  }
0xe: {  	s9 =	sshrl.u32 s12, $0x3;
	s12 =	simm.s32 $0x20;
	s6 =	sadd.s32 s6, s7  }
0xf: {  	v0 =	vimm.f32 $1.000000000e+00;
	s7 =	sadd.s32 $0x1600, s8;
	s8 =	smax.u32 s10, $0x1;
	s10 =	simm.s32 $0x1  }
.LBB2_1:
0x10: {  	[spmem:s9], [sflag:s5] =	dma.local [hbm:s4], $0x50  }
0x11: {  	_ =	swait.ge [sflag:s10], $0x50  }
0x12: {  	[sflag:s10] =	ssyncset.done $0x0  }
0x13: {  	[sflag:s10] =	ssyncadd.s32 $0xFFFFFFB0  }
0x14: {  	[tilespmem:s11], [sflag:$0x1] =	stream.linear.gather [hbm4b:s6+s3], $0x1400, $0x38;
	[tilespmem:$0x1700] =	vst v63  }
0x15: {  	_ =	swait.ge [sflag:s10], $0x1400  }
0x16: {  	[sflag:s10] =	ssyncset.done $0x0  }
0x17: {  	[sflag:s10] =	ssyncadd.s32 $0xFFFFEC00  }
0x18: {  	[tilespmem:$0x0] =	vst v0  }
0x19: {  	[tilespmem:$0x10] =	vst v0  }
0x1a: {  	[tilespmem:$0x20] =	vst v0  }
0x1b: {  	[tilespmem:$0x30] =	vst v0  }
0x1c: {  	[tilespmem:$0x40] =	vst v0  }
0x1d: {  	[tilespmem:$0x50] =	vst v0  }
0x1e: {  	[tilespmem:$0x60] =	vst v0  }
0x1f: {  	[tilespmem:$0x70] =	vst v0  }
0x20: {  	s15 =	simm.s32 $0x80;
	[bflag:$0x0] =	sbarrier.arrive $0xFFFF  }
0x21: {  	[spmem:s2] =	stream.indirect.scatter.add.f32 [tilespmem:s3], [sflag:$0x1], $0x1, s15, s11, $0xb8;
	[tilespmem:$0x1700] =	vst v63  }
0x22: {  	s15 =	simm.s32 $0x200;
	_ =	swait.ge [sflag:s10], $0x80  }
.LBB2_2:
0x23: {  	s16 =	sshra.s32 s15, $0x2;
	[sflag:s10] =	ssyncset.done $0x0;
	p0 =	sne.s32 s15, $0x4E00  }
.Ltmp0:
0x24: {  	s16 =	sadd.s32 $0x80, s16;
	[sflag:s10] =	ssyncadd.s32 $0xFFFFFF80;
	(pc) =	sbr.rel @p0 .LBB2_2-.Ltmp0, $3  }
0x25: {  	[spmem:s2] =	stream.indirect.scatter.add.f32 [tilespmem:s3], [sflag:$0x1], $0x1, s16, s11, $0xb8;
	[tilespmem:$0x1700] =	vst v63  }
0x26: {  	s15 =	sadd.s32 $0x200, s15;
	_ =	sdelay $0x1  }
0x27: {  	_ =	swait.ge [sflag:s10], $0x80  }
0x28: {  	[sflag:s10] =	ssyncset.done $0x0;
	s14 =	sadd.s32 $0x1, s14  }
0x29: {  	[sflag:s10] =	ssyncadd.s32 $0xFFFFFF80;
	p0 =	sne.s32 s14, s8  }
.Ltmp1:
0x2a: {  	[bflag:$0x0] =	sbarrier.arrive $0xFFFF;
	(pc) =	sbr.rel @p0 .LBB2_1-.Ltmp1, $4  }
0x2b: {  	[hbm:s7@s12], [sflag:s5] =	dma.strided [spmem:s9@s13], $0x50, s10, $0x10   }
0x2c: {  	_ =	swait.ge [sflag:s10], $0x50  }
0x2d: {  	[sflag:s10] =	ssyncset.done $0x0  }
0x2e: {  	[sflag:s10] =	ssyncadd.s32 $0xFFFFFFB0  }
0x2f: {  	_ =	sfence.sel $0x180000  }
0x30: {  	[bflag:$0x0] =	sbarrier.arrive $0xFFFF  }
0x31: {  	p0 =	sne.s32 s1, $0x0;
	_ =	strace $0x90000047  }
0x32: {  	s0 =	sadd.s32 @!p0 $0x100000, s0;
	[bflag:$0x2] =	sbarrier.arrive $0xFFFF  }
0x33: {  	[sflag:s0] =	ssyncadd.tile.s32 @!p0 $0x1;
	_ =	shalt  }
.Lfunc_end2:
_tile_overlayer_lowered:
.L_overlay_start_2:
0x34: {  	(tag) =	ssettag $0x2  }
0x35: {  	s0 =	rddreg [dreg:$0x0];
	s2 =	stileid.u32  }
0x36: {  	s1 =	rddreg [dreg:$0x1];
	p0 =	sne.s32 s2, $0x0  }
0x37: {  	s3 =	rddreg [dreg:$0x2];
	[bflag:$0x3] =	sbarrier.arrive $0xFFFF;
	s2 =	simm.s32 @!p0 $0x1C01  }
0x38: {  	[timem:s3], [sflag:s2] =	dma.local @!p0 [hbm:s0], s1  }
0x39: {  	s0 =	simm.s32 @!p0 $0x1  }
0x3a: {  	_ =	swait.ge @!p0 [sflag:s0], s1  }
0x3b: {  	s1 =	ssub.s32 @!p0 $0x0, s1;
	[sflag:s0] =	ssyncset.done @!p0 $0x0  }
0x3c: {  	[sflag:s0] =	ssyncadd.s32 @!p0 s1  }
0x3d: {  	[bflag:$0x3] =	sbarrier.arrive $0xFFFF  }
0x3e: {  	_ =	shalt  }

// kernel: kernel.9.cloned.1.call-start
scs
__scs_entry_jumppad:
0x0: {  	(pc) =	sbr.rel $0x88, $3  }
0x1: {  	(tag) =	ssettag $0x0;
	lr =	simm.s32 $0x1  }
0x2: {  	[smem:$0x3F9D] =	sst lr;
	_ =	strace $0xD0000000  }
0x3: {  	_ = 	snop  }
0x4: {  	_ = 	snop  }
0x5: {  	_ = 	snop  }
0x6: {  	_ = 	snop  }
0x7: {  	_ = 	snop  }
__scs_overlays_trampoline_lowered:
0x8: {  	[smem:$0x3FAC] =	sst s0  }
0x9: {  	[smem:$0x3FAD] =	sst s1  }
0xa: {  	[smem:$0x3FAE] =	sst s2  }
0xb: {  	[smem:$0x3FAF] =	sst s3  }
0xc: {  	[smem:$0x3FB0] =	sst s4  }
0xd: {  	[smem:$0x3FB1] =	sst s5  }
0xe: {  	[smem:$0x3FB2] =	sst s6  }
0xf: {  	[smem:$0x3FB3] =	sst s7  }
0x10: {  	[smem:$0x3FB4] =	sst s8  }
0x11: {  	[smem:$0x3FB5] =	sst s9;
	s0 =	simm.s32 @!p0 $0x0  }
0x12: {  	s1 =	sld [smem:$0x3F9B];
	s0 =	simm.s32 @p0 $0x1  }
0x13: {  	[smem:$0x3FB6] =	sst s0;
	s0 =	simm.s32 @!p1 $0x0  }
0x14: {  	s2 =	sld [smem:$0x3F9A];
	s0 =	simm.s32 @p1 $0x1  }
0x15: {  	[smem:$0x3FB7] =	sst s0;
	s0 =	simm.s32 @!p2 $0x0  }
0x16: {  	s3 =	sld [smem:$0x3FDB];
	s0 =	simm.s32 @p2 $0x1  }
0x17: {  	s4 =	simm.s32 $0x1BF5;
	[smem:$0x3FB9] =	sst s0  }
0x18: {  	s0 =	sld [smem:$0x3F9C];
	_ =	swait.ge [sflag:s4], $0x0  }
0x19: {  	s7 =	sld [smem:$0x3F9D]  }
0x1a: {  	s8 =	sadd.s32 $0xFFFFE003, lr  }
0x1b: {  	s9 =	sadd.s32 $0xFFFFFEF7, lr;
	s5 =	simm.s32 $0xFFFFFFFF;
	p2 =	slt.u32 s8, $0xFFFFF086  }
0x1c: {  	p1 =	slt.u32 s9, $0xF7A;
	s5 =	simm.s32 @!p2 $0x0  }
0x1d: {  	s5 =	simm.s32 @p1 $0x1;
	p0 =	seq.s32 s7, s2  }
0x1e: {  	s7 =	smul.u32 @!p0 $0xF7A, s2;
	p2 =	seq.s32 @!p0 s5, $0x0  }
0x1f: {  	s9 =	smul.u32 $0xF7A, s1;
	s8 =	simm.s32 @!p0 $0x1BF5;
	p2 =	por !p2, p0  }
0x20: {  	[sflag:s8] =	ssyncset.s32 @!p0 $0xFFFFF086;
	s6 =	sadd.s32 @!p0 s3, s7;
	s7 =	simm.s32 @!p0 $0x108  }
0x21: {  	s3 =	sadd.s32 s3, s9;
	s6 =	sadd.s32 @!p0 $0x88, s6;
	s7 =	simm.s32 @p2 $0x1082  }
0x22: {  	[simem:s7], [sflag:s8] =	dma.local @!p0 [hbm:s6], $0xF7A  }
0x23: {  	s9 =	sor.u32 $0xD0000000, s2;
	s6 =	simm.s32 $0x108;
	_ =	swait.ge @!p0 [sflag:s8], $0x0  }
0x24: {  	s3 =	sadd.s32 $0x88, s3;
	s6 =	simm.s32 @!p1 $0x1082;
	[sflag:s4] =	ssyncset.s32 $0xFFFFF086  }
0x25: {  	[simem:s6], [sflag:s4] =	dma.local [hbm:s3], $0xF7A  }
0x26: {  	[smem:$0x3F9D] =	sst s1;
	(tag) =	ssettag s2;
	_ =	strace s9  }
0x27: {  	s1 =	sld [smem:$0x3FAD]  }
0x28: {  	s2 =	sld [smem:$0x3FAE]  }
0x29: {  	s4 =	sld [smem:$0x3FB0]  }
0x2a: {  	p0 =	seq.s32 s5, $0x0;
	s5 =	sld [smem:$0x3FB1]  }
0x2b: {  	s6 =	sld [smem:$0x3FB2]  }
0x2c: {  	s7 =	sld [smem:$0x3FB3]  }
0x2d: {  	s3 =	simm.s32 $0x108;
	s8 =	sld [smem:$0x3FB4]  }
0x2e: {  	s3 =	simm.s32 @!p0 $0x1082;
	s9 =	sld [smem:$0x3FB5]  }
0x2f: {  	lr =	sadd.s32 s0, s3;
	s0 =	sld [smem:$0x3FAC]  }
0x30: {  	s3 =	sld [smem:$0x3FAF]  }
0x31: {  	[smem:$0x3FB8] =	sst s10  }
0x32: {  	s10 =	sld [smem:$0x3FB6];
	_ =	sdelay $0x3  }
0x33: {  	p0 =	seq.s32 s10, $0x1;
	s10 =	sld [smem:$0x3FB8];
	_ =	sdelay $0x3  }
0x34: {  	[smem:$0x3FB8] =	sst s10  }
0x35: {  	s10 =	sld [smem:$0x3FB7];
	_ =	sdelay $0x3  }
0x36: {  	p1 =	seq.s32 s10, $0x1;
	s10 =	sld [smem:$0x3FB8];
	_ =	sdelay $0x3  }
0x37: {  	[smem:$0x3FB8] =	sst s10  }
0x38: {  	s10 =	sld [smem:$0x3FB9]  }
0x39: {  	_ = 	snop;
	(pc) =	sbr.ind lr, $3  }
0x3a: {  	_ = 	snop  }
0x3b: {  	_ = 	snop  }
0x3c: {  	p2 =	seq.s32 s10, $0x1;
	s10 =	sld [smem:$0x3FB8]  }
0x3d: {  	_ =	shalt  }
0x3e: {  	_ =	shalt  }
0x3f: {  	_ =	shalt  }
0x40: {  	_ =	shalt  }
0x41: {  	_ =	shalt  }
0x42: {  	_ =	shalt  }
0x43: {  	_ =	shalt  }
0x44: {  	_ =	shalt  }
0x45: {  	_ =	shalt  }
0x46: {  	_ =	shalt  }
0x47: {  	_ =	shalt  }
0x48: {  	_ =	shalt  }
0x49: {  	_ =	shalt  }
0x4a: {  	_ =	shalt  }
0x4b: {  	_ =	shalt  }
0x4c: {  	_ =	shalt  }
0x4d: {  	_ =	shalt  }
0x4e: {  	_ =	shalt  }
0x4f: {  	_ =	shalt  }
0x50: {  	_ =	shalt  }
0x51: {  	_ =	shalt  }
0x52: {  	_ =	shalt  }
0x53: {  	_ =	shalt  }
0x54: {  	_ =	shalt  }
0x55: {  	_ =	shalt  }
0x56: {  	_ =	shalt  }
0x57: {  	_ =	shalt  }
0x58: {  	_ =	shalt  }
0x59: {  	_ =	shalt  }
0x5a: {  	_ =	shalt  }
0x5b: {  	_ =	shalt  }
0x5c: {  	_ =	shalt  }
0x5d: {  	_ =	shalt  }
0x5e: {  	_ =	shalt  }
0x5f: {  	_ =	shalt  }
0x60: {  	_ =	shalt  }
0x61: {  	_ =	shalt  }
0x62: {  	_ =	shalt  }
0x63: {  	_ =	shalt  }
0x64: {  	_ =	shalt  }
0x65: {  	_ =	shalt  }
0x66: {  	_ =	shalt  }
0x67: {  	_ =	shalt  }
0x68: {  	_ =	shalt  }
0x69: {  	_ =	shalt  }
0x6a: {  	_ =	shalt  }
0x6b: {  	_ =	shalt  }
0x6c: {  	_ =	shalt  }
0x6d: {  	_ =	shalt  }
0x6e: {  	_ =	shalt  }
0x6f: {  	_ =	shalt  }
0x70: {  	_ =	shalt  }
0x71: {  	_ =	shalt  }
0x72: {  	_ =	shalt  }
0x73: {  	_ =	shalt  }
0x74: {  	_ =	shalt  }
0x75: {  	_ =	shalt  }
0x76: {  	_ =	shalt  }
0x77: {  	_ =	shalt  }
0x78: {  	_ =	shalt  }
0x79: {  	_ =	shalt  }
0x7a: {  	_ =	shalt  }
0x7b: {  	_ =	shalt  }
0x7c: {  	_ =	shalt  }
0x7d: {  	_ =	shalt  }
0x7e: {  	_ =	shalt  }
0x7f: {  	_ =	shalt  }
0x80: {  	_ =	shalt  }
0x81: {  	_ =	shalt  }
0x82: {  	_ =	shalt  }
0x83: {  	_ =	shalt  }
0x84: {  	_ =	shalt  }
0x85: {  	_ =	shalt  }
0x86: {  	_ =	shalt  }
0x87: {  	_ =	shalt  }
.Lfunc_end0:
.L_simem_size_0:
called_computation.1_lowered:
.L_overlay_start_0:
0x88: {  	s2 =	sld [smem:$0x3FD9]  }
0x89: {  	s3 =	sld [smem:$0x3FFE];
	_ =	sdelay $0x1  }
0x8a: {  	s1 =	srdreg.scid  }
0x8b: {  	s0 =	sand.u32 $0x1, s1  }
0x8c: {  	s17 =	sshll.u32 s0, $0xA;
	s2 =	sadd.s32 s3, s2  }
0x8d: {  	s2 =	sadd.s32 s2, s17  }
0x8e: {  	[smem:$0x3FC4] =	sst s2  }
0x8f: {  	_ = 	snop  }
0x90: {  	s2 =	sld [smem:$0x3FD0];
	(tm) =	ssettm $0x1  }
0x91: {  	s18 =	sld [smem:$0x3FFB];
	_ =	sdelay $0x3  }
0x92: {  	_ =	strace s18  }
0x93: {  	s3 =	sld [smem:$0x3FFC];
	_ =	sdelay $0x3  }
0x94: {  	_ =	strace s3  }
0x95: {  	s3 =	sld [smem:$0x3FFD];
	_ =	sdelay $0x3  }
0x96: {  	_ =	strace s3  }
0x97: {  	_ =	strace $0x8FFFFFFF  }
0x98: {  	s19 =	sld [smem:$0x3FDB];
	_ =	sdelay $0x1  }
0x99: {  	s4 =	simm.s32 $_scs_section_size  }
0x9a: {  	s5 =	simm.s32 $_size__tile_overlayer_lowered;
	s6 =	simm.s32 $_tile_overlayer_lowered  }
0x9b: {  	s22 =	simm.s32 $0x1BFF;
	s21 =	sshll.u32 s6, $0x1;
	s3 =	sadd.s32 s4, s19  }
0x9c: {  	s7 =	simm.s32 $0x0;
	s20 =	sshll.u32 s5, $0x1;
	s5 =	sadd.s32 s21, s3  }
0x9d: {  	[timem:s7], [sflag:s22] =	dma.local [hbm:s5], s20  }
0x9e: {  	_ =	swait.ge [sflag:s22], s20  }
0x9f: {  	s4 =	ssub.s32 $0x0, s20;
	[sflag:s22] =	ssyncset.done $0x0  }
0xa0: {  	[sflag:s22] =	ssyncadd.s32 s4;
	_ =	sdelay $0x1  }
0xa1: {  	s23 =	simm.s32 $0x1B8B  }
0xa2: {  	_ =	swait.ge [sflag:s23], $0x1  }
0xa3: {  	[sflag:s23] =	ssyncset.done $0x0  }
0xa4: {  	s25 =	simm.s32 $0x1B8E;
	s24 =	sld [smem:$0x3FFE];
	[sflag:s23] =	ssyncadd.s32 $0xFFFFFFFF  }
0xa5: {  	s26 =	simm.s32 $execute0_lowered;
	[smem:$0x3FD2] =	sst s25  }
0xa6: {  	s5 =	sshll.u32 s26, $0x1;
	_ =	strace $0x80000049;
	[dreg:$0x1] =	wrdreg $0xFFFFFFFF  }
0xa7: {  	s28 =	simm.s32 $_size_execute0_lowered;
	s3 =	sadd.s32 s3, s5;
	[dreg:$0x0] =	wrdreg $0x0  }
0xa8: {  	s5 =	sshll.u32 s28, $0x1;
	[dreg:$0x2] =	wrdreg s3  }
0xa9: {  	[dreg:$0x3] =	wrdreg s5  }
0xaa: {  	[dreg:$0x4] =	wrdreg $0xC0  }
0xab: {  	_ =	task [dreg:s7], $0x5FFFF  }
0xac: {  	[dreg:$0x1] =	wrdreg $0xFFFFFFFF  }
0xad: {  	[dreg:$0x0] =	wrdreg $0x60  }
0xae: {  	[dreg:$0x2] =	wrdreg s24  }
0xaf: {  	[dreg:$0x3] =	wrdreg s2  }
0xb0: {  	[dreg:$0x4] =	wrdreg $0xA8000  }
0xb1: {  	[dreg:$0x5] =	wrdreg $0x9  }
0xb2: {  	_ =	task.clear_ibuf [dreg:s7], $0x6FFFF;
	_ =	strace $0x90000049  }
0xb3: {  	s29 =	simm.s32 $0x9;
	_ =	strace $0x8000004B  }
0xb4: {  	_ =	swait.ge [sflag:s29], $0x1  }
0xb5: {  	[sflag:s29] =	ssyncadd.s32 $0xFFFFFFFF  }
0xb6: {  	_ =	strace $0x9000004B  }
0xb7: {  	_ =	sfence  }
0xb8: {  	s30 =	sld [smem:$0x0];
	_ =	sdelay $0x2  }
0xb9: {  	s31 =	sshll.u32 s1, $0xD;
	s1 =	sshrl.u32 s1, $0x2  }
0xba: {  	s3 =	sand.u32 $0x4000, s31;
	s1 =	sadd.s32 s1, s30  }
0xbb: {  	s0 =	sor.u32 s3, s0;
	s1 =	sshll.u32 s1, $0x11  }
0xbc: {  	s0 =	sor.u32 s1, s0  }
0xbd: {  	s0 =	sadd.s32 $0x8F2B, s0  }
0xbe: {  	[sflag:s0] =	ssyncadd.remote.s32 $0x1  }
0xbf: {  	_ =	sfence.sel $0xFFFF  }
0xc0: {  	[dreg:$0x0] =	wrdreg $0xFFFFFFFF;
	(pc) =	sbr.abs _section_cstart, $3  }
0xc1: {  	[dreg:$0x1] =	wrdreg $0xFFFFFFFF  }
0xc2: {  	_ =	task.clear_ibuf [dreg:s7], $0x2FFFF;
	_ =	strace $0x9FFFFFFF  }
0xc3: {  	(tm) =	ssettm $0x7FFFFFFF  }
tec
execute0_lowered:
.L_overlay_start_1:
0x0: {  	(tag) =	ssettag $0x1  }
0x1: {  	s0 =	rddreg [dreg:$0x0]  }
0x2: {  	s3 =	rddreg [dreg:$0x1]  }
0x3: {  	s1 =	rddreg [dreg:$0x2]  }
0x4: {  	s2 =	srdreg.scid;
	s4 =	simm.s32 $0x0;
	s28 =	simm.s32 $0x8800  }
0x5: {  	s29 =	simm.s32 $0x1;
	s30 =	simm.s32 $0x2;
	s6 =	sand.u32 $0x1, s2  }
0x6: {  	s31 =	simm.s32 $0x3;
	s2 =	stileid.u32;
	s7 =	smul.u32 $0x140000, s6  }
0x7: {  	[smem:$0x7FF] =	sst s4;
	s9 =	sadd.s32 $0xC000, s0;
	s8 =	smul.u32 $0x14000, s2  }
0x8: {  	s10 =	sadd.s32 $0x2000, s0;
	s4 =	sadd.s32 $0x3D200, s0;
	s11 =	smul.u32 $0x5000, s2  }
0x9: {  	s5 =	sadd.s32 $0x16000, s0;
	_ =	strace $0x8000004A;
	s12 =	smul.u32 $0x50000, s2  }
0xa: {  	s15 =	ssub.s32 $0x2, s6;
	p0 =	seq.s32 s6, $0x1;
	s20 =	smul.u32 $0x2800, s2  }
0xb: {  	s16 =	sshrl.u32 s15, $0x1;
	s7 =	sadd.s32 s8, s7;
	s17 =	sshrl.u32 s11, $0x3  }
0xc: {  	s19 =	sshrl.u32 s12, $0x2;
	s3 =	sadd.s32 s3, s20;
	s20 =	simm.s32 $0x40  }
0xd: {  	s7 =	sshrl.u32 s7, $0x3;
	s18 =	sadd.s32 s9, s17;
	s21 =	sadd.s32 s10, s17  }
0xe: {  	s8 =	sadd.s32 s19, s1;
	s22 =	sadd.s32 $0x280, s17;
	[dreg:$0x6] =	wrdreg s3  }
0xf: {  	s24 =	sadd.s32 $0x500, s17;
	s6 =	sadd.s32 $0x780, s17;
	s19 =	simm.s32 $0x1400  }
0x10: {  	s0 =	sadd.s32 s7, s0;
	s7 =	ssub.s32 s15, s16;
	[dreg:$0x4] =	wrdreg s18  }
0x11: {  	[dreg:$0x5] =	wrdreg s21;
	s23 =	sadd.s32 s9, s22;
	s25 =	sadd.s32 s10, s22  }
0x12: {  	s26 =	sadd.s32 s9, s24;
	s3 =	sadd.s32 s10, s24;
	s14 =	sadd.s32 s9, s6  }
0x13: {  	s15 =	sadd.s32 s10, s6;
	s18 =	simm.s32 $0x5;
	s21 =	simm.s32 $0x2800  }
0x14: {  	s22 =	simm.s32 $0x80;
	s24 =	simm.s32 $0x100;
	[dreg:$0x7] =	wrdreg s23  }
.Ltmp0:
0x15: {  	s6 =	simm.s32 $0x2680;
	[dreg:$0x8] =	wrdreg s25;
	(pc) =	sbr.rel .LBB2_1-.Ltmp0, $4  }
0x16: {  	s9 =	simm.s32 $0x2780;
	s10 =	simm.s32 $0x0;
	[dreg:$0x9] =	wrdreg s26  }
0x17: {  	[dreg:$0xa] =	wrdreg s3;
	s16 =	sadd.s32 $0x64400, s0;
	s17 =	smax.u32 s7, $0x1  }
0x18: {  	s23 =	simm.s32 $0x4800;
	s25 =	simm.s32 $0x6800;
	s26 =	simm.s32 $0x180  }
0x19: {  	s0 =	simm.s32 $0x4;
	s3 =	simm.s32 $0x2600;
	s7 =	simm.s32 $0x2700  }
.LBB2_19:
0x1a: {  	[tilespmem:s28], [sflag:$0x4] =	stream.indirect.gather [hbm4b:s5+s20], $0x80, s12, s20, $0xb8;
	[tilespmem:$0x1E800] =	vst v63  }
.LBB2_20:
0x1b: {  	_ =	swait.ge [sflag:s29], $0x2000  }
0x1c: {  	[sflag:s29] =	ssyncset.done $0x0  }
0x1d: {  	[sflag:s29] =	ssyncadd.s32 $0xFFFFE000  }
0x1e: {  	[spmem:s1] =	stream.indirect.scatter.add.f32 [tilespmem:s21], [sflag:$0x5], $0x80, s3, s20, $0xb8;
	[tilespmem:$0x1E800] =	vst v63  }
0x1f: {  	_ =	swait.ge [sflag:s18], $0x2000  }
0x20: {  	[sflag:s18] =	ssyncset.done $0x0  }
0x21: {  	[sflag:s18] =	ssyncadd.s32 $0xFFFFE000  }
0x22: {  	_ =	swait.ge [sflag:s30], $0x2000  }
0x23: {  	[sflag:s30] =	ssyncset.done $0x0  }
0x24: {  	[sflag:s30] =	ssyncadd.s32 $0xFFFFE000  }
0x25: {  	[spmem:s1] =	stream.indirect.scatter.add.f32 [tilespmem:s23], [sflag:$0x5], $0x80, s6, s20, $0xb8;
	[tilespmem:$0x1E800] =	vst v63  }
0x26: {  	_ =	swait.ge [sflag:s18], $0x2000  }
0x27: {  	[sflag:s18] =	ssyncset.done $0x0  }
0x28: {  	[sflag:s18] =	ssyncadd.s32 $0xFFFFE000  }
0x29: {  	_ =	swait.ge [sflag:s31], $0x2000  }
0x2a: {  	[sflag:s31] =	ssyncset.done $0x0  }
0x2b: {  	[sflag:s31] =	ssyncadd.s32 $0xFFFFE000  }
0x2c: {  	[spmem:s1] =	stream.indirect.scatter.add.f32 [tilespmem:s25], [sflag:$0x5], $0x80, s7, s20, $0xb8;
	[tilespmem:$0x1E800] =	vst v63  }
0x2d: {  	_ =	swait.ge [sflag:s18], $0x2000  }
0x2e: {  	[sflag:s18] =	ssyncset.done $0x0  }
0x2f: {  	[sflag:s18] =	ssyncadd.s32 $0xFFFFE000  }
0x30: {  	_ =	swait.ge [sflag:s0], $0x2000  }
0x31: {  	[sflag:s0] =	ssyncset.done $0x0  }
0x32: {  	[sflag:s0] =	ssyncadd.s32 $0xFFFFE000  }
0x33: {  	[spmem:s1] =	stream.indirect.scatter.add.f32 [tilespmem:s28], [sflag:$0x5], $0x80, s9, s20, $0xb8;
	[tilespmem:$0x1E800] =	vst v63  }
0x34: {  	_ =	swait.ge [sflag:s18], $0x2000  }
0x35: {  	s11 =	sshll.u32 s2, $0x6;
	s10 =	sadd.s32 $0x1, s10;
	[sflag:s18] =	ssyncset.done $0x0  }
0x36: {  	s12 =	sshrl.u32 s8, $0x3;
	p1 =	sne.s32 s10, s17;
	[sflag:s18] =	ssyncadd.s32 $0xFFFFE000  }
.Ltmp1:
0x37: {  	s11 =	sor.u32 $0x1C05, s11;
	[bflag:$0x0] =	sbarrier.arrive $0xFFFF;
	(pc) =	sbr.rel @!p1 .LBB2_21-.Ltmp1, $4  }
0x38: {  	[hbm:s16], [sflag:s11] =	dma.local [spmem:s12], $0x2800  }
0x39: {  	_ =	swait.ge [sflag:s18], $0x2800  }
0x3a: {  	[sflag:s18] =	ssyncset.done $0x0  }
0x3b: {  	[sflag:s18] =	ssyncadd.s32 $0xFFFFD800  }
.LBB2_1:
0x3c: {  	s11 =	simm.s32 $0x0;
	s12 =	rddreg [dreg:$0x4]  }
0x3d: {  	[tilespmem:s11], [sflag:$0x5] =	stream.linear.gather [hbm4b:s12+s11], $0x1400, $0x38;
	[tilespmem:$0x1E800] =	vst v63  }
0x3e: {  	_ =	swait.ge [sflag:s18], $0x1400  }
0x3f: {  	[sflag:s18] =	ssyncset.done $0x0  }
.Ltmp2:
0x40: {  	s13 =	rddreg [dreg:$0x5];
	[sflag:s18] =	ssyncadd.s32 $0xFFFFEC00;
	(pc) =	sbr.rel @!p0 .LBB2_2-.Ltmp2, $4  }
0x41: {  	[tilespmem:s19], [sflag:$0x5] =	stream.linear.gather [hbm4b:s13+s11], $0x1400, $0x38;
	[tilespmem:$0x1E800] =	vst v63  }
0x42: {  	_ =	swait.ge [sflag:s18], $0x1400  }
0x43: {  	[sflag:s18] =	ssyncset.done $0x0  }
0x44: {  	s11 =	simm.s32 $0x0;
	[sflag:s18] =	ssyncadd.s32 $0xFFFFEC00  }
0x45: {  	[tilespmem:s21], [sflag:$0x1] =	stream.indirect.gather [hbm4b:s5+s20], $0x80, s11, s20, $0xb8;
	[tilespmem:$0x1E800] =	vst v63  }
0x46: {  	_ = 	snop  }
0x47: {  	[tilespmem:s23], [sflag:$0x2] =	stream.indirect.gather [hbm4b:s5+s20], $0x80, s22, s20, $0xb8;
	[tilespmem:$0x1E800] =	vst v63  }
0x48: {  	s12 =	sshll.u32 s2, $0x6  }
0x49: {  	[tilespmem:s25], [sflag:$0x3] =	stream.indirect.gather [hbm4b:s5+s20], $0x80, s24, s20, $0xb8;
	[tilespmem:$0x1E800] =	vst v63  }
0x4a: {  	s13 =	rddreg [dreg:$0x6];
	s11 =	sor.u32 $0x1C05, s12;
	s12 =	sshrl.u32 s8, $0x3  }
0x4b: {  	[tilespmem:s28], [sflag:$0x4] =	stream.indirect.gather [hbm4b:s5+s20], $0x80, s26, s20, $0xb8;
	[tilespmem:$0x1E800] =	vst v63  }
0x4c: {  	[spmem:s12], [sflag:s11] =	dma.local [hbm:s13], $0x2800  }
0x4d: {  	_ =	swait.ge [sflag:s18], $0x2800  }
0x4e: {  	[sflag:s18] =	ssyncset.done $0x0  }
0x4f: {  	[sflag:s18] =	ssyncadd.s32 $0xFFFFD800  }
0x50: {  	[bflag:$0x0] =	sbarrier.arrive $0xFFFF  }
0x51: {  	_ =	swait.ge [sflag:s29], $0x2000  }
0x52: {  	[sflag:s29] =	ssyncset.done $0x0  }
0x53: {  	s13 =	simm.s32 $0x1400;
	[sflag:s29] =	ssyncadd.s32 $0xFFFFE000  }
0x54: {  	[spmem:s1] =	stream.indirect.scatter.add.f32 [tilespmem:s21], [sflag:$0x5], $0x80, s13, s20, $0xb8;
	[tilespmem:$0x1E800] =	vst v63  }
0x55: {  	_ =	swait.ge [sflag:s18], $0x2000  }
0x56: {  	[sflag:s18] =	ssyncset.done $0x0  }
0x57: {  	s12 =	simm.s32 $0x200;
	[sflag:s18] =	ssyncadd.s32 $0xFFFFE000  }
0x58: {  	[tilespmem:s21], [sflag:$0x1] =	stream.indirect.gather [hbm4b:s5+s20], $0x80, s12, s20, $0xb8;
	[tilespmem:$0x1E800] =	vst v63  }
0x59: {  	_ =	swait.ge [sflag:s30], $0x2000  }
0x5a: {  	[sflag:s30] =	ssyncset.done $0x0  }
0x5b: {  	s13 =	simm.s32 $0x1480;
	[sflag:s30] =	ssyncadd.s32 $0xFFFFE000  }
0x5c: {  	[spmem:s1] =	stream.indirect.scatter.add.f32 [tilespmem:s23], [sflag:$0x5], $0x80, s13, s20, $0xb8;
	[tilespmem:$0x1E800] =	vst v63  }
0x5d: {  	_ =	swait.ge [sflag:s18], $0x2000  }
0x5e: {  	[sflag:s18] =	ssyncset.done $0x0  }
0x5f: {  	s12 =	simm.s32 $0x280;
	[sflag:s18] =	ssyncadd.s32 $0xFFFFE000  }
0x60: {  	[tilespmem:s23], [sflag:$0x2] =	stream.indirect.gather [hbm4b:s5+s20], $0x80, s12, s20, $0xb8;
	[tilespmem:$0x1E800] =	vst v63  }
0x61: {  	_ =	swait.ge [sflag:s31], $0x2000  }
0x62: {  	[sflag:s31] =	ssyncset.done $0x0  }
0x63: {  	s13 =	simm.s32 $0x1500;
	[sflag:s31] =	ssyncadd.s32 $0xFFFFE000  }
0x64: {  	[spmem:s1] =	stream.indirect.scatter.add.f32 [tilespmem:s25], [sflag:$0x5], $0x80, s13, s20, $0xb8;
	[tilespmem:$0x1E800] =	vst v63  }
0x65: {  	_ =	swait.ge [sflag:s18], $0x2000  }
0x66: {  	[sflag:s18] =	ssyncset.done $0x0  }
0x67: {  	s12 =	simm.s32 $0x300;
	[sflag:s18] =	ssyncadd.s32 $0xFFFFE000  }
0x68: {  	[tilespmem:s25], [sflag:$0x3] =	stream.indirect.gather [hbm4b:s5+s20], $0x80, s12, s20, $0xb8;
	[tilespmem:$0x1E800] =	vst v63  }
0x69: {  	_ =	swait.ge [sflag:s0], $0x2000  }
0x6a: {  	[sflag:s0] =	ssyncset.done $0x0  }
0x6b: {  	s13 =	simm.s32 $0x1580;
	[sflag:s0] =	ssyncadd.s32 $0xFFFFE000  }
0x6c: {  	[spmem:s1] =	stream.indirect.scatter.add.f32 [tilespmem:s28], [sflag:$0x5], $0x80, s13, s20, $0xb8;
	[tilespmem:$0x1E800] =	vst v63  }
0x6d: {  	_ =	swait.ge [sflag:s18], $0x2000  }
0x6e: {  	[sflag:s18] =	ssyncset.done $0x0  }
0x6f: {  	s11 =	simm.s32 $0x800;
	s12 =	simm.s32 $0x380;
	[sflag:s18] =	ssyncadd.s32 $0xFFFFE000  }
.LBB2_12:
0x70: {  	[tilespmem:s28], [sflag:$0x4] =	stream.indirect.gather [hbm4b:s5+s20], $0x80, s12, s20, $0xb8;
	[tilespmem:$0x1E800] =	vst v63  }
0x71: {  	s12 =	smov.u32 s11  }
0x72: {  	p1 =	sne.s32 s11, $0x4000;
	s11 =	sadd.s32 $0x800, s11;
	_ =	swait.ge [sflag:s29], $0x2000  }
0x73: {  	s12 =	sshra.s32 s12, $0x2;
	[sflag:s29] =	ssyncset.done $0x0  }
0x74: {  	s13 =	sadd.s32 $0x1400, s12;
	[sflag:s29] =	ssyncadd.s32 $0xFFFFE000  }
0x75: {  	[spmem:s1] =	stream.indirect.scatter.add.f32 [tilespmem:s21], [sflag:$0x5], $0x80, s13, s20, $0xb8;
	[tilespmem:$0x1E800] =	vst v63  }
0x76: {  	_ =	swait.ge [sflag:s18], $0x2000  }
0x77: {  	[sflag:s18] =	ssyncset.done $0x0  }
0x78: {  	s13 =	sadd.s32 $0x200, s12;
	[sflag:s18] =	ssyncadd.s32 $0xFFFFE000  }
0x79: {  	[tilespmem:s21], [sflag:$0x1] =	stream.indirect.gather [hbm4b:s5+s20], $0x80, s13, s20, $0xb8;
	[tilespmem:$0x1E800] =	vst v63  }
0x7a: {  	_ =	swait.ge [sflag:s30], $0x2000  }
0x7b: {  	[sflag:s30] =	ssyncset.done $0x0  }
0x7c: {  	s13 =	sadd.s32 $0x1480, s12;
	[sflag:s30] =	ssyncadd.s32 $0xFFFFE000  }
0x7d: {  	[spmem:s1] =	stream.indirect.scatter.add.f32 [tilespmem:s23], [sflag:$0x5], $0x80, s13, s20, $0xb8;
	[tilespmem:$0x1E800] =	vst v63  }
0x7e: {  	_ =	swait.ge [sflag:s18], $0x2000  }
0x7f: {  	[sflag:s18] =	ssyncset.done $0x0  }
0x80: {  	s13 =	sadd.s32 $0x280, s12;
	[sflag:s18] =	ssyncadd.s32 $0xFFFFE000  }
0x81: {  	[tilespmem:s23], [sflag:$0x2] =	stream.indirect.gather [hbm4b:s5+s20], $0x80, s13, s20, $0xb8;
	[tilespmem:$0x1E800] =	vst v63  }
0x82: {  	_ =	swait.ge [sflag:s31], $0x2000  }
0x83: {  	[sflag:s31] =	ssyncset.done $0x0  }
0x84: {  	s13 =	sadd.s32 $0x1500, s12;
	[sflag:s31] =	ssyncadd.s32 $0xFFFFE000  }
0x85: {  	[spmem:s1] =	stream.indirect.scatter.add.f32 [tilespmem:s25], [sflag:$0x5], $0x80, s13, s20, $0xb8;
	[tilespmem:$0x1E800] =	vst v63  }
0x86: {  	_ =	swait.ge [sflag:s18], $0x2000  }
0x87: {  	[sflag:s18] =	ssyncset.done $0x0  }
0x88: {  	s13 =	sadd.s32 $0x300, s12;
	[sflag:s18] =	ssyncadd.s32 $0xFFFFE000  }
0x89: {  	[tilespmem:s25], [sflag:$0x3] =	stream.indirect.gather [hbm4b:s5+s20], $0x80, s13, s20, $0xb8;
	[tilespmem:$0x1E800] =	vst v63  }
0x8a: {  	_ =	swait.ge [sflag:s0], $0x2000  }
0x8b: {  	[sflag:s0] =	ssyncset.done $0x0  }
.Ltmp3:
0x8c: {  	s13 =	sadd.s32 $0x1580, s12;
	[sflag:s0] =	ssyncadd.s32 $0xFFFFE000;
	(pc) =	sbr.rel @p1 .LBB2_12-.Ltmp3, $4  }
0x8d: {  	[spmem:s1] =	stream.indirect.scatter.add.f32 [tilespmem:s28], [sflag:$0x5], $0x80, s13, s20, $0xb8;
	[tilespmem:$0x1E800] =	vst v63  }
0x8e: {  	_ =	swait.ge [sflag:s18], $0x2000  }
0x8f: {  	[sflag:s18] =	ssyncset.done $0x0  }
0x90: {  	s12 =	sadd.s32 $0x380, s12;
	[sflag:s18] =	ssyncadd.s32 $0xFFFFE000  }
0x91: {  	[tilespmem:s28], [sflag:$0x4] =	stream.indirect.gather [hbm4b:s5+s20], $0x80, s12, s20, $0xb8;
	[tilespmem:$0x1E800] =	vst v63  }
0x92: {  	_ =	swait.ge [sflag:s29], $0x2000  }
0x93: {  	[sflag:s29] =	ssyncset.done $0x0  }
0x94: {  	[sflag:s29] =	ssyncadd.s32 $0xFFFFE000  }
0x95: {  	[spmem:s1] =	stream.indirect.scatter.add.f32 [tilespmem:s21], [sflag:$0x5], $0x80, s3, s20, $0xb8;
	[tilespmem:$0x1E800] =	vst v63  }
0x96: {  	_ =	swait.ge [sflag:s18], $0x2000  }
0x97: {  	[sflag:s18] =	ssyncset.done $0x0  }
0x98: {  	[sflag:s18] =	ssyncadd.s32 $0xFFFFE000  }
0x99: {  	_ =	swait.ge [sflag:s30], $0x2000  }
0x9a: {  	[sflag:s30] =	ssyncset.done $0x0  }
0x9b: {  	[sflag:s30] =	ssyncadd.s32 $0xFFFFE000  }
0x9c: {  	[spmem:s1] =	stream.indirect.scatter.add.f32 [tilespmem:s23], [sflag:$0x5], $0x80, s6, s20, $0xb8;
	[tilespmem:$0x1E800] =	vst v63  }
0x9d: {  	_ =	swait.ge [sflag:s18], $0x2000  }
0x9e: {  	[sflag:s18] =	ssyncset.done $0x0  }
0x9f: {  	[sflag:s18] =	ssyncadd.s32 $0xFFFFE000  }
0xa0: {  	_ =	swait.ge [sflag:s31], $0x2000  }
0xa1: {  	[sflag:s31] =	ssyncset.done $0x0  }
0xa2: {  	[sflag:s31] =	ssyncadd.s32 $0xFFFFE000  }
0xa3: {  	[spmem:s1] =	stream.indirect.scatter.add.f32 [tilespmem:s25], [sflag:$0x5], $0x80, s7, s20, $0xb8;
	[tilespmem:$0x1E800] =	vst v63  }
0xa4: {  	_ =	swait.ge [sflag:s18], $0x2000  }
0xa5: {  	[sflag:s18] =	ssyncset.done $0x0  }
0xa6: {  	[sflag:s18] =	ssyncadd.s32 $0xFFFFE000  }
0xa7: {  	_ =	swait.ge [sflag:s0], $0x2000  }
0xa8: {  	[sflag:s0] =	ssyncset.done $0x0  }
0xa9: {  	[sflag:s0] =	ssyncadd.s32 $0xFFFFE000  }
0xaa: {  	[spmem:s1] =	stream.indirect.scatter.add.f32 [tilespmem:s28], [sflag:$0x5], $0x80, s9, s20, $0xb8;
	[tilespmem:$0x1E800] =	vst v63  }
0xab: {  	_ =	swait.ge [sflag:s18], $0x2000  }
0xac: {  	[sflag:s18] =	ssyncset.done $0x0  }
0xad: {  	s11 =	simm.s32 $0x0;
	s13 =	rddreg [dreg:$0x7];
	[sflag:s18] =	ssyncadd.s32 $0xFFFFE000  }
0xae: {  	[tilespmem:s11], [sflag:$0x5] =	stream.linear.gather [hbm4b:s13+s11], $0x1400, $0x38;
	[tilespmem:$0x1E800] =	vst v63  }
0xaf: {  	_ =	swait.ge [sflag:s18], $0x1400  }
0xb0: {  	[sflag:s18] =	ssyncset.done $0x0  }
0xb1: {  	s13 =	rddreg [dreg:$0x8];
	[sflag:s18] =	ssyncadd.s32 $0xFFFFEC00  }
0xb2: {  	[tilespmem:s19], [sflag:$0x5] =	stream.linear.gather [hbm4b:s13+s11], $0x1400, $0x38;
	[tilespmem:$0x1E800] =	vst v63  }
0xb3: {  	_ =	swait.ge [sflag:s18], $0x1400  }
0xb4: {  	[sflag:s18] =	ssyncset.done $0x0  }
0xb5: {  	[sflag:s18] =	ssyncadd.s32 $0xFFFFEC00  }
0xb6: {  	[tilespmem:s21], [sflag:$0x1] =	stream.indirect.gather [hbm4b:s5+s20], $0x80, s11, s20, $0xb8;
	[tilespmem:$0x1E800] =	vst v63  }
0xb7: {  	_ = 	snop  }
0xb8: {  	[tilespmem:s23], [sflag:$0x2] =	stream.indirect.gather [hbm4b:s5+s20], $0x80, s22, s20, $0xb8;
	[tilespmem:$0x1E800] =	vst v63  }
0xb9: {  	_ = 	snop  }
0xba: {  	[tilespmem:s25], [sflag:$0x3] =	stream.indirect.gather [hbm4b:s5+s20], $0x80, s24, s20, $0xb8;
	[tilespmem:$0x1E800] =	vst v63  }
0xbb: {  	_ = 	snop  }
0xbc: {  	[tilespmem:s28], [sflag:$0x4] =	stream.indirect.gather [hbm4b:s5+s20], $0x80, s26, s20, $0xb8;
	[tilespmem:$0x1E800] =	vst v63  }
0xbd: {  	_ =	swait.ge [sflag:s29], $0x2000  }
0xbe: {  	[sflag:s29] =	ssyncset.done $0x0  }
0xbf: {  	s13 =	simm.s32 $0x1400;
	[sflag:s29] =	ssyncadd.s32 $0xFFFFE000  }
0xc0: {  	[spmem:s1] =	stream.indirect.scatter.add.f32 [tilespmem:s21], [sflag:$0x5], $0x80, s13, s20, $0xb8;
	[tilespmem:$0x1E800] =	vst v63  }
0xc1: {  	_ =	swait.ge [sflag:s18], $0x2000  }
0xc2: {  	[sflag:s18] =	ssyncset.done $0x0  }
0xc3: {  	s12 =	simm.s32 $0x200;
	[sflag:s18] =	ssyncadd.s32 $0xFFFFE000  }
0xc4: {  	[tilespmem:s21], [sflag:$0x1] =	stream.indirect.gather [hbm4b:s5+s20], $0x80, s12, s20, $0xb8;
	[tilespmem:$0x1E800] =	vst v63  }
0xc5: {  	_ =	swait.ge [sflag:s30], $0x2000  }
0xc6: {  	[sflag:s30] =	ssyncset.done $0x0  }
0xc7: {  	s13 =	simm.s32 $0x1480;
	[sflag:s30] =	ssyncadd.s32 $0xFFFFE000  }
0xc8: {  	[spmem:s1] =	stream.indirect.scatter.add.f32 [tilespmem:s23], [sflag:$0x5], $0x80, s13, s20, $0xb8;
	[tilespmem:$0x1E800] =	vst v63  }
0xc9: {  	_ =	swait.ge [sflag:s18], $0x2000  }
0xca: {  	[sflag:s18] =	ssyncset.done $0x0  }
0xcb: {  	s12 =	simm.s32 $0x280;
	[sflag:s18] =	ssyncadd.s32 $0xFFFFE000  }
0xcc: {  	[tilespmem:s23], [sflag:$0x2] =	stream.indirect.gather [hbm4b:s5+s20], $0x80, s12, s20, $0xb8;
	[tilespmem:$0x1E800] =	vst v63  }
0xcd: {  	_ =	swait.ge [sflag:s31], $0x2000  }
0xce: {  	[sflag:s31] =	ssyncset.done $0x0  }
0xcf: {  	s13 =	simm.s32 $0x1500;
	[sflag:s31] =	ssyncadd.s32 $0xFFFFE000  }
0xd0: {  	[spmem:s1] =	stream.indirect.scatter.add.f32 [tilespmem:s25], [sflag:$0x5], $0x80, s13, s20, $0xb8;
	[tilespmem:$0x1E800] =	vst v63  }
0xd1: {  	_ =	swait.ge [sflag:s18], $0x2000  }
0xd2: {  	[sflag:s18] =	ssyncset.done $0x0  }
0xd3: {  	s12 =	simm.s32 $0x300;
	[sflag:s18] =	ssyncadd.s32 $0xFFFFE000  }
0xd4: {  	[tilespmem:s25], [sflag:$0x3] =	stream.indirect.gather [hbm4b:s5+s20], $0x80, s12, s20, $0xb8;
	[tilespmem:$0x1E800] =	vst v63  }
0xd5: {  	_ =	swait.ge [sflag:s0], $0x2000  }
0xd6: {  	[sflag:s0] =	ssyncset.done $0x0  }
0xd7: {  	s13 =	simm.s32 $0x1580;
	[sflag:s0] =	ssyncadd.s32 $0xFFFFE000  }
0xd8: {  	[spmem:s1] =	stream.indirect.scatter.add.f32 [tilespmem:s28], [sflag:$0x5], $0x80, s13, s20, $0xb8;
	[tilespmem:$0x1E800] =	vst v63  }
0xd9: {  	_ =	swait.ge [sflag:s18], $0x2000  }
0xda: {  	[sflag:s18] =	ssyncset.done $0x0  }
0xdb: {  	s11 =	simm.s32 $0x800;
	s12 =	simm.s32 $0x380;
	[sflag:s18] =	ssyncadd.s32 $0xFFFFE000  }
.LBB2_14:
0xdc: {  	[tilespmem:s28], [sflag:$0x4] =	stream.indirect.gather [hbm4b:s5+s20], $0x80, s12, s20, $0xb8;
	[tilespmem:$0x1E800] =	vst v63  }
0xdd: {  	s12 =	smov.u32 s11  }
0xde: {  	p1 =	sne.s32 s11, $0x4000;
	s11 =	sadd.s32 $0x800, s11;
	_ =	swait.ge [sflag:s29], $0x2000  }
0xdf: {  	s12 =	sshra.s32 s12, $0x2;
	[sflag:s29] =	ssyncset.done $0x0  }
0xe0: {  	s13 =	sadd.s32 $0x1400, s12;
	[sflag:s29] =	ssyncadd.s32 $0xFFFFE000  }
0xe1: {  	[spmem:s1] =	stream.indirect.scatter.add.f32 [tilespmem:s21], [sflag:$0x5], $0x80, s13, s20, $0xb8;
	[tilespmem:$0x1E800] =	vst v63  }
0xe2: {  	_ =	swait.ge [sflag:s18], $0x2000  }
0xe3: {  	[sflag:s18] =	ssyncset.done $0x0  }
0xe4: {  	s13 =	sadd.s32 $0x200, s12;
	[sflag:s18] =	ssyncadd.s32 $0xFFFFE000  }
0xe5: {  	[tilespmem:s21], [sflag:$0x1] =	stream.indirect.gather [hbm4b:s5+s20], $0x80, s13, s20, $0xb8;
	[tilespmem:$0x1E800] =	vst v63  }
0xe6: {  	_ =	swait.ge [sflag:s30], $0x2000  }
0xe7: {  	[sflag:s30] =	ssyncset.done $0x0  }
0xe8: {  	s13 =	sadd.s32 $0x1480, s12;
	[sflag:s30] =	ssyncadd.s32 $0xFFFFE000  }
0xe9: {  	[spmem:s1] =	stream.indirect.scatter.add.f32 [tilespmem:s23], [sflag:$0x5], $0x80, s13, s20, $0xb8;
	[tilespmem:$0x1E800] =	vst v63  }
0xea: {  	_ =	swait.ge [sflag:s18], $0x2000  }
0xeb: {  	[sflag:s18] =	ssyncset.done $0x0  }
0xec: {  	s13 =	sadd.s32 $0x280, s12;
	[sflag:s18] =	ssyncadd.s32 $0xFFFFE000  }
0xed: {  	[tilespmem:s23], [sflag:$0x2] =	stream.indirect.gather [hbm4b:s5+s20], $0x80, s13, s20, $0xb8;
	[tilespmem:$0x1E800] =	vst v63  }
0xee: {  	_ =	swait.ge [sflag:s31], $0x2000  }
0xef: {  	[sflag:s31] =	ssyncset.done $0x0  }
0xf0: {  	s13 =	sadd.s32 $0x1500, s12;
	[sflag:s31] =	ssyncadd.s32 $0xFFFFE000  }
0xf1: {  	[spmem:s1] =	stream.indirect.scatter.add.f32 [tilespmem:s25], [sflag:$0x5], $0x80, s13, s20, $0xb8;
	[tilespmem:$0x1E800] =	vst v63  }
0xf2: {  	_ =	swait.ge [sflag:s18], $0x2000  }
0xf3: {  	[sflag:s18] =	ssyncset.done $0x0  }
0xf4: {  	s13 =	sadd.s32 $0x300, s12;
	[sflag:s18] =	ssyncadd.s32 $0xFFFFE000  }
0xf5: {  	[tilespmem:s25], [sflag:$0x3] =	stream.indirect.gather [hbm4b:s5+s20], $0x80, s13, s20, $0xb8;
	[tilespmem:$0x1E800] =	vst v63  }
0xf6: {  	_ =	swait.ge [sflag:s0], $0x2000  }
0xf7: {  	[sflag:s0] =	ssyncset.done $0x0  }
.Ltmp4:
0xf8: {  	s13 =	sadd.s32 $0x1580, s12;
	[sflag:s0] =	ssyncadd.s32 $0xFFFFE000;
	(pc) =	sbr.rel @p1 .LBB2_14-.Ltmp4, $4  }
0xf9: {  	[spmem:s1] =	stream.indirect.scatter.add.f32 [tilespmem:s28], [sflag:$0x5], $0x80, s13, s20, $0xb8;
	[tilespmem:$0x1E800] =	vst v63  }
0xfa: {  	_ =	swait.ge [sflag:s18], $0x2000  }
0xfb: {  	[sflag:s18] =	ssyncset.done $0x0  }
0xfc: {  	s12 =	sadd.s32 $0x380, s12;
	[sflag:s18] =	ssyncadd.s32 $0xFFFFE000  }
0xfd: {  	[tilespmem:s28], [sflag:$0x4] =	stream.indirect.gather [hbm4b:s5+s20], $0x80, s12, s20, $0xb8;
	[tilespmem:$0x1E800] =	vst v63  }
0xfe: {  	_ =	swait.ge [sflag:s29], $0x2000  }
0xff: {  	[sflag:s29] =	ssyncset.done $0x0  }
0x100: {  	[sflag:s29] =	ssyncadd.s32 $0xFFFFE000  }
0x101: {  	[spmem:s1] =	stream.indirect.scatter.add.f32 [tilespmem:s21], [sflag:$0x5], $0x80, s3, s20, $0xb8;
	[tilespmem:$0x1E800] =	vst v63  }
0x102: {  	_ =	swait.ge [sflag:s18], $0x2000  }
0x103: {  	[sflag:s18] =	ssyncset.done $0x0  }
0x104: {  	[sflag:s18] =	ssyncadd.s32 $0xFFFFE000  }
0x105: {  	_ =	swait.ge [sflag:s30], $0x2000  }
0x106: {  	[sflag:s30] =	ssyncset.done $0x0  }
0x107: {  	[sflag:s30] =	ssyncadd.s32 $0xFFFFE000  }
0x108: {  	[spmem:s1] =	stream.indirect.scatter.add.f32 [tilespmem:s23], [sflag:$0x5], $0x80, s6, s20, $0xb8;
	[tilespmem:$0x1E800] =	vst v63  }
0x109: {  	_ =	swait.ge [sflag:s18], $0x2000  }
0x10a: {  	[sflag:s18] =	ssyncset.done $0x0  }
0x10b: {  	[sflag:s18] =	ssyncadd.s32 $0xFFFFE000  }
0x10c: {  	_ =	swait.ge [sflag:s31], $0x2000  }
0x10d: {  	[sflag:s31] =	ssyncset.done $0x0  }
0x10e: {  	[sflag:s31] =	ssyncadd.s32 $0xFFFFE000  }
0x10f: {  	[spmem:s1] =	stream.indirect.scatter.add.f32 [tilespmem:s25], [sflag:$0x5], $0x80, s7, s20, $0xb8;
	[tilespmem:$0x1E800] =	vst v63  }
0x110: {  	_ =	swait.ge [sflag:s18], $0x2000  }
0x111: {  	[sflag:s18] =	ssyncset.done $0x0  }
0x112: {  	[sflag:s18] =	ssyncadd.s32 $0xFFFFE000  }
0x113: {  	_ =	swait.ge [sflag:s0], $0x2000  }
0x114: {  	[sflag:s0] =	ssyncset.done $0x0  }
0x115: {  	[sflag:s0] =	ssyncadd.s32 $0xFFFFE000  }
0x116: {  	[spmem:s1] =	stream.indirect.scatter.add.f32 [tilespmem:s28], [sflag:$0x5], $0x80, s9, s20, $0xb8;
	[tilespmem:$0x1E800] =	vst v63  }
0x117: {  	_ =	swait.ge [sflag:s18], $0x2000  }
0x118: {  	[sflag:s18] =	ssyncset.done $0x0  }
0x119: {  	s11 =	simm.s32 $0x0;
	s13 =	rddreg [dreg:$0x9];
	[sflag:s18] =	ssyncadd.s32 $0xFFFFE000  }
0x11a: {  	[tilespmem:s11], [sflag:$0x5] =	stream.linear.gather [hbm4b:s13+s11], $0x1400, $0x38;
	[tilespmem:$0x1E800] =	vst v63  }
0x11b: {  	_ =	swait.ge [sflag:s18], $0x1400  }
0x11c: {  	[sflag:s18] =	ssyncset.done $0x0  }
0x11d: {  	s13 =	rddreg [dreg:$0xa];
	[sflag:s18] =	ssyncadd.s32 $0xFFFFEC00  }
0x11e: {  	[tilespmem:s19], [sflag:$0x5] =	stream.linear.gather [hbm4b:s13+s11], $0x1400, $0x38;
	[tilespmem:$0x1E800] =	vst v63  }
0x11f: {  	_ =	swait.ge [sflag:s18], $0x1400  }
0x120: {  	[sflag:s18] =	ssyncset.done $0x0  }
0x121: {  	[sflag:s18] =	ssyncadd.s32 $0xFFFFEC00  }
0x122: {  	[tilespmem:s21], [sflag:$0x1] =	stream.indirect.gather [hbm4b:s5+s20], $0x80, s11, s20, $0xb8;
	[tilespmem:$0x1E800] =	vst v63  }
0x123: {  	_ = 	snop  }
0x124: {  	[tilespmem:s23], [sflag:$0x2] =	stream.indirect.gather [hbm4b:s5+s20], $0x80, s22, s20, $0xb8;
	[tilespmem:$0x1E800] =	vst v63  }
0x125: {  	_ = 	snop  }
0x126: {  	[tilespmem:s25], [sflag:$0x3] =	stream.indirect.gather [hbm4b:s5+s20], $0x80, s24, s20, $0xb8;
	[tilespmem:$0x1E800] =	vst v63  }
0x127: {  	_ = 	snop  }
0x128: {  	[tilespmem:s28], [sflag:$0x4] =	stream.indirect.gather [hbm4b:s5+s20], $0x80, s26, s20, $0xb8;
	[tilespmem:$0x1E800] =	vst v63  }
0x129: {  	_ =	swait.ge [sflag:s29], $0x2000  }
0x12a: {  	[sflag:s29] =	ssyncset.done $0x0  }
0x12b: {  	s13 =	simm.s32 $0x1400;
	[sflag:s29] =	ssyncadd.s32 $0xFFFFE000  }
0x12c: {  	[spmem:s1] =	stream.indirect.scatter.add.f32 [tilespmem:s21], [sflag:$0x5], $0x80, s13, s20, $0xb8;
	[tilespmem:$0x1E800] =	vst v63  }
0x12d: {  	_ =	swait.ge [sflag:s18], $0x2000  }
0x12e: {  	[sflag:s18] =	ssyncset.done $0x0  }
0x12f: {  	s12 =	simm.s32 $0x200;
	[sflag:s18] =	ssyncadd.s32 $0xFFFFE000  }
0x130: {  	[tilespmem:s21], [sflag:$0x1] =	stream.indirect.gather [hbm4b:s5+s20], $0x80, s12, s20, $0xb8;
	[tilespmem:$0x1E800] =	vst v63  }
0x131: {  	_ =	swait.ge [sflag:s30], $0x2000  }
0x132: {  	[sflag:s30] =	ssyncset.done $0x0  }
0x133: {  	s13 =	simm.s32 $0x1480;
	[sflag:s30] =	ssyncadd.s32 $0xFFFFE000  }
0x134: {  	[spmem:s1] =	stream.indirect.scatter.add.f32 [tilespmem:s23], [sflag:$0x5], $0x80, s13, s20, $0xb8;
	[tilespmem:$0x1E800] =	vst v63  }
0x135: {  	_ =	swait.ge [sflag:s18], $0x2000  }
0x136: {  	[sflag:s18] =	ssyncset.done $0x0  }
0x137: {  	s12 =	simm.s32 $0x280;
	[sflag:s18] =	ssyncadd.s32 $0xFFFFE000  }
0x138: {  	[tilespmem:s23], [sflag:$0x2] =	stream.indirect.gather [hbm4b:s5+s20], $0x80, s12, s20, $0xb8;
	[tilespmem:$0x1E800] =	vst v63  }
0x139: {  	_ =	swait.ge [sflag:s31], $0x2000  }
0x13a: {  	[sflag:s31] =	ssyncset.done $0x0  }
0x13b: {  	s13 =	simm.s32 $0x1500;
	[sflag:s31] =	ssyncadd.s32 $0xFFFFE000  }
0x13c: {  	[spmem:s1] =	stream.indirect.scatter.add.f32 [tilespmem:s25], [sflag:$0x5], $0x80, s13, s20, $0xb8;
	[tilespmem:$0x1E800] =	vst v63  }
0x13d: {  	_ =	swait.ge [sflag:s18], $0x2000  }
0x13e: {  	[sflag:s18] =	ssyncset.done $0x0  }
0x13f: {  	s12 =	simm.s32 $0x300;
	[sflag:s18] =	ssyncadd.s32 $0xFFFFE000  }
0x140: {  	[tilespmem:s25], [sflag:$0x3] =	stream.indirect.gather [hbm4b:s5+s20], $0x80, s12, s20, $0xb8;
	[tilespmem:$0x1E800] =	vst v63  }
0x141: {  	_ =	swait.ge [sflag:s0], $0x2000  }
0x142: {  	[sflag:s0] =	ssyncset.done $0x0  }
0x143: {  	s13 =	simm.s32 $0x1580;
	[sflag:s0] =	ssyncadd.s32 $0xFFFFE000  }
0x144: {  	[spmem:s1] =	stream.indirect.scatter.add.f32 [tilespmem:s28], [sflag:$0x5], $0x80, s13, s20, $0xb8;
	[tilespmem:$0x1E800] =	vst v63  }
0x145: {  	_ =	swait.ge [sflag:s18], $0x2000  }
0x146: {  	[sflag:s18] =	ssyncset.done $0x0  }
0x147: {  	s11 =	simm.s32 $0x800;
	s12 =	simm.s32 $0x380;
	[sflag:s18] =	ssyncadd.s32 $0xFFFFE000  }
.LBB2_16:
0x148: {  	[tilespmem:s28], [sflag:$0x4] =	stream.indirect.gather [hbm4b:s5+s20], $0x80, s12, s20, $0xb8;
	[tilespmem:$0x1E800] =	vst v63  }
0x149: {  	s12 =	smov.u32 s11  }
0x14a: {  	p1 =	sne.s32 s11, $0x4000;
	s11 =	sadd.s32 $0x800, s11;
	_ =	swait.ge [sflag:s29], $0x2000  }
0x14b: {  	s12 =	sshra.s32 s12, $0x2;
	[sflag:s29] =	ssyncset.done $0x0  }
0x14c: {  	s13 =	sadd.s32 $0x1400, s12;
	[sflag:s29] =	ssyncadd.s32 $0xFFFFE000  }
0x14d: {  	[spmem:s1] =	stream.indirect.scatter.add.f32 [tilespmem:s21], [sflag:$0x5], $0x80, s13, s20, $0xb8;
	[tilespmem:$0x1E800] =	vst v63  }
0x14e: {  	_ =	swait.ge [sflag:s18], $0x2000  }
0x14f: {  	[sflag:s18] =	ssyncset.done $0x0  }
0x150: {  	s13 =	sadd.s32 $0x200, s12;
	[sflag:s18] =	ssyncadd.s32 $0xFFFFE000  }
0x151: {  	[tilespmem:s21], [sflag:$0x1] =	stream.indirect.gather [hbm4b:s5+s20], $0x80, s13, s20, $0xb8;
	[tilespmem:$0x1E800] =	vst v63  }
0x152: {  	_ =	swait.ge [sflag:s30], $0x2000  }
0x153: {  	[sflag:s30] =	ssyncset.done $0x0  }
0x154: {  	s13 =	sadd.s32 $0x1480, s12;
	[sflag:s30] =	ssyncadd.s32 $0xFFFFE000  }
0x155: {  	[spmem:s1] =	stream.indirect.scatter.add.f32 [tilespmem:s23], [sflag:$0x5], $0x80, s13, s20, $0xb8;
	[tilespmem:$0x1E800] =	vst v63  }
0x156: {  	_ =	swait.ge [sflag:s18], $0x2000  }
0x157: {  	[sflag:s18] =	ssyncset.done $0x0  }
0x158: {  	s13 =	sadd.s32 $0x280, s12;
	[sflag:s18] =	ssyncadd.s32 $0xFFFFE000  }
0x159: {  	[tilespmem:s23], [sflag:$0x2] =	stream.indirect.gather [hbm4b:s5+s20], $0x80, s13, s20, $0xb8;
	[tilespmem:$0x1E800] =	vst v63  }
0x15a: {  	_ =	swait.ge [sflag:s31], $0x2000  }
0x15b: {  	[sflag:s31] =	ssyncset.done $0x0  }
0x15c: {  	s13 =	sadd.s32 $0x1500, s12;
	[sflag:s31] =	ssyncadd.s32 $0xFFFFE000  }
0x15d: {  	[spmem:s1] =	stream.indirect.scatter.add.f32 [tilespmem:s25], [sflag:$0x5], $0x80, s13, s20, $0xb8;
	[tilespmem:$0x1E800] =	vst v63  }
0x15e: {  	_ =	swait.ge [sflag:s18], $0x2000  }
0x15f: {  	[sflag:s18] =	ssyncset.done $0x0  }
0x160: {  	s13 =	sadd.s32 $0x300, s12;
	[sflag:s18] =	ssyncadd.s32 $0xFFFFE000  }
0x161: {  	[tilespmem:s25], [sflag:$0x3] =	stream.indirect.gather [hbm4b:s5+s20], $0x80, s13, s20, $0xb8;
	[tilespmem:$0x1E800] =	vst v63  }
0x162: {  	_ =	swait.ge [sflag:s0], $0x2000  }
0x163: {  	[sflag:s0] =	ssyncset.done $0x0  }
.Ltmp5:
0x164: {  	s13 =	sadd.s32 $0x1580, s12;
	[sflag:s0] =	ssyncadd.s32 $0xFFFFE000;
	(pc) =	sbr.rel @p1 .LBB2_16-.Ltmp5, $4  }
0x165: {  	[spmem:s1] =	stream.indirect.scatter.add.f32 [tilespmem:s28], [sflag:$0x5], $0x80, s13, s20, $0xb8;
	[tilespmem:$0x1E800] =	vst v63  }
0x166: {  	_ =	swait.ge [sflag:s18], $0x2000  }
0x167: {  	[sflag:s18] =	ssyncset.done $0x0  }
0x168: {  	s12 =	sadd.s32 $0x380, s12;
	[sflag:s18] =	ssyncadd.s32 $0xFFFFE000  }
0x169: {  	[tilespmem:s28], [sflag:$0x4] =	stream.indirect.gather [hbm4b:s5+s20], $0x80, s12, s20, $0xb8;
	[tilespmem:$0x1E800] =	vst v63  }
0x16a: {  	_ =	swait.ge [sflag:s29], $0x2000  }
0x16b: {  	[sflag:s29] =	ssyncset.done $0x0  }
0x16c: {  	[sflag:s29] =	ssyncadd.s32 $0xFFFFE000  }
0x16d: {  	[spmem:s1] =	stream.indirect.scatter.add.f32 [tilespmem:s21], [sflag:$0x5], $0x80, s3, s20, $0xb8;
	[tilespmem:$0x1E800] =	vst v63  }
0x16e: {  	_ =	swait.ge [sflag:s18], $0x2000  }
0x16f: {  	[sflag:s18] =	ssyncset.done $0x0  }
0x170: {  	[sflag:s18] =	ssyncadd.s32 $0xFFFFE000  }
0x171: {  	_ =	swait.ge [sflag:s30], $0x2000  }
0x172: {  	[sflag:s30] =	ssyncset.done $0x0  }
0x173: {  	[sflag:s30] =	ssyncadd.s32 $0xFFFFE000  }
0x174: {  	[spmem:s1] =	stream.indirect.scatter.add.f32 [tilespmem:s23], [sflag:$0x5], $0x80, s6, s20, $0xb8;
	[tilespmem:$0x1E800] =	vst v63  }
0x175: {  	_ =	swait.ge [sflag:s18], $0x2000  }
0x176: {  	[sflag:s18] =	ssyncset.done $0x0  }
0x177: {  	[sflag:s18] =	ssyncadd.s32 $0xFFFFE000  }
0x178: {  	_ =	swait.ge [sflag:s31], $0x2000  }
0x179: {  	[sflag:s31] =	ssyncset.done $0x0  }
0x17a: {  	[sflag:s31] =	ssyncadd.s32 $0xFFFFE000  }
0x17b: {  	[spmem:s1] =	stream.indirect.scatter.add.f32 [tilespmem:s25], [sflag:$0x5], $0x80, s7, s20, $0xb8;
	[tilespmem:$0x1E800] =	vst v63  }
0x17c: {  	_ =	swait.ge [sflag:s18], $0x2000  }
0x17d: {  	[sflag:s18] =	ssyncset.done $0x0  }
0x17e: {  	[sflag:s18] =	ssyncadd.s32 $0xFFFFE000  }
0x17f: {  	_ =	swait.ge [sflag:s0], $0x2000  }
0x180: {  	[sflag:s0] =	ssyncset.done $0x0  }
0x181: {  	[sflag:s0] =	ssyncadd.s32 $0xFFFFE000  }
0x182: {  	[spmem:s1] =	stream.indirect.scatter.add.f32 [tilespmem:s28], [sflag:$0x5], $0x80, s9, s20, $0xb8;
	[tilespmem:$0x1E800] =	vst v63  }
0x183: {  	_ =	swait.ge [sflag:s18], $0x2000  }
0x184: {  	[sflag:s18] =	ssyncset.done $0x0  }
0x185: {  	s11 =	simm.s32 $0x0;
	[sflag:s18] =	ssyncadd.s32 $0xFFFFE000  }
0x186: {  	[tilespmem:s11], [sflag:$0x5] =	stream.linear.gather [hbm4b:s14+s11], $0x1400, $0x38;
	[tilespmem:$0x1E800] =	vst v63  }
0x187: {  	_ =	swait.ge [sflag:s18], $0x1400  }
0x188: {  	[sflag:s18] =	ssyncset.done $0x0  }
0x189: {  	[sflag:s18] =	ssyncadd.s32 $0xFFFFEC00  }
0x18a: {  	[tilespmem:s19], [sflag:$0x5] =	stream.linear.gather [hbm4b:s15+s11], $0x1400, $0x38;
	[tilespmem:$0x1E800] =	vst v63  }
0x18b: {  	_ =	swait.ge [sflag:s18], $0x1400  }
0x18c: {  	[sflag:s18] =	ssyncset.done $0x0  }
0x18d: {  	[sflag:s18] =	ssyncadd.s32 $0xFFFFEC00  }
0x18e: {  	[tilespmem:s21], [sflag:$0x1] =	stream.indirect.gather [hbm4b:s5+s20], $0x80, s11, s20, $0xb8;
	[tilespmem:$0x1E800] =	vst v63  }
0x18f: {  	_ = 	snop  }
0x190: {  	[tilespmem:s23], [sflag:$0x2] =	stream.indirect.gather [hbm4b:s5+s20], $0x80, s22, s20, $0xb8;
	[tilespmem:$0x1E800] =	vst v63  }
0x191: {  	_ = 	snop  }
0x192: {  	[tilespmem:s25], [sflag:$0x3] =	stream.indirect.gather [hbm4b:s5+s20], $0x80, s24, s20, $0xb8;
	[tilespmem:$0x1E800] =	vst v63  }
0x193: {  	_ = 	snop  }
0x194: {  	[tilespmem:s28], [sflag:$0x4] =	stream.indirect.gather [hbm4b:s5+s20], $0x80, s26, s20, $0xb8;
	[tilespmem:$0x1E800] =	vst v63  }
0x195: {  	_ =	swait.ge [sflag:s29], $0x2000  }
0x196: {  	[sflag:s29] =	ssyncset.done $0x0  }
0x197: {  	s13 =	simm.s32 $0x1400;
	[sflag:s29] =	ssyncadd.s32 $0xFFFFE000  }
0x198: {  	[spmem:s1] =	stream.indirect.scatter.add.f32 [tilespmem:s21], [sflag:$0x5], $0x80, s13, s20, $0xb8;
	[tilespmem:$0x1E800] =	vst v63  }
0x199: {  	_ =	swait.ge [sflag:s18], $0x2000  }
0x19a: {  	[sflag:s18] =	ssyncset.done $0x0  }
0x19b: {  	s12 =	simm.s32 $0x200;
	[sflag:s18] =	ssyncadd.s32 $0xFFFFE000  }
0x19c: {  	[tilespmem:s21], [sflag:$0x1] =	stream.indirect.gather [hbm4b:s5+s20], $0x80, s12, s20, $0xb8;
	[tilespmem:$0x1E800] =	vst v63  }
0x19d: {  	_ =	swait.ge [sflag:s30], $0x2000  }
0x19e: {  	[sflag:s30] =	ssyncset.done $0x0  }
0x19f: {  	s13 =	simm.s32 $0x1480;
	[sflag:s30] =	ssyncadd.s32 $0xFFFFE000  }
0x1a0: {  	[spmem:s1] =	stream.indirect.scatter.add.f32 [tilespmem:s23], [sflag:$0x5], $0x80, s13, s20, $0xb8;
	[tilespmem:$0x1E800] =	vst v63  }
0x1a1: {  	_ =	swait.ge [sflag:s18], $0x2000  }
0x1a2: {  	[sflag:s18] =	ssyncset.done $0x0  }
0x1a3: {  	s12 =	simm.s32 $0x280;
	[sflag:s18] =	ssyncadd.s32 $0xFFFFE000  }
0x1a4: {  	[tilespmem:s23], [sflag:$0x2] =	stream.indirect.gather [hbm4b:s5+s20], $0x80, s12, s20, $0xb8;
	[tilespmem:$0x1E800] =	vst v63  }
0x1a5: {  	_ =	swait.ge [sflag:s31], $0x2000  }
0x1a6: {  	[sflag:s31] =	ssyncset.done $0x0  }
0x1a7: {  	s13 =	simm.s32 $0x1500;
	[sflag:s31] =	ssyncadd.s32 $0xFFFFE000  }
0x1a8: {  	[spmem:s1] =	stream.indirect.scatter.add.f32 [tilespmem:s25], [sflag:$0x5], $0x80, s13, s20, $0xb8;
	[tilespmem:$0x1E800] =	vst v63  }
0x1a9: {  	_ =	swait.ge [sflag:s18], $0x2000  }
0x1aa: {  	[sflag:s18] =	ssyncset.done $0x0  }
0x1ab: {  	s12 =	simm.s32 $0x300;
	[sflag:s18] =	ssyncadd.s32 $0xFFFFE000  }
0x1ac: {  	[tilespmem:s25], [sflag:$0x3] =	stream.indirect.gather [hbm4b:s5+s20], $0x80, s12, s20, $0xb8;
	[tilespmem:$0x1E800] =	vst v63  }
0x1ad: {  	_ =	swait.ge [sflag:s0], $0x2000  }
0x1ae: {  	[sflag:s0] =	ssyncset.done $0x0  }
0x1af: {  	s13 =	simm.s32 $0x1580;
	[sflag:s0] =	ssyncadd.s32 $0xFFFFE000  }
0x1b0: {  	[spmem:s1] =	stream.indirect.scatter.add.f32 [tilespmem:s28], [sflag:$0x5], $0x80, s13, s20, $0xb8;
	[tilespmem:$0x1E800] =	vst v63  }
0x1b1: {  	_ =	swait.ge [sflag:s18], $0x2000  }
0x1b2: {  	[sflag:s18] =	ssyncset.done $0x0  }
0x1b3: {  	s11 =	simm.s32 $0x800;
	s12 =	simm.s32 $0x380;
	[sflag:s18] =	ssyncadd.s32 $0xFFFFE000  }
.LBB2_18:
0x1b4: {  	[tilespmem:s28], [sflag:$0x4] =	stream.indirect.gather [hbm4b:s5+s20], $0x80, s12, s20, $0xb8;
	[tilespmem:$0x1E800] =	vst v63  }
0x1b5: {  	s12 =	smov.u32 s11  }
0x1b6: {  	p1 =	sne.s32 s11, $0x4000;
	s11 =	sadd.s32 $0x800, s11;
	_ =	swait.ge [sflag:s29], $0x2000  }
0x1b7: {  	s12 =	sshra.s32 s12, $0x2;
	[sflag:s29] =	ssyncset.done $0x0  }
0x1b8: {  	s13 =	sadd.s32 $0x1400, s12;
	[sflag:s29] =	ssyncadd.s32 $0xFFFFE000  }
0x1b9: {  	[spmem:s1] =	stream.indirect.scatter.add.f32 [tilespmem:s21], [sflag:$0x5], $0x80, s13, s20, $0xb8;
	[tilespmem:$0x1E800] =	vst v63  }
0x1ba: {  	_ =	swait.ge [sflag:s18], $0x2000  }
0x1bb: {  	[sflag:s18] =	ssyncset.done $0x0  }
0x1bc: {  	s13 =	sadd.s32 $0x200, s12;
	[sflag:s18] =	ssyncadd.s32 $0xFFFFE000  }
0x1bd: {  	[tilespmem:s21], [sflag:$0x1] =	stream.indirect.gather [hbm4b:s5+s20], $0x80, s13, s20, $0xb8;
	[tilespmem:$0x1E800] =	vst v63  }
0x1be: {  	_ =	swait.ge [sflag:s30], $0x2000  }
0x1bf: {  	[sflag:s30] =	ssyncset.done $0x0  }
0x1c0: {  	s13 =	sadd.s32 $0x1480, s12;
	[sflag:s30] =	ssyncadd.s32 $0xFFFFE000  }
0x1c1: {  	[spmem:s1] =	stream.indirect.scatter.add.f32 [tilespmem:s23], [sflag:$0x5], $0x80, s13, s20, $0xb8;
	[tilespmem:$0x1E800] =	vst v63  }
0x1c2: {  	_ =	swait.ge [sflag:s18], $0x2000  }
0x1c3: {  	[sflag:s18] =	ssyncset.done $0x0  }
0x1c4: {  	s13 =	sadd.s32 $0x280, s12;
	[sflag:s18] =	ssyncadd.s32 $0xFFFFE000  }
0x1c5: {  	[tilespmem:s23], [sflag:$0x2] =	stream.indirect.gather [hbm4b:s5+s20], $0x80, s13, s20, $0xb8;
	[tilespmem:$0x1E800] =	vst v63  }
0x1c6: {  	_ =	swait.ge [sflag:s31], $0x2000  }
0x1c7: {  	[sflag:s31] =	ssyncset.done $0x0  }
0x1c8: {  	s13 =	sadd.s32 $0x1500, s12;
	[sflag:s31] =	ssyncadd.s32 $0xFFFFE000  }
0x1c9: {  	[spmem:s1] =	stream.indirect.scatter.add.f32 [tilespmem:s25], [sflag:$0x5], $0x80, s13, s20, $0xb8;
	[tilespmem:$0x1E800] =	vst v63  }
0x1ca: {  	_ =	swait.ge [sflag:s18], $0x2000  }
0x1cb: {  	[sflag:s18] =	ssyncset.done $0x0  }
0x1cc: {  	s13 =	sadd.s32 $0x300, s12;
	[sflag:s18] =	ssyncadd.s32 $0xFFFFE000  }
0x1cd: {  	[tilespmem:s25], [sflag:$0x3] =	stream.indirect.gather [hbm4b:s5+s20], $0x80, s13, s20, $0xb8;
	[tilespmem:$0x1E800] =	vst v63  }
0x1ce: {  	_ =	swait.ge [sflag:s0], $0x2000  }
0x1cf: {  	[sflag:s0] =	ssyncset.done $0x0  }
.Ltmp6:
0x1d0: {  	s13 =	sadd.s32 $0x1580, s12;
	[sflag:s0] =	ssyncadd.s32 $0xFFFFE000;
	(pc) =	sbr.rel @p1 .LBB2_18-.Ltmp6, $4  }
0x1d1: {  	[spmem:s1] =	stream.indirect.scatter.add.f32 [tilespmem:s28], [sflag:$0x5], $0x80, s13, s20, $0xb8;
	[tilespmem:$0x1E800] =	vst v63  }
0x1d2: {  	_ =	swait.ge [sflag:s18], $0x2000  }
0x1d3: {  	[sflag:s18] =	ssyncset.done $0x0  }
0x1d4: {  	s12 =	sadd.s32 $0x380, s12;
	[sflag:s18] =	ssyncadd.s32 $0xFFFFE000  }
.Ltmp7:
0x1d5: {  	_ = 	snop;
	(pc) =	sbr.rel .LBB2_19-.Ltmp7, $1  }
0x1d6: {  	_ =	sdelay $0x3  }
.LBB2_2:
0x1d7: {  	[tilespmem:s21], [sflag:$0x1] =	stream.indirect.gather [hbm4b:s4+s20], $0x80, s11, s20, $0xb8;
	[tilespmem:$0x1E800] =	vst v63  }
0x1d8: {  	_ = 	snop  }
0x1d9: {  	[tilespmem:s23], [sflag:$0x2] =	stream.indirect.gather [hbm4b:s4+s20], $0x80, s22, s20, $0xb8;
	[tilespmem:$0x1E800] =	vst v63  }
0x1da: {  	s12 =	sshll.u32 s2, $0x6  }
0x1db: {  	[tilespmem:s25], [sflag:$0x3] =	stream.indirect.gather [hbm4b:s4+s20], $0x80, s24, s20, $0xb8;
	[tilespmem:$0x1E800] =	vst v63  }
0x1dc: {  	s13 =	rddreg [dreg:$0x6];
	s11 =	sor.u32 $0x1C05, s12;
	s12 =	sshrl.u32 s8, $0x3  }
0x1dd: {  	[tilespmem:s28], [sflag:$0x4] =	stream.indirect.gather [hbm4b:s4+s20], $0x80, s26, s20, $0xb8;
	[tilespmem:$0x1E800] =	vst v63  }
0x1de: {  	[spmem:s12], [sflag:s11] =	dma.local [hbm:s13], $0x2800  }
0x1df: {  	_ =	swait.ge [sflag:s18], $0x2800  }
0x1e0: {  	[sflag:s18] =	ssyncset.done $0x0  }
0x1e1: {  	[sflag:s18] =	ssyncadd.s32 $0xFFFFD800  }
0x1e2: {  	[bflag:$0x0] =	sbarrier.arrive $0xFFFF  }
0x1e3: {  	_ =	swait.ge [sflag:s29], $0x2000  }
0x1e4: {  	[sflag:s29] =	ssyncset.done $0x0  }
0x1e5: {  	s13 =	simm.s32 $0x1400;
	[sflag:s29] =	ssyncadd.s32 $0xFFFFE000  }
0x1e6: {  	[spmem:s1] =	stream.indirect.scatter.add.f32 [tilespmem:s21], [sflag:$0x5], $0x80, s13, s20, $0xb8;
	[tilespmem:$0x1E800] =	vst v63  }
0x1e7: {  	_ =	swait.ge [sflag:s18], $0x2000  }
0x1e8: {  	[sflag:s18] =	ssyncset.done $0x0  }
0x1e9: {  	s12 =	simm.s32 $0x200;
	[sflag:s18] =	ssyncadd.s32 $0xFFFFE000  }
0x1ea: {  	[tilespmem:s21], [sflag:$0x1] =	stream.indirect.gather [hbm4b:s4+s20], $0x80, s12, s20, $0xb8;
	[tilespmem:$0x1E800] =	vst v63  }
0x1eb: {  	_ =	swait.ge [sflag:s30], $0x2000  }
0x1ec: {  	[sflag:s30] =	ssyncset.done $0x0  }
0x1ed: {  	s13 =	simm.s32 $0x1480;
	[sflag:s30] =	ssyncadd.s32 $0xFFFFE000  }
0x1ee: {  	[spmem:s1] =	stream.indirect.scatter.add.f32 [tilespmem:s23], [sflag:$0x5], $0x80, s13, s20, $0xb8;
	[tilespmem:$0x1E800] =	vst v63  }
0x1ef: {  	_ =	swait.ge [sflag:s18], $0x2000  }
0x1f0: {  	[sflag:s18] =	ssyncset.done $0x0  }
0x1f1: {  	s12 =	simm.s32 $0x280;
	[sflag:s18] =	ssyncadd.s32 $0xFFFFE000  }
0x1f2: {  	[tilespmem:s23], [sflag:$0x2] =	stream.indirect.gather [hbm4b:s4+s20], $0x80, s12, s20, $0xb8;
	[tilespmem:$0x1E800] =	vst v63  }
0x1f3: {  	_ =	swait.ge [sflag:s31], $0x2000  }
0x1f4: {  	[sflag:s31] =	ssyncset.done $0x0  }
0x1f5: {  	s13 =	simm.s32 $0x1500;
	[sflag:s31] =	ssyncadd.s32 $0xFFFFE000  }
0x1f6: {  	[spmem:s1] =	stream.indirect.scatter.add.f32 [tilespmem:s25], [sflag:$0x5], $0x80, s13, s20, $0xb8;
	[tilespmem:$0x1E800] =	vst v63  }
0x1f7: {  	_ =	swait.ge [sflag:s18], $0x2000  }
0x1f8: {  	[sflag:s18] =	ssyncset.done $0x0  }
0x1f9: {  	s12 =	simm.s32 $0x300;
	[sflag:s18] =	ssyncadd.s32 $0xFFFFE000  }
0x1fa: {  	[tilespmem:s25], [sflag:$0x3] =	stream.indirect.gather [hbm4b:s4+s20], $0x80, s12, s20, $0xb8;
	[tilespmem:$0x1E800] =	vst v63  }
0x1fb: {  	_ =	swait.ge [sflag:s0], $0x2000  }
0x1fc: {  	[sflag:s0] =	ssyncset.done $0x0  }
0x1fd: {  	s13 =	simm.s32 $0x1580;
	[sflag:s0] =	ssyncadd.s32 $0xFFFFE000  }
0x1fe: {  	[spmem:s1] =	stream.indirect.scatter.add.f32 [tilespmem:s28], [sflag:$0x5], $0x80, s13, s20, $0xb8;
	[tilespmem:$0x1E800] =	vst v63  }
0x1ff: {  	_ =	swait.ge [sflag:s18], $0x2000  }
0x200: {  	[sflag:s18] =	ssyncset.done $0x0  }
0x201: {  	s11 =	simm.s32 $0x800;
	s12 =	simm.s32 $0x380;
	[sflag:s18] =	ssyncadd.s32 $0xFFFFE000  }
.LBB2_3:
0x202: {  	[tilespmem:s28], [sflag:$0x4] =	stream.indirect.gather [hbm4b:s4+s20], $0x80, s12, s20, $0xb8;
	[tilespmem:$0x1E800] =	vst v63  }
0x203: {  	s12 =	smov.u32 s11  }
0x204: {  	p1 =	sne.s32 s11, $0x4000;
	s11 =	sadd.s32 $0x800, s11;
	_ =	swait.ge [sflag:s29], $0x2000  }
0x205: {  	s12 =	sshra.s32 s12, $0x2;
	[sflag:s29] =	ssyncset.done $0x0  }
0x206: {  	s13 =	sadd.s32 $0x1400, s12;
	[sflag:s29] =	ssyncadd.s32 $0xFFFFE000  }
0x207: {  	[spmem:s1] =	stream.indirect.scatter.add.f32 [tilespmem:s21], [sflag:$0x5], $0x80, s13, s20, $0xb8;
	[tilespmem:$0x1E800] =	vst v63  }
0x208: {  	_ =	swait.ge [sflag:s18], $0x2000  }
0x209: {  	[sflag:s18] =	ssyncset.done $0x0  }
0x20a: {  	s13 =	sadd.s32 $0x200, s12;
	[sflag:s18] =	ssyncadd.s32 $0xFFFFE000  }
0x20b: {  	[tilespmem:s21], [sflag:$0x1] =	stream.indirect.gather [hbm4b:s4+s20], $0x80, s13, s20, $0xb8;
	[tilespmem:$0x1E800] =	vst v63  }
0x20c: {  	_ =	swait.ge [sflag:s30], $0x2000  }
0x20d: {  	[sflag:s30] =	ssyncset.done $0x0  }
0x20e: {  	s13 =	sadd.s32 $0x1480, s12;
	[sflag:s30] =	ssyncadd.s32 $0xFFFFE000  }
0x20f: {  	[spmem:s1] =	stream.indirect.scatter.add.f32 [tilespmem:s23], [sflag:$0x5], $0x80, s13, s20, $0xb8;
	[tilespmem:$0x1E800] =	vst v63  }
0x210: {  	_ =	swait.ge [sflag:s18], $0x2000  }
0x211: {  	[sflag:s18] =	ssyncset.done $0x0  }
0x212: {  	s13 =	sadd.s32 $0x280, s12;
	[sflag:s18] =	ssyncadd.s32 $0xFFFFE000  }
0x213: {  	[tilespmem:s23], [sflag:$0x2] =	stream.indirect.gather [hbm4b:s4+s20], $0x80, s13, s20, $0xb8;
	[tilespmem:$0x1E800] =	vst v63  }
0x214: {  	_ =	swait.ge [sflag:s31], $0x2000  }
0x215: {  	[sflag:s31] =	ssyncset.done $0x0  }
0x216: {  	s13 =	sadd.s32 $0x1500, s12;
	[sflag:s31] =	ssyncadd.s32 $0xFFFFE000  }
0x217: {  	[spmem:s1] =	stream.indirect.scatter.add.f32 [tilespmem:s25], [sflag:$0x5], $0x80, s13, s20, $0xb8;
	[tilespmem:$0x1E800] =	vst v63  }
0x218: {  	_ =	swait.ge [sflag:s18], $0x2000  }
0x219: {  	[sflag:s18] =	ssyncset.done $0x0  }
0x21a: {  	s13 =	sadd.s32 $0x300, s12;
	[sflag:s18] =	ssyncadd.s32 $0xFFFFE000  }
0x21b: {  	[tilespmem:s25], [sflag:$0x3] =	stream.indirect.gather [hbm4b:s4+s20], $0x80, s13, s20, $0xb8;
	[tilespmem:$0x1E800] =	vst v63  }
0x21c: {  	_ =	swait.ge [sflag:s0], $0x2000  }
0x21d: {  	[sflag:s0] =	ssyncset.done $0x0  }
.Ltmp8:
0x21e: {  	s13 =	sadd.s32 $0x1580, s12;
	[sflag:s0] =	ssyncadd.s32 $0xFFFFE000;
	(pc) =	sbr.rel @p1 .LBB2_3-.Ltmp8, $4  }
0x21f: {  	[spmem:s1] =	stream.indirect.scatter.add.f32 [tilespmem:s28], [sflag:$0x5], $0x80, s13, s20, $0xb8;
	[tilespmem:$0x1E800] =	vst v63  }
0x220: {  	_ =	swait.ge [sflag:s18], $0x2000  }
0x221: {  	[sflag:s18] =	ssyncset.done $0x0  }
0x222: {  	s12 =	sadd.s32 $0x380, s12;
	[sflag:s18] =	ssyncadd.s32 $0xFFFFE000  }
0x223: {  	[tilespmem:s28], [sflag:$0x4] =	stream.indirect.gather [hbm4b:s4+s20], $0x80, s12, s20, $0xb8;
	[tilespmem:$0x1E800] =	vst v63  }
0x224: {  	_ =	swait.ge [sflag:s29], $0x2000  }
0x225: {  	[sflag:s29] =	ssyncset.done $0x0  }
0x226: {  	[sflag:s29] =	ssyncadd.s32 $0xFFFFE000  }
0x227: {  	[spmem:s1] =	stream.indirect.scatter.add.f32 [tilespmem:s21], [sflag:$0x5], $0x80, s3, s20, $0xb8;
	[tilespmem:$0x1E800] =	vst v63  }
0x228: {  	_ =	swait.ge [sflag:s18], $0x2000  }
0x229: {  	[sflag:s18] =	ssyncset.done $0x0  }
0x22a: {  	[sflag:s18] =	ssyncadd.s32 $0xFFFFE000  }
0x22b: {  	_ =	swait.ge [sflag:s30], $0x2000  }
0x22c: {  	[sflag:s30] =	ssyncset.done $0x0  }
0x22d: {  	[sflag:s30] =	ssyncadd.s32 $0xFFFFE000  }
0x22e: {  	[spmem:s1] =	stream.indirect.scatter.add.f32 [tilespmem:s23], [sflag:$0x5], $0x80, s6, s20, $0xb8;
	[tilespmem:$0x1E800] =	vst v63  }
0x22f: {  	_ =	swait.ge [sflag:s18], $0x2000  }
0x230: {  	[sflag:s18] =	ssyncset.done $0x0  }
0x231: {  	[sflag:s18] =	ssyncadd.s32 $0xFFFFE000  }
0x232: {  	_ =	swait.ge [sflag:s31], $0x2000  }
0x233: {  	[sflag:s31] =	ssyncset.done $0x0  }
0x234: {  	[sflag:s31] =	ssyncadd.s32 $0xFFFFE000  }
0x235: {  	[spmem:s1] =	stream.indirect.scatter.add.f32 [tilespmem:s25], [sflag:$0x5], $0x80, s7, s20, $0xb8;
	[tilespmem:$0x1E800] =	vst v63  }
0x236: {  	_ =	swait.ge [sflag:s18], $0x2000  }
0x237: {  	[sflag:s18] =	ssyncset.done $0x0  }
0x238: {  	[sflag:s18] =	ssyncadd.s32 $0xFFFFE000  }
0x239: {  	_ =	swait.ge [sflag:s0], $0x2000  }
0x23a: {  	[sflag:s0] =	ssyncset.done $0x0  }
0x23b: {  	[sflag:s0] =	ssyncadd.s32 $0xFFFFE000  }
0x23c: {  	[spmem:s1] =	stream.indirect.scatter.add.f32 [tilespmem:s28], [sflag:$0x5], $0x80, s9, s20, $0xb8;
	[tilespmem:$0x1E800] =	vst v63  }
0x23d: {  	_ =	swait.ge [sflag:s18], $0x2000  }
0x23e: {  	[sflag:s18] =	ssyncset.done $0x0  }
0x23f: {  	s11 =	simm.s32 $0x0;
	s13 =	rddreg [dreg:$0x7];
	[sflag:s18] =	ssyncadd.s32 $0xFFFFE000  }
0x240: {  	[tilespmem:s11], [sflag:$0x5] =	stream.linear.gather [hbm4b:s13+s11], $0x1400, $0x38;
	[tilespmem:$0x1E800] =	vst v63  }
0x241: {  	_ =	swait.ge [sflag:s18], $0x1400  }
0x242: {  	[sflag:s18] =	ssyncset.done $0x0  }
0x243: {  	s13 =	rddreg [dreg:$0x8];
	[sflag:s18] =	ssyncadd.s32 $0xFFFFEC00  }
0x244: {  	[tilespmem:s19], [sflag:$0x5] =	stream.linear.gather [hbm4b:s13+s11], $0x1400, $0x38;
	[tilespmem:$0x1E800] =	vst v63  }
0x245: {  	_ =	swait.ge [sflag:s18], $0x1400  }
0x246: {  	[sflag:s18] =	ssyncset.done $0x0  }
0x247: {  	[sflag:s18] =	ssyncadd.s32 $0xFFFFEC00  }
0x248: {  	[tilespmem:s21], [sflag:$0x1] =	stream.indirect.gather [hbm4b:s4+s20], $0x80, s11, s20, $0xb8;
	[tilespmem:$0x1E800] =	vst v63  }
0x249: {  	_ = 	snop  }
0x24a: {  	[tilespmem:s23], [sflag:$0x2] =	stream.indirect.gather [hbm4b:s4+s20], $0x80, s22, s20, $0xb8;
	[tilespmem:$0x1E800] =	vst v63  }
0x24b: {  	_ = 	snop  }
0x24c: {  	[tilespmem:s25], [sflag:$0x3] =	stream.indirect.gather [hbm4b:s4+s20], $0x80, s24, s20, $0xb8;
	[tilespmem:$0x1E800] =	vst v63  }
0x24d: {  	_ = 	snop  }
0x24e: {  	[tilespmem:s28], [sflag:$0x4] =	stream.indirect.gather [hbm4b:s4+s20], $0x80, s26, s20, $0xb8;
	[tilespmem:$0x1E800] =	vst v63  }
0x24f: {  	_ =	swait.ge [sflag:s29], $0x2000  }
0x250: {  	[sflag:s29] =	ssyncset.done $0x0  }
0x251: {  	s13 =	simm.s32 $0x1400;
	[sflag:s29] =	ssyncadd.s32 $0xFFFFE000  }
0x252: {  	[spmem:s1] =	stream.indirect.scatter.add.f32 [tilespmem:s21], [sflag:$0x5], $0x80, s13, s20, $0xb8;
	[tilespmem:$0x1E800] =	vst v63  }
0x253: {  	_ =	swait.ge [sflag:s18], $0x2000  }
0x254: {  	[sflag:s18] =	ssyncset.done $0x0  }
0x255: {  	s12 =	simm.s32 $0x200;
	[sflag:s18] =	ssyncadd.s32 $0xFFFFE000  }
0x256: {  	[tilespmem:s21], [sflag:$0x1] =	stream.indirect.gather [hbm4b:s4+s20], $0x80, s12, s20, $0xb8;
	[tilespmem:$0x1E800] =	vst v63  }
0x257: {  	_ =	swait.ge [sflag:s30], $0x2000  }
0x258: {  	[sflag:s30] =	ssyncset.done $0x0  }
0x259: {  	s13 =	simm.s32 $0x1480;
	[sflag:s30] =	ssyncadd.s32 $0xFFFFE000  }
0x25a: {  	[spmem:s1] =	stream.indirect.scatter.add.f32 [tilespmem:s23], [sflag:$0x5], $0x80, s13, s20, $0xb8;
	[tilespmem:$0x1E800] =	vst v63  }
0x25b: {  	_ =	swait.ge [sflag:s18], $0x2000  }
0x25c: {  	[sflag:s18] =	ssyncset.done $0x0  }
0x25d: {  	s12 =	simm.s32 $0x280;
	[sflag:s18] =	ssyncadd.s32 $0xFFFFE000  }
0x25e: {  	[tilespmem:s23], [sflag:$0x2] =	stream.indirect.gather [hbm4b:s4+s20], $0x80, s12, s20, $0xb8;
	[tilespmem:$0x1E800] =	vst v63  }
0x25f: {  	_ =	swait.ge [sflag:s31], $0x2000  }
0x260: {  	[sflag:s31] =	ssyncset.done $0x0  }
0x261: {  	s13 =	simm.s32 $0x1500;
	[sflag:s31] =	ssyncadd.s32 $0xFFFFE000  }
0x262: {  	[spmem:s1] =	stream.indirect.scatter.add.f32 [tilespmem:s25], [sflag:$0x5], $0x80, s13, s20, $0xb8;
	[tilespmem:$0x1E800] =	vst v63  }
0x263: {  	_ =	swait.ge [sflag:s18], $0x2000  }
0x264: {  	[sflag:s18] =	ssyncset.done $0x0  }
0x265: {  	s12 =	simm.s32 $0x300;
	[sflag:s18] =	ssyncadd.s32 $0xFFFFE000  }
0x266: {  	[tilespmem:s25], [sflag:$0x3] =	stream.indirect.gather [hbm4b:s4+s20], $0x80, s12, s20, $0xb8;
	[tilespmem:$0x1E800] =	vst v63  }
0x267: {  	_ =	swait.ge [sflag:s0], $0x2000  }
0x268: {  	[sflag:s0] =	ssyncset.done $0x0  }
0x269: {  	s13 =	simm.s32 $0x1580;
	[sflag:s0] =	ssyncadd.s32 $0xFFFFE000  }
0x26a: {  	[spmem:s1] =	stream.indirect.scatter.add.f32 [tilespmem:s28], [sflag:$0x5], $0x80, s13, s20, $0xb8;
	[tilespmem:$0x1E800] =	vst v63  }
0x26b: {  	_ =	swait.ge [sflag:s18], $0x2000  }
0x26c: {  	[sflag:s18] =	ssyncset.done $0x0  }
0x26d: {  	s11 =	simm.s32 $0x800;
	s12 =	simm.s32 $0x380;
	[sflag:s18] =	ssyncadd.s32 $0xFFFFE000  }
.LBB2_5:
0x26e: {  	[tilespmem:s28], [sflag:$0x4] =	stream.indirect.gather [hbm4b:s4+s20], $0x80, s12, s20, $0xb8;
	[tilespmem:$0x1E800] =	vst v63  }
0x26f: {  	s12 =	smov.u32 s11  }
0x270: {  	p1 =	sne.s32 s11, $0x4000;
	s11 =	sadd.s32 $0x800, s11;
	_ =	swait.ge [sflag:s29], $0x2000  }
0x271: {  	s12 =	sshra.s32 s12, $0x2;
	[sflag:s29] =	ssyncset.done $0x0  }
0x272: {  	s13 =	sadd.s32 $0x1400, s12;
	[sflag:s29] =	ssyncadd.s32 $0xFFFFE000  }
0x273: {  	[spmem:s1] =	stream.indirect.scatter.add.f32 [tilespmem:s21], [sflag:$0x5], $0x80, s13, s20, $0xb8;
	[tilespmem:$0x1E800] =	vst v63  }
0x274: {  	_ =	swait.ge [sflag:s18], $0x2000  }
0x275: {  	[sflag:s18] =	ssyncset.done $0x0  }
0x276: {  	s13 =	sadd.s32 $0x200, s12;
	[sflag:s18] =	ssyncadd.s32 $0xFFFFE000  }
0x277: {  	[tilespmem:s21], [sflag:$0x1] =	stream.indirect.gather [hbm4b:s4+s20], $0x80, s13, s20, $0xb8;
	[tilespmem:$0x1E800] =	vst v63  }
0x278: {  	_ =	swait.ge [sflag:s30], $0x2000  }
0x279: {  	[sflag:s30] =	ssyncset.done $0x0  }
0x27a: {  	s13 =	sadd.s32 $0x1480, s12;
	[sflag:s30] =	ssyncadd.s32 $0xFFFFE000  }
0x27b: {  	[spmem:s1] =	stream.indirect.scatter.add.f32 [tilespmem:s23], [sflag:$0x5], $0x80, s13, s20, $0xb8;
	[tilespmem:$0x1E800] =	vst v63  }
0x27c: {  	_ =	swait.ge [sflag:s18], $0x2000  }
0x27d: {  	[sflag:s18] =	ssyncset.done $0x0  }
0x27e: {  	s13 =	sadd.s32 $0x280, s12;
	[sflag:s18] =	ssyncadd.s32 $0xFFFFE000  }
0x27f: {  	[tilespmem:s23], [sflag:$0x2] =	stream.indirect.gather [hbm4b:s4+s20], $0x80, s13, s20, $0xb8;
	[tilespmem:$0x1E800] =	vst v63  }
0x280: {  	_ =	swait.ge [sflag:s31], $0x2000  }
0x281: {  	[sflag:s31] =	ssyncset.done $0x0  }
0x282: {  	s13 =	sadd.s32 $0x1500, s12;
	[sflag:s31] =	ssyncadd.s32 $0xFFFFE000  }
0x283: {  	[spmem:s1] =	stream.indirect.scatter.add.f32 [tilespmem:s25], [sflag:$0x5], $0x80, s13, s20, $0xb8;
	[tilespmem:$0x1E800] =	vst v63  }
0x284: {  	_ =	swait.ge [sflag:s18], $0x2000  }
0x285: {  	[sflag:s18] =	ssyncset.done $0x0  }
0x286: {  	s13 =	sadd.s32 $0x300, s12;
	[sflag:s18] =	ssyncadd.s32 $0xFFFFE000  }
0x287: {  	[tilespmem:s25], [sflag:$0x3] =	stream.indirect.gather [hbm4b:s4+s20], $0x80, s13, s20, $0xb8;
	[tilespmem:$0x1E800] =	vst v63  }
0x288: {  	_ =	swait.ge [sflag:s0], $0x2000  }
0x289: {  	[sflag:s0] =	ssyncset.done $0x0  }
.Ltmp9:
0x28a: {  	s13 =	sadd.s32 $0x1580, s12;
	[sflag:s0] =	ssyncadd.s32 $0xFFFFE000;
	(pc) =	sbr.rel @p1 .LBB2_5-.Ltmp9, $4  }
0x28b: {  	[spmem:s1] =	stream.indirect.scatter.add.f32 [tilespmem:s28], [sflag:$0x5], $0x80, s13, s20, $0xb8;
	[tilespmem:$0x1E800] =	vst v63  }
0x28c: {  	_ =	swait.ge [sflag:s18], $0x2000  }
0x28d: {  	[sflag:s18] =	ssyncset.done $0x0  }
0x28e: {  	s12 =	sadd.s32 $0x380, s12;
	[sflag:s18] =	ssyncadd.s32 $0xFFFFE000  }
0x28f: {  	[tilespmem:s28], [sflag:$0x4] =	stream.indirect.gather [hbm4b:s4+s20], $0x80, s12, s20, $0xb8;
	[tilespmem:$0x1E800] =	vst v63  }
0x290: {  	_ =	swait.ge [sflag:s29], $0x2000  }
0x291: {  	[sflag:s29] =	ssyncset.done $0x0  }
0x292: {  	[sflag:s29] =	ssyncadd.s32 $0xFFFFE000  }
0x293: {  	[spmem:s1] =	stream.indirect.scatter.add.f32 [tilespmem:s21], [sflag:$0x5], $0x80, s3, s20, $0xb8;
	[tilespmem:$0x1E800] =	vst v63  }
0x294: {  	_ =	swait.ge [sflag:s18], $0x2000  }
0x295: {  	[sflag:s18] =	ssyncset.done $0x0  }
0x296: {  	[sflag:s18] =	ssyncadd.s32 $0xFFFFE000  }
0x297: {  	_ =	swait.ge [sflag:s30], $0x2000  }
0x298: {  	[sflag:s30] =	ssyncset.done $0x0  }
0x299: {  	[sflag:s30] =	ssyncadd.s32 $0xFFFFE000  }
0x29a: {  	[spmem:s1] =	stream.indirect.scatter.add.f32 [tilespmem:s23], [sflag:$0x5], $0x80, s6, s20, $0xb8;
	[tilespmem:$0x1E800] =	vst v63  }
0x29b: {  	_ =	swait.ge [sflag:s18], $0x2000  }
0x29c: {  	[sflag:s18] =	ssyncset.done $0x0  }
0x29d: {  	[sflag:s18] =	ssyncadd.s32 $0xFFFFE000  }
0x29e: {  	_ =	swait.ge [sflag:s31], $0x2000  }
0x29f: {  	[sflag:s31] =	ssyncset.done $0x0  }
0x2a0: {  	[sflag:s31] =	ssyncadd.s32 $0xFFFFE000  }
0x2a1: {  	[spmem:s1] =	stream.indirect.scatter.add.f32 [tilespmem:s25], [sflag:$0x5], $0x80, s7, s20, $0xb8;
	[tilespmem:$0x1E800] =	vst v63  }
0x2a2: {  	_ =	swait.ge [sflag:s18], $0x2000  }
0x2a3: {  	[sflag:s18] =	ssyncset.done $0x0  }
0x2a4: {  	[sflag:s18] =	ssyncadd.s32 $0xFFFFE000  }
0x2a5: {  	_ =	swait.ge [sflag:s0], $0x2000  }
0x2a6: {  	[sflag:s0] =	ssyncset.done $0x0  }
0x2a7: {  	[sflag:s0] =	ssyncadd.s32 $0xFFFFE000  }
0x2a8: {  	[spmem:s1] =	stream.indirect.scatter.add.f32 [tilespmem:s28], [sflag:$0x5], $0x80, s9, s20, $0xb8;
	[tilespmem:$0x1E800] =	vst v63  }
0x2a9: {  	_ =	swait.ge [sflag:s18], $0x2000  }
0x2aa: {  	[sflag:s18] =	ssyncset.done $0x0  }
0x2ab: {  	s11 =	simm.s32 $0x0;
	s13 =	rddreg [dreg:$0x9];
	[sflag:s18] =	ssyncadd.s32 $0xFFFFE000  }
0x2ac: {  	[tilespmem:s11], [sflag:$0x5] =	stream.linear.gather [hbm4b:s13+s11], $0x1400, $0x38;
	[tilespmem:$0x1E800] =	vst v63  }
0x2ad: {  	_ =	swait.ge [sflag:s18], $0x1400  }
0x2ae: {  	[sflag:s18] =	ssyncset.done $0x0  }
0x2af: {  	s13 =	rddreg [dreg:$0xa];
	[sflag:s18] =	ssyncadd.s32 $0xFFFFEC00  }
0x2b0: {  	[tilespmem:s19], [sflag:$0x5] =	stream.linear.gather [hbm4b:s13+s11], $0x1400, $0x38;
	[tilespmem:$0x1E800] =	vst v63  }
0x2b1: {  	_ =	swait.ge [sflag:s18], $0x1400  }
0x2b2: {  	[sflag:s18] =	ssyncset.done $0x0  }
0x2b3: {  	[sflag:s18] =	ssyncadd.s32 $0xFFFFEC00  }
0x2b4: {  	[tilespmem:s21], [sflag:$0x1] =	stream.indirect.gather [hbm4b:s4+s20], $0x80, s11, s20, $0xb8;
	[tilespmem:$0x1E800] =	vst v63  }
0x2b5: {  	_ = 	snop  }
0x2b6: {  	[tilespmem:s23], [sflag:$0x2] =	stream.indirect.gather [hbm4b:s4+s20], $0x80, s22, s20, $0xb8;
	[tilespmem:$0x1E800] =	vst v63  }
0x2b7: {  	_ = 	snop  }
0x2b8: {  	[tilespmem:s25], [sflag:$0x3] =	stream.indirect.gather [hbm4b:s4+s20], $0x80, s24, s20, $0xb8;
	[tilespmem:$0x1E800] =	vst v63  }
0x2b9: {  	_ = 	snop  }
0x2ba: {  	[tilespmem:s28], [sflag:$0x4] =	stream.indirect.gather [hbm4b:s4+s20], $0x80, s26, s20, $0xb8;
	[tilespmem:$0x1E800] =	vst v63  }
0x2bb: {  	_ =	swait.ge [sflag:s29], $0x2000  }
0x2bc: {  	[sflag:s29] =	ssyncset.done $0x0  }
0x2bd: {  	s13 =	simm.s32 $0x1400;
	[sflag:s29] =	ssyncadd.s32 $0xFFFFE000  }
0x2be: {  	[spmem:s1] =	stream.indirect.scatter.add.f32 [tilespmem:s21], [sflag:$0x5], $0x80, s13, s20, $0xb8;
	[tilespmem:$0x1E800] =	vst v63  }
0x2bf: {  	_ =	swait.ge [sflag:s18], $0x2000  }
0x2c0: {  	[sflag:s18] =	ssyncset.done $0x0  }
0x2c1: {  	s12 =	simm.s32 $0x200;
	[sflag:s18] =	ssyncadd.s32 $0xFFFFE000  }
0x2c2: {  	[tilespmem:s21], [sflag:$0x1] =	stream.indirect.gather [hbm4b:s4+s20], $0x80, s12, s20, $0xb8;
	[tilespmem:$0x1E800] =	vst v63  }
0x2c3: {  	_ =	swait.ge [sflag:s30], $0x2000  }
0x2c4: {  	[sflag:s30] =	ssyncset.done $0x0  }
0x2c5: {  	s13 =	simm.s32 $0x1480;
	[sflag:s30] =	ssyncadd.s32 $0xFFFFE000  }
0x2c6: {  	[spmem:s1] =	stream.indirect.scatter.add.f32 [tilespmem:s23], [sflag:$0x5], $0x80, s13, s20, $0xb8;
	[tilespmem:$0x1E800] =	vst v63  }
0x2c7: {  	_ =	swait.ge [sflag:s18], $0x2000  }
0x2c8: {  	[sflag:s18] =	ssyncset.done $0x0  }
0x2c9: {  	s12 =	simm.s32 $0x280;
	[sflag:s18] =	ssyncadd.s32 $0xFFFFE000  }
0x2ca: {  	[tilespmem:s23], [sflag:$0x2] =	stream.indirect.gather [hbm4b:s4+s20], $0x80, s12, s20, $0xb8;
	[tilespmem:$0x1E800] =	vst v63  }
0x2cb: {  	_ =	swait.ge [sflag:s31], $0x2000  }
0x2cc: {  	[sflag:s31] =	ssyncset.done $0x0  }
0x2cd: {  	s13 =	simm.s32 $0x1500;
	[sflag:s31] =	ssyncadd.s32 $0xFFFFE000  }
0x2ce: {  	[spmem:s1] =	stream.indirect.scatter.add.f32 [tilespmem:s25], [sflag:$0x5], $0x80, s13, s20, $0xb8;
	[tilespmem:$0x1E800] =	vst v63  }
0x2cf: {  	_ =	swait.ge [sflag:s18], $0x2000  }
0x2d0: {  	[sflag:s18] =	ssyncset.done $0x0  }
0x2d1: {  	s12 =	simm.s32 $0x300;
	[sflag:s18] =	ssyncadd.s32 $0xFFFFE000  }
0x2d2: {  	[tilespmem:s25], [sflag:$0x3] =	stream.indirect.gather [hbm4b:s4+s20], $0x80, s12, s20, $0xb8;
	[tilespmem:$0x1E800] =	vst v63  }
0x2d3: {  	_ =	swait.ge [sflag:s0], $0x2000  }
0x2d4: {  	[sflag:s0] =	ssyncset.done $0x0  }
0x2d5: {  	s13 =	simm.s32 $0x1580;
	[sflag:s0] =	ssyncadd.s32 $0xFFFFE000  }
0x2d6: {  	[spmem:s1] =	stream.indirect.scatter.add.f32 [tilespmem:s28], [sflag:$0x5], $0x80, s13, s20, $0xb8;
	[tilespmem:$0x1E800] =	vst v63  }
0x2d7: {  	_ =	swait.ge [sflag:s18], $0x2000  }
0x2d8: {  	[sflag:s18] =	ssyncset.done $0x0  }
0x2d9: {  	s11 =	simm.s32 $0x800;
	s12 =	simm.s32 $0x380;
	[sflag:s18] =	ssyncadd.s32 $0xFFFFE000  }
.LBB2_7:
0x2da: {  	[tilespmem:s28], [sflag:$0x4] =	stream.indirect.gather [hbm4b:s4+s20], $0x80, s12, s20, $0xb8;
	[tilespmem:$0x1E800] =	vst v63  }
0x2db: {  	s12 =	smov.u32 s11  }
0x2dc: {  	p1 =	sne.s32 s11, $0x4000;
	s11 =	sadd.s32 $0x800, s11;
	_ =	swait.ge [sflag:s29], $0x2000  }
0x2dd: {  	s12 =	sshra.s32 s12, $0x2;
	[sflag:s29] =	ssyncset.done $0x0  }
0x2de: {  	s13 =	sadd.s32 $0x1400, s12;
	[sflag:s29] =	ssyncadd.s32 $0xFFFFE000  }
0x2df: {  	[spmem:s1] =	stream.indirect.scatter.add.f32 [tilespmem:s21], [sflag:$0x5], $0x80, s13, s20, $0xb8;
	[tilespmem:$0x1E800] =	vst v63  }
0x2e0: {  	_ =	swait.ge [sflag:s18], $0x2000  }
0x2e1: {  	[sflag:s18] =	ssyncset.done $0x0  }
0x2e2: {  	s13 =	sadd.s32 $0x200, s12;
	[sflag:s18] =	ssyncadd.s32 $0xFFFFE000  }
0x2e3: {  	[tilespmem:s21], [sflag:$0x1] =	stream.indirect.gather [hbm4b:s4+s20], $0x80, s13, s20, $0xb8;
	[tilespmem:$0x1E800] =	vst v63  }
0x2e4: {  	_ =	swait.ge [sflag:s30], $0x2000  }
0x2e5: {  	[sflag:s30] =	ssyncset.done $0x0  }
0x2e6: {  	s13 =	sadd.s32 $0x1480, s12;
	[sflag:s30] =	ssyncadd.s32 $0xFFFFE000  }
0x2e7: {  	[spmem:s1] =	stream.indirect.scatter.add.f32 [tilespmem:s23], [sflag:$0x5], $0x80, s13, s20, $0xb8;
	[tilespmem:$0x1E800] =	vst v63  }
0x2e8: {  	_ =	swait.ge [sflag:s18], $0x2000  }
0x2e9: {  	[sflag:s18] =	ssyncset.done $0x0  }
0x2ea: {  	s13 =	sadd.s32 $0x280, s12;
	[sflag:s18] =	ssyncadd.s32 $0xFFFFE000  }
0x2eb: {  	[tilespmem:s23], [sflag:$0x2] =	stream.indirect.gather [hbm4b:s4+s20], $0x80, s13, s20, $0xb8;
	[tilespmem:$0x1E800] =	vst v63  }
0x2ec: {  	_ =	swait.ge [sflag:s31], $0x2000  }
0x2ed: {  	[sflag:s31] =	ssyncset.done $0x0  }
0x2ee: {  	s13 =	sadd.s32 $0x1500, s12;
	[sflag:s31] =	ssyncadd.s32 $0xFFFFE000  }
0x2ef: {  	[spmem:s1] =	stream.indirect.scatter.add.f32 [tilespmem:s25], [sflag:$0x5], $0x80, s13, s20, $0xb8;
	[tilespmem:$0x1E800] =	vst v63  }
0x2f0: {  	_ =	swait.ge [sflag:s18], $0x2000  }
0x2f1: {  	[sflag:s18] =	ssyncset.done $0x0  }
0x2f2: {  	s13 =	sadd.s32 $0x300, s12;
	[sflag:s18] =	ssyncadd.s32 $0xFFFFE000  }
0x2f3: {  	[tilespmem:s25], [sflag:$0x3] =	stream.indirect.gather [hbm4b:s4+s20], $0x80, s13, s20, $0xb8;
	[tilespmem:$0x1E800] =	vst v63  }
0x2f4: {  	_ =	swait.ge [sflag:s0], $0x2000  }
0x2f5: {  	[sflag:s0] =	ssyncset.done $0x0  }
.Ltmp10:
0x2f6: {  	s13 =	sadd.s32 $0x1580, s12;
	[sflag:s0] =	ssyncadd.s32 $0xFFFFE000;
	(pc) =	sbr.rel @p1 .LBB2_7-.Ltmp10, $4  }
0x2f7: {  	[spmem:s1] =	stream.indirect.scatter.add.f32 [tilespmem:s28], [sflag:$0x5], $0x80, s13, s20, $0xb8;
	[tilespmem:$0x1E800] =	vst v63  }
0x2f8: {  	_ =	swait.ge [sflag:s18], $0x2000  }
0x2f9: {  	[sflag:s18] =	ssyncset.done $0x0  }
0x2fa: {  	s12 =	sadd.s32 $0x380, s12;
	[sflag:s18] =	ssyncadd.s32 $0xFFFFE000  }
0x2fb: {  	[tilespmem:s28], [sflag:$0x4] =	stream.indirect.gather [hbm4b:s4+s20], $0x80, s12, s20, $0xb8;
	[tilespmem:$0x1E800] =	vst v63  }
0x2fc: {  	_ =	swait.ge [sflag:s29], $0x2000  }
0x2fd: {  	[sflag:s29] =	ssyncset.done $0x0  }
0x2fe: {  	[sflag:s29] =	ssyncadd.s32 $0xFFFFE000  }
0x2ff: {  	[spmem:s1] =	stream.indirect.scatter.add.f32 [tilespmem:s21], [sflag:$0x5], $0x80, s3, s20, $0xb8;
	[tilespmem:$0x1E800] =	vst v63  }
0x300: {  	_ =	swait.ge [sflag:s18], $0x2000  }
0x301: {  	[sflag:s18] =	ssyncset.done $0x0  }
0x302: {  	[sflag:s18] =	ssyncadd.s32 $0xFFFFE000  }
0x303: {  	_ =	swait.ge [sflag:s30], $0x2000  }
0x304: {  	[sflag:s30] =	ssyncset.done $0x0  }
0x305: {  	[sflag:s30] =	ssyncadd.s32 $0xFFFFE000  }
0x306: {  	[spmem:s1] =	stream.indirect.scatter.add.f32 [tilespmem:s23], [sflag:$0x5], $0x80, s6, s20, $0xb8;
	[tilespmem:$0x1E800] =	vst v63  }
0x307: {  	_ =	swait.ge [sflag:s18], $0x2000  }
0x308: {  	[sflag:s18] =	ssyncset.done $0x0  }
0x309: {  	[sflag:s18] =	ssyncadd.s32 $0xFFFFE000  }
0x30a: {  	_ =	swait.ge [sflag:s31], $0x2000  }
0x30b: {  	[sflag:s31] =	ssyncset.done $0x0  }
0x30c: {  	[sflag:s31] =	ssyncadd.s32 $0xFFFFE000  }
0x30d: {  	[spmem:s1] =	stream.indirect.scatter.add.f32 [tilespmem:s25], [sflag:$0x5], $0x80, s7, s20, $0xb8;
	[tilespmem:$0x1E800] =	vst v63  }
0x30e: {  	_ =	swait.ge [sflag:s18], $0x2000  }
0x30f: {  	[sflag:s18] =	ssyncset.done $0x0  }
0x310: {  	[sflag:s18] =	ssyncadd.s32 $0xFFFFE000  }
0x311: {  	_ =	swait.ge [sflag:s0], $0x2000  }
0x312: {  	[sflag:s0] =	ssyncset.done $0x0  }
0x313: {  	[sflag:s0] =	ssyncadd.s32 $0xFFFFE000  }
0x314: {  	[spmem:s1] =	stream.indirect.scatter.add.f32 [tilespmem:s28], [sflag:$0x5], $0x80, s9, s20, $0xb8;
	[tilespmem:$0x1E800] =	vst v63  }
0x315: {  	_ =	swait.ge [sflag:s18], $0x2000  }
0x316: {  	[sflag:s18] =	ssyncset.done $0x0  }
0x317: {  	s11 =	simm.s32 $0x0;
	[sflag:s18] =	ssyncadd.s32 $0xFFFFE000  }
0x318: {  	[tilespmem:s11], [sflag:$0x5] =	stream.linear.gather [hbm4b:s14+s11], $0x1400, $0x38;
	[tilespmem:$0x1E800] =	vst v63  }
0x319: {  	_ =	swait.ge [sflag:s18], $0x1400  }
0x31a: {  	[sflag:s18] =	ssyncset.done $0x0  }
0x31b: {  	[sflag:s18] =	ssyncadd.s32 $0xFFFFEC00  }
0x31c: {  	[tilespmem:s19], [sflag:$0x5] =	stream.linear.gather [hbm4b:s15+s11], $0x1400, $0x38;
	[tilespmem:$0x1E800] =	vst v63  }
0x31d: {  	_ =	swait.ge [sflag:s18], $0x1400  }
0x31e: {  	[sflag:s18] =	ssyncset.done $0x0  }
0x31f: {  	[sflag:s18] =	ssyncadd.s32 $0xFFFFEC00  }
0x320: {  	[tilespmem:s21], [sflag:$0x1] =	stream.indirect.gather [hbm4b:s4+s20], $0x80, s11, s20, $0xb8;
	[tilespmem:$0x1E800] =	vst v63  }
0x321: {  	_ = 	snop  }
0x322: {  	[tilespmem:s23], [sflag:$0x2] =	stream.indirect.gather [hbm4b:s4+s20], $0x80, s22, s20, $0xb8;
	[tilespmem:$0x1E800] =	vst v63  }
0x323: {  	_ = 	snop  }
0x324: {  	[tilespmem:s25], [sflag:$0x3] =	stream.indirect.gather [hbm4b:s4+s20], $0x80, s24, s20, $0xb8;
	[tilespmem:$0x1E800] =	vst v63  }
0x325: {  	_ = 	snop  }
0x326: {  	[tilespmem:s28], [sflag:$0x4] =	stream.indirect.gather [hbm4b:s4+s20], $0x80, s26, s20, $0xb8;
	[tilespmem:$0x1E800] =	vst v63  }
0x327: {  	_ =	swait.ge [sflag:s29], $0x2000  }
0x328: {  	[sflag:s29] =	ssyncset.done $0x0  }
0x329: {  	s13 =	simm.s32 $0x1400;
	[sflag:s29] =	ssyncadd.s32 $0xFFFFE000  }
0x32a: {  	[spmem:s1] =	stream.indirect.scatter.add.f32 [tilespmem:s21], [sflag:$0x5], $0x80, s13, s20, $0xb8;
	[tilespmem:$0x1E800] =	vst v63  }
0x32b: {  	_ =	swait.ge [sflag:s18], $0x2000  }
0x32c: {  	[sflag:s18] =	ssyncset.done $0x0  }
0x32d: {  	s12 =	simm.s32 $0x200;
	[sflag:s18] =	ssyncadd.s32 $0xFFFFE000  }
0x32e: {  	[tilespmem:s21], [sflag:$0x1] =	stream.indirect.gather [hbm4b:s4+s20], $0x80, s12, s20, $0xb8;
	[tilespmem:$0x1E800] =	vst v63  }
0x32f: {  	_ =	swait.ge [sflag:s30], $0x2000  }
0x330: {  	[sflag:s30] =	ssyncset.done $0x0  }
0x331: {  	s13 =	simm.s32 $0x1480;
	[sflag:s30] =	ssyncadd.s32 $0xFFFFE000  }
0x332: {  	[spmem:s1] =	stream.indirect.scatter.add.f32 [tilespmem:s23], [sflag:$0x5], $0x80, s13, s20, $0xb8;
	[tilespmem:$0x1E800] =	vst v63  }
0x333: {  	_ =	swait.ge [sflag:s18], $0x2000  }
0x334: {  	[sflag:s18] =	ssyncset.done $0x0  }
0x335: {  	s12 =	simm.s32 $0x280;
	[sflag:s18] =	ssyncadd.s32 $0xFFFFE000  }
0x336: {  	[tilespmem:s23], [sflag:$0x2] =	stream.indirect.gather [hbm4b:s4+s20], $0x80, s12, s20, $0xb8;
	[tilespmem:$0x1E800] =	vst v63  }
0x337: {  	_ =	swait.ge [sflag:s31], $0x2000  }
0x338: {  	[sflag:s31] =	ssyncset.done $0x0  }
0x339: {  	s13 =	simm.s32 $0x1500;
	[sflag:s31] =	ssyncadd.s32 $0xFFFFE000  }
0x33a: {  	[spmem:s1] =	stream.indirect.scatter.add.f32 [tilespmem:s25], [sflag:$0x5], $0x80, s13, s20, $0xb8;
	[tilespmem:$0x1E800] =	vst v63  }
0x33b: {  	_ =	swait.ge [sflag:s18], $0x2000  }
0x33c: {  	[sflag:s18] =	ssyncset.done $0x0  }
0x33d: {  	s12 =	simm.s32 $0x300;
	[sflag:s18] =	ssyncadd.s32 $0xFFFFE000  }
0x33e: {  	[tilespmem:s25], [sflag:$0x3] =	stream.indirect.gather [hbm4b:s4+s20], $0x80, s12, s20, $0xb8;
	[tilespmem:$0x1E800] =	vst v63  }
0x33f: {  	_ =	swait.ge [sflag:s0], $0x2000  }
0x340: {  	[sflag:s0] =	ssyncset.done $0x0  }
0x341: {  	s13 =	simm.s32 $0x1580;
	[sflag:s0] =	ssyncadd.s32 $0xFFFFE000  }
0x342: {  	[spmem:s1] =	stream.indirect.scatter.add.f32 [tilespmem:s28], [sflag:$0x5], $0x80, s13, s20, $0xb8;
	[tilespmem:$0x1E800] =	vst v63  }
0x343: {  	_ =	swait.ge [sflag:s18], $0x2000  }
0x344: {  	[sflag:s18] =	ssyncset.done $0x0  }
0x345: {  	s11 =	simm.s32 $0x800;
	s12 =	simm.s32 $0x380;
	[sflag:s18] =	ssyncadd.s32 $0xFFFFE000  }
.LBB2_9:
0x346: {  	[tilespmem:s28], [sflag:$0x4] =	stream.indirect.gather [hbm4b:s4+s20], $0x80, s12, s20, $0xb8;
	[tilespmem:$0x1E800] =	vst v63  }
0x347: {  	s12 =	smov.u32 s11  }
0x348: {  	p1 =	seq.s32 s11, $0x4000;
	s11 =	sadd.s32 $0x800, s11;
	_ =	swait.ge [sflag:s29], $0x2000  }
0x349: {  	s12 =	sshra.s32 s12, $0x2;
	[sflag:s29] =	ssyncset.done $0x0  }
0x34a: {  	s13 =	sadd.s32 $0x1400, s12;
	[sflag:s29] =	ssyncadd.s32 $0xFFFFE000  }
0x34b: {  	[spmem:s1] =	stream.indirect.scatter.add.f32 [tilespmem:s21], [sflag:$0x5], $0x80, s13, s20, $0xb8;
	[tilespmem:$0x1E800] =	vst v63  }
0x34c: {  	_ =	swait.ge [sflag:s18], $0x2000  }
0x34d: {  	[sflag:s18] =	ssyncset.done $0x0  }
0x34e: {  	s13 =	sadd.s32 $0x200, s12;
	[sflag:s18] =	ssyncadd.s32 $0xFFFFE000  }
0x34f: {  	[tilespmem:s21], [sflag:$0x1] =	stream.indirect.gather [hbm4b:s4+s20], $0x80, s13, s20, $0xb8;
	[tilespmem:$0x1E800] =	vst v63  }
0x350: {  	_ =	swait.ge [sflag:s30], $0x2000  }
0x351: {  	[sflag:s30] =	ssyncset.done $0x0  }
0x352: {  	s13 =	sadd.s32 $0x1480, s12;
	[sflag:s30] =	ssyncadd.s32 $0xFFFFE000  }
0x353: {  	[spmem:s1] =	stream.indirect.scatter.add.f32 [tilespmem:s23], [sflag:$0x5], $0x80, s13, s20, $0xb8;
	[tilespmem:$0x1E800] =	vst v63  }
0x354: {  	_ =	swait.ge [sflag:s18], $0x2000  }
0x355: {  	[sflag:s18] =	ssyncset.done $0x0  }
0x356: {  	s13 =	sadd.s32 $0x280, s12;
	[sflag:s18] =	ssyncadd.s32 $0xFFFFE000  }
0x357: {  	[tilespmem:s23], [sflag:$0x2] =	stream.indirect.gather [hbm4b:s4+s20], $0x80, s13, s20, $0xb8;
	[tilespmem:$0x1E800] =	vst v63  }
0x358: {  	_ =	swait.ge [sflag:s31], $0x2000  }
0x359: {  	[sflag:s31] =	ssyncset.done $0x0  }
0x35a: {  	s13 =	sadd.s32 $0x1500, s12;
	[sflag:s31] =	ssyncadd.s32 $0xFFFFE000  }
0x35b: {  	[spmem:s1] =	stream.indirect.scatter.add.f32 [tilespmem:s25], [sflag:$0x5], $0x80, s13, s20, $0xb8;
	[tilespmem:$0x1E800] =	vst v63  }
0x35c: {  	_ =	swait.ge [sflag:s18], $0x2000  }
0x35d: {  	[sflag:s18] =	ssyncset.done $0x0  }
0x35e: {  	s13 =	sadd.s32 $0x300, s12;
	[sflag:s18] =	ssyncadd.s32 $0xFFFFE000  }
0x35f: {  	[tilespmem:s25], [sflag:$0x3] =	stream.indirect.gather [hbm4b:s4+s20], $0x80, s13, s20, $0xb8;
	[tilespmem:$0x1E800] =	vst v63  }
0x360: {  	_ =	swait.ge [sflag:s0], $0x2000  }
0x361: {  	[sflag:s0] =	ssyncset.done $0x0  }
.Ltmp11:
0x362: {  	s13 =	sadd.s32 $0x1580, s12;
	[sflag:s0] =	ssyncadd.s32 $0xFFFFE000;
	(pc) =	sbr.rel @!p1 .LBB2_9-.Ltmp11, $4  }
0x363: {  	[spmem:s1] =	stream.indirect.scatter.add.f32 [tilespmem:s28], [sflag:$0x5], $0x80, s13, s20, $0xb8;
	[tilespmem:$0x1E800] =	vst v63  }
0x364: {  	_ =	swait.ge [sflag:s18], $0x2000  }
0x365: {  	[sflag:s18] =	ssyncset.done $0x0  }
0x366: {  	s12 =	sadd.s32 $0x380, s12;
	[sflag:s18] =	ssyncadd.s32 $0xFFFFE000  }
.Ltmp12:
0x367: {  	(pc) =	sbr.rel .LBB2_20-.Ltmp12, $2  }
0x368: {  	_ =	sdelay $0x2  }
0x369: {  	[tilespmem:s28], [sflag:$0x4] =	stream.indirect.gather [hbm4b:s4+s20], $0x80, s12, s20, $0xb8;
	[tilespmem:$0x1E800] =	vst v63  }
.LBB2_21:
0x36a: {  	_ =	sfence.sel $0x180000  }
0x36b: {  	[bflag:$0x0] =	sbarrier.arrive $0xFFFF  }
0x36c: {  	_ =	strace $0x9000004A  }
0x36d: {  	[bflag:$0x2] =	sbarrier.arrive $0xFFFF  }
0x36e: {  	p0 =	sne.s32 s2, $0x0;
	s0 =	rddreg [dreg:$0x3]  }
0x36f: {  	s0 =	sadd.s32 @!p0 $0x100000, s0  }
0x370: {  	[sflag:s0] =	ssyncadd.tile.s32 @!p0 $0x1;
	_ =	shalt  }
.Lfunc_end2:
_tile_overlayer_lowered:
.L_overlay_start_2:
0x371: {  	(tag) =	ssettag $0x2  }
0x372: {  	s0 =	rddreg [dreg:$0x0];
	s2 =	stileid.u32  }
0x373: {  	s1 =	rddreg [dreg:$0x1];
	p0 =	sne.s32 s2, $0x0  }
0x374: {  	s3 =	rddreg [dreg:$0x2];
	[bflag:$0x3] =	sbarrier.arrive $0xFFFF;
	s2 =	simm.s32 @!p0 $0x1C05  }
0x375: {  	[timem:s3], [sflag:s2] =	dma.local @!p0 [hbm:s0], s1  }
0x376: {  	s0 =	simm.s32 @!p0 $0x5  }
0x377: {  	_ =	swait.ge @!p0 [sflag:s0], s1  }
0x378: {  	s1 =	ssub.s32 @!p0 $0x0, s1;
	[sflag:s0] =	ssyncset.done @!p0 $0x0  }
0x379: {  	[sflag:s0] =	ssyncadd.s32 @!p0 s1  }
0x37a: {  	[bflag:$0x3] =	sbarrier.arrive $0xFFFF  }
0x37b: {  	_ =	shalt  }

</sc_bundles>
